<compile_context>
chip_gen: v7x
topology: tpu7x:2x2x1
jax: 0.10.2.dev20260603
libtpu: 0.0.44.dev20260713+nightly
codegen_flags: <defaults>
</compile_context>

<pallas_src>
import functools

import numpy as np
import jax
import jax.numpy as jnp
from jax import lax
from jax.experimental import pallas as pl
from jax.experimental.pallas import tpu as pltpu
from jax.experimental.pallas import tpu_sc as plsc

VOCAB = 100000
D = 1024
MAX_LEN = 2048
BATCH = 4
SCALE = float(np.sqrt(float(D // 2)))

NC = 2
NS = 16
NW = NC * NS
POS_PER_W = MAX_LEN // NW
C = 16
N_CH = BATCH * POS_PER_W // C
N_PC = POS_PER_W // C
RING = 3
VPR = D // 16


def _pe_table() -> np.ndarray:
    position = np.arange(0, MAX_LEN)[:, None].astype(np.float32)
    div_term = np.exp(
        np.arange(0, D, 2).astype(np.float32) * -(np.log(10000.0) / D)
    )
    pe = np.zeros((MAX_LEN, D), dtype=np.float32)
    pe[:, 0::2] = np.sin(position * div_term)
    pe[:, 1::2] = np.cos(position * div_term)
    return pe


_PE = _pe_table()


_MESH = plsc.VectorSubcoreMesh(
    core_axis_name="c", subcore_axis_name="s", num_cores=NC, num_subcores=NS
)


@functools.partial(
    pl.kernel,
    out_type=jax.ShapeDtypeStruct((BATCH, MAX_LEN, D), jnp.float32),
    mesh=_MESH,
    scratch_types=[
        pltpu.VMEM((BATCH * POS_PER_W,), jnp.int32),
        pltpu.VMEM_SHARED((NS, RING * C, D), jnp.float32),
        pltpu.VMEM((C, D), jnp.float32),
        pltpu.VMEM((C, D), jnp.float32),
        pltpu.VMEM((C, D), jnp.float32),
        pltpu.VMEM((C, D), jnp.float32),
        pltpu.SemaphoreType.DMA,
        pltpu.SemaphoreType.DMA,
        pltpu.SemaphoreType.DMA,
        pltpu.SemaphoreType.DMA,
        pltpu.SemaphoreType.DMA,
        pltpu.SemaphoreType.DMA,
        pltpu.SemaphoreType.DMA,
        pltpu.SemaphoreType.DMA,
        pltpu.SemaphoreType.DMA,
        pltpu.SemaphoreType.DMA,
        pltpu.SemaphoreType.DMA,
    ],
)
def _emb_kernel(
    src_hbm, table_hbm, pe_hbm, out_hbm,
    idx_all, pe_ring, gbuf0, gbuf1, obuf0, obuf1,
    gsem0, gsem1, ssem0, ssem1, psem0, psem1, isem,
    qsem0, qsem1, qsem2, qsem3,
):
    wid = lax.axis_index("s") * NC + lax.axis_index("c")
    sid = lax.axis_index("s")
    p0 = wid * POS_PER_W

    gbufs = (gbuf0, gbuf1)
    obufs = (obuf0, obuf1)
    gsems = (gsem0, gsem1)
    ssems = (ssem0, ssem1)
    psems = (psem0, psem1)
    qsems = (qsem0, qsem1, qsem2, qsem3)

    def idx_stage(b):
        return pltpu.make_async_copy(
            src_hbm.at[b, pl.ds(p0, POS_PER_W)],
            idx_all.at[pl.ds(b * POS_PER_W, POS_PER_W)],
            isem,
        )

    def pe_stage(q):
        return pltpu.make_async_copy(
            pe_hbm.at[pl.ds(p0 + q * C, C)],
            pe_ring.at[sid, pl.ds((q % RING) * C, C)],
            qsems[q],
        )

    def gather(tt, s):
        b = tt % BATCH
        pc = tt // BATCH
        ioff = b * POS_PER_W + pc * C
        return pltpu.make_async_copy(
            table_hbm.at[idx_all.at[pl.ds(ioff, C)]], gbufs[s], gsems[s]
        )

    def preload(tt, s):
        pc = tt // BATCH
        return pltpu.make_async_copy(
            pe_ring.at[sid, pl.ds((pc % RING) * C, C)], obufs[s], psems[s]
        )

    def store(tt, s):
        b = tt % BATCH
        pc = tt // BATCH
        return pltpu.make_async_copy(
            obufs[s], out_hbm.at[b, pl.ds(p0 + pc * C, C)], ssems[s]
        )

    def compute(s):
        gb, ob = gbufs[s], obufs[s]

        @plsc.parallel_loop(0, C)
        def _rows(r):
            for v in range(VPR):
                sl = pl.ds(v * 16, 16)
                plsc.addupdate(ob.at[r, sl], gb[r, sl] * SCALE)

    for b in range(BATCH):
        idx_stage(b).start()
    for q in range(RING):
        pe_stage(q).start()
    for b in range(BATCH):
        idx_stage(b).wait()
    gather(0, 0).start()
    gather(1, 1).start()
    pe_stage(0).wait()
    preload(0, 0).start()
    preload(1, 1).start()

    @pl.loop(0, N_CH, step=2)
    def _chunks(t):
        for k in range(2):
            tt = t + k
            s, o = k, 1 - k
            gather(tt, s).wait()
            preload(tt, s).wait()
            compute(s)
            store(tt, s).start()

            @pl.when(tt < N_CH - 2)
            def _():
                gather(tt + 2, s).start()

            @pl.when(tt == BATCH - 1)
            def _():
                pe_stage(RING).start()

            @pl.when(tt + 1 == 1 * BATCH)
            def _():
                pe_stage(1).wait()

            @pl.when(tt + 1 == 2 * BATCH)
            def _():
                pe_stage(2).wait()

            @pl.when(tt + 1 == 3 * BATCH)
            def _():
                pe_stage(3).wait()

            @pl.when(jnp.logical_and(tt >= 1, tt < N_CH - 1))
            def _():
                store(tt - 1, o).wait()
                preload(tt + 1, o).start()

    store(N_CH - 2, 0).wait()
    store(N_CH - 1, 1).wait()


def kernel(src_seq, embed_weight):
    pe = jnp.asarray(_PE)
    return _emb_kernel(src_seq, embed_weight, pe)

# --- scband reference (transcript-rebuilt; emitter-appended) ---
"""Pipeline reference for scband-pos-embedding-40381282517477 (READ-ONLY COPY).

The authoritative reference and input builder live on the scoring server;
editing this copy changes nothing except your own understanding.
"""

import jax, jax.numpy as jnp
import numpy as np

VOCAB = 100000
MODEL_DIM = 1024
MAX_LEN = 2048
INIT_RANGE = 0.02


def _make_pe():
    position = np.arange(0, MAX_LEN)[:, None].astype(np.float32)
    div_term = np.exp(np.arange(0, MODEL_DIM, 2).astype(np.float32) * -(np.log(10000.0) / MODEL_DIM))
    pe = np.zeros((MAX_LEN, MODEL_DIM), dtype=np.float32)
    pe[:, 0::2] = np.sin(position * div_term)
    pe[:, 1::2] = np.cos(position * div_term)
    return jnp.asarray(pe[None])  # [1, MAX_LEN, MODEL_DIM]


def setup_inputs(seed: int = 0) -> dict:
    key = jax.random.key(seed)
    k1, k2 = jax.random.split(key)
    src_seq = jax.random.randint(k1, (4, 2048), 0, VOCAB, dtype=jnp.int32)
    embed_weight = jax.random.normal(k2, (VOCAB, MODEL_DIM), dtype=jnp.float32) * INIT_RANGE
    return {"src_seq": src_seq, "embed_weight": embed_weight}


def reference(src_seq, embed_weight):
    # scale = sqrt(model_dim // 2), fixed (non-trainable) parameter
    scale = jnp.sqrt(jnp.array([MODEL_DIM // 2], dtype=jnp.float32))
    # embedding gather
    seq_embed = jnp.take(embed_weight, src_seq, axis=0) * scale
    # rel_pos_enc=False -> add sinusoidal positional encoding buffer
    pe = _make_pe()
    seq_embed = seq_embed + pe[:, : src_seq.shape[1]]
    return seq_embed

if __name__ == "__main__":
    import jax
    _d = setup_inputs()
    print(jax.jit(kernel)(*tuple(_d.values())))

</pallas_src>

<mosaic_0001>
#map = affine_map<(d0, d1) -> (0, 0)>
#map1 = affine_map<(d0, d1) -> (0, 0, 0)>
module attributes {stable_mosaic.version = 14 : i64} {
  func.func @_emb_kernel(%arg0: i32, %arg1: i32, %arg2: memref<4x2048xi32, #tpu.memory_space<hbm>>, %arg3: memref<100000x1024xf32, #tpu.memory_space<hbm>>, %arg4: memref<2048x1024xf32, #tpu.memory_space<hbm>>, %arg5: memref<4x2048x1024xf32, #tpu.memory_space<hbm>>, %arg6: memref<256xi32, #tpu.memory_space<vmem>>, %arg7: memref<16x48x1024xf32, #tpu.memory_space<vmem_shared>>, %arg8: memref<16x1024xf32, #tpu.memory_space<vmem>>, %arg9: memref<16x1024xf32, #tpu.memory_space<vmem>>, %arg10: memref<16x1024xf32, #tpu.memory_space<vmem>>, %arg11: memref<16x1024xf32, #tpu.memory_space<vmem>>, %arg12: memref<!tpu.dma_semaphore, #tpu.memory_space<semaphore_mem>>, %arg13: memref<!tpu.dma_semaphore, #tpu.memory_space<semaphore_mem>>, %arg14: memref<!tpu.dma_semaphore, #tpu.memory_space<semaphore_mem>>, %arg15: memref<!tpu.dma_semaphore, #tpu.memory_space<semaphore_mem>>, %arg16: memref<!tpu.dma_semaphore, #tpu.memory_space<semaphore_mem>>, %arg17: memref<!tpu.dma_semaphore, #tpu.memory_space<semaphore_mem>>, %arg18: memref<!tpu.dma_semaphore, #tpu.memory_space<semaphore_mem>>, %arg19: memref<!tpu.dma_semaphore, #tpu.memory_space<semaphore_mem>>, %arg20: memref<!tpu.dma_semaphore, #tpu.memory_space<semaphore_mem>>, %arg21: memref<!tpu.dma_semaphore, #tpu.memory_space<semaphore_mem>>, %arg22: memref<!tpu.dma_semaphore, #tpu.memory_space<semaphore_mem>>) attributes {dimension_semantics = [#tpu.dimension_semantics<core_parallel>, #tpu.dimension_semantics<subcore_parallel>], iteration_bounds = array<i64: 2, 16>, scalar_prefetch = 0 : i64, scratch_operands = 17 : i64, tpu.core_type = #tpu.core_type<sc_vector_subcore>, window_params = [{transform_indices = #map}, {transform_indices = #map}, {transform_indices = #map}, {transform_indices = #map1}]} {
    %mul3A = arith.constant 2 : i32
    %mul3A_0 = arith.muli %arg1, %mul3A : i32
    %add3A = arith.addi %mul3A_0, %arg0 : i32
    %mul3A_1 = arith.constant 64 : i32
    %mul3A_2 = arith.muli %add3A, %mul3A_1 : i32
    %dma_start3A = arith.constant 0 : i32
    %dma_start3A_3 = arith.constant 0 : i32
    %dma_start3A_4 = tpu.memref_slice %arg6[%dma_start3A_3] : memref<256xi32, #tpu.memory_space<vmem>> -> memref<64xi32, #tpu.memory_space<vmem>>
    %dma_start3A_5 = tpu.memref_slice %arg2[%dma_start3A, %mul3A_2] : memref<4x2048xi32, #tpu.memory_space<hbm>> -> memref<1x64xi32, #tpu.memory_space<hbm>>
    %dma_start3A_6 = tpu.memref_squeeze %dma_start3A_5 : memref<1x64xi32, #tpu.memory_space<hbm>> -> memref<64xi32, #tpu.memory_space<hbm>>
    %dma_start3A_7 = arith.constant 0 : i32
    %dma_start3A_8 = tpu.memref_slice %arg6[%dma_start3A_7] : memref<256xi32, #tpu.memory_space<vmem>> -> memref<64xi32, #tpu.memory_space<vmem>>
    %dma_start3A_9 = tpu.memref_slice %arg2[%dma_start3A, %mul3A_2] : memref<4x2048xi32, #tpu.memory_space<hbm>> -> memref<1x64xi32, #tpu.memory_space<hbm>>
    %dma_start3A_10 = tpu.memref_squeeze %dma_start3A_9 : memref<1x64xi32, #tpu.memory_space<hbm>> -> memref<64xi32, #tpu.memory_space<hbm>>
    tpu.enqueue_dma source(%dma_start3A_10 : memref<64xi32, #tpu.memory_space<hbm>>) target(%dma_start3A_8 : memref<64xi32, #tpu.memory_space<vmem>>) target_semaphore(%arg18 : memref<!tpu.dma_semaphore, #tpu.memory_space<semaphore_mem>>)
    %dma_start3A_11 = arith.constant 1 : i32
    %dma_start3A_12 = arith.constant 64 : i32
    %dma_start3A_13 = tpu.memref_slice %arg6[%dma_start3A_12] : memref<256xi32, #tpu.memory_space<vmem>> -> memref<64xi32, #tpu.memory_space<vmem>>
    %dma_start3A_14 = tpu.memref_slice %arg2[%dma_start3A_11, %mul3A_2] : memref<4x2048xi32, #tpu.memory_space<hbm>> -> memref<1x64xi32, #tpu.memory_space<hbm>>
    %dma_start3A_15 = tpu.memref_squeeze %dma_start3A_14 : memref<1x64xi32, #tpu.memory_space<hbm>> -> memref<64xi32, #tpu.memory_space<hbm>>
    %dma_start3A_16 = arith.constant 64 : i32
    %dma_start3A_17 = tpu.memref_slice %arg6[%dma_start3A_16] : memref<256xi32, #tpu.memory_space<vmem>> -> memref<64xi32, #tpu.memory_space<vmem>>
    %dma_start3A_18 = tpu.memref_slice %arg2[%dma_start3A_11, %mul3A_2] : memref<4x2048xi32, #tpu.memory_space<hbm>> -> memref<1x64xi32, #tpu.memory_space<hbm>>
    %dma_start3A_19 = tpu.memref_squeeze %dma_start3A_18 : memref<1x64xi32, #tpu.memory_space<hbm>> -> memref<64xi32, #tpu.memory_space<hbm>>
    tpu.enqueue_dma source(%dma_start3A_19 : memref<64xi32, #tpu.memory_space<hbm>>) target(%dma_start3A_17 : memref<64xi32, #tpu.memory_space<vmem>>) target_semaphore(%arg18 : memref<!tpu.dma_semaphore, #tpu.memory_space<semaphore_mem>>)
    %dma_start3A_20 = arith.constant 2 : i32
    %dma_start3A_21 = arith.constant 128 : i32
    %dma_start3A_22 = tpu.memref_slice %arg6[%dma_start3A_21] : memref<256xi32, #tpu.memory_space<vmem>> -> memref<64xi32, #tpu.memory_space<vmem>>
    %dma_start3A_23 = tpu.memref_slice %arg2[%dma_start3A_20, %mul3A_2] : memref<4x2048xi32, #tpu.memory_space<hbm>> -> memref<1x64xi32, #tpu.memory_space<hbm>>
    %dma_start3A_24 = tpu.memref_squeeze %dma_start3A_23 : memref<1x64xi32, #tpu.memory_space<hbm>> -> memref<64xi32, #tpu.memory_space<hbm>>
    %dma_start3A_25 = arith.constant 128 : i32
    %dma_start3A_26 = tpu.memref_slice %arg6[%dma_start3A_25] : memref<256xi32, #tpu.memory_space<vmem>> -> memref<64xi32, #tpu.memory_space<vmem>>
    %dma_start3A_27 = tpu.memref_slice %arg2[%dma_start3A_20, %mul3A_2] : memref<4x2048xi32, #tpu.memory_space<hbm>> -> memref<1x64xi32, #tpu.memory_space<hbm>>
    %dma_start3A_28 = tpu.memref_squeeze %dma_start3A_27 : memref<1x64xi32, #tpu.memory_space<hbm>> -> memref<64xi32, #tpu.memory_space<hbm>>
    tpu.enqueue_dma source(%dma_start3A_28 : memref<64xi32, #tpu.memory_space<hbm>>) target(%dma_start3A_26 : memref<64xi32, #tpu.memory_space<vmem>>) target_semaphore(%arg18 : memref<!tpu.dma_semaphore, #tpu.memory_space<semaphore_mem>>)
    %dma_start3A_29 = arith.constant 3 : i32
    %dma_start3A_30 = arith.constant 192 : i32
    %dma_start3A_31 = tpu.memref_slice %arg6[%dma_start3A_30] : memref<256xi32, #tpu.memory_space<vmem>> -> memref<64xi32, #tpu.memory_space<vmem>>
    %dma_start3A_32 = tpu.memref_slice %arg2[%dma_start3A_29, %mul3A_2] : memref<4x2048xi32, #tpu.memory_space<hbm>> -> memref<1x64xi32, #tpu.memory_space<hbm>>
    %dma_start3A_33 = tpu.memref_squeeze %dma_start3A_32 : memref<1x64xi32, #tpu.memory_space<hbm>> -> memref<64xi32, #tpu.memory_space<hbm>>
    %dma_start3A_34 = arith.constant 192 : i32
    %dma_start3A_35 = tpu.memref_slice %arg6[%dma_start3A_34] : memref<256xi32, #tpu.memory_space<vmem>> -> memref<64xi32, #tpu.memory_space<vmem>>
    %dma_start3A_36 = tpu.memref_slice %arg2[%dma_start3A_29, %mul3A_2] : memref<4x2048xi32, #tpu.memory_space<hbm>> -> memref<1x64xi32, #tpu.memory_space<hbm>>
    %dma_start3A_37 = tpu.memref_squeeze %dma_start3A_36 : memref<1x64xi32, #tpu.memory_space<hbm>> -> memref<64xi32, #tpu.memory_space<hbm>>
    tpu.enqueue_dma source(%dma_start3A_37 : memref<64xi32, #tpu.memory_space<hbm>>) target(%dma_start3A_35 : memref<64xi32, #tpu.memory_space<vmem>>) target_semaphore(%arg18 : memref<!tpu.dma_semaphore, #tpu.memory_space<semaphore_mem>>)
    %add3A_38 = arith.constant 0 : i32
    %add3A_39 = arith.addi %mul3A_2, %add3A_38 : i32
    %dma_start3A_40 = arith.constant 0 : i32
    %dma_start3A_41 = arith.constant 0 : i32
    %dma_start3A_42 = tpu.memref_slice %arg7[%arg1, %dma_start3A_40, %dma_start3A_41] : memref<16x48x1024xf32, #tpu.memory_space<vmem_shared>> -> memref<1x16x1024xf32, #tpu.memory_space<vmem_shared>>
    %dma_start3A_43 = tpu.memref_squeeze %dma_start3A_42 : memref<1x16x1024xf32, #tpu.memory_space<vmem_shared>> -> memref<16x1024xf32, #tpu.memory_space<vmem_shared>>
    %dma_start3A_44 = arith.constant 0 : i32
    %dma_start3A_45 = tpu.memref_slice %arg4[%add3A_39, %dma_start3A_44] : memref<2048x1024xf32, #tpu.memory_space<hbm>> -> memref<16x1024xf32, #tpu.memory_space<hbm>>
    tpu.enqueue_dma source(%dma_start3A_45 : memref<16x1024xf32, #tpu.memory_space<hbm>>) target(%dma_start3A_43 : memref<16x1024xf32, #tpu.memory_space<vmem_shared>>) target_semaphore(%arg19 : memref<!tpu.dma_semaphore, #tpu.memory_space<semaphore_mem>>)
    %add3A_46 = arith.constant 16 : i32
    %add3A_47 = arith.addi %mul3A_2, %add3A_46 : i32
    %dma_start3A_48 = arith.constant 16 : i32
    %dma_start3A_49 = arith.constant 0 : i32
    %dma_start3A_50 = tpu.memref_slice %arg7[%arg1, %dma_start3A_48, %dma_start3A_49] : memref<16x48x1024xf32, #tpu.memory_space<vmem_shared>> -> memref<1x16x1024xf32, #tpu.memory_space<vmem_shared>>
    %dma_start3A_51 = tpu.memref_squeeze %dma_start3A_50 : memref<1x16x1024xf32, #tpu.memory_space<vmem_shared>> -> memref<16x1024xf32, #tpu.memory_space<vmem_shared>>
    %dma_start3A_52 = arith.constant 0 : i32
    %dma_start3A_53 = tpu.memref_slice %arg4[%add3A_47, %dma_start3A_52] : memref<2048x1024xf32, #tpu.memory_space<hbm>> -> memref<16x1024xf32, #tpu.memory_space<hbm>>
    tpu.enqueue_dma source(%dma_start3A_53 : memref<16x1024xf32, #tpu.memory_space<hbm>>) target(%dma_start3A_51 : memref<16x1024xf32, #tpu.memory_space<vmem_shared>>) target_semaphore(%arg20 : memref<!tpu.dma_semaphore, #tpu.memory_space<semaphore_mem>>)
    %add3A_54 = arith.constant 32 : i32
    %add3A_55 = arith.addi %mul3A_2, %add3A_54 : i32
    %dma_start3A_56 = arith.constant 32 : i32
    %dma_start3A_57 = arith.constant 0 : i32
    %dma_start3A_58 = tpu.memref_slice %arg7[%arg1, %dma_start3A_56, %dma_start3A_57] : memref<16x48x1024xf32, #tpu.memory_space<vmem_shared>> -> memref<1x16x1024xf32, #tpu.memory_space<vmem_shared>>
    %dma_start3A_59 = tpu.memref_squeeze %dma_start3A_58 : memref<1x16x1024xf32, #tpu.memory_space<vmem_shared>> -> memref<16x1024xf32, #tpu.memory_space<vmem_shared>>
    %dma_start3A_60 = arith.constant 0 : i32
    %dma_start3A_61 = tpu.memref_slice %arg4[%add3A_55, %dma_start3A_60] : memref<2048x1024xf32, #tpu.memory_space<hbm>> -> memref<16x1024xf32, #tpu.memory_space<hbm>>
    tpu.enqueue_dma source(%dma_start3A_61 : memref<16x1024xf32, #tpu.memory_space<hbm>>) target(%dma_start3A_59 : memref<16x1024xf32, #tpu.memory_space<vmem_shared>>) target_semaphore(%arg21 : memref<!tpu.dma_semaphore, #tpu.memory_space<semaphore_mem>>)
    %dma_wait3A = arith.constant 0 : i32
    %dma_wait3A_62 = arith.constant 0 : i32
    %dma_wait3A_63 = tpu.memref_slice %arg6[%dma_wait3A_62] : memref<256xi32, #tpu.memory_space<vmem>> -> memref<64xi32, #tpu.memory_space<vmem>>
    %dma_wait3A_64 = tpu.memref_slice %arg2[%dma_wait3A, %mul3A_2] : memref<4x2048xi32, #tpu.memory_space<hbm>> -> memref<1x64xi32, #tpu.memory_space<hbm>>
    %dma_wait3A_65 = tpu.memref_squeeze %dma_wait3A_64 : memref<1x64xi32, #tpu.memory_space<hbm>> -> memref<64xi32, #tpu.memory_space<hbm>>
    %dma_wait3A_66 = arith.constant 0 : i32
    %dma_wait3A_67 = tpu.memref_slice %arg6[%dma_wait3A_66] : memref<256xi32, #tpu.memory_space<vmem>> -> memref<64xi32, #tpu.memory_space<vmem>>
    %dma_wait3A_68 = tpu.memref_slice %arg2[%dma_wait3A, %mul3A_2] : memref<4x2048xi32, #tpu.memory_space<hbm>> -> memref<1x64xi32, #tpu.memory_space<hbm>>
    %dma_wait3A_69 = tpu.memref_squeeze %dma_wait3A_68 : memref<1x64xi32, #tpu.memory_space<hbm>> -> memref<64xi32, #tpu.memory_space<hbm>>
    tpu.wait_dma2 semaphore(%arg18 : memref<!tpu.dma_semaphore, #tpu.memory_space<semaphore_mem>>) src(%dma_wait3A_69 : memref<64xi32, #tpu.memory_space<hbm>>) dst(%dma_wait3A_67 : memref<64xi32, #tpu.memory_space<vmem>>)
    %dma_wait3A_70 = arith.constant 1 : i32
    %dma_wait3A_71 = arith.constant 64 : i32
    %dma_wait3A_72 = tpu.memref_slice %arg6[%dma_wait3A_71] : memref<256xi32, #tpu.memory_space<vmem>> -> memref<64xi32, #tpu.memory_space<vmem>>
    %dma_wait3A_73 = tpu.memref_slice %arg2[%dma_wait3A_70, %mul3A_2] : memref<4x2048xi32, #tpu.memory_space<hbm>> -> memref<1x64xi32, #tpu.memory_space<hbm>>
    %dma_wait3A_74 = tpu.memref_squeeze %dma_wait3A_73 : memref<1x64xi32, #tpu.memory_space<hbm>> -> memref<64xi32, #tpu.memory_space<hbm>>
    %dma_wait3A_75 = arith.constant 64 : i32
    %dma_wait3A_76 = tpu.memref_slice %arg6[%dma_wait3A_75] : memref<256xi32, #tpu.memory_space<vmem>> -> memref<64xi32, #tpu.memory_space<vmem>>
    %dma_wait3A_77 = tpu.memref_slice %arg2[%dma_wait3A_70, %mul3A_2] : memref<4x2048xi32, #tpu.memory_space<hbm>> -> memref<1x64xi32, #tpu.memory_space<hbm>>
    %dma_wait3A_78 = tpu.memref_squeeze %dma_wait3A_77 : memref<1x64xi32, #tpu.memory_space<hbm>> -> memref<64xi32, #tpu.memory_space<hbm>>
    tpu.wait_dma2 semaphore(%arg18 : memref<!tpu.dma_semaphore, #tpu.memory_space<semaphore_mem>>) src(%dma_wait3A_78 : memref<64xi32, #tpu.memory_space<hbm>>) dst(%dma_wait3A_76 : memref<64xi32, #tpu.memory_space<vmem>>)
    %dma_wait3A_79 = arith.constant 2 : i32
    %dma_wait3A_80 = arith.constant 128 : i32
    %dma_wait3A_81 = tpu.memref_slice %arg6[%dma_wait3A_80] : memref<256xi32, #tpu.memory_space<vmem>> -> memref<64xi32, #tpu.memory_space<vmem>>
    %dma_wait3A_82 = tpu.memref_slice %arg2[%dma_wait3A_79, %mul3A_2] : memref<4x2048xi32, #tpu.memory_space<hbm>> -> memref<1x64xi32, #tpu.memory_space<hbm>>
    %dma_wait3A_83 = tpu.memref_squeeze %dma_wait3A_82 : memref<1x64xi32, #tpu.memory_space<hbm>> -> memref<64xi32, #tpu.memory_space<hbm>>
    %dma_wait3A_84 = arith.constant 128 : i32
    %dma_wait3A_85 = tpu.memref_slice %arg6[%dma_wait3A_84] : memref<256xi32, #tpu.memory_space<vmem>> -> memref<64xi32, #tpu.memory_space<vmem>>
    %dma_wait3A_86 = tpu.memref_slice %arg2[%dma_wait3A_79, %mul3A_2] : memref<4x2048xi32, #tpu.memory_space<hbm>> -> memref<1x64xi32, #tpu.memory_space<hbm>>
    %dma_wait3A_87 = tpu.memref_squeeze %dma_wait3A_86 : memref<1x64xi32, #tpu.memory_space<hbm>> -> memref<64xi32, #tpu.memory_space<hbm>>
    tpu.wait_dma2 semaphore(%arg18 : memref<!tpu.dma_semaphore, #tpu.memory_space<semaphore_mem>>) src(%dma_wait3A_87 : memref<64xi32, #tpu.memory_space<hbm>>) dst(%dma_wait3A_85 : memref<64xi32, #tpu.memory_space<vmem>>)
    %dma_wait3A_88 = arith.constant 3 : i32
    %dma_wait3A_89 = arith.constant 192 : i32
    %dma_wait3A_90 = tpu.memref_slice %arg6[%dma_wait3A_89] : memref<256xi32, #tpu.memory_space<vmem>> -> memref<64xi32, #tpu.memory_space<vmem>>
    %dma_wait3A_91 = tpu.memref_slice %arg2[%dma_wait3A_88, %mul3A_2] : memref<4x2048xi32, #tpu.memory_space<hbm>> -> memref<1x64xi32, #tpu.memory_space<hbm>>
    %dma_wait3A_92 = tpu.memref_squeeze %dma_wait3A_91 : memref<1x64xi32, #tpu.memory_space<hbm>> -> memref<64xi32, #tpu.memory_space<hbm>>
    %dma_wait3A_93 = arith.constant 192 : i32
    %dma_wait3A_94 = tpu.memref_slice %arg6[%dma_wait3A_93] : memref<256xi32, #tpu.memory_space<vmem>> -> memref<64xi32, #tpu.memory_space<vmem>>
    %dma_wait3A_95 = tpu.memref_slice %arg2[%dma_wait3A_88, %mul3A_2] : memref<4x2048xi32, #tpu.memory_space<hbm>> -> memref<1x64xi32, #tpu.memory_space<hbm>>
    %dma_wait3A_96 = tpu.memref_squeeze %dma_wait3A_95 : memref<1x64xi32, #tpu.memory_space<hbm>> -> memref<64xi32, #tpu.memory_space<hbm>>
    tpu.wait_dma2 semaphore(%arg18 : memref<!tpu.dma_semaphore, #tpu.memory_space<semaphore_mem>>) src(%dma_wait3A_96 : memref<64xi32, #tpu.memory_space<hbm>>) dst(%dma_wait3A_94 : memref<64xi32, #tpu.memory_space<vmem>>)
    %dma_start3A_97 = arith.constant 0 : i32
    %dma_start3A_98 = tpu.memref_slice %arg6[%dma_start3A_97] : memref<256xi32, #tpu.memory_space<vmem>> -> memref<16xi32, #tpu.memory_space<vmem>>
    %dma_start3A_99 = arith.constant 0 : i32
    %dma_start3A_100 = arith.constant 0 : i32
    %dma_start3A_101 = tpu.memref_slice %arg3[%dma_start3A_99, %dma_start3A_100] : memref<100000x1024xf32, #tpu.memory_space<hbm>> -> memref<100000x1024xf32, #tpu.memory_space<hbm>>
    tpu.enqueue_indirect_dma source(%dma_start3A_101 : memref<100000x1024xf32, #tpu.memory_space<hbm>>) target(%arg8 : memref<16x1024xf32, #tpu.memory_space<vmem>>) offsets(%dma_start3A_98 : memref<16xi32, #tpu.memory_space<vmem>>) semaphore(%arg12 : memref<!tpu.dma_semaphore, #tpu.memory_space<semaphore_mem>>)
    %dma_start3A_102 = arith.constant 64 : i32
    %dma_start3A_103 = tpu.memref_slice %arg6[%dma_start3A_102] : memref<256xi32, #tpu.memory_space<vmem>> -> memref<16xi32, #tpu.memory_space<vmem>>
    %dma_start3A_104 = arith.constant 0 : i32
    %dma_start3A_105 = arith.constant 0 : i32
    %dma_start3A_106 = tpu.memref_slice %arg3[%dma_start3A_104, %dma_start3A_105] : memref<100000x1024xf32, #tpu.memory_space<hbm>> -> memref<100000x1024xf32, #tpu.memory_space<hbm>>
    tpu.enqueue_indirect_dma source(%dma_start3A_106 : memref<100000x1024xf32, #tpu.memory_space<hbm>>) target(%arg9 : memref<16x1024xf32, #tpu.memory_space<vmem>>) offsets(%dma_start3A_103 : memref<16xi32, #tpu.memory_space<vmem>>) semaphore(%arg13 : memref<!tpu.dma_semaphore, #tpu.memory_space<semaphore_mem>>)
    %add3A_107 = arith.constant 0 : i32
    %add3A_108 = arith.addi %mul3A_2, %add3A_107 : i32
    %dma_wait3A_109 = arith.constant 0 : i32
    %dma_wait3A_110 = arith.constant 0 : i32
    %dma_wait3A_111 = tpu.memref_slice %arg7[%arg1, %dma_wait3A_109, %dma_wait3A_110] : memref<16x48x1024xf32, #tpu.memory_space<vmem_shared>> -> memref<1x16x1024xf32, #tpu.memory_space<vmem_shared>>
    %dma_wait3A_112 = tpu.memref_squeeze %dma_wait3A_111 : memref<1x16x1024xf32, #tpu.memory_space<vmem_shared>> -> memref<16x1024xf32, #tpu.memory_space<vmem_shared>>
    %dma_wait3A_113 = arith.constant 0 : i32
    %dma_wait3A_114 = tpu.memref_slice %arg4[%add3A_108, %dma_wait3A_113] : memref<2048x1024xf32, #tpu.memory_space<hbm>> -> memref<16x1024xf32, #tpu.memory_space<hbm>>
    tpu.wait_dma2 semaphore(%arg19 : memref<!tpu.dma_semaphore, #tpu.memory_space<semaphore_mem>>) src(%dma_wait3A_114 : memref<16x1024xf32, #tpu.memory_space<hbm>>) dst(%dma_wait3A_112 : memref<16x1024xf32, #tpu.memory_space<vmem_shared>>)
    %dma_start3A_115 = arith.constant 0 : i32
    %dma_start3A_116 = arith.constant 0 : i32
    %dma_start3A_117 = tpu.memref_slice %arg7[%arg1, %dma_start3A_115, %dma_start3A_116] : memref<16x48x1024xf32, #tpu.memory_space<vmem_shared>> -> memref<1x16x1024xf32, #tpu.memory_space<vmem_shared>>
    %dma_start3A_118 = tpu.memref_squeeze %dma_start3A_117 : memref<1x16x1024xf32, #tpu.memory_space<vmem_shared>> -> memref<16x1024xf32, #tpu.memory_space<vmem_shared>>
    %dma_start3A_119 = arith.constant 0 : i32
    %dma_start3A_120 = arith.constant 0 : i32
    %dma_start3A_121 = tpu.memref_slice %arg7[%arg1, %dma_start3A_119, %dma_start3A_120] : memref<16x48x1024xf32, #tpu.memory_space<vmem_shared>> -> memref<1x16x1024xf32, #tpu.memory_space<vmem_shared>>
    %dma_start3A_122 = tpu.memref_squeeze %dma_start3A_121 : memref<1x16x1024xf32, #tpu.memory_space<vmem_shared>> -> memref<16x1024xf32, #tpu.memory_space<vmem_shared>>
    tpu.enqueue_dma source(%dma_start3A_122 : memref<16x1024xf32, #tpu.memory_space<vmem_shared>>) target(%arg10 : memref<16x1024xf32, #tpu.memory_space<vmem>>) target_semaphore(%arg16 : memref<!tpu.dma_semaphore, #tpu.memory_space<semaphore_mem>>)
    %dma_start3A_123 = arith.constant 0 : i32
    %dma_start3A_124 = arith.constant 0 : i32
    %dma_start3A_125 = tpu.memref_slice %arg7[%arg1, %dma_start3A_123, %dma_start3A_124] : memref<16x48x1024xf32, #tpu.memory_space<vmem_shared>> -> memref<1x16x1024xf32, #tpu.memory_space<vmem_shared>>
    %dma_start3A_126 = tpu.memref_squeeze %dma_start3A_125 : memref<1x16x1024xf32, #tpu.memory_space<vmem_shared>> -> memref<16x1024xf32, #tpu.memory_space<vmem_shared>>
    %dma_start3A_127 = arith.constant 0 : i32
    %dma_start3A_128 = arith.constant 0 : i32
    %dma_start3A_129 = tpu.memref_slice %arg7[%arg1, %dma_start3A_127, %dma_start3A_128] : memref<16x48x1024xf32, #tpu.memory_space<vmem_shared>> -> memref<1x16x1024xf32, #tpu.memory_space<vmem_shared>>
    %dma_start3A_130 = tpu.memref_squeeze %dma_start3A_129 : memref<1x16x1024xf32, #tpu.memory_space<vmem_shared>> -> memref<16x1024xf32, #tpu.memory_space<vmem_shared>>
    tpu.enqueue_dma source(%dma_start3A_130 : memref<16x1024xf32, #tpu.memory_space<vmem_shared>>) target(%arg11 : memref<16x1024xf32, #tpu.memory_space<vmem>>) target_semaphore(%arg17 : memref<!tpu.dma_semaphore, #tpu.memory_space<semaphore_mem>>)
    %scan3A = arith.constant 0 : i32
    %scan3A_131 = arith.constant 8 : i32
    %scan3A_132 = arith.addi %scan3A, %scan3A_131 : i32
    %scan3A_133 = arith.constant 1 : i32
    scf.for %scan3A_153 = %scan3A to %scan3A_132 step %scan3A_133  : i32 {
      %mul3A_154 = arith.constant 2 : i32
      %mul3A_155 = arith.muli %scan3A_153, %mul3A_154 : i32
      %add3A_156 = arith.constant 0 : i32
      %add3A_157 = arith.addi %add3A_156, %mul3A_155 : i32
      %add3A_158 = arith.constant 0 : i32
      %add3A_159 = arith.addi %add3A_157, %add3A_158 : i32
      %jit3A = arith.constant 4 : i32
      %eq3A = arith.constant 0 : i32
      %eq3A_160 = arith.cmpi eq, %jit3A, %eq3A : i32
      %jit3A_161 = arith.constant 1 : i32
      %select_n3A = arith.select %eq3A_160, %jit3A_161, %jit3A : i32
      %rem3A = arith.remsi %add3A_159, %select_n3A : i32
      %ne3A = arith.constant 0 : i32
      %ne3A_162 = arith.cmpi ne, %rem3A, %ne3A : i32
      %lt3A = arith.constant 0 : i32
      %lt3A_163 = arith.cmpi slt, %rem3A, %lt3A : i32
      %lt3A_164 = arith.constant 0 : i32
      %lt3A_165 = arith.cmpi slt, %select_n3A, %lt3A_164 : i32
      %ne3A_166 = arith.xori %lt3A_163, %lt3A_165 : i1
      %and3A = arith.andi %ne3A_166, %ne3A_162 : i1
      %add3A_167 = arith.addi %rem3A, %select_n3A : i32
      %select_n3A_168 = arith.select %and3A, %add3A_167, %rem3A : i32
      %jit3A_169 = arith.constant 4 : i32
      %div3A = arith.divsi %add3A_159, %jit3A_169 : i32
      %sign3A = arith.constant 0 : i32
      %sign3A_170 = arith.cmpi sgt, %add3A_159, %sign3A : i32
      %sign3A_171 = arith.extui %sign3A_170 : i1 to i32
      %sign3A_172 = arith.constant 0 : i32
      %sign3A_173 = arith.cmpi slt, %add3A_159, %sign3A_172 : i32
      %sign3A_174 = arith.extui %sign3A_173 : i1 to i32
      %sign3A_175 = arith.subi %sign3A_171, %sign3A_174 : i32
      %sign3A_176 = arith.constant 0 : i32
      %sign3A_177 = arith.cmpi sgt, %jit3A_169, %sign3A_176 : i32
      %sign3A_178 = arith.extui %sign3A_177 : i1 to i32
      %sign3A_179 = arith.constant 0 : i32
      %sign3A_180 = arith.cmpi slt, %jit3A_169, %sign3A_179 : i32
      %sign3A_181 = arith.extui %sign3A_180 : i1 to i32
      %sign3A_182 = arith.subi %sign3A_178, %sign3A_181 : i32
      %ne3A_183 = arith.cmpi ne, %sign3A_175, %sign3A_182 : i32
      %rem3A_184 = arith.remsi %add3A_159, %jit3A_169 : i32
      %ne3A_185 = arith.constant 0 : i32
      %ne3A_186 = arith.cmpi ne, %rem3A_184, %ne3A_185 : i32
      %and3A_187 = arith.andi %ne3A_183, %ne3A_186 : i1
      %sub3A = arith.constant 1 : i32
      %sub3A_188 = arith.subi %div3A, %sub3A : i32
      %select_n3A_189 = arith.select %and3A_187, %sub3A_188, %div3A : i32
      %mul3A_190 = arith.constant 64 : i32
      %mul3A_191 = arith.muli %select_n3A_168, %mul3A_190 : i32
      %mul3A_192 = arith.constant 16 : i32
      %mul3A_193 = arith.muli %select_n3A_189, %mul3A_192 : i32
      %add3A_194 = arith.addi %mul3A_191, %mul3A_193 : i32
      %dma_wait3A_195 = tpu.memref_slice %arg6[%add3A_194] : memref<256xi32, #tpu.memory_space<vmem>> -> memref<16xi32, #tpu.memory_space<vmem>>
      %dma_wait3A_196 = arith.constant 0 : i32
      %dma_wait3A_197 = arith.constant 0 : i32
      %dma_wait3A_198 = tpu.memref_slice %arg3[%dma_wait3A_196, %dma_wait3A_197] : memref<100000x1024xf32, #tpu.memory_space<hbm>> -> memref<100000x1024xf32, #tpu.memory_space<hbm>>
      tpu.wait_indirect_dma semaphore(%arg12 : memref<!tpu.dma_semaphore, #tpu.memory_space<semaphore_mem>>) src(%dma_wait3A_198 : memref<100000x1024xf32, #tpu.memory_space<hbm>>) dst(%arg8 : memref<16x1024xf32, #tpu.memory_space<vmem>>)
      %jit3A_199 = arith.constant 4 : i32
      %div3A_200 = arith.divsi %add3A_159, %jit3A_199 : i32
      %sign3A_201 = arith.constant 0 : i32
      %sign3A_202 = arith.cmpi sgt, %add3A_159, %sign3A_201 : i32
      %sign3A_203 = arith.extui %sign3A_202 : i1 to i32
      %sign3A_204 = arith.constant 0 : i32
      %sign3A_205 = arith.cmpi slt, %add3A_159, %sign3A_204 : i32
      %sign3A_206 = arith.extui %sign3A_205 : i1 to i32
      %sign3A_207 = arith.subi %sign3A_203, %sign3A_206 : i32
      %sign3A_208 = arith.constant 0 : i32
      %sign3A_209 = arith.cmpi sgt, %jit3A_199, %sign3A_208 : i32
      %sign3A_210 = arith.extui %sign3A_209 : i1 to i32
      %sign3A_211 = arith.constant 0 : i32
      %sign3A_212 = arith.cmpi slt, %jit3A_199, %sign3A_211 : i32
      %sign3A_213 = arith.extui %sign3A_212 : i1 to i32
      %sign3A_214 = arith.subi %sign3A_210, %sign3A_213 : i32
      %ne3A_215 = arith.cmpi ne, %sign3A_207, %sign3A_214 : i32
      %rem3A_216 = arith.remsi %add3A_159, %jit3A_199 : i32
      %ne3A_217 = arith.constant 0 : i32
      %ne3A_218 = arith.cmpi ne, %rem3A_216, %ne3A_217 : i32
      %and3A_219 = arith.andi %ne3A_215, %ne3A_218 : i1
      %sub3A_220 = arith.constant 1 : i32
      %sub3A_221 = arith.subi %div3A_200, %sub3A_220 : i32
      %select_n3A_222 = arith.select %and3A_219, %sub3A_221, %div3A_200 : i32
      %jit3A_223 = arith.constant 3 : i32
      %eq3A_224 = arith.constant 0 : i32
      %eq3A_225 = arith.cmpi eq, %jit3A_223, %eq3A_224 : i32
      %jit3A_226 = arith.constant 1 : i32
      %select_n3A_227 = arith.select %eq3A_225, %jit3A_226, %jit3A_223 : i32
      %rem3A_228 = arith.remsi %select_n3A_222, %select_n3A_227 : i32
      %ne3A_229 = arith.constant 0 : i32
      %ne3A_230 = arith.cmpi ne, %rem3A_228, %ne3A_229 : i32
      %lt3A_231 = arith.constant 0 : i32
      %lt3A_232 = arith.cmpi slt, %rem3A_228, %lt3A_231 : i32
      %lt3A_233 = arith.constant 0 : i32
      %lt3A_234 = arith.cmpi slt, %select_n3A_227, %lt3A_233 : i32
      %ne3A_235 = arith.xori %lt3A_232, %lt3A_234 : i1
      %and3A_236 = arith.andi %ne3A_235, %ne3A_230 : i1
      %add3A_237 = arith.addi %rem3A_228, %select_n3A_227 : i32
      %select_n3A_238 = arith.select %and3A_236, %add3A_237, %rem3A_228 : i32
      %mul3A_239 = arith.constant 16 : i32
      %mul3A_240 = arith.muli %select_n3A_238, %mul3A_239 : i32
      %dma_wait3A_241 = arith.constant 0 : i32
      %dma_wait3A_242 = tpu.memref_slice %arg7[%arg1, %mul3A_240, %dma_wait3A_241] : memref<16x48x1024xf32, #tpu.memory_space<vmem_shared>> -> memref<1x16x1024xf32, #tpu.memory_space<vmem_shared>>
      %dma_wait3A_243 = tpu.memref_squeeze %dma_wait3A_242 : memref<1x16x1024xf32, #tpu.memory_space<vmem_shared>> -> memref<16x1024xf32, #tpu.memory_space<vmem_shared>>
      %dma_wait3A_244 = arith.constant 0 : i32
      %dma_wait3A_245 = tpu.memref_slice %arg7[%arg1, %mul3A_240, %dma_wait3A_244] : memref<16x48x1024xf32, #tpu.memory_space<vmem_shared>> -> memref<1x16x1024xf32, #tpu.memory_space<vmem_shared>>
      %dma_wait3A_246 = tpu.memref_squeeze %dma_wait3A_245 : memref<1x16x1024xf32, #tpu.memory_space<vmem_shared>> -> memref<16x1024xf32, #tpu.memory_space<vmem_shared>>
      tpu.wait_dma2 semaphore(%arg16 : memref<!tpu.dma_semaphore, #tpu.memory_space<semaphore_mem>>) src(%dma_wait3A_246 : memref<16x1024xf32, #tpu.memory_space<vmem_shared>>) dst(%arg10 : memref<16x1024xf32, #tpu.memory_space<vmem>>)
      %parallel_loop3A = arith.constant 0 : i32
      %parallel_loop3A_247 = arith.constant 16 : i32
      %parallel_loop3A_248 = arith.constant 1 : i32
      scf.for %parallel_loop3A_524 = %parallel_loop3A to %parallel_loop3A_247 step %parallel_loop3A_248  : i32 {
        %parallel_loop3A_525 = arith.index_cast %parallel_loop3A_524 : i32 to index
        %parallel_loop3A_526 = arith.constant 0 : index
        %parallel_loop3A_527 = tpu.vector_load %arg8[%parallel_loop3A_525, %parallel_loop3A_526] {strides = array<i32>} : memref<16x1024xf32, #tpu.memory_space<vmem>>, vector<1x16xf32>,
        %parallel_loop3A_528 = vector.shape_cast %parallel_loop3A_527 : vector<1x16xf32> to vector<16xf32>
        %parallel_loop3A_529 = arith.constant 22.6274166 : f32
        %parallel_loop3A_530 = vector.broadcast %parallel_loop3A_529 : f32 to vector<16xf32>
        %parallel_loop3A_531 = arith.mulf %parallel_loop3A_528, %parallel_loop3A_530 : vector<16xf32>
        %parallel_loop3A_532 = arith.index_cast %parallel_loop3A_524 : i32 to index
        %parallel_loop3A_533 = arith.constant 0 : index
        %parallel_loop3A_534 = tpu.vector_load %arg10[%parallel_loop3A_532, %parallel_loop3A_533] {strides = array<i32>} : memref<16x1024xf32, #tpu.memory_space<vmem>>, vector<1x16xf32>,
        %parallel_loop3A_535 = vector.shape_cast %parallel_loop3A_534 : vector<1x16xf32> to vector<16xf32>
        %parallel_loop3A_536 = vector.shape_cast %parallel_loop3A_531 : vector<16xf32> to vector<1x16xf32>
        tpu.vector_store %arg10[%parallel_loop3A_532, %parallel_loop3A_533], %parallel_loop3A_536 {add = true, strides = array<i32>} : memref<16x1024xf32, #tpu.memory_space<vmem>>, vector<1x16xf32>,
        %parallel_loop3A_537 = arith.index_cast %parallel_loop3A_524 : i32 to index
        %parallel_loop3A_538 = arith.constant 16 : index
        %parallel_loop3A_539 = tpu.vector_load %arg8[%parallel_loop3A_537, %parallel_loop3A_538] {strides = array<i32>} : memref<16x1024xf32, #tpu.memory_space<vmem>>, vector<1x16xf32>,
        %parallel_loop3A_540 = vector.shape_cast %parallel_loop3A_539 : vector<1x16xf32> to vector<16xf32>
        %parallel_loop3A_541 = arith.constant 22.6274166 : f32
        %parallel_loop3A_542 = vector.broadcast %parallel_loop3A_541 : f32 to vector<16xf32>
        %parallel_loop3A_543 = arith.mulf %parallel_loop3A_540, %parallel_loop3A_542 : vector<16xf32>
        %parallel_loop3A_544 = arith.index_cast %parallel_loop3A_524 : i32 to index
        %parallel_loop3A_545 = arith.constant 16 : index
        %parallel_loop3A_546 = tpu.vector_load %arg10[%parallel_loop3A_544, %parallel_loop3A_545] {strides = array<i32>} : memref<16x1024xf32, #tpu.memory_space<vmem>>, vector<1x16xf32>,
        %parallel_loop3A_547 = vector.shape_cast %parallel_loop3A_546 : vector<1x16xf32> to vector<16xf32>
        %parallel_loop3A_548 = vector.shape_cast %parallel_loop3A_543 : vector<16xf32> to vector<1x16xf32>
        tpu.vector_store %arg10[%parallel_loop3A_544, %parallel_loop3A_545], %parallel_loop3A_548 {add = true, strides = array<i32>} : memref<16x1024xf32, #tpu.memory_space<vmem>>, vector<1x16xf32>,
        %parallel_loop3A_549 = arith.index_cast %parallel_loop3A_524 : i32 to index
        %parallel_loop3A_550 = arith.constant 32 : index
        %parallel_loop3A_551 = tpu.vector_load %arg8[%parallel_loop3A_549, %parallel_loop3A_550] {strides = array<i32>} : memref<16x1024xf32, #tpu.memory_space<vmem>>, vector<1x16xf32>,
        %parallel_loop3A_552 = vector.shape_cast %parallel_loop3A_551 : vector<1x16xf32> to vector<16xf32>
        %parallel_loop3A_553 = arith.constant 22.6274166 : f32
        %parallel_loop3A_554 = vector.broadcast %parallel_loop3A_553 : f32 to vector<16xf32>
        %parallel_loop3A_555 = arith.mulf %parallel_loop3A_552, %parallel_loop3A_554 : vector<16xf32>
        %parallel_loop3A_556 = arith.index_cast %parallel_loop3A_524 : i32 to index
        %parallel_loop3A_557 = arith.constant 32 : index
        %parallel_loop3A_558 = tpu.vector_load %arg10[%parallel_loop3A_556, %parallel_loop3A_557] {strides = array<i32>} : memref<16x1024xf32, #tpu.memory_space<vmem>>, vector<1x16xf32>,
        %parallel_loop3A_559 = vector.shape_cast %parallel_loop3A_558 : vector<1x16xf32> to vector<16xf32>
        %parallel_loop3A_560 = vector.shape_cast %parallel_loop3A_555 : vector<16xf32> to vector<1x16xf32>
        tpu.vector_store %arg10[%parallel_loop3A_556, %parallel_loop3A_557], %parallel_loop3A_560 {add = true, strides = array<i32>} : memref<16x1024xf32, #tpu.memory_space<vmem>>, vector<1x16xf32>,
        %parallel_loop3A_561 = arith.index_cast %parallel_loop3A_524 : i32 to index
        %parallel_loop3A_562 = arith.constant 48 : index
        %parallel_loop3A_563 = tpu.vector_load %arg8[%parallel_loop3A_561, %parallel_loop3A_562] {strides = array<i32>} : memref<16x1024xf32, #tpu.memory_space<vmem>>, vector<1x16xf32>,
        %parallel_loop3A_564 = vector.shape_cast %parallel_loop3A_563 : vector<1x16xf32> to vector<16xf32>
        %parallel_loop3A_565 = arith.constant 22.6274166 : f32
        %parallel_loop3A_566 = vector.broadcast %parallel_loop3A_565 : f32 to vector<16xf32>
        %parallel_loop3A_567 = arith.mulf %parallel_loop3A_564, %parallel_loop3A_566 : vector<16xf32>
        %parallel_loop3A_568 = arith.index_cast %parallel_loop3A_524 : i32 to index
        %parallel_loop3A_569 = arith.constant 48 : index
        %parallel_loop3A_570 = tpu.vector_load %arg10[%parallel_loop3A_568, %parallel_loop3A_569] {strides = array<i32>} : memref<16x1024xf32, #tpu.memory_space<vmem>>, vector<1x16xf32>,
        %parallel_loop3A_571 = vector.shape_cast %parallel_loop3A_570 : vector<1x16xf32> to vector<16xf32>
        %parallel_loop3A_572 = vector.shape_cast %parallel_loop3A_567 : vector<16xf32> to vector<1x16xf32>
        tpu.vector_store %arg10[%parallel_loop3A_568, %parallel_loop3A_569], %parallel_loop3A_572 {add = true, strides = array<i32>} : memref<16x1024xf32, #tpu.memory_space<vmem>>, vector<1x16xf32>,
        %parallel_loop3A_573 = arith.index_cast %parallel_loop3A_524 : i32 to index
        %parallel_loop3A_574 = arith.constant 64 : index
        %parallel_loop3A_575 = tpu.vector_load %arg8[%parallel_loop3A_573, %parallel_loop3A_574] {strides = array<i32>} : memref<16x1024xf32, #tpu.memory_space<vmem>>, vector<1x16xf32>,
        %parallel_loop3A_576 = vector.shape_cast %parallel_loop3A_575 : vector<1x16xf32> to vector<16xf32>
        %parallel_loop3A_577 = arith.constant 22.6274166 : f32
        %parallel_loop3A_578 = vector.broadcast %parallel_loop3A_577 : f32 to vector<16xf32>
        %parallel_loop3A_579 = arith.mulf %parallel_loop3A_576, %parallel_loop3A_578 : vector<16xf32>
        %parallel_loop3A_580 = arith.index_cast %parallel_loop3A_524 : i32 to index
        %parallel_loop3A_581 = arith.constant 64 : index
        %parallel_loop3A_582 = tpu.vector_load %arg10[%parallel_loop3A_580, %parallel_loop3A_581] {strides = array<i32>} : memref<16x1024xf32, #tpu.memory_space<vmem>>, vector<1x16xf32>,
        %parallel_loop3A_583 = vector.shape_cast %parallel_loop3A_582 : vector<1x16xf32> to vector<16xf32>
        %parallel_loop3A_584 = vector.shape_cast %parallel_loop3A_579 : vector<16xf32> to vector<1x16xf32>
        tpu.vector_store %arg10[%parallel_loop3A_580, %parallel_loop3A_581], %parallel_loop3A_584 {add = true, strides = array<i32>} : memref<16x1024xf32, #tpu.memory_space<vmem>>, vector<1x16xf32>,
        %parallel_loop3A_585 = arith.index_cast %parallel_loop3A_524 : i32 to index
        %parallel_loop3A_586 = arith.constant 80 : index
        %parallel_loop3A_587 = tpu.vector_load %arg8[%parallel_loop3A_585, %parallel_loop3A_586] {strides = array<i32>} : memref<16x1024xf32, #tpu.memory_space<vmem>>, vector<1x16xf32>,
        %parallel_loop3A_588 = vector.shape_cast %parallel_loop3A_587 : vector<1x16xf32> to vector<16xf32>
        %parallel_loop3A_589 = arith.constant 22.6274166 : f32
        %parallel_loop3A_590 = vector.broadcast %parallel_loop3A_589 : f32 to vector<16xf32>
        %parallel_loop3A_591 = arith.mulf %parallel_loop3A_588, %parallel_loop3A_590 : vector<16xf32>
        %parallel_loop3A_592 = arith.index_cast %parallel_loop3A_524 : i32 to index
        %parallel_loop3A_593 = arith.constant 80 : index
        %parallel_loop3A_594 = tpu.vector_load %arg10[%parallel_loop3A_592, %parallel_loop3A_593] {strides = array<i32>} : memref<16x1024xf32, #tpu.memory_space<vmem>>, vector<1x16xf32>,
        %parallel_loop3A_595 = vector.shape_cast %parallel_loop3A_594 : vector<1x16xf32> to vector<16xf32>
        %parallel_loop3A_596 = vector.shape_cast %parallel_loop3A_591 : vector<16xf32> to vector<1x16xf32>
        tpu.vector_store %arg10[%parallel_loop3A_592, %parallel_loop3A_593], %parallel_loop3A_596 {add = true, strides = array<i32>} : memref<16x1024xf32, #tpu.memory_space<vmem>>, vector<1x16xf32>,
        %parallel_loop3A_597 = arith.index_cast %parallel_loop3A_524 : i32 to index
        %parallel_loop3A_598 = arith.constant 96 : index
        %parallel_loop3A_599 = tpu.vector_load %arg8[%parallel_loop3A_597, %parallel_loop3A_598] {strides = array<i32>} : memref<16x1024xf32, #tpu.memory_space<vmem>>, vector<1x16xf32>,
        %parallel_loop3A_600 = vector.shape_cast %parallel_loop3A_599 : vector<1x16xf32> to vector<16xf32>
        %parallel_loop3A_601 = arith.constant 22.6274166 : f32
        %parallel_loop3A_602 = vector.broadcast %parallel_loop3A_601 : f32 to vector<16xf32>
        %parallel_loop3A_603 = arith.mulf %parallel_loop3A_600, %parallel_loop3A_602 : vector<16xf32>
        %parallel_loop3A_604 = arith.index_cast %parallel_loop3A_524 : i32 to index
        %parallel_loop3A_605 = arith.constant 96 : index
        %parallel_loop3A_606 = tpu.vector_load %arg10[%parallel_loop3A_604, %parallel_loop3A_605] {strides = array<i32>} : memref<16x1024xf32, #tpu.memory_space<vmem>>, vector<1x16xf32>,
        %parallel_loop3A_607 = vector.shape_cast %parallel_loop3A_606 : vector<1x16xf32> to vector<16xf32>
        %parallel_loop3A_608 = vector.shape_cast %parallel_loop3A_603 : vector<16xf32> to vector<1x16xf32>
        tpu.vector_store %arg10[%parallel_loop3A_604, %parallel_loop3A_605], %parallel_loop3A_608 {add = true, strides = array<i32>} : memref<16x1024xf32, #tpu.memory_space<vmem>>, vector<1x16xf32>,
        %parallel_loop3A_609 = arith.index_cast %parallel_loop3A_524 : i32 to index
        %parallel_loop3A_610 = arith.constant 112 : index
        %parallel_loop3A_611 = tpu.vector_load %arg8[%parallel_loop3A_609, %parallel_loop3A_610] {strides = array<i32>} : memref<16x1024xf32, #tpu.memory_space<vmem>>, vector<1x16xf32>,
        %parallel_loop3A_612 = vector.shape_cast %parallel_loop3A_611 : vector<1x16xf32> to vector<16xf32>
        %parallel_loop3A_613 = arith.constant 22.6274166 : f32
        %parallel_loop3A_614 = vector.broadcast %parallel_loop3A_613 : f32 to vector<16xf32>
        %parallel_loop3A_615 = arith.mulf %parallel_loop3A_612, %parallel_loop3A_614 : vector<16xf32>
        %parallel_loop3A_616 = arith.index_cast %parallel_loop3A_524 : i32 to index
        %parallel_loop3A_617 = arith.constant 112 : index
        %parallel_loop3A_618 = tpu.vector_load %arg10[%parallel_loop3A_616, %parallel_loop3A_617] {strides = array<i32>} : memref<16x1024xf32, #tpu.memory_space<vmem>>, vector<1x16xf32>,
        %parallel_loop3A_619 = vector.shape_cast %parallel_loop3A_618 : vector<1x16xf32> to vector<16xf32>
        %parallel_loop3A_620 = vector.shape_cast %parallel_loop3A_615 : vector<16xf32> to vector<1x16xf32>
        tpu.vector_store %arg10[%parallel_loop3A_616, %parallel_loop3A_617], %parallel_loop3A_620 {add = true, strides = array<i32>} : memref<16x1024xf32, #tpu.memory_space<vmem>>, vector<1x16xf32>,
        %parallel_loop3A_621 = arith.index_cast %parallel_loop3A_524 : i32 to index
        %parallel_loop3A_622 = arith.constant 128 : index
        %parallel_loop3A_623 = tpu.vector_load %arg8[%parallel_loop3A_621, %parallel_loop3A_622] {strides = array<i32>} : memref<16x1024xf32, #tpu.memory_space<vmem>>, vector<1x16xf32>,
        %parallel_loop3A_624 = vector.shape_cast %parallel_loop3A_623 : vector<1x16xf32> to vector<16xf32>
        %parallel_loop3A_625 = arith.constant 22.6274166 : f32
        %parallel_loop3A_626 = vector.broadcast %parallel_loop3A_625 : f32 to vector<16xf32>
        %parallel_loop3A_627 = arith.mulf %parallel_loop3A_624, %parallel_loop3A_626 : vector<16xf32>
        %parallel_loop3A_628 = arith.index_cast %parallel_loop3A_524 : i32 to index
        %parallel_loop3A_629 = arith.constant 128 : index
        %parallel_loop3A_630 = tpu.vector_load %arg10[%parallel_loop3A_628, %parallel_loop3A_629] {strides = array<i32>} : memref<16x1024xf32, #tpu.memory_space<vmem>>, vector<1x16xf32>,
        %parallel_loop3A_631 = vector.shape_cast %parallel_loop3A_630 : vector<1x16xf32> to vector<16xf32>
        %parallel_loop3A_632 = vector.shape_cast %parallel_loop3A_627 : vector<16xf32> to vector<1x16xf32>
        tpu.vector_store %arg10[%parallel_loop3A_628, %parallel_loop3A_629], %parallel_loop3A_632 {add = true, strides = array<i32>} : memref<16x1024xf32, #tpu.memory_space<vmem>>, vector<1x16xf32>,
        %parallel_loop3A_633 = arith.index_cast %parallel_loop3A_524 : i32 to index
        %parallel_loop3A_634 = arith.constant 144 : index
        %parallel_loop3A_635 = tpu.vector_load %arg8[%parallel_loop3A_633, %parallel_loop3A_634] {strides = array<i32>} : memref<16x1024xf32, #tpu.memory_space<vmem>>, vector<1x16xf32>,
        %parallel_loop3A_636 = vector.shape_cast %parallel_loop3A_635 : vector<1x16xf32> to vector<16xf32>
        %parallel_loop3A_637 = arith.constant 22.6274166 : f32
        %parallel_loop3A_638 = vector.broadcast %parallel_loop3A_637 : f32 to vector<16xf32>
        %parallel_loop3A_639 = arith.mulf %parallel_loop3A_636, %parallel_loop3A_638 : vector<16xf32>
        %parallel_loop3A_640 = arith.index_cast %parallel_loop3A_524 : i32 to index
        %parallel_loop3A_641 = arith.constant 144 : index
        %parallel_loop3A_642 = tpu.vector_load %arg10[%parallel_loop3A_640, %parallel_loop3A_641] {strides = array<i32>} : memref<16x1024xf32, #tpu.memory_space<vmem>>, vector<1x16xf32>,
        %parallel_loop3A_643 = vector.shape_cast %parallel_loop3A_642 : vector<1x16xf32> to vector<16xf32>
        %parallel_loop3A_644 = vector.shape_cast %parallel_loop3A_639 : vector<16xf32> to vector<1x16xf32>
        tpu.vector_store %arg10[%parallel_loop3A_640, %parallel_loop3A_641], %parallel_loop3A_644 {add = true, strides = array<i32>} : memref<16x1024xf32, #tpu.memory_space<vmem>>, vector<1x16xf32>,
        %parallel_loop3A_645 = arith.index_cast %parallel_loop3A_524 : i32 to index
        %parallel_loop3A_646 = arith.constant 160 : index
        %parallel_loop3A_647 = tpu.vector_load %arg8[%parallel_loop3A_645, %parallel_loop3A_646] {strides = array<i32>} : memref<16x1024xf32, #tpu.memory_space<vmem>>, vector<1x16xf32>,
        %parallel_loop3A_648 = vector.shape_cast %parallel_loop3A_647 : vector<1x16xf32> to vector<16xf32>
        %parallel_loop3A_649 = arith.constant 22.6274166 : f32
        %parallel_loop3A_650 = vector.broadcast %parallel_loop3A_649 : f32 to vector<16xf32>
        %parallel_loop3A_651 = arith.mulf %parallel_loop3A_648, %parallel_loop3A_650 : vector<16xf32>
        %parallel_loop3A_652 = arith.index_cast %parallel_loop3A_524 : i32 to index
        %parallel_loop3A_653 = arith.constant 160 : index
        %parallel_loop3A_654 = tpu.vector_load %arg10[%parallel_loop3A_652, %parallel_loop3A_653] {strides = array<i32>} : memref<16x1024xf32, #tpu.memory_space<vmem>>, vector<1x16xf32>,
        %parallel_loop3A_655 = vector.shape_cast %parallel_loop3A_654 : vector<1x16xf32> to vector<16xf32>
        %parallel_loop3A_656 = vector.shape_cast %parallel_loop3A_651 : vector<16xf32> to vector<1x16xf32>
        tpu.vector_store %arg10[%parallel_loop3A_652, %parallel_loop3A_653], %parallel_loop3A_656 {add = true, strides = array<i32>} : memref<16x1024xf32, #tpu.memory_space<vmem>>, vector<1x16xf32>,
        %parallel_loop3A_657 = arith.index_cast %parallel_loop3A_524 : i32 to index
        %parallel_loop3A_658 = arith.constant 176 : index
        %parallel_loop3A_659 = tpu.vector_load %arg8[%parallel_loop3A_657, %parallel_loop3A_658] {strides = array<i32>} : memref<16x1024xf32, #tpu.memory_space<vmem>>, vector<1x16xf32>,
        %parallel_loop3A_660 = vector.shape_cast %parallel_loop3A_659 : vector<1x16xf32> to vector<16xf32>
        %parallel_loop3A_661 = arith.constant 22.6274166 : f32
        %parallel_loop3A_662 = vector.broadcast %parallel_loop3A_661 : f32 to vector<16xf32>
        %parallel_loop3A_663 = arith.mulf %parallel_loop3A_660, %parallel_loop3A_662 : vector<16xf32>
        %parallel_loop3A_664 = arith.index_cast %parallel_loop3A_524 : i32 to index
        %parallel_loop3A_665 = arith.constant 176 : index
        %parallel_loop3A_666 = tpu.vector_load %arg10[%parallel_loop3A_664, %parallel_loop3A_665] {strides = array<i32>} : memref<16x1024xf32, #tpu.memory_space<vmem>>, vector<1x16xf32>,
        %parallel_loop3A_667 = vector.shape_cast %parallel_loop3A_666 : vector<1x16xf32> to vector<16xf32>
        %parallel_loop3A_668 = vector.shape_cast %parallel_loop3A_663 : vector<16xf32> to vector<1x16xf32>
        tpu.vector_store %arg10[%parallel_loop3A_664, %parallel_loop3A_665], %parallel_loop3A_668 {add = true, strides = array<i32>} : memref<16x1024xf32, #tpu.memory_space<vmem>>, vector<1x16xf32>,
        %parallel_loop3A_669 = arith.index_cast %parallel_loop3A_524 : i32 to index
        %parallel_loop3A_670 = arith.constant 192 : index
        %parallel_loop3A_671 = tpu.vector_load %arg8[%parallel_loop3A_669, %parallel_loop3A_670] {strides = array<i32>} : memref<16x1024xf32, #tpu.memory_space<vmem>>, vector<1x16xf32>,
        %parallel_loop3A_672 = vector.shape_cast %parallel_loop3A_671 : vector<1x16xf32> to vector<16xf32>
        %parallel_loop3A_673 = arith.constant 22.6274166 : f32
        %parallel_loop3A_674 = vector.broadcast %parallel_loop3A_673 : f32 to vector<16xf32>
        %parallel_loop3A_675 = arith.mulf %parallel_loop3A_672, %parallel_loop3A_674 : vector<16xf32>
        %parallel_loop3A_676 = arith.index_cast %parallel_loop3A_524 : i32 to index
        %parallel_loop3A_677 = arith.constant 192 : index
        %parallel_loop3A_678 = tpu.vector_load %arg10[%parallel_loop3A_676, %parallel_loop3A_677] {strides = array<i32>} : memref<16x1024xf32, #tpu.memory_space<vmem>>, vector<1x16xf32>,
        %parallel_loop3A_679 = vector.shape_cast %parallel_loop3A_678 : vector<1x16xf32> to vector<16xf32>
        %parallel_loop3A_680 = vector.shape_cast %parallel_loop3A_675 : vector<16xf32> to vector<1x16xf32>
        tpu.vector_store %arg10[%parallel_loop3A_676, %parallel_loop3A_677], %parallel_loop3A_680 {add = true, strides = array<i32>} : memref<16x1024xf32, #tpu.memory_space<vmem>>, vector<1x16xf32>,
        %parallel_loop3A_681 = arith.index_cast %parallel_loop3A_524 : i32 to index
        %parallel_loop3A_682 = arith.constant 208 : index
        %parallel_loop3A_683 = tpu.vector_load %arg8[%parallel_loop3A_681, %parallel_loop3A_682] {strides = array<i32>} : memref<16x1024xf32, #tpu.memory_space<vmem>>, vector<1x16xf32>,
        %parallel_loop3A_684 = vector.shape_cast %parallel_loop3A_683 : vector<1x16xf32> to vector<16xf32>
        %parallel_loop3A_685 = arith.constant 22.6274166 : f32
        %parallel_loop3A_686 = vector.broadcast %parallel_loop3A_685 : f32 to vector<16xf32>
        %parallel_loop3A_687 = arith.mulf %parallel_loop3A_684, %parallel_loop3A_686 : vector<16xf32>
        %parallel_loop3A_688 = arith.index_cast %parallel_loop3A_524 : i32 to index
        %parallel_loop3A_689 = arith.constant 208 : index
        %parallel_loop3A_690 = tpu.vector_load %arg10[%parallel_loop3A_688, %parallel_loop3A_689] {strides = array<i32>} : memref<16x1024xf32, #tpu.memory_space<vmem>>, vector<1x16xf32>,
        %parallel_loop3A_691 = vector.shape_cast %parallel_loop3A_690 : vector<1x16xf32> to vector<16xf32>
        %parallel_loop3A_692 = vector.shape_cast %parallel_loop3A_687 : vector<16xf32> to vector<1x16xf32>
        tpu.vector_store %arg10[%parallel_loop3A_688, %parallel_loop3A_689], %parallel_loop3A_692 {add = true, strides = array<i32>} : memref<16x1024xf32, #tpu.memory_space<vmem>>, vector<1x16xf32>,
        %parallel_loop3A_693 = arith.index_cast %parallel_loop3A_524 : i32 to index
        %parallel_loop3A_694 = arith.constant 224 : index
        %parallel_loop3A_695 = tpu.vector_load %arg8[%parallel_loop3A_693, %parallel_loop3A_694] {strides = array<i32>} : memref<16x1024xf32, #tpu.memory_space<vmem>>, vector<1x16xf32>,
        %parallel_loop3A_696 = vector.shape_cast %parallel_loop3A_695 : vector<1x16xf32> to vector<16xf32>
        %parallel_loop3A_697 = arith.constant 22.6274166 : f32
        %parallel_loop3A_698 = vector.broadcast %parallel_loop3A_697 : f32 to vector<16xf32>
        %parallel_loop3A_699 = arith.mulf %parallel_loop3A_696, %parallel_loop3A_698 : vector<16xf32>
        %parallel_loop3A_700 = arith.index_cast %parallel_loop3A_524 : i32 to index
        %parallel_loop3A_701 = arith.constant 224 : index
        %parallel_loop3A_702 = tpu.vector_load %arg10[%parallel_loop3A_700, %parallel_loop3A_701] {strides = array<i32>} : memref<16x1024xf32, #tpu.memory_space<vmem>>, vector<1x16xf32>,
        %parallel_loop3A_703 = vector.shape_cast %parallel_loop3A_702 : vector<1x16xf32> to vector<16xf32>
        %parallel_loop3A_704 = vector.shape_cast %parallel_loop3A_699 : vector<16xf32> to vector<1x16xf32>
        tpu.vector_store %arg10[%parallel_loop3A_700, %parallel_loop3A_701], %parallel_loop3A_704 {add = true, strides = array<i32>} : memref<16x1024xf32, #tpu.memory_space<vmem>>, vector<1x16xf32>,
        %parallel_loop3A_705 = arith.index_cast %parallel_loop3A_524 : i32 to index
        %parallel_loop3A_706 = arith.constant 240 : index
        %parallel_loop3A_707 = tpu.vector_load %arg8[%parallel_loop3A_705, %parallel_loop3A_706] {strides = array<i32>} : memref<16x1024xf32, #tpu.memory_space<vmem>>, vector<1x16xf32>,
        %parallel_loop3A_708 = vector.shape_cast %parallel_loop3A_707 : vector<1x16xf32> to vector<16xf32>
        %parallel_loop3A_709 = arith.constant 22.6274166 : f32
        %parallel_loop3A_710 = vector.broadcast %parallel_loop3A_709 : f32 to vector<16xf32>
        %parallel_loop3A_711 = arith.mulf %parallel_loop3A_708, %parallel_loop3A_710 : vector<16xf32>
        %parallel_loop3A_712 = arith.index_cast %parallel_loop3A_524 : i32 to index
        %parallel_loop3A_713 = arith.constant 240 : index
        %parallel_loop3A_714 = tpu.vector_load %arg10[%parallel_loop3A_712, %parallel_loop3A_713] {strides = array<i32>} : memref<16x1024xf32, #tpu.memory_space<vmem>>, vector<1x16xf32>,
        %parallel_loop3A_715 = vector.shape_cast %parallel_loop3A_714 : vector<1x16xf32> to vector<16xf32>
        %parallel_loop3A_716 = vector.shape_cast %parallel_loop3A_711 : vector<16xf32> to vector<1x16xf32>
        tpu.vector_store %arg10[%parallel_loop3A_712, %parallel_loop3A_713], %parallel_loop3A_716 {add = true, strides = array<i32>} : memref<16x1024xf32, #tpu.memory_space<vmem>>, vector<1x16xf32>,
        %parallel_loop3A_717 = arith.index_cast %parallel_loop3A_524 : i32 to index
        %parallel_loop3A_718 = arith.constant 256 : index
        %parallel_loop3A_719 = tpu.vector_load %arg8[%parallel_loop3A_717, %parallel_loop3A_718] {strides = array<i32>} : memref<16x1024xf32, #tpu.memory_space<vmem>>, vector<1x16xf32>,
        %parallel_loop3A_720 = vector.shape_cast %parallel_loop3A_719 : vector<1x16xf32> to vector<16xf32>
        %parallel_loop3A_721 = arith.constant 22.6274166 : f32
        %parallel_loop3A_722 = vector.broadcast %parallel_loop3A_721 : f32 to vector<16xf32>
        %parallel_loop3A_723 = arith.mulf %parallel_loop3A_720, %parallel_loop3A_722 : vector<16xf32>
        %parallel_loop3A_724 = arith.index_cast %parallel_loop3A_524 : i32 to index
        %parallel_loop3A_725 = arith.constant 256 : index
        %parallel_loop3A_726 = tpu.vector_load %arg10[%parallel_loop3A_724, %parallel_loop3A_725] {strides = array<i32>} : memref<16x1024xf32, #tpu.memory_space<vmem>>, vector<1x16xf32>,
        %parallel_loop3A_727 = vector.shape_cast %parallel_loop3A_726 : vector<1x16xf32> to vector<16xf32>
        %parallel_loop3A_728 = vector.shape_cast %parallel_loop3A_723 : vector<16xf32> to vector<1x16xf32>
        tpu.vector_store %arg10[%parallel_loop3A_724, %parallel_loop3A_725], %parallel_loop3A_728 {add = true, strides = array<i32>} : memref<16x1024xf32, #tpu.memory_space<vmem>>, vector<1x16xf32>,
        %parallel_loop3A_729 = arith.index_cast %parallel_loop3A_524 : i32 to index
        %parallel_loop3A_730 = arith.constant 272 : index
        %parallel_loop3A_731 = tpu.vector_load %arg8[%parallel_loop3A_729, %parallel_loop3A_730] {strides = array<i32>} : memref<16x1024xf32, #tpu.memory_space<vmem>>, vector<1x16xf32>,
        %parallel_loop3A_732 = vector.shape_cast %parallel_loop3A_731 : vector<1x16xf32> to vector<16xf32>
        %parallel_loop3A_733 = arith.constant 22.6274166 : f32
        %parallel_loop3A_734 = vector.broadcast %parallel_loop3A_733 : f32 to vector<16xf32>
        %parallel_loop3A_735 = arith.mulf %parallel_loop3A_732, %parallel_loop3A_734 : vector<16xf32>
        %parallel_loop3A_736 = arith.index_cast %parallel_loop3A_524 : i32 to index
        %parallel_loop3A_737 = arith.constant 272 : index
        %parallel_loop3A_738 = tpu.vector_load %arg10[%parallel_loop3A_736, %parallel_loop3A_737] {strides = array<i32>} : memref<16x1024xf32, #tpu.memory_space<vmem>>, vector<1x16xf32>,
        %parallel_loop3A_739 = vector.shape_cast %parallel_loop3A_738 : vector<1x16xf32> to vector<16xf32>
        %parallel_loop3A_740 = vector.shape_cast %parallel_loop3A_735 : vector<16xf32> to vector<1x16xf32>
        tpu.vector_store %arg10[%parallel_loop3A_736, %parallel_loop3A_737], %parallel_loop3A_740 {add = true, strides = array<i32>} : memref<16x1024xf32, #tpu.memory_space<vmem>>, vector<1x16xf32>,
        %parallel_loop3A_741 = arith.index_cast %parallel_loop3A_524 : i32 to index
        %parallel_loop3A_742 = arith.constant 288 : index
        %parallel_loop3A_743 = tpu.vector_load %arg8[%parallel_loop3A_741, %parallel_loop3A_742] {strides = array<i32>} : memref<16x1024xf32, #tpu.memory_space<vmem>>, vector<1x16xf32>,
        %parallel_loop3A_744 = vector.shape_cast %parallel_loop3A_743 : vector<1x16xf32> to vector<16xf32>
        %parallel_loop3A_745 = arith.constant 22.6274166 : f32
        %parallel_loop3A_746 = vector.broadcast %parallel_loop3A_745 : f32 to vector<16xf32>
        %parallel_loop3A_747 = arith.mulf %parallel_loop3A_744, %parallel_loop3A_746 : vector<16xf32>
        %parallel_loop3A_748 = arith.index_cast %parallel_loop3A_524 : i32 to index
        %parallel_loop3A_749 = arith.constant 288 : index
        %parallel_loop3A_750 = tpu.vector_load %arg10[%parallel_loop3A_748, %parallel_loop3A_749] {strides = array<i32>} : memref<16x1024xf32, #tpu.memory_space<vmem>>, vector<1x16xf32>,
        %parallel_loop3A_751 = vector.shape_cast %parallel_loop3A_750 : vector<1x16xf32> to vector<16xf32>
        %parallel_loop3A_752 = vector.shape_cast %parallel_loop3A_747 : vector<16xf32> to vector<1x16xf32>
        tpu.vector_store %arg10[%parallel_loop3A_748, %parallel_loop3A_749], %parallel_loop3A_752 {add = true, strides = array<i32>} : memref<16x1024xf32, #tpu.memory_space<vmem>>, vector<1x16xf32>,
        %parallel_loop3A_753 = arith.index_cast %parallel_loop3A_524 : i32 to index
        %parallel_loop3A_754 = arith.constant 304 : index
        %parallel_loop3A_755 = tpu.vector_load %arg8[%parallel_loop3A_753, %parallel_loop3A_754] {strides = array<i32>} : memref<16x1024xf32, #tpu.memory_space<vmem>>, vector<1x16xf32>,
        %parallel_loop3A_756 = vector.shape_cast %parallel_loop3A_755 : vector<1x16xf32> to vector<16xf32>
        %parallel_loop3A_757 = arith.constant 22.6274166 : f32
        %parallel_loop3A_758 = vector.broadcast %parallel_loop3A_757 : f32 to vector<16xf32>
        %parallel_loop3A_759 = arith.mulf %parallel_loop3A_756, %parallel_loop3A_758 : vector<16xf32>
        %parallel_loop3A_760 = arith.index_cast %parallel_loop3A_524 : i32 to index
        %parallel_loop3A_761 = arith.constant 304 : index
        %parallel_loop3A_762 = tpu.vector_load %arg10[%parallel_loop3A_760, %parallel_loop3A_761] {strides = array<i32>} : memref<16x1024xf32, #tpu.memory_space<vmem>>, vector<1x16xf32>,
        %parallel_loop3A_763 = vector.shape_cast %parallel_loop3A_762 : vector<1x16xf32> to vector<16xf32>
        %parallel_loop3A_764 = vector.shape_cast %parallel_loop3A_759 : vector<16xf32> to vector<1x16xf32>
        tpu.vector_store %arg10[%parallel_loop3A_760, %parallel_loop3A_761], %parallel_loop3A_764 {add = true, strides = array<i32>} : memref<16x1024xf32, #tpu.memory_space<vmem>>, vector<1x16xf32>,
        %parallel_loop3A_765 = arith.index_cast %parallel_loop3A_524 : i32 to index
        %parallel_loop3A_766 = arith.constant 320 : index
        %parallel_loop3A_767 = tpu.vector_load %arg8[%parallel_loop3A_765, %parallel_loop3A_766] {strides = array<i32>} : memref<16x1024xf32, #tpu.memory_space<vmem>>, vector<1x16xf32>,
        %parallel_loop3A_768 = vector.shape_cast %parallel_loop3A_767 : vector<1x16xf32> to vector<16xf32>
        %parallel_loop3A_769 = arith.constant 22.6274166 : f32
        %parallel_loop3A_770 = vector.broadcast %parallel_loop3A_769 : f32 to vector<16xf32>
        %parallel_loop3A_771 = arith.mulf %parallel_loop3A_768, %parallel_loop3A_770 : vector<16xf32>
        %parallel_loop3A_772 = arith.index_cast %parallel_loop3A_524 : i32 to index
        %parallel_loop3A_773 = arith.constant 320 : index
        %parallel_loop3A_774 = tpu.vector_load %arg10[%parallel_loop3A_772, %parallel_loop3A_773] {strides = array<i32>} : memref<16x1024xf32, #tpu.memory_space<vmem>>, vector<1x16xf32>,
        %parallel_loop3A_775 = vector.shape_cast %parallel_loop3A_774 : vector<1x16xf32> to vector<16xf32>
        %parallel_loop3A_776 = vector.shape_cast %parallel_loop3A_771 : vector<16xf32> to vector<1x16xf32>
        tpu.vector_store %arg10[%parallel_loop3A_772, %parallel_loop3A_773], %parallel_loop3A_776 {add = true, strides = array<i32>} : memref<16x1024xf32, #tpu.memory_space<vmem>>, vector<1x16xf32>,
        %parallel_loop3A_777 = arith.index_cast %parallel_loop3A_524 : i32 to index
        %parallel_loop3A_778 = arith.constant 336 : index
        %parallel_loop3A_779 = tpu.vector_load %arg8[%parallel_loop3A_777, %parallel_loop3A_778] {strides = array<i32>} : memref<16x1024xf32, #tpu.memory_space<vmem>>, vector<1x16xf32>,
        %parallel_loop3A_780 = vector.shape_cast %parallel_loop3A_779 : vector<1x16xf32> to vector<16xf32>
        %parallel_loop3A_781 = arith.constant 22.6274166 : f32
        %parallel_loop3A_782 = vector.broadcast %parallel_loop3A_781 : f32 to vector<16xf32>
        %parallel_loop3A_783 = arith.mulf %parallel_loop3A_780, %parallel_loop3A_782 : vector<16xf32>
        %parallel_loop3A_784 = arith.index_cast %parallel_loop3A_524 : i32 to index
        %parallel_loop3A_785 = arith.constant 336 : index
        %parallel_loop3A_786 = tpu.vector_load %arg10[%parallel_loop3A_784, %parallel_loop3A_785] {strides = array<i32>} : memref<16x1024xf32, #tpu.memory_space<vmem>>, vector<1x16xf32>,
        %parallel_loop3A_787 = vector.shape_cast %parallel_loop3A_786 : vector<1x16xf32> to vector<16xf32>
        %parallel_loop3A_788 = vector.shape_cast %parallel_loop3A_783 : vector<16xf32> to vector<1x16xf32>
        tpu.vector_store %arg10[%parallel_loop3A_784, %parallel_loop3A_785], %parallel_loop3A_788 {add = true, strides = array<i32>} : memref<16x1024xf32, #tpu.memory_space<vmem>>, vector<1x16xf32>,
        %parallel_loop3A_789 = arith.index_cast %parallel_loop3A_524 : i32 to index
        %parallel_loop3A_790 = arith.constant 352 : index
        %parallel_loop3A_791 = tpu.vector_load %arg8[%parallel_loop3A_789, %parallel_loop3A_790] {strides = array<i32>} : memref<16x1024xf32, #tpu.memory_space<vmem>>, vector<1x16xf32>,
        %parallel_loop3A_792 = vector.shape_cast %parallel_loop3A_791 : vector<1x16xf32> to vector<16xf32>
        %parallel_loop3A_793 = arith.constant 22.6274166 : f32
        %parallel_loop3A_794 = vector.broadcast %parallel_loop3A_793 : f32 to vector<16xf32>
        %parallel_loop3A_795 = arith.mulf %parallel_loop3A_792, %parallel_loop3A_794 : vector<16xf32>
        %parallel_loop3A_796 = arith.index_cast %parallel_loop3A_524 : i32 to index
        %parallel_loop3A_797 = arith.constant 352 : index
        %parallel_loop3A_798 = tpu.vector_load %arg10[%parallel_loop3A_796, %parallel_loop3A_797] {strides = array<i32>} : memref<16x1024xf32, #tpu.memory_space<vmem>>, vector<1x16xf32>,
        %parallel_loop3A_799 = vector.shape_cast %parallel_loop3A_798 : vector<1x16xf32> to vector<16xf32>
        %parallel_loop3A_800 = vector.shape_cast %parallel_loop3A_795 : vector<16xf32> to vector<1x16xf32>
        tpu.vector_store %arg10[%parallel_loop3A_796, %parallel_loop3A_797], %parallel_loop3A_800 {add = true, strides = array<i32>} : memref<16x1024xf32, #tpu.memory_space<vmem>>, vector<1x16xf32>,
        %parallel_loop3A_801 = arith.index_cast %parallel_loop3A_524 : i32 to index
        %parallel_loop3A_802 = arith.constant 368 : index
        %parallel_loop3A_803 = tpu.vector_load %arg8[%parallel_loop3A_801, %parallel_loop3A_802] {strides = array<i32>} : memref<16x1024xf32, #tpu.memory_space<vmem>>, vector<1x16xf32>,
        %parallel_loop3A_804 = vector.shape_cast %parallel_loop3A_803 : vector<1x16xf32> to vector<16xf32>
        %parallel_loop3A_805 = arith.constant 22.6274166 : f32
        %parallel_loop3A_806 = vector.broadcast %parallel_loop3A_805 : f32 to vector<16xf32>
        %parallel_loop3A_807 = arith.mulf %parallel_loop3A_804, %parallel_loop3A_806 : vector<16xf32>
        %parallel_loop3A_808 = arith.index_cast %parallel_loop3A_524 : i32 to index
        %parallel_loop3A_809 = arith.constant 368 : index
        %parallel_loop3A_810 = tpu.vector_load %arg10[%parallel_loop3A_808, %parallel_loop3A_809] {strides = array<i32>} : memref<16x1024xf32, #tpu.memory_space<vmem>>, vector<1x16xf32>,
        %parallel_loop3A_811 = vector.shape_cast %parallel_loop3A_810 : vector<1x16xf32> to vector<16xf32>
        %parallel_loop3A_812 = vector.shape_cast %parallel_loop3A_807 : vector<16xf32> to vector<1x16xf32>
        tpu.vector_store %arg10[%parallel_loop3A_808, %parallel_loop3A_809], %parallel_loop3A_812 {add = true, strides = array<i32>} : memref<16x1024xf32, #tpu.memory_space<vmem>>, vector<1x16xf32>,
        %parallel_loop3A_813 = arith.index_cast %parallel_loop3A_524 : i32 to index
        %parallel_loop3A_814 = arith.constant 384 : index
        %parallel_loop3A_815 = tpu.vector_load %arg8[%parallel_loop3A_813, %parallel_loop3A_814] {strides = array<i32>} : memref<16x1024xf32, #tpu.memory_space<vmem>>, vector<1x16xf32>,
        %parallel_loop3A_816 = vector.shape_cast %parallel_loop3A_815 : vector<1x16xf32> to vector<16xf32>
        %parallel_loop3A_817 = arith.constant 22.6274166 : f32
        %parallel_loop3A_818 = vector.broadcast %parallel_loop3A_817 : f32 to vector<16xf32>
        %parallel_loop3A_819 = arith.mulf %parallel_loop3A_816, %parallel_loop3A_818 : vector<16xf32>
        %parallel_loop3A_820 = arith.index_cast %parallel_loop3A_524 : i32 to index
        %parallel_loop3A_821 = arith.constant 384 : index
        %parallel_loop3A_822 = tpu.vector_load %arg10[%parallel_loop3A_820, %parallel_loop3A_821] {strides = array<i32>} : memref<16x1024xf32, #tpu.memory_space<vmem>>, vector<1x16xf32>,
        %parallel_loop3A_823 = vector.shape_cast %parallel_loop3A_822 : vector<1x16xf32> to vector<16xf32>
        %parallel_loop3A_824 = vector.shape_cast %parallel_loop3A_819 : vector<16xf32> to vector<1x16xf32>
        tpu.vector_store %arg10[%parallel_loop3A_820, %parallel_loop3A_821], %parallel_loop3A_824 {add = true, strides = array<i32>} : memref<16x1024xf32, #tpu.memory_space<vmem>>, vector<1x16xf32>,
        %parallel_loop3A_825 = arith.index_cast %parallel_loop3A_524 : i32 to index
        %parallel_loop3A_826 = arith.constant 400 : index
        %parallel_loop3A_827 = tpu.vector_load %arg8[%parallel_loop3A_825, %parallel_loop3A_826] {strides = array<i32>} : memref<16x1024xf32, #tpu.memory_space<vmem>>, vector<1x16xf32>,
        %parallel_loop3A_828 = vector.shape_cast %parallel_loop3A_827 : vector<1x16xf32> to vector<16xf32>
        %parallel_loop3A_829 = arith.constant 22.6274166 : f32
        %parallel_loop3A_830 = vector.broadcast %parallel_loop3A_829 : f32 to vector<16xf32>
        %parallel_loop3A_831 = arith.mulf %parallel_loop3A_828, %parallel_loop3A_830 : vector<16xf32>
        %parallel_loop3A_832 = arith.index_cast %parallel_loop3A_524 : i32 to index
        %parallel_loop3A_833 = arith.constant 400 : index
        %parallel_loop3A_834 = tpu.vector_load %arg10[%parallel_loop3A_832, %parallel_loop3A_833] {strides = array<i32>} : memref<16x1024xf32, #tpu.memory_space<vmem>>, vector<1x16xf32>,
        %parallel_loop3A_835 = vector.shape_cast %parallel_loop3A_834 : vector<1x16xf32> to vector<16xf32>
        %parallel_loop3A_836 = vector.shape_cast %parallel_loop3A_831 : vector<16xf32> to vector<1x16xf32>
        tpu.vector_store %arg10[%parallel_loop3A_832, %parallel_loop3A_833], %parallel_loop3A_836 {add = true, strides = array<i32>} : memref<16x1024xf32, #tpu.memory_space<vmem>>, vector<1x16xf32>,
        %parallel_loop3A_837 = arith.index_cast %parallel_loop3A_524 : i32 to index
        %parallel_loop3A_838 = arith.constant 416 : index
        %parallel_loop3A_839 = tpu.vector_load %arg8[%parallel_loop3A_837, %parallel_loop3A_838] {strides = array<i32>} : memref<16x1024xf32, #tpu.memory_space<vmem>>, vector<1x16xf32>,
        %parallel_loop3A_840 = vector.shape_cast %parallel_loop3A_839 : vector<1x16xf32> to vector<16xf32>
        %parallel_loop3A_841 = arith.constant 22.6274166 : f32
        %parallel_loop3A_842 = vector.broadcast %parallel_loop3A_841 : f32 to vector<16xf32>
        %parallel_loop3A_843 = arith.mulf %parallel_loop3A_840, %parallel_loop3A_842 : vector<16xf32>
        %parallel_loop3A_844 = arith.index_cast %parallel_loop3A_524 : i32 to index
        %parallel_loop3A_845 = arith.constant 416 : index
        %parallel_loop3A_846 = tpu.vector_load %arg10[%parallel_loop3A_844, %parallel_loop3A_845] {strides = array<i32>} : memref<16x1024xf32, #tpu.memory_space<vmem>>, vector<1x16xf32>,
        %parallel_loop3A_847 = vector.shape_cast %parallel_loop3A_846 : vector<1x16xf32> to vector<16xf32>
        %parallel_loop3A_848 = vector.shape_cast %parallel_loop3A_843 : vector<16xf32> to vector<1x16xf32>
        tpu.vector_store %arg10[%parallel_loop3A_844, %parallel_loop3A_845], %parallel_loop3A_848 {add = true, strides = array<i32>} : memref<16x1024xf32, #tpu.memory_space<vmem>>, vector<1x16xf32>,
        %parallel_loop3A_849 = arith.index_cast %parallel_loop3A_524 : i32 to index
        %parallel_loop3A_850 = arith.constant 432 : index
        %parallel_loop3A_851 = tpu.vector_load %arg8[%parallel_loop3A_849, %parallel_loop3A_850] {strides = array<i32>} : memref<16x1024xf32, #tpu.memory_space<vmem>>, vector<1x16xf32>,
        %parallel_loop3A_852 = vector.shape_cast %parallel_loop3A_851 : vector<1x16xf32> to vector<16xf32>
        %parallel_loop3A_853 = arith.constant 22.6274166 : f32
        %parallel_loop3A_854 = vector.broadcast %parallel_loop3A_853 : f32 to vector<16xf32>
        %parallel_loop3A_855 = arith.mulf %parallel_loop3A_852, %parallel_loop3A_854 : vector<16xf32>
        %parallel_loop3A_856 = arith.index_cast %parallel_loop3A_524 : i32 to index
        %parallel_loop3A_857 = arith.constant 432 : index
        %parallel_loop3A_858 = tpu.vector_load %arg10[%parallel_loop3A_856, %parallel_loop3A_857] {strides = array<i32>} : memref<16x1024xf32, #tpu.memory_space<vmem>>, vector<1x16xf32>,
        %parallel_loop3A_859 = vector.shape_cast %parallel_loop3A_858 : vector<1x16xf32> to vector<16xf32>
        %parallel_loop3A_860 = vector.shape_cast %parallel_loop3A_855 : vector<16xf32> to vector<1x16xf32>
        tpu.vector_store %arg10[%parallel_loop3A_856, %parallel_loop3A_857], %parallel_loop3A_860 {add = true, strides = array<i32>} : memref<16x1024xf32, #tpu.memory_space<vmem>>, vector<1x16xf32>,
        %parallel_loop3A_861 = arith.index_cast %parallel_loop3A_524 : i32 to index
        %parallel_loop3A_862 = arith.constant 448 : index
        %parallel_loop3A_863 = tpu.vector_load %arg8[%parallel_loop3A_861, %parallel_loop3A_862] {strides = array<i32>} : memref<16x1024xf32, #tpu.memory_space<vmem>>, vector<1x16xf32>,
        %parallel_loop3A_864 = vector.shape_cast %parallel_loop3A_863 : vector<1x16xf32> to vector<16xf32>
        %parallel_loop3A_865 = arith.constant 22.6274166 : f32
        %parallel_loop3A_866 = vector.broadcast %parallel_loop3A_865 : f32 to vector<16xf32>
        %parallel_loop3A_867 = arith.mulf %parallel_loop3A_864, %parallel_loop3A_866 : vector<16xf32>
        %parallel_loop3A_868 = arith.index_cast %parallel_loop3A_524 : i32 to index
        %parallel_loop3A_869 = arith.constant 448 : index
        %parallel_loop3A_870 = tpu.vector_load %arg10[%parallel_loop3A_868, %parallel_loop3A_869] {strides = array<i32>} : memref<16x1024xf32, #tpu.memory_space<vmem>>, vector<1x16xf32>,
        %parallel_loop3A_871 = vector.shape_cast %parallel_loop3A_870 : vector<1x16xf32> to vector<16xf32>
        %parallel_loop3A_872 = vector.shape_cast %parallel_loop3A_867 : vector<16xf32> to vector<1x16xf32>
        tpu.vector_store %arg10[%parallel_loop3A_868, %parallel_loop3A_869], %parallel_loop3A_872 {add = true, strides = array<i32>} : memref<16x1024xf32, #tpu.memory_space<vmem>>, vector<1x16xf32>,
        %parallel_loop3A_873 = arith.index_cast %parallel_loop3A_524 : i32 to index
        %parallel_loop3A_874 = arith.constant 464 : index
        %parallel_loop3A_875 = tpu.vector_load %arg8[%parallel_loop3A_873, %parallel_loop3A_874] {strides = array<i32>} : memref<16x1024xf32, #tpu.memory_space<vmem>>, vector<1x16xf32>,
        %parallel_loop3A_876 = vector.shape_cast %parallel_loop3A_875 : vector<1x16xf32> to vector<16xf32>
        %parallel_loop3A_877 = arith.constant 22.6274166 : f32
        %parallel_loop3A_878 = vector.broadcast %parallel_loop3A_877 : f32 to vector<16xf32>
        %parallel_loop3A_879 = arith.mulf %parallel_loop3A_876, %parallel_loop3A_878 : vector<16xf32>
        %parallel_loop3A_880 = arith.index_cast %parallel_loop3A_524 : i32 to index
        %parallel_loop3A_881 = arith.constant 464 : index
        %parallel_loop3A_882 = tpu.vector_load %arg10[%parallel_loop3A_880, %parallel_loop3A_881] {strides = array<i32>} : memref<16x1024xf32, #tpu.memory_space<vmem>>, vector<1x16xf32>,
        %parallel_loop3A_883 = vector.shape_cast %parallel_loop3A_882 : vector<1x16xf32> to vector<16xf32>
        %parallel_loop3A_884 = vector.shape_cast %parallel_loop3A_879 : vector<16xf32> to vector<1x16xf32>
        tpu.vector_store %arg10[%parallel_loop3A_880, %parallel_loop3A_881], %parallel_loop3A_884 {add = true, strides = array<i32>} : memref<16x1024xf32, #tpu.memory_space<vmem>>, vector<1x16xf32>,
        %parallel_loop3A_885 = arith.index_cast %parallel_loop3A_524 : i32 to index
        %parallel_loop3A_886 = arith.constant 480 : index
        %parallel_loop3A_887 = tpu.vector_load %arg8[%parallel_loop3A_885, %parallel_loop3A_886] {strides = array<i32>} : memref<16x1024xf32, #tpu.memory_space<vmem>>, vector<1x16xf32>,
        %parallel_loop3A_888 = vector.shape_cast %parallel_loop3A_887 : vector<1x16xf32> to vector<16xf32>
        %parallel_loop3A_889 = arith.constant 22.6274166 : f32
        %parallel_loop3A_890 = vector.broadcast %parallel_loop3A_889 : f32 to vector<16xf32>
        %parallel_loop3A_891 = arith.mulf %parallel_loop3A_888, %parallel_loop3A_890 : vector<16xf32>
        %parallel_loop3A_892 = arith.index_cast %parallel_loop3A_524 : i32 to index
        %parallel_loop3A_893 = arith.constant 480 : index
        %parallel_loop3A_894 = tpu.vector_load %arg10[%parallel_loop3A_892, %parallel_loop3A_893] {strides = array<i32>} : memref<16x1024xf32, #tpu.memory_space<vmem>>, vector<1x16xf32>,
        %parallel_loop3A_895 = vector.shape_cast %parallel_loop3A_894 : vector<1x16xf32> to vector<16xf32>
        %parallel_loop3A_896 = vector.shape_cast %parallel_loop3A_891 : vector<16xf32> to vector<1x16xf32>
        tpu.vector_store %arg10[%parallel_loop3A_892, %parallel_loop3A_893], %parallel_loop3A_896 {add = true, strides = array<i32>} : memref<16x1024xf32, #tpu.memory_space<vmem>>, vector<1x16xf32>,
        %parallel_loop3A_897 = arith.index_cast %parallel_loop3A_524 : i32 to index
        %parallel_loop3A_898 = arith.constant 496 : index
        %parallel_loop3A_899 = tpu.vector_load %arg8[%parallel_loop3A_897, %parallel_loop3A_898] {strides = array<i32>} : memref<16x1024xf32, #tpu.memory_space<vmem>>, vector<1x16xf32>,
        %parallel_loop3A_900 = vector.shape_cast %parallel_loop3A_899 : vector<1x16xf32> to vector<16xf32>
        %parallel_loop3A_901 = arith.constant 22.6274166 : f32
        %parallel_loop3A_902 = vector.broadcast %parallel_loop3A_901 : f32 to vector<16xf32>
        %parallel_loop3A_903 = arith.mulf %parallel_loop3A_900, %parallel_loop3A_902 : vector<16xf32>
        %parallel_loop3A_904 = arith.index_cast %parallel_loop3A_524 : i32 to index
        %parallel_loop3A_905 = arith.constant 496 : index
        %parallel_loop3A_906 = tpu.vector_load %arg10[%parallel_loop3A_904, %parallel_loop3A_905] {strides = array<i32>} : memref<16x1024xf32, #tpu.memory_space<vmem>>, vector<1x16xf32>,
        %parallel_loop3A_907 = vector.shape_cast %parallel_loop3A_906 : vector<1x16xf32> to vector<16xf32>
        %parallel_loop3A_908 = vector.shape_cast %parallel_loop3A_903 : vector<16xf32> to vector<1x16xf32>
        tpu.vector_store %arg10[%parallel_loop3A_904, %parallel_loop3A_905], %parallel_loop3A_908 {add = true, strides = array<i32>} : memref<16x1024xf32, #tpu.memory_space<vmem>>, vector<1x16xf32>,
        %parallel_loop3A_909 = arith.index_cast %parallel_loop3A_524 : i32 to index
        %parallel_loop3A_910 = arith.constant 512 : index
        %parallel_loop3A_911 = tpu.vector_load %arg8[%parallel_loop3A_909, %parallel_loop3A_910] {strides = array<i32>} : memref<16x1024xf32, #tpu.memory_space<vmem>>, vector<1x16xf32>,
        %parallel_loop3A_912 = vector.shape_cast %parallel_loop3A_911 : vector<1x16xf32> to vector<16xf32>
        %parallel_loop3A_913 = arith.constant 22.6274166 : f32
        %parallel_loop3A_914 = vector.broadcast %parallel_loop3A_913 : f32 to vector<16xf32>
        %parallel_loop3A_915 = arith.mulf %parallel_loop3A_912, %parallel_loop3A_914 : vector<16xf32>
        %parallel_loop3A_916 = arith.index_cast %parallel_loop3A_524 : i32 to index
        %parallel_loop3A_917 = arith.constant 512 : index
        %parallel_loop3A_918 = tpu.vector_load %arg10[%parallel_loop3A_916, %parallel_loop3A_917] {strides = array<i32>} : memref<16x1024xf32, #tpu.memory_space<vmem>>, vector<1x16xf32>,
        %parallel_loop3A_919 = vector.shape_cast %parallel_loop3A_918 : vector<1x16xf32> to vector<16xf32>
        %parallel_loop3A_920 = vector.shape_cast %parallel_loop3A_915 : vector<16xf32> to vector<1x16xf32>
        tpu.vector_store %arg10[%parallel_loop3A_916, %parallel_loop3A_917], %parallel_loop3A_920 {add = true, strides = array<i32>} : memref<16x1024xf32, #tpu.memory_space<vmem>>, vector<1x16xf32>,
        %parallel_loop3A_921 = arith.index_cast %parallel_loop3A_524 : i32 to index
        %parallel_loop3A_922 = arith.constant 528 : index
        %parallel_loop3A_923 = tpu.vector_load %arg8[%parallel_loop3A_921, %parallel_loop3A_922] {strides = array<i32>} : memref<16x1024xf32, #tpu.memory_space<vmem>>, vector<1x16xf32>,
        %parallel_loop3A_924 = vector.shape_cast %parallel_loop3A_923 : vector<1x16xf32> to vector<16xf32>
        %parallel_loop3A_925 = arith.constant 22.6274166 : f32
        %parallel_loop3A_926 = vector.broadcast %parallel_loop3A_925 : f32 to vector<16xf32>
        %parallel_loop3A_927 = arith.mulf %parallel_loop3A_924, %parallel_loop3A_926 : vector<16xf32>
        %parallel_loop3A_928 = arith.index_cast %parallel_loop3A_524 : i32 to index
        %parallel_loop3A_929 = arith.constant 528 : index
        %parallel_loop3A_930 = tpu.vector_load %arg10[%parallel_loop3A_928, %parallel_loop3A_929] {strides = array<i32>} : memref<16x1024xf32, #tpu.memory_space<vmem>>, vector<1x16xf32>,
        %parallel_loop3A_931 = vector.shape_cast %parallel_loop3A_930 : vector<1x16xf32> to vector<16xf32>
        %parallel_loop3A_932 = vector.shape_cast %parallel_loop3A_927 : vector<16xf32> to vector<1x16xf32>
        tpu.vector_store %arg10[%parallel_loop3A_928, %parallel_loop3A_929], %parallel_loop3A_932 {add = true, strides = array<i32>} : memref<16x1024xf32, #tpu.memory_space<vmem>>, vector<1x16xf32>,
        %parallel_loop3A_933 = arith.index_cast %parallel_loop3A_524 : i32 to index
        %parallel_loop3A_934 = arith.constant 544 : index
        %parallel_loop3A_935 = tpu.vector_load %arg8[%parallel_loop3A_933, %parallel_loop3A_934] {strides = array<i32>} : memref<16x1024xf32, #tpu.memory_space<vmem>>, vector<1x16xf32>,
        %parallel_loop3A_936 = vector.shape_cast %parallel_loop3A_935 : vector<1x16xf32> to vector<16xf32>
        %parallel_loop3A_937 = arith.constant 22.6274166 : f32
        %parallel_loop3A_938 = vector.broadcast %parallel_loop3A_937 : f32 to vector<16xf32>
        %parallel_loop3A_939 = arith.mulf %parallel_loop3A_936, %parallel_loop3A_938 : vector<16xf32>
        %parallel_loop3A_940 = arith.index_cast %parallel_loop3A_524 : i32 to index
        %parallel_loop3A_941 = arith.constant 544 : index
        %parallel_loop3A_942 = tpu.vector_load %arg10[%parallel_loop3A_940, %parallel_loop3A_941] {strides = array<i32>} : memref<16x1024xf32, #tpu.memory_space<vmem>>, vector<1x16xf32>,
        %parallel_loop3A_943 = vector.shape_cast %parallel_loop3A_942 : vector<1x16xf32> to vector<16xf32>
        %parallel_loop3A_944 = vector.shape_cast %parallel_loop3A_939 : vector<16xf32> to vector<1x16xf32>
        tpu.vector_store %arg10[%parallel_loop3A_940, %parallel_loop3A_941], %parallel_loop3A_944 {add = true, strides = array<i32>} : memref<16x1024xf32, #tpu.memory_space<vmem>>, vector<1x16xf32>,
        %parallel_loop3A_945 = arith.index_cast %parallel_loop3A_524 : i32 to index
        %parallel_loop3A_946 = arith.constant 560 : index
        %parallel_loop3A_947 = tpu.vector_load %arg8[%parallel_loop3A_945, %parallel_loop3A_946] {strides = array<i32>} : memref<16x1024xf32, #tpu.memory_space<vmem>>, vector<1x16xf32>,
        %parallel_loop3A_948 = vector.shape_cast %parallel_loop3A_947 : vector<1x16xf32> to vector<16xf32>
        %parallel_loop3A_949 = arith.constant 22.6274166 : f32
        %parallel_loop3A_950 = vector.broadcast %parallel_loop3A_949 : f32 to vector<16xf32>
        %parallel_loop3A_951 = arith.mulf %parallel_loop3A_948, %parallel_loop3A_950 : vector<16xf32>
        %parallel_loop3A_952 = arith.index_cast %parallel_loop3A_524 : i32 to index
        %parallel_loop3A_953 = arith.constant 560 : index
        %parallel_loop3A_954 = tpu.vector_load %arg10[%parallel_loop3A_952, %parallel_loop3A_953] {strides = array<i32>} : memref<16x1024xf32, #tpu.memory_space<vmem>>, vector<1x16xf32>,
        %parallel_loop3A_955 = vector.shape_cast %parallel_loop3A_954 : vector<1x16xf32> to vector<16xf32>
        %parallel_loop3A_956 = vector.shape_cast %parallel_loop3A_951 : vector<16xf32> to vector<1x16xf32>
        tpu.vector_store %arg10[%parallel_loop3A_952, %parallel_loop3A_953], %parallel_loop3A_956 {add = true, strides = array<i32>} : memref<16x1024xf32, #tpu.memory_space<vmem>>, vector<1x16xf32>,
        %parallel_loop3A_957 = arith.index_cast %parallel_loop3A_524 : i32 to index
        %parallel_loop3A_958 = arith.constant 576 : index
        %parallel_loop3A_959 = tpu.vector_load %arg8[%parallel_loop3A_957, %parallel_loop3A_958] {strides = array<i32>} : memref<16x1024xf32, #tpu.memory_space<vmem>>, vector<1x16xf32>,
        %parallel_loop3A_960 = vector.shape_cast %parallel_loop3A_959 : vector<1x16xf32> to vector<16xf32>
        %parallel_loop3A_961 = arith.constant 22.6274166 : f32
        %parallel_loop3A_962 = vector.broadcast %parallel_loop3A_961 : f32 to vector<16xf32>
        %parallel_loop3A_963 = arith.mulf %parallel_loop3A_960, %parallel_loop3A_962 : vector<16xf32>
        %parallel_loop3A_964 = arith.index_cast %parallel_loop3A_524 : i32 to index
        %parallel_loop3A_965 = arith.constant 576 : index
        %parallel_loop3A_966 = tpu.vector_load %arg10[%parallel_loop3A_964, %parallel_loop3A_965] {strides = array<i32>} : memref<16x1024xf32, #tpu.memory_space<vmem>>, vector<1x16xf32>,
        %parallel_loop3A_967 = vector.shape_cast %parallel_loop3A_966 : vector<1x16xf32> to vector<16xf32>
        %parallel_loop3A_968 = vector.shape_cast %parallel_loop3A_963 : vector<16xf32> to vector<1x16xf32>
        tpu.vector_store %arg10[%parallel_loop3A_964, %parallel_loop3A_965], %parallel_loop3A_968 {add = true, strides = array<i32>} : memref<16x1024xf32, #tpu.memory_space<vmem>>, vector<1x16xf32>,
        %parallel_loop3A_969 = arith.index_cast %parallel_loop3A_524 : i32 to index
        %parallel_loop3A_970 = arith.constant 592 : index
        %parallel_loop3A_971 = tpu.vector_load %arg8[%parallel_loop3A_969, %parallel_loop3A_970] {strides = array<i32>} : memref<16x1024xf32, #tpu.memory_space<vmem>>, vector<1x16xf32>,
        %parallel_loop3A_972 = vector.shape_cast %parallel_loop3A_971 : vector<1x16xf32> to vector<16xf32>
        %parallel_loop3A_973 = arith.constant 22.6274166 : f32
        %parallel_loop3A_974 = vector.broadcast %parallel_loop3A_973 : f32 to vector<16xf32>
        %parallel_loop3A_975 = arith.mulf %parallel_loop3A_972, %parallel_loop3A_974 : vector<16xf32>
        %parallel_loop3A_976 = arith.index_cast %parallel_loop3A_524 : i32 to index
        %parallel_loop3A_977 = arith.constant 592 : index
        %parallel_loop3A_978 = tpu.vector_load %arg10[%parallel_loop3A_976, %parallel_loop3A_977] {strides = array<i32>} : memref<16x1024xf32, #tpu.memory_space<vmem>>, vector<1x16xf32>,
        %parallel_loop3A_979 = vector.shape_cast %parallel_loop3A_978 : vector<1x16xf32> to vector<16xf32>
        %parallel_loop3A_980 = vector.shape_cast %parallel_loop3A_975 : vector<16xf32> to vector<1x16xf32>
        tpu.vector_store %arg10[%parallel_loop3A_976, %parallel_loop3A_977], %parallel_loop3A_980 {add = true, strides = array<i32>} : memref<16x1024xf32, #tpu.memory_space<vmem>>, vector<1x16xf32>,
        %parallel_loop3A_981 = arith.index_cast %parallel_loop3A_524 : i32 to index
        %parallel_loop3A_982 = arith.constant 608 : index
        %parallel_loop3A_983 = tpu.vector_load %arg8[%parallel_loop3A_981, %parallel_loop3A_982] {strides = array<i32>} : memref<16x1024xf32, #tpu.memory_space<vmem>>, vector<1x16xf32>,
        %parallel_loop3A_984 = vector.shape_cast %parallel_loop3A_983 : vector<1x16xf32> to vector<16xf32>
        %parallel_loop3A_985 = arith.constant 22.6274166 : f32
        %parallel_loop3A_986 = vector.broadcast %parallel_loop3A_985 : f32 to vector<16xf32>
        %parallel_loop3A_987 = arith.mulf %parallel_loop3A_984, %parallel_loop3A_986 : vector<16xf32>
        %parallel_loop3A_988 = arith.index_cast %parallel_loop3A_524 : i32 to index
        %parallel_loop3A_989 = arith.constant 608 : index
        %parallel_loop3A_990 = tpu.vector_load %arg10[%parallel_loop3A_988, %parallel_loop3A_989] {strides = array<i32>} : memref<16x1024xf32, #tpu.memory_space<vmem>>, vector<1x16xf32>,
        %parallel_loop3A_991 = vector.shape_cast %parallel_loop3A_990 : vector<1x16xf32> to vector<16xf32>
        %parallel_loop3A_992 = vector.shape_cast %parallel_loop3A_987 : vector<16xf32> to vector<1x16xf32>
        tpu.vector_store %arg10[%parallel_loop3A_988, %parallel_loop3A_989], %parallel_loop3A_992 {add = true, strides = array<i32>} : memref<16x1024xf32, #tpu.memory_space<vmem>>, vector<1x16xf32>,
        %parallel_loop3A_993 = arith.index_cast %parallel_loop3A_524 : i32 to index
        %parallel_loop3A_994 = arith.constant 624 : index
        %parallel_loop3A_995 = tpu.vector_load %arg8[%parallel_loop3A_993, %parallel_loop3A_994] {strides = array<i32>} : memref<16x1024xf32, #tpu.memory_space<vmem>>, vector<1x16xf32>,
        %parallel_loop3A_996 = vector.shape_cast %parallel_loop3A_995 : vector<1x16xf32> to vector<16xf32>
        %parallel_loop3A_997 = arith.constant 22.6274166 : f32
        %parallel_loop3A_998 = vector.broadcast %parallel_loop3A_997 : f32 to vector<16xf32>
        %parallel_loop3A_999 = arith.mulf %parallel_loop3A_996, %parallel_loop3A_998 : vector<16xf32>
        %parallel_loop3A_1000 = arith.index_cast %parallel_loop3A_524 : i32 to index
        %parallel_loop3A_1001 = arith.constant 624 : index
        %parallel_loop3A_1002 = tpu.vector_load %arg10[%parallel_loop3A_1000, %parallel_loop3A_1001] {strides = array<i32>} : memref<16x1024xf32, #tpu.memory_space<vmem>>, vector<1x16xf32>,
        %parallel_loop3A_1003 = vector.shape_cast %parallel_loop3A_1002 : vector<1x16xf32> to vector<16xf32>
        %parallel_loop3A_1004 = vector.shape_cast %parallel_loop3A_999 : vector<16xf32> to vector<1x16xf32>
        tpu.vector_store %arg10[%parallel_loop3A_1000, %parallel_loop3A_1001], %parallel_loop3A_1004 {add = true, strides = array<i32>} : memref<16x1024xf32, #tpu.memory_space<vmem>>, vector<1x16xf32>,
        %parallel_loop3A_1005 = arith.index_cast %parallel_loop3A_524 : i32 to index
        %parallel_loop3A_1006 = arith.constant 640 : index
        %parallel_loop3A_1007 = tpu.vector_load %arg8[%parallel_loop3A_1005, %parallel_loop3A_1006] {strides = array<i32>} : memref<16x1024xf32, #tpu.memory_space<vmem>>, vector<1x16xf32>,
        %parallel_loop3A_1008 = vector.shape_cast %parallel_loop3A_1007 : vector<1x16xf32> to vector<16xf32>
        %parallel_loop3A_1009 = arith.constant 22.6274166 : f32
        %parallel_loop3A_1010 = vector.broadcast %parallel_loop3A_1009 : f32 to vector<16xf32>
        %parallel_loop3A_1011 = arith.mulf %parallel_loop3A_1008, %parallel_loop3A_1010 : vector<16xf32>
        %parallel_loop3A_1012 = arith.index_cast %parallel_loop3A_524 : i32 to index
        %parallel_loop3A_1013 = arith.constant 640 : index
        %parallel_loop3A_1014 = tpu.vector_load %arg10[%parallel_loop3A_1012, %parallel_loop3A_1013] {strides = array<i32>} : memref<16x1024xf32, #tpu.memory_space<vmem>>, vector<1x16xf32>,
        %parallel_loop3A_1015 = vector.shape_cast %parallel_loop3A_1014 : vector<1x16xf32> to vector<16xf32>
        %parallel_loop3A_1016 = vector.shape_cast %parallel_loop3A_1011 : vector<16xf32> to vector<1x16xf32>
        tpu.vector_store %arg10[%parallel_loop3A_1012, %parallel_loop3A_1013], %parallel_loop3A_1016 {add = true, strides = array<i32>} : memref<16x1024xf32, #tpu.memory_space<vmem>>, vector<1x16xf32>,
        %parallel_loop3A_1017 = arith.index_cast %parallel_loop3A_524 : i32 to index
        %parallel_loop3A_1018 = arith.constant 656 : index
        %parallel_loop3A_1019 = tpu.vector_load %arg8[%parallel_loop3A_1017, %parallel_loop3A_1018] {strides = array<i32>} : memref<16x1024xf32, #tpu.memory_space<vmem>>, vector<1x16xf32>,
        %parallel_loop3A_1020 = vector.shape_cast %parallel_loop3A_1019 : vector<1x16xf32> to vector<16xf32>
        %parallel_loop3A_1021 = arith.constant 22.6274166 : f32
        %parallel_loop3A_1022 = vector.broadcast %parallel_loop3A_1021 : f32 to vector<16xf32>
        %parallel_loop3A_1023 = arith.mulf %parallel_loop3A_1020, %parallel_loop3A_1022 : vector<16xf32>
        %parallel_loop3A_1024 = arith.index_cast %parallel_loop3A_524 : i32 to index
        %parallel_loop3A_1025 = arith.constant 656 : index
        %parallel_loop3A_1026 = tpu.vector_load %arg10[%parallel_loop3A_1024, %parallel_loop3A_1025] {strides = array<i32>} : memref<16x1024xf32, #tpu.memory_space<vmem>>, vector<1x16xf32>,
        %parallel_loop3A_1027 = vector.shape_cast %parallel_loop3A_1026 : vector<1x16xf32> to vector<16xf32>
        %parallel_loop3A_1028 = vector.shape_cast %parallel_loop3A_1023 : vector<16xf32> to vector<1x16xf32>
        tpu.vector_store %arg10[%parallel_loop3A_1024, %parallel_loop3A_1025], %parallel_loop3A_1028 {add = true, strides = array<i32>} : memref<16x1024xf32, #tpu.memory_space<vmem>>, vector<1x16xf32>,
        %parallel_loop3A_1029 = arith.index_cast %parallel_loop3A_524 : i32 to index
        %parallel_loop3A_1030 = arith.constant 672 : index
        %parallel_loop3A_1031 = tpu.vector_load %arg8[%parallel_loop3A_1029, %parallel_loop3A_1030] {strides = array<i32>} : memref<16x1024xf32, #tpu.memory_space<vmem>>, vector<1x16xf32>,
        %parallel_loop3A_1032 = vector.shape_cast %parallel_loop3A_1031 : vector<1x16xf32> to vector<16xf32>
        %parallel_loop3A_1033 = arith.constant 22.6274166 : f32
        %parallel_loop3A_1034 = vector.broadcast %parallel_loop3A_1033 : f32 to vector<16xf32>
        %parallel_loop3A_1035 = arith.mulf %parallel_loop3A_1032, %parallel_loop3A_1034 : vector<16xf32>
        %parallel_loop3A_1036 = arith.index_cast %parallel_loop3A_524 : i32 to index
        %parallel_loop3A_1037 = arith.constant 672 : index
        %parallel_loop3A_1038 = tpu.vector_load %arg10[%parallel_loop3A_1036, %parallel_loop3A_1037] {strides = array<i32>} : memref<16x1024xf32, #tpu.memory_space<vmem>>, vector<1x16xf32>,
        %parallel_loop3A_1039 = vector.shape_cast %parallel_loop3A_1038 : vector<1x16xf32> to vector<16xf32>
        %parallel_loop3A_1040 = vector.shape_cast %parallel_loop3A_1035 : vector<16xf32> to vector<1x16xf32>
        tpu.vector_store %arg10[%parallel_loop3A_1036, %parallel_loop3A_1037], %parallel_loop3A_1040 {add = true, strides = array<i32>} : memref<16x1024xf32, #tpu.memory_space<vmem>>, vector<1x16xf32>,
        %parallel_loop3A_1041 = arith.index_cast %parallel_loop3A_524 : i32 to index
        %parallel_loop3A_1042 = arith.constant 688 : index
        %parallel_loop3A_1043 = tpu.vector_load %arg8[%parallel_loop3A_1041, %parallel_loop3A_1042] {strides = array<i32>} : memref<16x1024xf32, #tpu.memory_space<vmem>>, vector<1x16xf32>,
        %parallel_loop3A_1044 = vector.shape_cast %parallel_loop3A_1043 : vector<1x16xf32> to vector<16xf32>
        %parallel_loop3A_1045 = arith.constant 22.6274166 : f32
        %parallel_loop3A_1046 = vector.broadcast %parallel_loop3A_1045 : f32 to vector<16xf32>
        %parallel_loop3A_1047 = arith.mulf %parallel_loop3A_1044, %parallel_loop3A_1046 : vector<16xf32>
        %parallel_loop3A_1048 = arith.index_cast %parallel_loop3A_524 : i32 to index
        %parallel_loop3A_1049 = arith.constant 688 : index
        %parallel_loop3A_1050 = tpu.vector_load %arg10[%parallel_loop3A_1048, %parallel_loop3A_1049] {strides = array<i32>} : memref<16x1024xf32, #tpu.memory_space<vmem>>, vector<1x16xf32>,
        %parallel_loop3A_1051 = vector.shape_cast %parallel_loop3A_1050 : vector<1x16xf32> to vector<16xf32>
        %parallel_loop3A_1052 = vector.shape_cast %parallel_loop3A_1047 : vector<16xf32> to vector<1x16xf32>
        tpu.vector_store %arg10[%parallel_loop3A_1048, %parallel_loop3A_1049], %parallel_loop3A_1052 {add = true, strides = array<i32>} : memref<16x1024xf32, #tpu.memory_space<vmem>>, vector<1x16xf32>,
        %parallel_loop3A_1053 = arith.index_cast %parallel_loop3A_524 : i32 to index
        %parallel_loop3A_1054 = arith.constant 704 : index
        %parallel_loop3A_1055 = tpu.vector_load %arg8[%parallel_loop3A_1053, %parallel_loop3A_1054] {strides = array<i32>} : memref<16x1024xf32, #tpu.memory_space<vmem>>, vector<1x16xf32>,
        %parallel_loop3A_1056 = vector.shape_cast %parallel_loop3A_1055 : vector<1x16xf32> to vector<16xf32>
        %parallel_loop3A_1057 = arith.constant 22.6274166 : f32
        %parallel_loop3A_1058 = vector.broadcast %parallel_loop3A_1057 : f32 to vector<16xf32>
        %parallel_loop3A_1059 = arith.mulf %parallel_loop3A_1056, %parallel_loop3A_1058 : vector<16xf32>
        %parallel_loop3A_1060 = arith.index_cast %parallel_loop3A_524 : i32 to index
        %parallel_loop3A_1061 = arith.constant 704 : index
        %parallel_loop3A_1062 = tpu.vector_load %arg10[%parallel_loop3A_1060, %parallel_loop3A_1061] {strides = array<i32>} : memref<16x1024xf32, #tpu.memory_space<vmem>>, vector<1x16xf32>,
        %parallel_loop3A_1063 = vector.shape_cast %parallel_loop3A_1062 : vector<1x16xf32> to vector<16xf32>
        %parallel_loop3A_1064 = vector.shape_cast %parallel_loop3A_1059 : vector<16xf32> to vector<1x16xf32>
        tpu.vector_store %arg10[%parallel_loop3A_1060, %parallel_loop3A_1061], %parallel_loop3A_1064 {add = true, strides = array<i32>} : memref<16x1024xf32, #tpu.memory_space<vmem>>, vector<1x16xf32>,
        %parallel_loop3A_1065 = arith.index_cast %parallel_loop3A_524 : i32 to index
        %parallel_loop3A_1066 = arith.constant 720 : index
        %parallel_loop3A_1067 = tpu.vector_load %arg8[%parallel_loop3A_1065, %parallel_loop3A_1066] {strides = array<i32>} : memref<16x1024xf32, #tpu.memory_space<vmem>>, vector<1x16xf32>,
        %parallel_loop3A_1068 = vector.shape_cast %parallel_loop3A_1067 : vector<1x16xf32> to vector<16xf32>
        %parallel_loop3A_1069 = arith.constant 22.6274166 : f32
        %parallel_loop3A_1070 = vector.broadcast %parallel_loop3A_1069 : f32 to vector<16xf32>
        %parallel_loop3A_1071 = arith.mulf %parallel_loop3A_1068, %parallel_loop3A_1070 : vector<16xf32>
        %parallel_loop3A_1072 = arith.index_cast %parallel_loop3A_524 : i32 to index
        %parallel_loop3A_1073 = arith.constant 720 : index
        %parallel_loop3A_1074 = tpu.vector_load %arg10[%parallel_loop3A_1072, %parallel_loop3A_1073] {strides = array<i32>} : memref<16x1024xf32, #tpu.memory_space<vmem>>, vector<1x16xf32>,
        %parallel_loop3A_1075 = vector.shape_cast %parallel_loop3A_1074 : vector<1x16xf32> to vector<16xf32>
        %parallel_loop3A_1076 = vector.shape_cast %parallel_loop3A_1071 : vector<16xf32> to vector<1x16xf32>
        tpu.vector_store %arg10[%parallel_loop3A_1072, %parallel_loop3A_1073], %parallel_loop3A_1076 {add = true, strides = array<i32>} : memref<16x1024xf32, #tpu.memory_space<vmem>>, vector<1x16xf32>,
        %parallel_loop3A_1077 = arith.index_cast %parallel_loop3A_524 : i32 to index
        %parallel_loop3A_1078 = arith.constant 736 : index
        %parallel_loop3A_1079 = tpu.vector_load %arg8[%parallel_loop3A_1077, %parallel_loop3A_1078] {strides = array<i32>} : memref<16x1024xf32, #tpu.memory_space<vmem>>, vector<1x16xf32>,
        %parallel_loop3A_1080 = vector.shape_cast %parallel_loop3A_1079 : vector<1x16xf32> to vector<16xf32>
        %parallel_loop3A_1081 = arith.constant 22.6274166 : f32
        %parallel_loop3A_1082 = vector.broadcast %parallel_loop3A_1081 : f32 to vector<16xf32>
        %parallel_loop3A_1083 = arith.mulf %parallel_loop3A_1080, %parallel_loop3A_1082 : vector<16xf32>
        %parallel_loop3A_1084 = arith.index_cast %parallel_loop3A_524 : i32 to index
        %parallel_loop3A_1085 = arith.constant 736 : index
        %parallel_loop3A_1086 = tpu.vector_load %arg10[%parallel_loop3A_1084, %parallel_loop3A_1085] {strides = array<i32>} : memref<16x1024xf32, #tpu.memory_space<vmem>>, vector<1x16xf32>,
        %parallel_loop3A_1087 = vector.shape_cast %parallel_loop3A_1086 : vector<1x16xf32> to vector<16xf32>
        %parallel_loop3A_1088 = vector.shape_cast %parallel_loop3A_1083 : vector<16xf32> to vector<1x16xf32>
        tpu.vector_store %arg10[%parallel_loop3A_1084, %parallel_loop3A_1085], %parallel_loop3A_1088 {add = true, strides = array<i32>} : memref<16x1024xf32, #tpu.memory_space<vmem>>, vector<1x16xf32>,
        %parallel_loop3A_1089 = arith.index_cast %parallel_loop3A_524 : i32 to index
        %parallel_loop3A_1090 = arith.constant 752 : index
        %parallel_loop3A_1091 = tpu.vector_load %arg8[%parallel_loop3A_1089, %parallel_loop3A_1090] {strides = array<i32>} : memref<16x1024xf32, #tpu.memory_space<vmem>>, vector<1x16xf32>,
        %parallel_loop3A_1092 = vector.shape_cast %parallel_loop3A_1091 : vector<1x16xf32> to vector<16xf32>
        %parallel_loop3A_1093 = arith.constant 22.6274166 : f32
        %parallel_loop3A_1094 = vector.broadcast %parallel_loop3A_1093 : f32 to vector<16xf32>
        %parallel_loop3A_1095 = arith.mulf %parallel_loop3A_1092, %parallel_loop3A_1094 : vector<16xf32>
        %parallel_loop3A_1096 = arith.index_cast %parallel_loop3A_524 : i32 to index
        %parallel_loop3A_1097 = arith.constant 752 : index
        %parallel_loop3A_1098 = tpu.vector_load %arg10[%parallel_loop3A_1096, %parallel_loop3A_1097] {strides = array<i32>} : memref<16x1024xf32, #tpu.memory_space<vmem>>, vector<1x16xf32>,
        %parallel_loop3A_1099 = vector.shape_cast %parallel_loop3A_1098 : vector<1x16xf32> to vector<16xf32>
        %parallel_loop3A_1100 = vector.shape_cast %parallel_loop3A_1095 : vector<16xf32> to vector<1x16xf32>
        tpu.vector_store %arg10[%parallel_loop3A_1096, %parallel_loop3A_1097], %parallel_loop3A_1100 {add = true, strides = array<i32>} : memref<16x1024xf32, #tpu.memory_space<vmem>>, vector<1x16xf32>,
        %parallel_loop3A_1101 = arith.index_cast %parallel_loop3A_524 : i32 to index
        %parallel_loop3A_1102 = arith.constant 768 : index
        %parallel_loop3A_1103 = tpu.vector_load %arg8[%parallel_loop3A_1101, %parallel_loop3A_1102] {strides = array<i32>} : memref<16x1024xf32, #tpu.memory_space<vmem>>, vector<1x16xf32>,
        %parallel_loop3A_1104 = vector.shape_cast %parallel_loop3A_1103 : vector<1x16xf32> to vector<16xf32>
        %parallel_loop3A_1105 = arith.constant 22.6274166 : f32
        %parallel_loop3A_1106 = vector.broadcast %parallel_loop3A_1105 : f32 to vector<16xf32>
        %parallel_loop3A_1107 = arith.mulf %parallel_loop3A_1104, %parallel_loop3A_1106 : vector<16xf32>
        %parallel_loop3A_1108 = arith.index_cast %parallel_loop3A_524 : i32 to index
        %parallel_loop3A_1109 = arith.constant 768 : index
        %parallel_loop3A_1110 = tpu.vector_load %arg10[%parallel_loop3A_1108, %parallel_loop3A_1109] {strides = array<i32>} : memref<16x1024xf32, #tpu.memory_space<vmem>>, vector<1x16xf32>,
        %parallel_loop3A_1111 = vector.shape_cast %parallel_loop3A_1110 : vector<1x16xf32> to vector<16xf32>
        %parallel_loop3A_1112 = vector.shape_cast %parallel_loop3A_1107 : vector<16xf32> to vector<1x16xf32>
        tpu.vector_store %arg10[%parallel_loop3A_1108, %parallel_loop3A_1109], %parallel_loop3A_1112 {add = true, strides = array<i32>} : memref<16x1024xf32, #tpu.memory_space<vmem>>, vector<1x16xf32>,
        %parallel_loop3A_1113 = arith.index_cast %parallel_loop3A_524 : i32 to index
        %parallel_loop3A_1114 = arith.constant 784 : index
        %parallel_loop3A_1115 = tpu.vector_load %arg8[%parallel_loop3A_1113, %parallel_loop3A_1114] {strides = array<i32>} : memref<16x1024xf32, #tpu.memory_space<vmem>>, vector<1x16xf32>,
        %parallel_loop3A_1116 = vector.shape_cast %parallel_loop3A_1115 : vector<1x16xf32> to vector<16xf32>
        %parallel_loop3A_1117 = arith.constant 22.6274166 : f32
        %parallel_loop3A_1118 = vector.broadcast %parallel_loop3A_1117 : f32 to vector<16xf32>
        %parallel_loop3A_1119 = arith.mulf %parallel_loop3A_1116, %parallel_loop3A_1118 : vector<16xf32>
        %parallel_loop3A_1120 = arith.index_cast %parallel_loop3A_524 : i32 to index
        %parallel_loop3A_1121 = arith.constant 784 : index
        %parallel_loop3A_1122 = tpu.vector_load %arg10[%parallel_loop3A_1120, %parallel_loop3A_1121] {strides = array<i32>} : memref<16x1024xf32, #tpu.memory_space<vmem>>, vector<1x16xf32>,
        %parallel_loop3A_1123 = vector.shape_cast %parallel_loop3A_1122 : vector<1x16xf32> to vector<16xf32>
        %parallel_loop3A_1124 = vector.shape_cast %parallel_loop3A_1119 : vector<16xf32> to vector<1x16xf32>
        tpu.vector_store %arg10[%parallel_loop3A_1120, %parallel_loop3A_1121], %parallel_loop3A_1124 {add = true, strides = array<i32>} : memref<16x1024xf32, #tpu.memory_space<vmem>>, vector<1x16xf32>,
        %parallel_loop3A_1125 = arith.index_cast %parallel_loop3A_524 : i32 to index
        %parallel_loop3A_1126 = arith.constant 800 : index
        %parallel_loop3A_1127 = tpu.vector_load %arg8[%parallel_loop3A_1125, %parallel_loop3A_1126] {strides = array<i32>} : memref<16x1024xf32, #tpu.memory_space<vmem>>, vector<1x16xf32>,
        %parallel_loop3A_1128 = vector.shape_cast %parallel_loop3A_1127 : vector<1x16xf32> to vector<16xf32>
        %parallel_loop3A_1129 = arith.constant 22.6274166 : f32
        %parallel_loop3A_1130 = vector.broadcast %parallel_loop3A_1129 : f32 to vector<16xf32>
        %parallel_loop3A_1131 = arith.mulf %parallel_loop3A_1128, %parallel_loop3A_1130 : vector<16xf32>
        %parallel_loop3A_1132 = arith.index_cast %parallel_loop3A_524 : i32 to index
        %parallel_loop3A_1133 = arith.constant 800 : index
        %parallel_loop3A_1134 = tpu.vector_load %arg10[%parallel_loop3A_1132, %parallel_loop3A_1133] {strides = array<i32>} : memref<16x1024xf32, #tpu.memory_space<vmem>>, vector<1x16xf32>,
        %parallel_loop3A_1135 = vector.shape_cast %parallel_loop3A_1134 : vector<1x16xf32> to vector<16xf32>
        %parallel_loop3A_1136 = vector.shape_cast %parallel_loop3A_1131 : vector<16xf32> to vector<1x16xf32>
        tpu.vector_store %arg10[%parallel_loop3A_1132, %parallel_loop3A_1133], %parallel_loop3A_1136 {add = true, strides = array<i32>} : memref<16x1024xf32, #tpu.memory_space<vmem>>, vector<1x16xf32>,
        %parallel_loop3A_1137 = arith.index_cast %parallel_loop3A_524 : i32 to index
        %parallel_loop3A_1138 = arith.constant 816 : index
        %parallel_loop3A_1139 = tpu.vector_load %arg8[%parallel_loop3A_1137, %parallel_loop3A_1138] {strides = array<i32>} : memref<16x1024xf32, #tpu.memory_space<vmem>>, vector<1x16xf32>,
        %parallel_loop3A_1140 = vector.shape_cast %parallel_loop3A_1139 : vector<1x16xf32> to vector<16xf32>
        %parallel_loop3A_1141 = arith.constant 22.6274166 : f32
        %parallel_loop3A_1142 = vector.broadcast %parallel_loop3A_1141 : f32 to vector<16xf32>
        %parallel_loop3A_1143 = arith.mulf %parallel_loop3A_1140, %parallel_loop3A_1142 : vector<16xf32>
        %parallel_loop3A_1144 = arith.index_cast %parallel_loop3A_524 : i32 to index
        %parallel_loop3A_1145 = arith.constant 816 : index
        %parallel_loop3A_1146 = tpu.vector_load %arg10[%parallel_loop3A_1144, %parallel_loop3A_1145] {strides = array<i32>} : memref<16x1024xf32, #tpu.memory_space<vmem>>, vector<1x16xf32>,
        %parallel_loop3A_1147 = vector.shape_cast %parallel_loop3A_1146 : vector<1x16xf32> to vector<16xf32>
        %parallel_loop3A_1148 = vector.shape_cast %parallel_loop3A_1143 : vector<16xf32> to vector<1x16xf32>
        tpu.vector_store %arg10[%parallel_loop3A_1144, %parallel_loop3A_1145], %parallel_loop3A_1148 {add = true, strides = array<i32>} : memref<16x1024xf32, #tpu.memory_space<vmem>>, vector<1x16xf32>,
        %parallel_loop3A_1149 = arith.index_cast %parallel_loop3A_524 : i32 to index
        %parallel_loop3A_1150 = arith.constant 832 : index
        %parallel_loop3A_1151 = tpu.vector_load %arg8[%parallel_loop3A_1149, %parallel_loop3A_1150] {strides = array<i32>} : memref<16x1024xf32, #tpu.memory_space<vmem>>, vector<1x16xf32>,
        %parallel_loop3A_1152 = vector.shape_cast %parallel_loop3A_1151 : vector<1x16xf32> to vector<16xf32>
        %parallel_loop3A_1153 = arith.constant 22.6274166 : f32
        %parallel_loop3A_1154 = vector.broadcast %parallel_loop3A_1153 : f32 to vector<16xf32>
        %parallel_loop3A_1155 = arith.mulf %parallel_loop3A_1152, %parallel_loop3A_1154 : vector<16xf32>
        %parallel_loop3A_1156 = arith.index_cast %parallel_loop3A_524 : i32 to index
        %parallel_loop3A_1157 = arith.constant 832 : index
        %parallel_loop3A_1158 = tpu.vector_load %arg10[%parallel_loop3A_1156, %parallel_loop3A_1157] {strides = array<i32>} : memref<16x1024xf32, #tpu.memory_space<vmem>>, vector<1x16xf32>,
        %parallel_loop3A_1159 = vector.shape_cast %parallel_loop3A_1158 : vector<1x16xf32> to vector<16xf32>
        %parallel_loop3A_1160 = vector.shape_cast %parallel_loop3A_1155 : vector<16xf32> to vector<1x16xf32>
        tpu.vector_store %arg10[%parallel_loop3A_1156, %parallel_loop3A_1157], %parallel_loop3A_1160 {add = true, strides = array<i32>} : memref<16x1024xf32, #tpu.memory_space<vmem>>, vector<1x16xf32>,
        %parallel_loop3A_1161 = arith.index_cast %parallel_loop3A_524 : i32 to index
        %parallel_loop3A_1162 = arith.constant 848 : index
        %parallel_loop3A_1163 = tpu.vector_load %arg8[%parallel_loop3A_1161, %parallel_loop3A_1162] {strides = array<i32>} : memref<16x1024xf32, #tpu.memory_space<vmem>>, vector<1x16xf32>,
        %parallel_loop3A_1164 = vector.shape_cast %parallel_loop3A_1163 : vector<1x16xf32> to vector<16xf32>
        %parallel_loop3A_1165 = arith.constant 22.6274166 : f32
        %parallel_loop3A_1166 = vector.broadcast %parallel_loop3A_1165 : f32 to vector<16xf32>
        %parallel_loop3A_1167 = arith.mulf %parallel_loop3A_1164, %parallel_loop3A_1166 : vector<16xf32>
        %parallel_loop3A_1168 = arith.index_cast %parallel_loop3A_524 : i32 to index
        %parallel_loop3A_1169 = arith.constant 848 : index
        %parallel_loop3A_1170 = tpu.vector_load %arg10[%parallel_loop3A_1168, %parallel_loop3A_1169] {strides = array<i32>} : memref<16x1024xf32, #tpu.memory_space<vmem>>, vector<1x16xf32>,
        %parallel_loop3A_1171 = vector.shape_cast %parallel_loop3A_1170 : vector<1x16xf32> to vector<16xf32>
        %parallel_loop3A_1172 = vector.shape_cast %parallel_loop3A_1167 : vector<16xf32> to vector<1x16xf32>
        tpu.vector_store %arg10[%parallel_loop3A_1168, %parallel_loop3A_1169], %parallel_loop3A_1172 {add = true, strides = array<i32>} : memref<16x1024xf32, #tpu.memory_space<vmem>>, vector<1x16xf32>,
        %parallel_loop3A_1173 = arith.index_cast %parallel_loop3A_524 : i32 to index
        %parallel_loop3A_1174 = arith.constant 864 : index
        %parallel_loop3A_1175 = tpu.vector_load %arg8[%parallel_loop3A_1173, %parallel_loop3A_1174] {strides = array<i32>} : memref<16x1024xf32, #tpu.memory_space<vmem>>, vector<1x16xf32>,
        %parallel_loop3A_1176 = vector.shape_cast %parallel_loop3A_1175 : vector<1x16xf32> to vector<16xf32>
        %parallel_loop3A_1177 = arith.constant 22.6274166 : f32
        %parallel_loop3A_1178 = vector.broadcast %parallel_loop3A_1177 : f32 to vector<16xf32>
        %parallel_loop3A_1179 = arith.mulf %parallel_loop3A_1176, %parallel_loop3A_1178 : vector<16xf32>
        %parallel_loop3A_1180 = arith.index_cast %parallel_loop3A_524 : i32 to index
        %parallel_loop3A_1181 = arith.constant 864 : index
        %parallel_loop3A_1182 = tpu.vector_load %arg10[%parallel_loop3A_1180, %parallel_loop3A_1181] {strides = array<i32>} : memref<16x1024xf32, #tpu.memory_space<vmem>>, vector<1x16xf32>,
        %parallel_loop3A_1183 = vector.shape_cast %parallel_loop3A_1182 : vector<1x16xf32> to vector<16xf32>
        %parallel_loop3A_1184 = vector.shape_cast %parallel_loop3A_1179 : vector<16xf32> to vector<1x16xf32>
        tpu.vector_store %arg10[%parallel_loop3A_1180, %parallel_loop3A_1181], %parallel_loop3A_1184 {add = true, strides = array<i32>} : memref<16x1024xf32, #tpu.memory_space<vmem>>, vector<1x16xf32>,
        %parallel_loop3A_1185 = arith.index_cast %parallel_loop3A_524 : i32 to index
        %parallel_loop3A_1186 = arith.constant 880 : index
        %parallel_loop3A_1187 = tpu.vector_load %arg8[%parallel_loop3A_1185, %parallel_loop3A_1186] {strides = array<i32>} : memref<16x1024xf32, #tpu.memory_space<vmem>>, vector<1x16xf32>,
        %parallel_loop3A_1188 = vector.shape_cast %parallel_loop3A_1187 : vector<1x16xf32> to vector<16xf32>
        %parallel_loop3A_1189 = arith.constant 22.6274166 : f32
        %parallel_loop3A_1190 = vector.broadcast %parallel_loop3A_1189 : f32 to vector<16xf32>
        %parallel_loop3A_1191 = arith.mulf %parallel_loop3A_1188, %parallel_loop3A_1190 : vector<16xf32>
        %parallel_loop3A_1192 = arith.index_cast %parallel_loop3A_524 : i32 to index
        %parallel_loop3A_1193 = arith.constant 880 : index
        %parallel_loop3A_1194 = tpu.vector_load %arg10[%parallel_loop3A_1192, %parallel_loop3A_1193] {strides = array<i32>} : memref<16x1024xf32, #tpu.memory_space<vmem>>, vector<1x16xf32>,
        %parallel_loop3A_1195 = vector.shape_cast %parallel_loop3A_1194 : vector<1x16xf32> to vector<16xf32>
        %parallel_loop3A_1196 = vector.shape_cast %parallel_loop3A_1191 : vector<16xf32> to vector<1x16xf32>
        tpu.vector_store %arg10[%parallel_loop3A_1192, %parallel_loop3A_1193], %parallel_loop3A_1196 {add = true, strides = array<i32>} : memref<16x1024xf32, #tpu.memory_space<vmem>>, vector<1x16xf32>,
        %parallel_loop3A_1197 = arith.index_cast %parallel_loop3A_524 : i32 to index
        %parallel_loop3A_1198 = arith.constant 896 : index
        %parallel_loop3A_1199 = tpu.vector_load %arg8[%parallel_loop3A_1197, %parallel_loop3A_1198] {strides = array<i32>} : memref<16x1024xf32, #tpu.memory_space<vmem>>, vector<1x16xf32>,
        %parallel_loop3A_1200 = vector.shape_cast %parallel_loop3A_1199 : vector<1x16xf32> to vector<16xf32>
        %parallel_loop3A_1201 = arith.constant 22.6274166 : f32
        %parallel_loop3A_1202 = vector.broadcast %parallel_loop3A_1201 : f32 to vector<16xf32>
        %parallel_loop3A_1203 = arith.mulf %parallel_loop3A_1200, %parallel_loop3A_1202 : vector<16xf32>
        %parallel_loop3A_1204 = arith.index_cast %parallel_loop3A_524 : i32 to index
        %parallel_loop3A_1205 = arith.constant 896 : index
        %parallel_loop3A_1206 = tpu.vector_load %arg10[%parallel_loop3A_1204, %parallel_loop3A_1205] {strides = array<i32>} : memref<16x1024xf32, #tpu.memory_space<vmem>>, vector<1x16xf32>,
        %parallel_loop3A_1207 = vector.shape_cast %parallel_loop3A_1206 : vector<1x16xf32> to vector<16xf32>
        %parallel_loop3A_1208 = vector.shape_cast %parallel_loop3A_1203 : vector<16xf32> to vector<1x16xf32>
        tpu.vector_store %arg10[%parallel_loop3A_1204, %parallel_loop3A_1205], %parallel_loop3A_1208 {add = true, strides = array<i32>} : memref<16x1024xf32, #tpu.memory_space<vmem>>, vector<1x16xf32>,
        %parallel_loop3A_1209 = arith.index_cast %parallel_loop3A_524 : i32 to index
        %parallel_loop3A_1210 = arith.constant 912 : index
        %parallel_loop3A_1211 = tpu.vector_load %arg8[%parallel_loop3A_1209, %parallel_loop3A_1210] {strides = array<i32>} : memref<16x1024xf32, #tpu.memory_space<vmem>>, vector<1x16xf32>,
        %parallel_loop3A_1212 = vector.shape_cast %parallel_loop3A_1211 : vector<1x16xf32> to vector<16xf32>
        %parallel_loop3A_1213 = arith.constant 22.6274166 : f32
        %parallel_loop3A_1214 = vector.broadcast %parallel_loop3A_1213 : f32 to vector<16xf32>
        %parallel_loop3A_1215 = arith.mulf %parallel_loop3A_1212, %parallel_loop3A_1214 : vector<16xf32>
        %parallel_loop3A_1216 = arith.index_cast %parallel_loop3A_524 : i32 to index
        %parallel_loop3A_1217 = arith.constant 912 : index
        %parallel_loop3A_1218 = tpu.vector_load %arg10[%parallel_loop3A_1216, %parallel_loop3A_1217] {strides = array<i32>} : memref<16x1024xf32, #tpu.memory_space<vmem>>, vector<1x16xf32>,
        %parallel_loop3A_1219 = vector.shape_cast %parallel_loop3A_1218 : vector<1x16xf32> to vector<16xf32>
        %parallel_loop3A_1220 = vector.shape_cast %parallel_loop3A_1215 : vector<16xf32> to vector<1x16xf32>
        tpu.vector_store %arg10[%parallel_loop3A_1216, %parallel_loop3A_1217], %parallel_loop3A_1220 {add = true, strides = array<i32>} : memref<16x1024xf32, #tpu.memory_space<vmem>>, vector<1x16xf32>,
        %parallel_loop3A_1221 = arith.index_cast %parallel_loop3A_524 : i32 to index
        %parallel_loop3A_1222 = arith.constant 928 : index
        %parallel_loop3A_1223 = tpu.vector_load %arg8[%parallel_loop3A_1221, %parallel_loop3A_1222] {strides = array<i32>} : memref<16x1024xf32, #tpu.memory_space<vmem>>, vector<1x16xf32>,
        %parallel_loop3A_1224 = vector.shape_cast %parallel_loop3A_1223 : vector<1x16xf32> to vector<16xf32>
        %parallel_loop3A_1225 = arith.constant 22.6274166 : f32
        %parallel_loop3A_1226 = vector.broadcast %parallel_loop3A_1225 : f32 to vector<16xf32>
        %parallel_loop3A_1227 = arith.mulf %parallel_loop3A_1224, %parallel_loop3A_1226 : vector<16xf32>
        %parallel_loop3A_1228 = arith.index_cast %parallel_loop3A_524 : i32 to index
        %parallel_loop3A_1229 = arith.constant 928 : index
        %parallel_loop3A_1230 = tpu.vector_load %arg10[%parallel_loop3A_1228, %parallel_loop3A_1229] {strides = array<i32>} : memref<16x1024xf32, #tpu.memory_space<vmem>>, vector<1x16xf32>,
        %parallel_loop3A_1231 = vector.shape_cast %parallel_loop3A_1230 : vector<1x16xf32> to vector<16xf32>
        %parallel_loop3A_1232 = vector.shape_cast %parallel_loop3A_1227 : vector<16xf32> to vector<1x16xf32>
        tpu.vector_store %arg10[%parallel_loop3A_1228, %parallel_loop3A_1229], %parallel_loop3A_1232 {add = true, strides = array<i32>} : memref<16x1024xf32, #tpu.memory_space<vmem>>, vector<1x16xf32>,
        %parallel_loop3A_1233 = arith.index_cast %parallel_loop3A_524 : i32 to index
        %parallel_loop3A_1234 = arith.constant 944 : index
        %parallel_loop3A_1235 = tpu.vector_load %arg8[%parallel_loop3A_1233, %parallel_loop3A_1234] {strides = array<i32>} : memref<16x1024xf32, #tpu.memory_space<vmem>>, vector<1x16xf32>,
        %parallel_loop3A_1236 = vector.shape_cast %parallel_loop3A_1235 : vector<1x16xf32> to vector<16xf32>
        %parallel_loop3A_1237 = arith.constant 22.6274166 : f32
        %parallel_loop3A_1238 = vector.broadcast %parallel_loop3A_1237 : f32 to vector<16xf32>
        %parallel_loop3A_1239 = arith.mulf %parallel_loop3A_1236, %parallel_loop3A_1238 : vector<16xf32>
        %parallel_loop3A_1240 = arith.index_cast %parallel_loop3A_524 : i32 to index
        %parallel_loop3A_1241 = arith.constant 944 : index
        %parallel_loop3A_1242 = tpu.vector_load %arg10[%parallel_loop3A_1240, %parallel_loop3A_1241] {strides = array<i32>} : memref<16x1024xf32, #tpu.memory_space<vmem>>, vector<1x16xf32>,
        %parallel_loop3A_1243 = vector.shape_cast %parallel_loop3A_1242 : vector<1x16xf32> to vector<16xf32>
        %parallel_loop3A_1244 = vector.shape_cast %parallel_loop3A_1239 : vector<16xf32> to vector<1x16xf32>
        tpu.vector_store %arg10[%parallel_loop3A_1240, %parallel_loop3A_1241], %parallel_loop3A_1244 {add = true, strides = array<i32>} : memref<16x1024xf32, #tpu.memory_space<vmem>>, vector<1x16xf32>,
        %parallel_loop3A_1245 = arith.index_cast %parallel_loop3A_524 : i32 to index
        %parallel_loop3A_1246 = arith.constant 960 : index
        %parallel_loop3A_1247 = tpu.vector_load %arg8[%parallel_loop3A_1245, %parallel_loop3A_1246] {strides = array<i32>} : memref<16x1024xf32, #tpu.memory_space<vmem>>, vector<1x16xf32>,
        %parallel_loop3A_1248 = vector.shape_cast %parallel_loop3A_1247 : vector<1x16xf32> to vector<16xf32>
        %parallel_loop3A_1249 = arith.constant 22.6274166 : f32
        %parallel_loop3A_1250 = vector.broadcast %parallel_loop3A_1249 : f32 to vector<16xf32>
        %parallel_loop3A_1251 = arith.mulf %parallel_loop3A_1248, %parallel_loop3A_1250 : vector<16xf32>
        %parallel_loop3A_1252 = arith.index_cast %parallel_loop3A_524 : i32 to index
        %parallel_loop3A_1253 = arith.constant 960 : index
        %parallel_loop3A_1254 = tpu.vector_load %arg10[%parallel_loop3A_1252, %parallel_loop3A_1253] {strides = array<i32>} : memref<16x1024xf32, #tpu.memory_space<vmem>>, vector<1x16xf32>,
        %parallel_loop3A_1255 = vector.shape_cast %parallel_loop3A_1254 : vector<1x16xf32> to vector<16xf32>
        %parallel_loop3A_1256 = vector.shape_cast %parallel_loop3A_1251 : vector<16xf32> to vector<1x16xf32>
        tpu.vector_store %arg10[%parallel_loop3A_1252, %parallel_loop3A_1253], %parallel_loop3A_1256 {add = true, strides = array<i32>} : memref<16x1024xf32, #tpu.memory_space<vmem>>, vector<1x16xf32>,
        %parallel_loop3A_1257 = arith.index_cast %parallel_loop3A_524 : i32 to index
        %parallel_loop3A_1258 = arith.constant 976 : index
        %parallel_loop3A_1259 = tpu.vector_load %arg8[%parallel_loop3A_1257, %parallel_loop3A_1258] {strides = array<i32>} : memref<16x1024xf32, #tpu.memory_space<vmem>>, vector<1x16xf32>,
        %parallel_loop3A_1260 = vector.shape_cast %parallel_loop3A_1259 : vector<1x16xf32> to vector<16xf32>
        %parallel_loop3A_1261 = arith.constant 22.6274166 : f32
        %parallel_loop3A_1262 = vector.broadcast %parallel_loop3A_1261 : f32 to vector<16xf32>
        %parallel_loop3A_1263 = arith.mulf %parallel_loop3A_1260, %parallel_loop3A_1262 : vector<16xf32>
        %parallel_loop3A_1264 = arith.index_cast %parallel_loop3A_524 : i32 to index
        %parallel_loop3A_1265 = arith.constant 976 : index
        %parallel_loop3A_1266 = tpu.vector_load %arg10[%parallel_loop3A_1264, %parallel_loop3A_1265] {strides = array<i32>} : memref<16x1024xf32, #tpu.memory_space<vmem>>, vector<1x16xf32>,
        %parallel_loop3A_1267 = vector.shape_cast %parallel_loop3A_1266 : vector<1x16xf32> to vector<16xf32>
        %parallel_loop3A_1268 = vector.shape_cast %parallel_loop3A_1263 : vector<16xf32> to vector<1x16xf32>
        tpu.vector_store %arg10[%parallel_loop3A_1264, %parallel_loop3A_1265], %parallel_loop3A_1268 {add = true, strides = array<i32>} : memref<16x1024xf32, #tpu.memory_space<vmem>>, vector<1x16xf32>,
        %parallel_loop3A_1269 = arith.index_cast %parallel_loop3A_524 : i32 to index
        %parallel_loop3A_1270 = arith.constant 992 : index
        %parallel_loop3A_1271 = tpu.vector_load %arg8[%parallel_loop3A_1269, %parallel_loop3A_1270] {strides = array<i32>} : memref<16x1024xf32, #tpu.memory_space<vmem>>, vector<1x16xf32>,
        %parallel_loop3A_1272 = vector.shape_cast %parallel_loop3A_1271 : vector<1x16xf32> to vector<16xf32>
        %parallel_loop3A_1273 = arith.constant 22.6274166 : f32
        %parallel_loop3A_1274 = vector.broadcast %parallel_loop3A_1273 : f32 to vector<16xf32>
        %parallel_loop3A_1275 = arith.mulf %parallel_loop3A_1272, %parallel_loop3A_1274 : vector<16xf32>
        %parallel_loop3A_1276 = arith.index_cast %parallel_loop3A_524 : i32 to index
        %parallel_loop3A_1277 = arith.constant 992 : index
        %parallel_loop3A_1278 = tpu.vector_load %arg10[%parallel_loop3A_1276, %parallel_loop3A_1277] {strides = array<i32>} : memref<16x1024xf32, #tpu.memory_space<vmem>>, vector<1x16xf32>,
        %parallel_loop3A_1279 = vector.shape_cast %parallel_loop3A_1278 : vector<1x16xf32> to vector<16xf32>
        %parallel_loop3A_1280 = vector.shape_cast %parallel_loop3A_1275 : vector<16xf32> to vector<1x16xf32>
        tpu.vector_store %arg10[%parallel_loop3A_1276, %parallel_loop3A_1277], %parallel_loop3A_1280 {add = true, strides = array<i32>} : memref<16x1024xf32, #tpu.memory_space<vmem>>, vector<1x16xf32>,
        %parallel_loop3A_1281 = arith.index_cast %parallel_loop3A_524 : i32 to index
        %parallel_loop3A_1282 = arith.constant 1008 : index
        %parallel_loop3A_1283 = tpu.vector_load %arg8[%parallel_loop3A_1281, %parallel_loop3A_1282] {strides = array<i32>} : memref<16x1024xf32, #tpu.memory_space<vmem>>, vector<1x16xf32>,
        %parallel_loop3A_1284 = vector.shape_cast %parallel_loop3A_1283 : vector<1x16xf32> to vector<16xf32>
        %parallel_loop3A_1285 = arith.constant 22.6274166 : f32
        %parallel_loop3A_1286 = vector.broadcast %parallel_loop3A_1285 : f32 to vector<16xf32>
        %parallel_loop3A_1287 = arith.mulf %parallel_loop3A_1284, %parallel_loop3A_1286 : vector<16xf32>
        %parallel_loop3A_1288 = arith.index_cast %parallel_loop3A_524 : i32 to index
        %parallel_loop3A_1289 = arith.constant 1008 : index
        %parallel_loop3A_1290 = tpu.vector_load %arg10[%parallel_loop3A_1288, %parallel_loop3A_1289] {strides = array<i32>} : memref<16x1024xf32, #tpu.memory_space<vmem>>, vector<1x16xf32>,
        %parallel_loop3A_1291 = vector.shape_cast %parallel_loop3A_1290 : vector<1x16xf32> to vector<16xf32>
        %parallel_loop3A_1292 = vector.shape_cast %parallel_loop3A_1287 : vector<16xf32> to vector<1x16xf32>
        tpu.vector_store %arg10[%parallel_loop3A_1288, %parallel_loop3A_1289], %parallel_loop3A_1292 {add = true, strides = array<i32>} : memref<16x1024xf32, #tpu.memory_space<vmem>>, vector<1x16xf32>,
      } {sc.loop_unroll_factor = 1 : i64, sc.parallel_access}
      %jit3A_249 = arith.constant 4 : i32
      %eq3A_250 = arith.constant 0 : i32
      %eq3A_251 = arith.cmpi eq, %jit3A_249, %eq3A_250 : i32
      %jit3A_252 = arith.constant 1 : i32
      %select_n3A_253 = arith.select %eq3A_251, %jit3A_252, %jit3A_249 : i32
      %rem3A_254 = arith.remsi %add3A_159, %select_n3A_253 : i32
      %ne3A_255 = arith.constant 0 : i32
      %ne3A_256 = arith.cmpi ne, %rem3A_254, %ne3A_255 : i32
      %lt3A_257 = arith.constant 0 : i32
      %lt3A_258 = arith.cmpi slt, %rem3A_254, %lt3A_257 : i32
      %lt3A_259 = arith.constant 0 : i32
      %lt3A_260 = arith.cmpi slt, %select_n3A_253, %lt3A_259 : i32
      %ne3A_261 = arith.xori %lt3A_258, %lt3A_260 : i1
      %and3A_262 = arith.andi %ne3A_261, %ne3A_256 : i1
      %add3A_263 = arith.addi %rem3A_254, %select_n3A_253 : i32
      %select_n3A_264 = arith.select %and3A_262, %add3A_263, %rem3A_254 : i32
      %jit3A_265 = arith.constant 4 : i32
      %div3A_266 = arith.divsi %add3A_159, %jit3A_265 : i32
      %sign3A_267 = arith.constant 0 : i32
      %sign3A_268 = arith.cmpi sgt, %add3A_159, %sign3A_267 : i32
      %sign3A_269 = arith.extui %sign3A_268 : i1 to i32
      %sign3A_270 = arith.constant 0 : i32
      %sign3A_271 = arith.cmpi slt, %add3A_159, %sign3A_270 : i32
      %sign3A_272 = arith.extui %sign3A_271 : i1 to i32
      %sign3A_273 = arith.subi %sign3A_269, %sign3A_272 : i32
      %sign3A_274 = arith.constant 0 : i32
      %sign3A_275 = arith.cmpi sgt, %jit3A_265, %sign3A_274 : i32
      %sign3A_276 = arith.extui %sign3A_275 : i1 to i32
      %sign3A_277 = arith.constant 0 : i32
      %sign3A_278 = arith.cmpi slt, %jit3A_265, %sign3A_277 : i32
      %sign3A_279 = arith.extui %sign3A_278 : i1 to i32
      %sign3A_280 = arith.subi %sign3A_276, %sign3A_279 : i32
      %ne3A_281 = arith.cmpi ne, %sign3A_273, %sign3A_280 : i32
      %rem3A_282 = arith.remsi %add3A_159, %jit3A_265 : i32
      %ne3A_283 = arith.constant 0 : i32
      %ne3A_284 = arith.cmpi ne, %rem3A_282, %ne3A_283 : i32
      %and3A_285 = arith.andi %ne3A_281, %ne3A_284 : i1
      %sub3A_286 = arith.constant 1 : i32
      %sub3A_287 = arith.subi %div3A_266, %sub3A_286 : i32
      %select_n3A_288 = arith.select %and3A_285, %sub3A_287, %div3A_266 : i32
      %mul3A_289 = arith.constant 16 : i32
      %mul3A_290 = arith.muli %select_n3A_288, %mul3A_289 : i32
      %add3A_291 = arith.addi %mul3A_2, %mul3A_290 : i32
      %dma_start3A_292 = arith.constant 0 : i32
      %dma_start3A_293 = tpu.memref_slice %arg5[%select_n3A_264, %add3A_291, %dma_start3A_292] : memref<4x2048x1024xf32, #tpu.memory_space<hbm>> -> memref<1x16x1024xf32, #tpu.memory_space<hbm>>
      %dma_start3A_294 = tpu.memref_squeeze %dma_start3A_293 : memref<1x16x1024xf32, #tpu.memory_space<hbm>> -> memref<16x1024xf32, #tpu.memory_space<hbm>>
      %dma_start3A_295 = arith.constant 0 : i32
      %dma_start3A_296 = tpu.memref_slice %arg5[%select_n3A_264, %add3A_291, %dma_start3A_295] : memref<4x2048x1024xf32, #tpu.memory_space<hbm>> -> memref<1x16x1024xf32, #tpu.memory_space<hbm>>
      %dma_start3A_297 = tpu.memref_squeeze %dma_start3A_296 : memref<1x16x1024xf32, #tpu.memory_space<hbm>> -> memref<16x1024xf32, #tpu.memory_space<hbm>>
      tpu.enqueue_dma source(%arg10 : memref<16x1024xf32, #tpu.memory_space<vmem>>) target(%dma_start3A_297 : memref<16x1024xf32, #tpu.memory_space<hbm>>) target_semaphore(%arg14 : memref<!tpu.dma_semaphore, #tpu.memory_space<semaphore_mem>>)
      %lt3A_298 = arith.constant 14 : i32
      %lt3A_299 = arith.cmpi slt, %add3A_159, %lt3A_298 : i32
      %convert_element_type3A = arith.extui %lt3A_299 : i1 to i32
      %cond3A = arith.constant 0 : i32
      %cond3A_300 = arith.cmpi ne, %convert_element_type3A, %cond3A : i32
      scf.if %cond3A_300 {
        %add3A_524 = arith.constant 2 : i32
        %add3A_525 = arith.addi %add3A_159, %add3A_524 : i32
        %jit3A_526 = arith.constant 4 : i32
        %eq3A_527 = arith.constant 0 : i32
        %eq3A_528 = arith.cmpi eq, %jit3A_526, %eq3A_527 : i32
        %jit3A_529 = arith.constant 1 : i32
        %select_n3A_530 = arith.select %eq3A_528, %jit3A_529, %jit3A_526 : i32
        %rem3A_531 = arith.remsi %add3A_525, %select_n3A_530 : i32
        %ne3A_532 = arith.constant 0 : i32
        %ne3A_533 = arith.cmpi ne, %rem3A_531, %ne3A_532 : i32
        %lt3A_534 = arith.constant 0 : i32
        %lt3A_535 = arith.cmpi slt, %rem3A_531, %lt3A_534 : i32
        %lt3A_536 = arith.constant 0 : i32
        %lt3A_537 = arith.cmpi slt, %select_n3A_530, %lt3A_536 : i32
        %ne3A_538 = arith.xori %lt3A_535, %lt3A_537 : i1
        %and3A_539 = arith.andi %ne3A_538, %ne3A_533 : i1
        %add3A_540 = arith.addi %rem3A_531, %select_n3A_530 : i32
        %select_n3A_541 = arith.select %and3A_539, %add3A_540, %rem3A_531 : i32
        %jit3A_542 = arith.constant 4 : i32
        %div3A_543 = arith.divsi %add3A_525, %jit3A_542 : i32
        %sign3A_544 = arith.constant 0 : i32
        %sign3A_545 = arith.cmpi sgt, %add3A_525, %sign3A_544 : i32
        %sign3A_546 = arith.extui %sign3A_545 : i1 to i32
        %sign3A_547 = arith.constant 0 : i32
        %sign3A_548 = arith.cmpi slt, %add3A_525, %sign3A_547 : i32
        %sign3A_549 = arith.extui %sign3A_548 : i1 to i32
        %sign3A_550 = arith.subi %sign3A_546, %sign3A_549 : i32
        %sign3A_551 = arith.constant 0 : i32
        %sign3A_552 = arith.cmpi sgt, %jit3A_542, %sign3A_551 : i32
        %sign3A_553 = arith.extui %sign3A_552 : i1 to i32
        %sign3A_554 = arith.constant 0 : i32
        %sign3A_555 = arith.cmpi slt, %jit3A_542, %sign3A_554 : i32
        %sign3A_556 = arith.extui %sign3A_555 : i1 to i32
        %sign3A_557 = arith.subi %sign3A_553, %sign3A_556 : i32
        %ne3A_558 = arith.cmpi ne, %sign3A_550, %sign3A_557 : i32
        %rem3A_559 = arith.remsi %add3A_525, %jit3A_542 : i32
        %ne3A_560 = arith.constant 0 : i32
        %ne3A_561 = arith.cmpi ne, %rem3A_559, %ne3A_560 : i32
        %and3A_562 = arith.andi %ne3A_558, %ne3A_561 : i1
        %sub3A_563 = arith.constant 1 : i32
        %sub3A_564 = arith.subi %div3A_543, %sub3A_563 : i32
        %select_n3A_565 = arith.select %and3A_562, %sub3A_564, %div3A_543 : i32
        %mul3A_566 = arith.constant 64 : i32
        %mul3A_567 = arith.muli %select_n3A_541, %mul3A_566 : i32
        %mul3A_568 = arith.constant 16 : i32
        %mul3A_569 = arith.muli %select_n3A_565, %mul3A_568 : i32
        %add3A_570 = arith.addi %mul3A_567, %mul3A_569 : i32
        %dma_start3A_571 = tpu.memref_slice %arg6[%add3A_570] : memref<256xi32, #tpu.memory_space<vmem>> -> memref<16xi32, #tpu.memory_space<vmem>>
        %dma_start3A_572 = arith.constant 0 : i32
        %dma_start3A_573 = arith.constant 0 : i32
        %dma_start3A_574 = tpu.memref_slice %arg3[%dma_start3A_572, %dma_start3A_573] : memref<100000x1024xf32, #tpu.memory_space<hbm>> -> memref<100000x1024xf32, #tpu.memory_space<hbm>>
        tpu.enqueue_indirect_dma source(%dma_start3A_574 : memref<100000x1024xf32, #tpu.memory_space<hbm>>) target(%arg8 : memref<16x1024xf32, #tpu.memory_space<vmem>>) offsets(%dma_start3A_571 : memref<16xi32, #tpu.memory_space<vmem>>) semaphore(%arg12 : memref<!tpu.dma_semaphore, #tpu.memory_space<semaphore_mem>>)
      } else {
      }
      %eq3A_301 = arith.constant 3 : i32
      %eq3A_302 = arith.cmpi eq, %add3A_159, %eq3A_301 : i32
      %convert_element_type3A_303 = arith.extui %eq3A_302 : i1 to i32
      %cond3A_304 = arith.constant 0 : i32
      %cond3A_305 = arith.cmpi ne, %convert_element_type3A_303, %cond3A_304 : i32
      scf.if %cond3A_305 {
        %add3A_524 = arith.constant 48 : i32
        %add3A_525 = arith.addi %mul3A_2, %add3A_524 : i32
        %dma_start3A_526 = arith.constant 0 : i32
        %dma_start3A_527 = arith.constant 0 : i32
        %dma_start3A_528 = tpu.memref_slice %arg7[%arg1, %dma_start3A_526, %dma_start3A_527] : memref<16x48x1024xf32, #tpu.memory_space<vmem_shared>> -> memref<1x16x1024xf32, #tpu.memory_space<vmem_shared>>
        %dma_start3A_529 = tpu.memref_squeeze %dma_start3A_528 : memref<1x16x1024xf32, #tpu.memory_space<vmem_shared>> -> memref<16x1024xf32, #tpu.memory_space<vmem_shared>>
        %dma_start3A_530 = arith.constant 0 : i32
        %dma_start3A_531 = tpu.memref_slice %arg4[%add3A_525, %dma_start3A_530] : memref<2048x1024xf32, #tpu.memory_space<hbm>> -> memref<16x1024xf32, #tpu.memory_space<hbm>>
        tpu.enqueue_dma source(%dma_start3A_531 : memref<16x1024xf32, #tpu.memory_space<hbm>>) target(%dma_start3A_529 : memref<16x1024xf32, #tpu.memory_space<vmem_shared>>) target_semaphore(%arg22 : memref<!tpu.dma_semaphore, #tpu.memory_space<semaphore_mem>>)
      } else {
      }
      %add3A_306 = arith.constant 1 : i32
      %add3A_307 = arith.addi %add3A_159, %add3A_306 : i32
      %eq3A_308 = arith.constant 4 : i32
      %eq3A_309 = arith.cmpi eq, %add3A_307, %eq3A_308 : i32
      %convert_element_type3A_310 = arith.extui %eq3A_309 : i1 to i32
      %cond3A_311 = arith.constant 0 : i32
      %cond3A_312 = arith.cmpi ne, %convert_element_type3A_310, %cond3A_311 : i32
      scf.if %cond3A_312 {
        %add3A_524 = arith.constant 16 : i32
        %add3A_525 = arith.addi %mul3A_2, %add3A_524 : i32
        %dma_wait3A_526 = arith.constant 16 : i32
        %dma_wait3A_527 = arith.constant 0 : i32
        %dma_wait3A_528 = tpu.memref_slice %arg7[%arg1, %dma_wait3A_526, %dma_wait3A_527] : memref<16x48x1024xf32, #tpu.memory_space<vmem_shared>> -> memref<1x16x1024xf32, #tpu.memory_space<vmem_shared>>
        %dma_wait3A_529 = tpu.memref_squeeze %dma_wait3A_528 : memref<1x16x1024xf32, #tpu.memory_space<vmem_shared>> -> memref<16x1024xf32, #tpu.memory_space<vmem_shared>>
        %dma_wait3A_530 = arith.constant 0 : i32
        %dma_wait3A_531 = tpu.memref_slice %arg4[%add3A_525, %dma_wait3A_530] : memref<2048x1024xf32, #tpu.memory_space<hbm>> -> memref<16x1024xf32, #tpu.memory_space<hbm>>
        tpu.wait_dma2 semaphore(%arg20 : memref<!tpu.dma_semaphore, #tpu.memory_space<semaphore_mem>>) src(%dma_wait3A_531 : memref<16x1024xf32, #tpu.memory_space<hbm>>) dst(%dma_wait3A_529 : memref<16x1024xf32, #tpu.memory_space<vmem_shared>>)
      } else {
      }
      %add3A_313 = arith.constant 1 : i32
      %add3A_314 = arith.addi %add3A_159, %add3A_313 : i32
      %eq3A_315 = arith.constant 8 : i32
      %eq3A_316 = arith.cmpi eq, %add3A_314, %eq3A_315 : i32
      %convert_element_type3A_317 = arith.extui %eq3A_316 : i1 to i32
      %cond3A_318 = arith.constant 0 : i32
      %cond3A_319 = arith.cmpi ne, %convert_element_type3A_317, %cond3A_318 : i32
      scf.if %cond3A_319 {
        %add3A_524 = arith.constant 32 : i32
        %add3A_525 = arith.addi %mul3A_2, %add3A_524 : i32
        %dma_wait3A_526 = arith.constant 32 : i32
        %dma_wait3A_527 = arith.constant 0 : i32
        %dma_wait3A_528 = tpu.memref_slice %arg7[%arg1, %dma_wait3A_526, %dma_wait3A_527] : memref<16x48x1024xf32, #tpu.memory_space<vmem_shared>> -> memref<1x16x1024xf32, #tpu.memory_space<vmem_shared>>
        %dma_wait3A_529 = tpu.memref_squeeze %dma_wait3A_528 : memref<1x16x1024xf32, #tpu.memory_space<vmem_shared>> -> memref<16x1024xf32, #tpu.memory_space<vmem_shared>>
        %dma_wait3A_530 = arith.constant 0 : i32
        %dma_wait3A_531 = tpu.memref_slice %arg4[%add3A_525, %dma_wait3A_530] : memref<2048x1024xf32, #tpu.memory_space<hbm>> -> memref<16x1024xf32, #tpu.memory_space<hbm>>
        tpu.wait_dma2 semaphore(%arg21 : memref<!tpu.dma_semaphore, #tpu.memory_space<semaphore_mem>>) src(%dma_wait3A_531 : memref<16x1024xf32, #tpu.memory_space<hbm>>) dst(%dma_wait3A_529 : memref<16x1024xf32, #tpu.memory_space<vmem_shared>>)
      } else {
      }
      %add3A_320 = arith.constant 1 : i32
      %add3A_321 = arith.addi %add3A_159, %add3A_320 : i32
      %eq3A_322 = arith.constant 12 : i32
      %eq3A_323 = arith.cmpi eq, %add3A_321, %eq3A_322 : i32
      %convert_element_type3A_324 = arith.extui %eq3A_323 : i1 to i32
      %cond3A_325 = arith.constant 0 : i32
      %cond3A_326 = arith.cmpi ne, %convert_element_type3A_324, %cond3A_325 : i32
      scf.if %cond3A_326 {
        %add3A_524 = arith.constant 48 : i32
        %add3A_525 = arith.addi %mul3A_2, %add3A_524 : i32
        %dma_wait3A_526 = arith.constant 0 : i32
        %dma_wait3A_527 = arith.constant 0 : i32
        %dma_wait3A_528 = tpu.memref_slice %arg7[%arg1, %dma_wait3A_526, %dma_wait3A_527] : memref<16x48x1024xf32, #tpu.memory_space<vmem_shared>> -> memref<1x16x1024xf32, #tpu.memory_space<vmem_shared>>
        %dma_wait3A_529 = tpu.memref_squeeze %dma_wait3A_528 : memref<1x16x1024xf32, #tpu.memory_space<vmem_shared>> -> memref<16x1024xf32, #tpu.memory_space<vmem_shared>>
        %dma_wait3A_530 = arith.constant 0 : i32
        %dma_wait3A_531 = tpu.memref_slice %arg4[%add3A_525, %dma_wait3A_530] : memref<2048x1024xf32, #tpu.memory_space<hbm>> -> memref<16x1024xf32, #tpu.memory_space<hbm>>
        tpu.wait_dma2 semaphore(%arg22 : memref<!tpu.dma_semaphore, #tpu.memory_space<semaphore_mem>>) src(%dma_wait3A_531 : memref<16x1024xf32, #tpu.memory_space<hbm>>) dst(%dma_wait3A_529 : memref<16x1024xf32, #tpu.memory_space<vmem_shared>>)
      } else {
      }
      %ge3A = arith.constant 1 : i32
      %ge3A_327 = arith.cmpi sge, %add3A_159, %ge3A : i32
      %lt3A_328 = arith.constant 15 : i32
      %lt3A_329 = arith.cmpi slt, %add3A_159, %lt3A_328 : i32
      %and3A_330 = arith.andi %ge3A_327, %lt3A_329 : i1
      %convert_element_type3A_331 = arith.extui %and3A_330 : i1 to i32
      %cond3A_332 = arith.constant 0 : i32
      %cond3A_333 = arith.cmpi ne, %convert_element_type3A_331, %cond3A_332 : i32
      scf.if %cond3A_333 {
        %sub3A_524 = arith.constant 1 : i32
        %sub3A_525 = arith.subi %add3A_159, %sub3A_524 : i32
        %jit3A_526 = arith.constant 4 : i32
        %eq3A_527 = arith.constant 0 : i32
        %eq3A_528 = arith.cmpi eq, %jit3A_526, %eq3A_527 : i32
        %jit3A_529 = arith.constant 1 : i32
        %select_n3A_530 = arith.select %eq3A_528, %jit3A_529, %jit3A_526 : i32
        %rem3A_531 = arith.remsi %sub3A_525, %select_n3A_530 : i32
        %ne3A_532 = arith.constant 0 : i32
        %ne3A_533 = arith.cmpi ne, %rem3A_531, %ne3A_532 : i32
        %lt3A_534 = arith.constant 0 : i32
        %lt3A_535 = arith.cmpi slt, %rem3A_531, %lt3A_534 : i32
        %lt3A_536 = arith.constant 0 : i32
        %lt3A_537 = arith.cmpi slt, %select_n3A_530, %lt3A_536 : i32
        %ne3A_538 = arith.xori %lt3A_535, %lt3A_537 : i1
        %and3A_539 = arith.andi %ne3A_538, %ne3A_533 : i1
        %add3A_540 = arith.addi %rem3A_531, %select_n3A_530 : i32
        %select_n3A_541 = arith.select %and3A_539, %add3A_540, %rem3A_531 : i32
        %jit3A_542 = arith.constant 4 : i32
        %div3A_543 = arith.divsi %sub3A_525, %jit3A_542 : i32
        %sign3A_544 = arith.constant 0 : i32
        %sign3A_545 = arith.cmpi sgt, %sub3A_525, %sign3A_544 : i32
        %sign3A_546 = arith.extui %sign3A_545 : i1 to i32
        %sign3A_547 = arith.constant 0 : i32
        %sign3A_548 = arith.cmpi slt, %sub3A_525, %sign3A_547 : i32
        %sign3A_549 = arith.extui %sign3A_548 : i1 to i32
        %sign3A_550 = arith.subi %sign3A_546, %sign3A_549 : i32
        %sign3A_551 = arith.constant 0 : i32
        %sign3A_552 = arith.cmpi sgt, %jit3A_542, %sign3A_551 : i32
        %sign3A_553 = arith.extui %sign3A_552 : i1 to i32
        %sign3A_554 = arith.constant 0 : i32
        %sign3A_555 = arith.cmpi slt, %jit3A_542, %sign3A_554 : i32
        %sign3A_556 = arith.extui %sign3A_555 : i1 to i32
        %sign3A_557 = arith.subi %sign3A_553, %sign3A_556 : i32
        %ne3A_558 = arith.cmpi ne, %sign3A_550, %sign3A_557 : i32
        %rem3A_559 = arith.remsi %sub3A_525, %jit3A_542 : i32
        %ne3A_560 = arith.constant 0 : i32
        %ne3A_561 = arith.cmpi ne, %rem3A_559, %ne3A_560 : i32
        %and3A_562 = arith.andi %ne3A_558, %ne3A_561 : i1
        %sub3A_563 = arith.constant 1 : i32
        %sub3A_564 = arith.subi %div3A_543, %sub3A_563 : i32
        %select_n3A_565 = arith.select %and3A_562, %sub3A_564, %div3A_543 : i32
        %mul3A_566 = arith.constant 16 : i32
        %mul3A_567 = arith.muli %select_n3A_565, %mul3A_566 : i32
        %add3A_568 = arith.addi %mul3A_2, %mul3A_567 : i32
        %dma_wait3A_569 = arith.constant 0 : i32
        %dma_wait3A_570 = tpu.memref_slice %arg5[%select_n3A_541, %add3A_568, %dma_wait3A_569] : memref<4x2048x1024xf32, #tpu.memory_space<hbm>> -> memref<1x16x1024xf32, #tpu.memory_space<hbm>>
        %dma_wait3A_571 = tpu.memref_squeeze %dma_wait3A_570 : memref<1x16x1024xf32, #tpu.memory_space<hbm>> -> memref<16x1024xf32, #tpu.memory_space<hbm>>
        %dma_wait3A_572 = arith.constant 0 : i32
        %dma_wait3A_573 = tpu.memref_slice %arg5[%select_n3A_541, %add3A_568, %dma_wait3A_572] : memref<4x2048x1024xf32, #tpu.memory_space<hbm>> -> memref<1x16x1024xf32, #tpu.memory_space<hbm>>
        %dma_wait3A_574 = tpu.memref_squeeze %dma_wait3A_573 : memref<1x16x1024xf32, #tpu.memory_space<hbm>> -> memref<16x1024xf32, #tpu.memory_space<hbm>>
        tpu.wait_dma2 semaphore(%arg15 : memref<!tpu.dma_semaphore, #tpu.memory_space<semaphore_mem>>) src(%arg11 : memref<16x1024xf32, #tpu.memory_space<vmem>>) dst(%dma_wait3A_574 : memref<16x1024xf32, #tpu.memory_space<hbm>>)
        %add3A_575 = arith.constant 1 : i32
        %add3A_576 = arith.addi %add3A_159, %add3A_575 : i32
        %jit3A_577 = arith.constant 4 : i32
        %div3A_578 = arith.divsi %add3A_576, %jit3A_577 : i32
        %sign3A_579 = arith.constant 0 : i32
        %sign3A_580 = arith.cmpi sgt, %add3A_576, %sign3A_579 : i32
        %sign3A_581 = arith.extui %sign3A_580 : i1 to i32
        %sign3A_582 = arith.constant 0 : i32
        %sign3A_583 = arith.cmpi slt, %add3A_576, %sign3A_582 : i32
        %sign3A_584 = arith.extui %sign3A_583 : i1 to i32
        %sign3A_585 = arith.subi %sign3A_581, %sign3A_584 : i32
        %sign3A_586 = arith.constant 0 : i32
        %sign3A_587 = arith.cmpi sgt, %jit3A_577, %sign3A_586 : i32
        %sign3A_588 = arith.extui %sign3A_587 : i1 to i32
        %sign3A_589 = arith.constant 0 : i32
        %sign3A_590 = arith.cmpi slt, %jit3A_577, %sign3A_589 : i32
        %sign3A_591 = arith.extui %sign3A_590 : i1 to i32
        %sign3A_592 = arith.subi %sign3A_588, %sign3A_591 : i32
        %ne3A_593 = arith.cmpi ne, %sign3A_585, %sign3A_592 : i32
        %rem3A_594 = arith.remsi %add3A_576, %jit3A_577 : i32
        %ne3A_595 = arith.constant 0 : i32
        %ne3A_596 = arith.cmpi ne, %rem3A_594, %ne3A_595 : i32
        %and3A_597 = arith.andi %ne3A_593, %ne3A_596 : i1
        %sub3A_598 = arith.constant 1 : i32
        %sub3A_599 = arith.subi %div3A_578, %sub3A_598 : i32
        %select_n3A_600 = arith.select %and3A_597, %sub3A_599, %div3A_578 : i32
        %jit3A_601 = arith.constant 3 : i32
        %eq3A_602 = arith.constant 0 : i32
        %eq3A_603 = arith.cmpi eq, %jit3A_601, %eq3A_602 : i32
        %jit3A_604 = arith.constant 1 : i32
        %select_n3A_605 = arith.select %eq3A_603, %jit3A_604, %jit3A_601 : i32
        %rem3A_606 = arith.remsi %select_n3A_600, %select_n3A_605 : i32
        %ne3A_607 = arith.constant 0 : i32
        %ne3A_608 = arith.cmpi ne, %rem3A_606, %ne3A_607 : i32
        %lt3A_609 = arith.constant 0 : i32
        %lt3A_610 = arith.cmpi slt, %rem3A_606, %lt3A_609 : i32
        %lt3A_611 = arith.constant 0 : i32
        %lt3A_612 = arith.cmpi slt, %select_n3A_605, %lt3A_611 : i32
        %ne3A_613 = arith.xori %lt3A_610, %lt3A_612 : i1
        %and3A_614 = arith.andi %ne3A_613, %ne3A_608 : i1
        %add3A_615 = arith.addi %rem3A_606, %select_n3A_605 : i32
        %select_n3A_616 = arith.select %and3A_614, %add3A_615, %rem3A_606 : i32
        %mul3A_617 = arith.constant 16 : i32
        %mul3A_618 = arith.muli %select_n3A_616, %mul3A_617 : i32
        %dma_start3A_619 = arith.constant 0 : i32
        %dma_start3A_620 = tpu.memref_slice %arg7[%arg1, %mul3A_618, %dma_start3A_619] : memref<16x48x1024xf32, #tpu.memory_space<vmem_shared>> -> memref<1x16x1024xf32, #tpu.memory_space<vmem_shared>>
        %dma_start3A_621 = tpu.memref_squeeze %dma_start3A_620 : memref<1x16x1024xf32, #tpu.memory_space<vmem_shared>> -> memref<16x1024xf32, #tpu.memory_space<vmem_shared>>
        %dma_start3A_622 = arith.constant 0 : i32
        %dma_start3A_623 = tpu.memref_slice %arg7[%arg1, %mul3A_618, %dma_start3A_622] : memref<16x48x1024xf32, #tpu.memory_space<vmem_shared>> -> memref<1x16x1024xf32, #tpu.memory_space<vmem_shared>>
        %dma_start3A_624 = tpu.memref_squeeze %dma_start3A_623 : memref<1x16x1024xf32, #tpu.memory_space<vmem_shared>> -> memref<16x1024xf32, #tpu.memory_space<vmem_shared>>
        tpu.enqueue_dma source(%dma_start3A_624 : memref<16x1024xf32, #tpu.memory_space<vmem_shared>>) target(%arg11 : memref<16x1024xf32, #tpu.memory_space<vmem>>) target_semaphore(%arg17 : memref<!tpu.dma_semaphore, #tpu.memory_space<semaphore_mem>>)
      } else {
      }
      %add3A_334 = arith.constant 1 : i32
      %add3A_335 = arith.addi %add3A_157, %add3A_334 : i32
      %jit3A_336 = arith.constant 4 : i32
      %eq3A_337 = arith.constant 0 : i32
      %eq3A_338 = arith.cmpi eq, %jit3A_336, %eq3A_337 : i32
      %jit3A_339 = arith.constant 1 : i32
      %select_n3A_340 = arith.select %eq3A_338, %jit3A_339, %jit3A_336 : i32
      %rem3A_341 = arith.remsi %add3A_335, %select_n3A_340 : i32
      %ne3A_342 = arith.constant 0 : i32
      %ne3A_343 = arith.cmpi ne, %rem3A_341, %ne3A_342 : i32
      %lt3A_344 = arith.constant 0 : i32
      %lt3A_345 = arith.cmpi slt, %rem3A_341, %lt3A_344 : i32
      %lt3A_346 = arith.constant 0 : i32
      %lt3A_347 = arith.cmpi slt, %select_n3A_340, %lt3A_346 : i32
      %ne3A_348 = arith.xori %lt3A_345, %lt3A_347 : i1
      %and3A_349 = arith.andi %ne3A_348, %ne3A_343 : i1
      %add3A_350 = arith.addi %rem3A_341, %select_n3A_340 : i32
      %select_n3A_351 = arith.select %and3A_349, %add3A_350, %rem3A_341 : i32
      %jit3A_352 = arith.constant 4 : i32
      %div3A_353 = arith.divsi %add3A_335, %jit3A_352 : i32
      %sign3A_354 = arith.constant 0 : i32
      %sign3A_355 = arith.cmpi sgt, %add3A_335, %sign3A_354 : i32
      %sign3A_356 = arith.extui %sign3A_355 : i1 to i32
      %sign3A_357 = arith.constant 0 : i32
      %sign3A_358 = arith.cmpi slt, %add3A_335, %sign3A_357 : i32
      %sign3A_359 = arith.extui %sign3A_358 : i1 to i32
      %sign3A_360 = arith.subi %sign3A_356, %sign3A_359 : i32
      %sign3A_361 = arith.constant 0 : i32
      %sign3A_362 = arith.cmpi sgt, %jit3A_352, %sign3A_361 : i32
      %sign3A_363 = arith.extui %sign3A_362 : i1 to i32
      %sign3A_364 = arith.constant 0 : i32
      %sign3A_365 = arith.cmpi slt, %jit3A_352, %sign3A_364 : i32
      %sign3A_366 = arith.extui %sign3A_365 : i1 to i32
      %sign3A_367 = arith.subi %sign3A_363, %sign3A_366 : i32
      %ne3A_368 = arith.cmpi ne, %sign3A_360, %sign3A_367 : i32
      %rem3A_369 = arith.remsi %add3A_335, %jit3A_352 : i32
      %ne3A_370 = arith.constant 0 : i32
      %ne3A_371 = arith.cmpi ne, %rem3A_369, %ne3A_370 : i32
      %and3A_372 = arith.andi %ne3A_368, %ne3A_371 : i1
      %sub3A_373 = arith.constant 1 : i32
      %sub3A_374 = arith.subi %div3A_353, %sub3A_373 : i32
      %select_n3A_375 = arith.select %and3A_372, %sub3A_374, %div3A_353 : i32
      %mul3A_376 = arith.constant 64 : i32
      %mul3A_377 = arith.muli %select_n3A_351, %mul3A_376 : i32
      %mul3A_378 = arith.constant 16 : i32
      %mul3A_379 = arith.muli %select_n3A_375, %mul3A_378 : i32
      %add3A_380 = arith.addi %mul3A_377, %mul3A_379 : i32
      %dma_wait3A_381 = tpu.memref_slice %arg6[%add3A_380] : memref<256xi32, #tpu.memory_space<vmem>> -> memref<16xi32, #tpu.memory_space<vmem>>
      %dma_wait3A_382 = arith.constant 0 : i32
      %dma_wait3A_383 = arith.constant 0 : i32
      %dma_wait3A_384 = tpu.memref_slice %arg3[%dma_wait3A_382, %dma_wait3A_383] : memref<100000x1024xf32, #tpu.memory_space<hbm>> -> memref<100000x1024xf32, #tpu.memory_space<hbm>>
      tpu.wait_indirect_dma semaphore(%arg13 : memref<!tpu.dma_semaphore, #tpu.memory_space<semaphore_mem>>) src(%dma_wait3A_384 : memref<100000x1024xf32, #tpu.memory_space<hbm>>) dst(%arg9 : memref<16x1024xf32, #tpu.memory_space<vmem>>)
      %jit3A_385 = arith.constant 4 : i32
      %div3A_386 = arith.divsi %add3A_335, %jit3A_385 : i32
      %sign3A_387 = arith.constant 0 : i32
      %sign3A_388 = arith.cmpi sgt, %add3A_335, %sign3A_387 : i32
      %sign3A_389 = arith.extui %sign3A_388 : i1 to i32
      %sign3A_390 = arith.constant 0 : i32
      %sign3A_391 = arith.cmpi slt, %add3A_335, %sign3A_390 : i32
      %sign3A_392 = arith.extui %sign3A_391 : i1 to i32
      %sign3A_393 = arith.subi %sign3A_389, %sign3A_392 : i32
      %sign3A_394 = arith.constant 0 : i32
      %sign3A_395 = arith.cmpi sgt, %jit3A_385, %sign3A_394 : i32
      %sign3A_396 = arith.extui %sign3A_395 : i1 to i32
      %sign3A_397 = arith.constant 0 : i32
      %sign3A_398 = arith.cmpi slt, %jit3A_385, %sign3A_397 : i32
      %sign3A_399 = arith.extui %sign3A_398 : i1 to i32
      %sign3A_400 = arith.subi %sign3A_396, %sign3A_399 : i32
      %ne3A_401 = arith.cmpi ne, %sign3A_393, %sign3A_400 : i32
      %rem3A_402 = arith.remsi %add3A_335, %jit3A_385 : i32
      %ne3A_403 = arith.constant 0 : i32
      %ne3A_404 = arith.cmpi ne, %rem3A_402, %ne3A_403 : i32
      %and3A_405 = arith.andi %ne3A_401, %ne3A_404 : i1
      %sub3A_406 = arith.constant 1 : i32
      %sub3A_407 = arith.subi %div3A_386, %sub3A_406 : i32
      %select_n3A_408 = arith.select %and3A_405, %sub3A_407, %div3A_386 : i32
      %jit3A_409 = arith.constant 3 : i32
      %eq3A_410 = arith.constant 0 : i32
      %eq3A_411 = arith.cmpi eq, %jit3A_409, %eq3A_410 : i32
      %jit3A_412 = arith.constant 1 : i32
      %select_n3A_413 = arith.select %eq3A_411, %jit3A_412, %jit3A_409 : i32
      %rem3A_414 = arith.remsi %select_n3A_408, %select_n3A_413 : i32
      %ne3A_415 = arith.constant 0 : i32
      %ne3A_416 = arith.cmpi ne, %rem3A_414, %ne3A_415 : i32
      %lt3A_417 = arith.constant 0 : i32
      %lt3A_418 = arith.cmpi slt, %rem3A_414, %lt3A_417 : i32
      %lt3A_419 = arith.constant 0 : i32
      %lt3A_420 = arith.cmpi slt, %select_n3A_413, %lt3A_419 : i32
      %ne3A_421 = arith.xori %lt3A_418, %lt3A_420 : i1
      %and3A_422 = arith.andi %ne3A_421, %ne3A_416 : i1
      %add3A_423 = arith.addi %rem3A_414, %select_n3A_413 : i32
      %select_n3A_424 = arith.select %and3A_422, %add3A_423, %rem3A_414 : i32
      %mul3A_425 = arith.constant 16 : i32
      %mul3A_426 = arith.muli %select_n3A_424, %mul3A_425 : i32
      %dma_wait3A_427 = arith.constant 0 : i32
      %dma_wait3A_428 = tpu.memref_slice %arg7[%arg1, %mul3A_426, %dma_wait3A_427] : memref<16x48x1024xf32, #tpu.memory_space<vmem_shared>> -> memref<1x16x1024xf32, #tpu.memory_space<vmem_shared>>
      %dma_wait3A_429 = tpu.memref_squeeze %dma_wait3A_428 : memref<1x16x1024xf32, #tpu.memory_space<vmem_shared>> -> memref<16x1024xf32, #tpu.memory_space<vmem_shared>>
      %dma_wait3A_430 = arith.constant 0 : i32
      %dma_wait3A_431 = tpu.memref_slice %arg7[%arg1, %mul3A_426, %dma_wait3A_430] : memref<16x48x1024xf32, #tpu.memory_space<vmem_shared>> -> memref<1x16x1024xf32, #tpu.memory_space<vmem_shared>>
      %dma_wait3A_432 = tpu.memref_squeeze %dma_wait3A_431 : memref<1x16x1024xf32, #tpu.memory_space<vmem_shared>> -> memref<16x1024xf32, #tpu.memory_space<vmem_shared>>
      tpu.wait_dma2 semaphore(%arg17 : memref<!tpu.dma_semaphore, #tpu.memory_space<semaphore_mem>>) src(%dma_wait3A_432 : memref<16x1024xf32, #tpu.memory_space<vmem_shared>>) dst(%arg11 : memref<16x1024xf32, #tpu.memory_space<vmem>>)
      %parallel_loop3A_433 = arith.constant 0 : i32
      %parallel_loop3A_434 = arith.constant 16 : i32
      %parallel_loop3A_435 = arith.constant 1 : i32
      scf.for %parallel_loop3A_524 = %parallel_loop3A_433 to %parallel_loop3A_434 step %parallel_loop3A_435  : i32 {
        %parallel_loop3A_525 = arith.index_cast %parallel_loop3A_524 : i32 to index
        %parallel_loop3A_526 = arith.constant 0 : index
        %parallel_loop3A_527 = tpu.vector_load %arg9[%parallel_loop3A_525, %parallel_loop3A_526] {strides = array<i32>} : memref<16x1024xf32, #tpu.memory_space<vmem>>, vector<1x16xf32>,
        %parallel_loop3A_528 = vector.shape_cast %parallel_loop3A_527 : vector<1x16xf32> to vector<16xf32>
        %parallel_loop3A_529 = arith.constant 22.6274166 : f32
        %parallel_loop3A_530 = vector.broadcast %parallel_loop3A_529 : f32 to vector<16xf32>
        %parallel_loop3A_531 = arith.mulf %parallel_loop3A_528, %parallel_loop3A_530 : vector<16xf32>
        %parallel_loop3A_532 = arith.index_cast %parallel_loop3A_524 : i32 to index
        %parallel_loop3A_533 = arith.constant 0 : index
        %parallel_loop3A_534 = tpu.vector_load %arg11[%parallel_loop3A_532, %parallel_loop3A_533] {strides = array<i32>} : memref<16x1024xf32, #tpu.memory_space<vmem>>, vector<1x16xf32>,
        %parallel_loop3A_535 = vector.shape_cast %parallel_loop3A_534 : vector<1x16xf32> to vector<16xf32>
        %parallel_loop3A_536 = vector.shape_cast %parallel_loop3A_531 : vector<16xf32> to vector<1x16xf32>
        tpu.vector_store %arg11[%parallel_loop3A_532, %parallel_loop3A_533], %parallel_loop3A_536 {add = true, strides = array<i32>} : memref<16x1024xf32, #tpu.memory_space<vmem>>, vector<1x16xf32>,
        %parallel_loop3A_537 = arith.index_cast %parallel_loop3A_524 : i32 to index
        %parallel_loop3A_538 = arith.constant 16 : index
        %parallel_loop3A_539 = tpu.vector_load %arg9[%parallel_loop3A_537, %parallel_loop3A_538] {strides = array<i32>} : memref<16x1024xf32, #tpu.memory_space<vmem>>, vector<1x16xf32>,
        %parallel_loop3A_540 = vector.shape_cast %parallel_loop3A_539 : vector<1x16xf32> to vector<16xf32>
        %parallel_loop3A_541 = arith.constant 22.6274166 : f32
        %parallel_loop3A_542 = vector.broadcast %parallel_loop3A_541 : f32 to vector<16xf32>
        %parallel_loop3A_543 = arith.mulf %parallel_loop3A_540, %parallel_loop3A_542 : vector<16xf32>
        %parallel_loop3A_544 = arith.index_cast %parallel_loop3A_524 : i32 to index
        %parallel_loop3A_545 = arith.constant 16 : index
        %parallel_loop3A_546 = tpu.vector_load %arg11[%parallel_loop3A_544, %parallel_loop3A_545] {strides = array<i32>} : memref<16x1024xf32, #tpu.memory_space<vmem>>, vector<1x16xf32>,
        %parallel_loop3A_547 = vector.shape_cast %parallel_loop3A_546 : vector<1x16xf32> to vector<16xf32>
        %parallel_loop3A_548 = vector.shape_cast %parallel_loop3A_543 : vector<16xf32> to vector<1x16xf32>
        tpu.vector_store %arg11[%parallel_loop3A_544, %parallel_loop3A_545], %parallel_loop3A_548 {add = true, strides = array<i32>} : memref<16x1024xf32, #tpu.memory_space<vmem>>, vector<1x16xf32>,
        %parallel_loop3A_549 = arith.index_cast %parallel_loop3A_524 : i32 to index
        %parallel_loop3A_550 = arith.constant 32 : index
        %parallel_loop3A_551 = tpu.vector_load %arg9[%parallel_loop3A_549, %parallel_loop3A_550] {strides = array<i32>} : memref<16x1024xf32, #tpu.memory_space<vmem>>, vector<1x16xf32>,
        %parallel_loop3A_552 = vector.shape_cast %parallel_loop3A_551 : vector<1x16xf32> to vector<16xf32>
        %parallel_loop3A_553 = arith.constant 22.6274166 : f32
        %parallel_loop3A_554 = vector.broadcast %parallel_loop3A_553 : f32 to vector<16xf32>
        %parallel_loop3A_555 = arith.mulf %parallel_loop3A_552, %parallel_loop3A_554 : vector<16xf32>
        %parallel_loop3A_556 = arith.index_cast %parallel_loop3A_524 : i32 to index
        %parallel_loop3A_557 = arith.constant 32 : index
        %parallel_loop3A_558 = tpu.vector_load %arg11[%parallel_loop3A_556, %parallel_loop3A_557] {strides = array<i32>} : memref<16x1024xf32, #tpu.memory_space<vmem>>, vector<1x16xf32>,
        %parallel_loop3A_559 = vector.shape_cast %parallel_loop3A_558 : vector<1x16xf32> to vector<16xf32>
        %parallel_loop3A_560 = vector.shape_cast %parallel_loop3A_555 : vector<16xf32> to vector<1x16xf32>
        tpu.vector_store %arg11[%parallel_loop3A_556, %parallel_loop3A_557], %parallel_loop3A_560 {add = true, strides = array<i32>} : memref<16x1024xf32, #tpu.memory_space<vmem>>, vector<1x16xf32>,
        %parallel_loop3A_561 = arith.index_cast %parallel_loop3A_524 : i32 to index
        %parallel_loop3A_562 = arith.constant 48 : index
        %parallel_loop3A_563 = tpu.vector_load %arg9[%parallel_loop3A_561, %parallel_loop3A_562] {strides = array<i32>} : memref<16x1024xf32, #tpu.memory_space<vmem>>, vector<1x16xf32>,
        %parallel_loop3A_564 = vector.shape_cast %parallel_loop3A_563 : vector<1x16xf32> to vector<16xf32>
        %parallel_loop3A_565 = arith.constant 22.6274166 : f32
        %parallel_loop3A_566 = vector.broadcast %parallel_loop3A_565 : f32 to vector<16xf32>
        %parallel_loop3A_567 = arith.mulf %parallel_loop3A_564, %parallel_loop3A_566 : vector<16xf32>
        %parallel_loop3A_568 = arith.index_cast %parallel_loop3A_524 : i32 to index
        %parallel_loop3A_569 = arith.constant 48 : index
        %parallel_loop3A_570 = tpu.vector_load %arg11[%parallel_loop3A_568, %parallel_loop3A_569] {strides = array<i32>} : memref<16x1024xf32, #tpu.memory_space<vmem>>, vector<1x16xf32>,
        %parallel_loop3A_571 = vector.shape_cast %parallel_loop3A_570 : vector<1x16xf32> to vector<16xf32>
        %parallel_loop3A_572 = vector.shape_cast %parallel_loop3A_567 : vector<16xf32> to vector<1x16xf32>
        tpu.vector_store %arg11[%parallel_loop3A_568, %parallel_loop3A_569], %parallel_loop3A_572 {add = true, strides = array<i32>} : memref<16x1024xf32, #tpu.memory_space<vmem>>, vector<1x16xf32>,
        %parallel_loop3A_573 = arith.index_cast %parallel_loop3A_524 : i32 to index
        %parallel_loop3A_574 = arith.constant 64 : index
        %parallel_loop3A_575 = tpu.vector_load %arg9[%parallel_loop3A_573, %parallel_loop3A_574] {strides = array<i32>} : memref<16x1024xf32, #tpu.memory_space<vmem>>, vector<1x16xf32>,
        %parallel_loop3A_576 = vector.shape_cast %parallel_loop3A_575 : vector<1x16xf32> to vector<16xf32>
        %parallel_loop3A_577 = arith.constant 22.6274166 : f32
        %parallel_loop3A_578 = vector.broadcast %parallel_loop3A_577 : f32 to vector<16xf32>
        %parallel_loop3A_579 = arith.mulf %parallel_loop3A_576, %parallel_loop3A_578 : vector<16xf32>
        %parallel_loop3A_580 = arith.index_cast %parallel_loop3A_524 : i32 to index
        %parallel_loop3A_581 = arith.constant 64 : index
        %parallel_loop3A_582 = tpu.vector_load %arg11[%parallel_loop3A_580, %parallel_loop3A_581] {strides = array<i32>} : memref<16x1024xf32, #tpu.memory_space<vmem>>, vector<1x16xf32>,
        %parallel_loop3A_583 = vector.shape_cast %parallel_loop3A_582 : vector<1x16xf32> to vector<16xf32>
        %parallel_loop3A_584 = vector.shape_cast %parallel_loop3A_579 : vector<16xf32> to vector<1x16xf32>
        tpu.vector_store %arg11[%parallel_loop3A_580, %parallel_loop3A_581], %parallel_loop3A_584 {add = true, strides = array<i32>} : memref<16x1024xf32, #tpu.memory_space<vmem>>, vector<1x16xf32>,
        %parallel_loop3A_585 = arith.index_cast %parallel_loop3A_524 : i32 to index
        %parallel_loop3A_586 = arith.constant 80 : index
        %parallel_loop3A_587 = tpu.vector_load %arg9[%parallel_loop3A_585, %parallel_loop3A_586] {strides = array<i32>} : memref<16x1024xf32, #tpu.memory_space<vmem>>, vector<1x16xf32>,
        %parallel_loop3A_588 = vector.shape_cast %parallel_loop3A_587 : vector<1x16xf32> to vector<16xf32>
        %parallel_loop3A_589 = arith.constant 22.6274166 : f32
        %parallel_loop3A_590 = vector.broadcast %parallel_loop3A_589 : f32 to vector<16xf32>
        %parallel_loop3A_591 = arith.mulf %parallel_loop3A_588, %parallel_loop3A_590 : vector<16xf32>
        %parallel_loop3A_592 = arith.index_cast %parallel_loop3A_524 : i32 to index
        %parallel_loop3A_593 = arith.constant 80 : index
        %parallel_loop3A_594 = tpu.vector_load %arg11[%parallel_loop3A_592, %parallel_loop3A_593] {strides = array<i32>} : memref<16x1024xf32, #tpu.memory_space<vmem>>, vector<1x16xf32>,
        %parallel_loop3A_595 = vector.shape_cast %parallel_loop3A_594 : vector<1x16xf32> to vector<16xf32>
        %parallel_loop3A_596 = vector.shape_cast %parallel_loop3A_591 : vector<16xf32> to vector<1x16xf32>
        tpu.vector_store %arg11[%parallel_loop3A_592, %parallel_loop3A_593], %parallel_loop3A_596 {add = true, strides = array<i32>} : memref<16x1024xf32, #tpu.memory_space<vmem>>, vector<1x16xf32>,
        %parallel_loop3A_597 = arith.index_cast %parallel_loop3A_524 : i32 to index
        %parallel_loop3A_598 = arith.constant 96 : index
        %parallel_loop3A_599 = tpu.vector_load %arg9[%parallel_loop3A_597, %parallel_loop3A_598] {strides = array<i32>} : memref<16x1024xf32, #tpu.memory_space<vmem>>, vector<1x16xf32>,
        %parallel_loop3A_600 = vector.shape_cast %parallel_loop3A_599 : vector<1x16xf32> to vector<16xf32>
        %parallel_loop3A_601 = arith.constant 22.6274166 : f32
        %parallel_loop3A_602 = vector.broadcast %parallel_loop3A_601 : f32 to vector<16xf32>
        %parallel_loop3A_603 = arith.mulf %parallel_loop3A_600, %parallel_loop3A_602 : vector<16xf32>
        %parallel_loop3A_604 = arith.index_cast %parallel_loop3A_524 : i32 to index
        %parallel_loop3A_605 = arith.constant 96 : index
        %parallel_loop3A_606 = tpu.vector_load %arg11[%parallel_loop3A_604, %parallel_loop3A_605] {strides = array<i32>} : memref<16x1024xf32, #tpu.memory_space<vmem>>, vector<1x16xf32>,
        %parallel_loop3A_607 = vector.shape_cast %parallel_loop3A_606 : vector<1x16xf32> to vector<16xf32>
        %parallel_loop3A_608 = vector.shape_cast %parallel_loop3A_603 : vector<16xf32> to vector<1x16xf32>
        tpu.vector_store %arg11[%parallel_loop3A_604, %parallel_loop3A_605], %parallel_loop3A_608 {add = true, strides = array<i32>} : memref<16x1024xf32, #tpu.memory_space<vmem>>, vector<1x16xf32>,
        %parallel_loop3A_609 = arith.index_cast %parallel_loop3A_524 : i32 to index
        %parallel_loop3A_610 = arith.constant 112 : index
        %parallel_loop3A_611 = tpu.vector_load %arg9[%parallel_loop3A_609, %parallel_loop3A_610] {strides = array<i32>} : memref<16x1024xf32, #tpu.memory_space<vmem>>, vector<1x16xf32>,
        %parallel_loop3A_612 = vector.shape_cast %parallel_loop3A_611 : vector<1x16xf32> to vector<16xf32>
        %parallel_loop3A_613 = arith.constant 22.6274166 : f32
        %parallel_loop3A_614 = vector.broadcast %parallel_loop3A_613 : f32 to vector<16xf32>
        %parallel_loop3A_615 = arith.mulf %parallel_loop3A_612, %parallel_loop3A_614 : vector<16xf32>
        %parallel_loop3A_616 = arith.index_cast %parallel_loop3A_524 : i32 to index
        %parallel_loop3A_617 = arith.constant 112 : index
        %parallel_loop3A_618 = tpu.vector_load %arg11[%parallel_loop3A_616, %parallel_loop3A_617] {strides = array<i32>} : memref<16x1024xf32, #tpu.memory_space<vmem>>, vector<1x16xf32>,
        %parallel_loop3A_619 = vector.shape_cast %parallel_loop3A_618 : vector<1x16xf32> to vector<16xf32>
        %parallel_loop3A_620 = vector.shape_cast %parallel_loop3A_615 : vector<16xf32> to vector<1x16xf32>
        tpu.vector_store %arg11[%parallel_loop3A_616, %parallel_loop3A_617], %parallel_loop3A_620 {add = true, strides = array<i32>} : memref<16x1024xf32, #tpu.memory_space<vmem>>, vector<1x16xf32>,
        %parallel_loop3A_621 = arith.index_cast %parallel_loop3A_524 : i32 to index
        %parallel_loop3A_622 = arith.constant 128 : index
        %parallel_loop3A_623 = tpu.vector_load %arg9[%parallel_loop3A_621, %parallel_loop3A_622] {strides = array<i32>} : memref<16x1024xf32, #tpu.memory_space<vmem>>, vector<1x16xf32>,
        %parallel_loop3A_624 = vector.shape_cast %parallel_loop3A_623 : vector<1x16xf32> to vector<16xf32>
        %parallel_loop3A_625 = arith.constant 22.6274166 : f32
        %parallel_loop3A_626 = vector.broadcast %parallel_loop3A_625 : f32 to vector<16xf32>
        %parallel_loop3A_627 = arith.mulf %parallel_loop3A_624, %parallel_loop3A_626 : vector<16xf32>
        %parallel_loop3A_628 = arith.index_cast %parallel_loop3A_524 : i32 to index
        %parallel_loop3A_629 = arith.constant 128 : index
        %parallel_loop3A_630 = tpu.vector_load %arg11[%parallel_loop3A_628, %parallel_loop3A_629] {strides = array<i32>} : memref<16x1024xf32, #tpu.memory_space<vmem>>, vector<1x16xf32>,
        %parallel_loop3A_631 = vector.shape_cast %parallel_loop3A_630 : vector<1x16xf32> to vector<16xf32>
        %parallel_loop3A_632 = vector.shape_cast %parallel_loop3A_627 : vector<16xf32> to vector<1x16xf32>
        tpu.vector_store %arg11[%parallel_loop3A_628, %parallel_loop3A_629], %parallel_loop3A_632 {add = true, strides = array<i32>} : memref<16x1024xf32, #tpu.memory_space<vmem>>, vector<1x16xf32>,
        %parallel_loop3A_633 = arith.index_cast %parallel_loop3A_524 : i32 to index
        %parallel_loop3A_634 = arith.constant 144 : index
        %parallel_loop3A_635 = tpu.vector_load %arg9[%parallel_loop3A_633, %parallel_loop3A_634] {strides = array<i32>} : memref<16x1024xf32, #tpu.memory_space<vmem>>, vector<1x16xf32>,
        %parallel_loop3A_636 = vector.shape_cast %parallel_loop3A_635 : vector<1x16xf32> to vector<16xf32>
        %parallel_loop3A_637 = arith.constant 22.6274166 : f32
        %parallel_loop3A_638 = vector.broadcast %parallel_loop3A_637 : f32 to vector<16xf32>
        %parallel_loop3A_639 = arith.mulf %parallel_loop3A_636, %parallel_loop3A_638 : vector<16xf32>
        %parallel_loop3A_640 = arith.index_cast %parallel_loop3A_524 : i32 to index
        %parallel_loop3A_641 = arith.constant 144 : index
        %parallel_loop3A_642 = tpu.vector_load %arg11[%parallel_loop3A_640, %parallel_loop3A_641] {strides = array<i32>} : memref<16x1024xf32, #tpu.memory_space<vmem>>, vector<1x16xf32>,
        %parallel_loop3A_643 = vector.shape_cast %parallel_loop3A_642 : vector<1x16xf32> to vector<16xf32>
        %parallel_loop3A_644 = vector.shape_cast %parallel_loop3A_639 : vector<16xf32> to vector<1x16xf32>
        tpu.vector_store %arg11[%parallel_loop3A_640, %parallel_loop3A_641], %parallel_loop3A_644 {add = true, strides = array<i32>} : memref<16x1024xf32, #tpu.memory_space<vmem>>, vector<1x16xf32>,
        %parallel_loop3A_645 = arith.index_cast %parallel_loop3A_524 : i32 to index
        %parallel_loop3A_646 = arith.constant 160 : index
        %parallel_loop3A_647 = tpu.vector_load %arg9[%parallel_loop3A_645, %parallel_loop3A_646] {strides = array<i32>} : memref<16x1024xf32, #tpu.memory_space<vmem>>, vector<1x16xf32>,
        %parallel_loop3A_648 = vector.shape_cast %parallel_loop3A_647 : vector<1x16xf32> to vector<16xf32>
        %parallel_loop3A_649 = arith.constant 22.6274166 : f32
        %parallel_loop3A_650 = vector.broadcast %parallel_loop3A_649 : f32 to vector<16xf32>
        %parallel_loop3A_651 = arith.mulf %parallel_loop3A_648, %parallel_loop3A_650 : vector<16xf32>
        %parallel_loop3A_652 = arith.index_cast %parallel_loop3A_524 : i32 to index
        %parallel_loop3A_653 = arith.constant 160 : index
        %parallel_loop3A_654 = tpu.vector_load %arg11[%parallel_loop3A_652, %parallel_loop3A_653] {strides = array<i32>} : memref<16x1024xf32, #tpu.memory_space<vmem>>, vector<1x16xf32>,
        %parallel_loop3A_655 = vector.shape_cast %parallel_loop3A_654 : vector<1x16xf32> to vector<16xf32>
        %parallel_loop3A_656 = vector.shape_cast %parallel_loop3A_651 : vector<16xf32> to vector<1x16xf32>
        tpu.vector_store %arg11[%parallel_loop3A_652, %parallel_loop3A_653], %parallel_loop3A_656 {add = true, strides = array<i32>} : memref<16x1024xf32, #tpu.memory_space<vmem>>, vector<1x16xf32>,
        %parallel_loop3A_657 = arith.index_cast %parallel_loop3A_524 : i32 to index
        %parallel_loop3A_658 = arith.constant 176 : index
        %parallel_loop3A_659 = tpu.vector_load %arg9[%parallel_loop3A_657, %parallel_loop3A_658] {strides = array<i32>} : memref<16x1024xf32, #tpu.memory_space<vmem>>, vector<1x16xf32>,
        %parallel_loop3A_660 = vector.shape_cast %parallel_loop3A_659 : vector<1x16xf32> to vector<16xf32>
        %parallel_loop3A_661 = arith.constant 22.6274166 : f32
        %parallel_loop3A_662 = vector.broadcast %parallel_loop3A_661 : f32 to vector<16xf32>
        %parallel_loop3A_663 = arith.mulf %parallel_loop3A_660, %parallel_loop3A_662 : vector<16xf32>
        %parallel_loop3A_664 = arith.index_cast %parallel_loop3A_524 : i32 to index
        %parallel_loop3A_665 = arith.constant 176 : index
        %parallel_loop3A_666 = tpu.vector_load %arg11[%parallel_loop3A_664, %parallel_loop3A_665] {strides = array<i32>} : memref<16x1024xf32, #tpu.memory_space<vmem>>, vector<1x16xf32>,
        %parallel_loop3A_667 = vector.shape_cast %parallel_loop3A_666 : vector<1x16xf32> to vector<16xf32>
        %parallel_loop3A_668 = vector.shape_cast %parallel_loop3A_663 : vector<16xf32> to vector<1x16xf32>
        tpu.vector_store %arg11[%parallel_loop3A_664, %parallel_loop3A_665], %parallel_loop3A_668 {add = true, strides = array<i32>} : memref<16x1024xf32, #tpu.memory_space<vmem>>, vector<1x16xf32>,
        %parallel_loop3A_669 = arith.index_cast %parallel_loop3A_524 : i32 to index
        %parallel_loop3A_670 = arith.constant 192 : index
        %parallel_loop3A_671 = tpu.vector_load %arg9[%parallel_loop3A_669, %parallel_loop3A_670] {strides = array<i32>} : memref<16x1024xf32, #tpu.memory_space<vmem>>, vector<1x16xf32>,
        %parallel_loop3A_672 = vector.shape_cast %parallel_loop3A_671 : vector<1x16xf32> to vector<16xf32>
        %parallel_loop3A_673 = arith.constant 22.6274166 : f32
        %parallel_loop3A_674 = vector.broadcast %parallel_loop3A_673 : f32 to vector<16xf32>
        %parallel_loop3A_675 = arith.mulf %parallel_loop3A_672, %parallel_loop3A_674 : vector<16xf32>
        %parallel_loop3A_676 = arith.index_cast %parallel_loop3A_524 : i32 to index
        %parallel_loop3A_677 = arith.constant 192 : index
        %parallel_loop3A_678 = tpu.vector_load %arg11[%parallel_loop3A_676, %parallel_loop3A_677] {strides = array<i32>} : memref<16x1024xf32, #tpu.memory_space<vmem>>, vector<1x16xf32>,
        %parallel_loop3A_679 = vector.shape_cast %parallel_loop3A_678 : vector<1x16xf32> to vector<16xf32>
        %parallel_loop3A_680 = vector.shape_cast %parallel_loop3A_675 : vector<16xf32> to vector<1x16xf32>
        tpu.vector_store %arg11[%parallel_loop3A_676, %parallel_loop3A_677], %parallel_loop3A_680 {add = true, strides = array<i32>} : memref<16x1024xf32, #tpu.memory_space<vmem>>, vector<1x16xf32>,
        %parallel_loop3A_681 = arith.index_cast %parallel_loop3A_524 : i32 to index
        %parallel_loop3A_682 = arith.constant 208 : index
        %parallel_loop3A_683 = tpu.vector_load %arg9[%parallel_loop3A_681, %parallel_loop3A_682] {strides = array<i32>} : memref<16x1024xf32, #tpu.memory_space<vmem>>, vector<1x16xf32>,
        %parallel_loop3A_684 = vector.shape_cast %parallel_loop3A_683 : vector<1x16xf32> to vector<16xf32>
        %parallel_loop3A_685 = arith.constant 22.6274166 : f32
        %parallel_loop3A_686 = vector.broadcast %parallel_loop3A_685 : f32 to vector<16xf32>
        %parallel_loop3A_687 = arith.mulf %parallel_loop3A_684, %parallel_loop3A_686 : vector<16xf32>
        %parallel_loop3A_688 = arith.index_cast %parallel_loop3A_524 : i32 to index
        %parallel_loop3A_689 = arith.constant 208 : index
        %parallel_loop3A_690 = tpu.vector_load %arg11[%parallel_loop3A_688, %parallel_loop3A_689] {strides = array<i32>} : memref<16x1024xf32, #tpu.memory_space<vmem>>, vector<1x16xf32>,
        %parallel_loop3A_691 = vector.shape_cast %parallel_loop3A_690 : vector<1x16xf32> to vector<16xf32>
        %parallel_loop3A_692 = vector.shape_cast %parallel_loop3A_687 : vector<16xf32> to vector<1x16xf32>
        tpu.vector_store %arg11[%parallel_loop3A_688, %parallel_loop3A_689], %parallel_loop3A_692 {add = true, strides = array<i32>} : memref<16x1024xf32, #tpu.memory_space<vmem>>, vector<1x16xf32>,
        %parallel_loop3A_693 = arith.index_cast %parallel_loop3A_524 : i32 to index
        %parallel_loop3A_694 = arith.constant 224 : index
        %parallel_loop3A_695 = tpu.vector_load %arg9[%parallel_loop3A_693, %parallel_loop3A_694] {strides = array<i32>} : memref<16x1024xf32, #tpu.memory_space<vmem>>, vector<1x16xf32>,
        %parallel_loop3A_696 = vector.shape_cast %parallel_loop3A_695 : vector<1x16xf32> to vector<16xf32>
        %parallel_loop3A_697 = arith.constant 22.6274166 : f32
        %parallel_loop3A_698 = vector.broadcast %parallel_loop3A_697 : f32 to vector<16xf32>
        %parallel_loop3A_699 = arith.mulf %parallel_loop3A_696, %parallel_loop3A_698 : vector<16xf32>
        %parallel_loop3A_700 = arith.index_cast %parallel_loop3A_524 : i32 to index
        %parallel_loop3A_701 = arith.constant 224 : index
        %parallel_loop3A_702 = tpu.vector_load %arg11[%parallel_loop3A_700, %parallel_loop3A_701] {strides = array<i32>} : memref<16x1024xf32, #tpu.memory_space<vmem>>, vector<1x16xf32>,
        %parallel_loop3A_703 = vector.shape_cast %parallel_loop3A_702 : vector<1x16xf32> to vector<16xf32>
        %parallel_loop3A_704 = vector.shape_cast %parallel_loop3A_699 : vector<16xf32> to vector<1x16xf32>
        tpu.vector_store %arg11[%parallel_loop3A_700, %parallel_loop3A_701], %parallel_loop3A_704 {add = true, strides = array<i32>} : memref<16x1024xf32, #tpu.memory_space<vmem>>, vector<1x16xf32>,
        %parallel_loop3A_705 = arith.index_cast %parallel_loop3A_524 : i32 to index
        %parallel_loop3A_706 = arith.constant 240 : index
        %parallel_loop3A_707 = tpu.vector_load %arg9[%parallel_loop3A_705, %parallel_loop3A_706] {strides = array<i32>} : memref<16x1024xf32, #tpu.memory_space<vmem>>, vector<1x16xf32>,
        %parallel_loop3A_708 = vector.shape_cast %parallel_loop3A_707 : vector<1x16xf32> to vector<16xf32>
        %parallel_loop3A_709 = arith.constant 22.6274166 : f32
        %parallel_loop3A_710 = vector.broadcast %parallel_loop3A_709 : f32 to vector<16xf32>
        %parallel_loop3A_711 = arith.mulf %parallel_loop3A_708, %parallel_loop3A_710 : vector<16xf32>
        %parallel_loop3A_712 = arith.index_cast %parallel_loop3A_524 : i32 to index
        %parallel_loop3A_713 = arith.constant 240 : index
        %parallel_loop3A_714 = tpu.vector_load %arg11[%parallel_loop3A_712, %parallel_loop3A_713] {strides = array<i32>} : memref<16x1024xf32, #tpu.memory_space<vmem>>, vector<1x16xf32>,
        %parallel_loop3A_715 = vector.shape_cast %parallel_loop3A_714 : vector<1x16xf32> to vector<16xf32>
        %parallel_loop3A_716 = vector.shape_cast %parallel_loop3A_711 : vector<16xf32> to vector<1x16xf32>
        tpu.vector_store %arg11[%parallel_loop3A_712, %parallel_loop3A_713], %parallel_loop3A_716 {add = true, strides = array<i32>} : memref<16x1024xf32, #tpu.memory_space<vmem>>, vector<1x16xf32>,
        %parallel_loop3A_717 = arith.index_cast %parallel_loop3A_524 : i32 to index
        %parallel_loop3A_718 = arith.constant 256 : index
        %parallel_loop3A_719 = tpu.vector_load %arg9[%parallel_loop3A_717, %parallel_loop3A_718] {strides = array<i32>} : memref<16x1024xf32, #tpu.memory_space<vmem>>, vector<1x16xf32>,
        %parallel_loop3A_720 = vector.shape_cast %parallel_loop3A_719 : vector<1x16xf32> to vector<16xf32>
        %parallel_loop3A_721 = arith.constant 22.6274166 : f32
        %parallel_loop3A_722 = vector.broadcast %parallel_loop3A_721 : f32 to vector<16xf32>
        %parallel_loop3A_723 = arith.mulf %parallel_loop3A_720, %parallel_loop3A_722 : vector<16xf32>
        %parallel_loop3A_724 = arith.index_cast %parallel_loop3A_524 : i32 to index
        %parallel_loop3A_725 = arith.constant 256 : index
        %parallel_loop3A_726 = tpu.vector_load %arg11[%parallel_loop3A_724, %parallel_loop3A_725] {strides = array<i32>} : memref<16x1024xf32, #tpu.memory_space<vmem>>, vector<1x16xf32>,
        %parallel_loop3A_727 = vector.shape_cast %parallel_loop3A_726 : vector<1x16xf32> to vector<16xf32>
        %parallel_loop3A_728 = vector.shape_cast %parallel_loop3A_723 : vector<16xf32> to vector<1x16xf32>
        tpu.vector_store %arg11[%parallel_loop3A_724, %parallel_loop3A_725], %parallel_loop3A_728 {add = true, strides = array<i32>} : memref<16x1024xf32, #tpu.memory_space<vmem>>, vector<1x16xf32>,
        %parallel_loop3A_729 = arith.index_cast %parallel_loop3A_524 : i32 to index
        %parallel_loop3A_730 = arith.constant 272 : index
        %parallel_loop3A_731 = tpu.vector_load %arg9[%parallel_loop3A_729, %parallel_loop3A_730] {strides = array<i32>} : memref<16x1024xf32, #tpu.memory_space<vmem>>, vector<1x16xf32>,
        %parallel_loop3A_732 = vector.shape_cast %parallel_loop3A_731 : vector<1x16xf32> to vector<16xf32>
        %parallel_loop3A_733 = arith.constant 22.6274166 : f32
        %parallel_loop3A_734 = vector.broadcast %parallel_loop3A_733 : f32 to vector<16xf32>
        %parallel_loop3A_735 = arith.mulf %parallel_loop3A_732, %parallel_loop3A_734 : vector<16xf32>
        %parallel_loop3A_736 = arith.index_cast %parallel_loop3A_524 : i32 to index
        %parallel_loop3A_737 = arith.constant 272 : index
        %parallel_loop3A_738 = tpu.vector_load %arg11[%parallel_loop3A_736, %parallel_loop3A_737] {strides = array<i32>} : memref<16x1024xf32, #tpu.memory_space<vmem>>, vector<1x16xf32>,
        %parallel_loop3A_739 = vector.shape_cast %parallel_loop3A_738 : vector<1x16xf32> to vector<16xf32>
        %parallel_loop3A_740 = vector.shape_cast %parallel_loop3A_735 : vector<16xf32> to vector<1x16xf32>
        tpu.vector_store %arg11[%parallel_loop3A_736, %parallel_loop3A_737], %parallel_loop3A_740 {add = true, strides = array<i32>} : memref<16x1024xf32, #tpu.memory_space<vmem>>, vector<1x16xf32>,
        %parallel_loop3A_741 = arith.index_cast %parallel_loop3A_524 : i32 to index
        %parallel_loop3A_742 = arith.constant 288 : index
        %parallel_loop3A_743 = tpu.vector_load %arg9[%parallel_loop3A_741, %parallel_loop3A_742] {strides = array<i32>} : memref<16x1024xf32, #tpu.memory_space<vmem>>, vector<1x16xf32>,
        %parallel_loop3A_744 = vector.shape_cast %parallel_loop3A_743 : vector<1x16xf32> to vector<16xf32>
        %parallel_loop3A_745 = arith.constant 22.6274166 : f32
        %parallel_loop3A_746 = vector.broadcast %parallel_loop3A_745 : f32 to vector<16xf32>
        %parallel_loop3A_747 = arith.mulf %parallel_loop3A_744, %parallel_loop3A_746 : vector<16xf32>
        %parallel_loop3A_748 = arith.index_cast %parallel_loop3A_524 : i32 to index
        %parallel_loop3A_749 = arith.constant 288 : index
        %parallel_loop3A_750 = tpu.vector_load %arg11[%parallel_loop3A_748, %parallel_loop3A_749] {strides = array<i32>} : memref<16x1024xf32, #tpu.memory_space<vmem>>, vector<1x16xf32>,
        %parallel_loop3A_751 = vector.shape_cast %parallel_loop3A_750 : vector<1x16xf32> to vector<16xf32>
        %parallel_loop3A_752 = vector.shape_cast %parallel_loop3A_747 : vector<16xf32> to vector<1x16xf32>
        tpu.vector_store %arg11[%parallel_loop3A_748, %parallel_loop3A_749], %parallel_loop3A_752 {add = true, strides = array<i32>} : memref<16x1024xf32, #tpu.memory_space<vmem>>, vector<1x16xf32>,
        %parallel_loop3A_753 = arith.index_cast %parallel_loop3A_524 : i32 to index
        %parallel_loop3A_754 = arith.constant 304 : index
        %parallel_loop3A_755 = tpu.vector_load %arg9[%parallel_loop3A_753, %parallel_loop3A_754] {strides = array<i32>} : memref<16x1024xf32, #tpu.memory_space<vmem>>, vector<1x16xf32>,
        %parallel_loop3A_756 = vector.shape_cast %parallel_loop3A_755 : vector<1x16xf32> to vector<16xf32>
        %parallel_loop3A_757 = arith.constant 22.6274166 : f32
        %parallel_loop3A_758 = vector.broadcast %parallel_loop3A_757 : f32 to vector<16xf32>
        %parallel_loop3A_759 = arith.mulf %parallel_loop3A_756, %parallel_loop3A_758 : vector<16xf32>
        %parallel_loop3A_760 = arith.index_cast %parallel_loop3A_524 : i32 to index
        %parallel_loop3A_761 = arith.constant 304 : index
        %parallel_loop3A_762 = tpu.vector_load %arg11[%parallel_loop3A_760, %parallel_loop3A_761] {strides = array<i32>} : memref<16x1024xf32, #tpu.memory_space<vmem>>, vector<1x16xf32>,
        %parallel_loop3A_763 = vector.shape_cast %parallel_loop3A_762 : vector<1x16xf32> to vector<16xf32>
        %parallel_loop3A_764 = vector.shape_cast %parallel_loop3A_759 : vector<16xf32> to vector<1x16xf32>
        tpu.vector_store %arg11[%parallel_loop3A_760, %parallel_loop3A_761], %parallel_loop3A_764 {add = true, strides = array<i32>} : memref<16x1024xf32, #tpu.memory_space<vmem>>, vector<1x16xf32>,
        %parallel_loop3A_765 = arith.index_cast %parallel_loop3A_524 : i32 to index
        %parallel_loop3A_766 = arith.constant 320 : index
        %parallel_loop3A_767 = tpu.vector_load %arg9[%parallel_loop3A_765, %parallel_loop3A_766] {strides = array<i32>} : memref<16x1024xf32, #tpu.memory_space<vmem>>, vector<1x16xf32>,
        %parallel_loop3A_768 = vector.shape_cast %parallel_loop3A_767 : vector<1x16xf32> to vector<16xf32>
        %parallel_loop3A_769 = arith.constant 22.6274166 : f32
        %parallel_loop3A_770 = vector.broadcast %parallel_loop3A_769 : f32 to vector<16xf32>
        %parallel_loop3A_771 = arith.mulf %parallel_loop3A_768, %parallel_loop3A_770 : vector<16xf32>
        %parallel_loop3A_772 = arith.index_cast %parallel_loop3A_524 : i32 to index
        %parallel_loop3A_773 = arith.constant 320 : index
        %parallel_loop3A_774 = tpu.vector_load %arg11[%parallel_loop3A_772, %parallel_loop3A_773] {strides = array<i32>} : memref<16x1024xf32, #tpu.memory_space<vmem>>, vector<1x16xf32>,
        %parallel_loop3A_775 = vector.shape_cast %parallel_loop3A_774 : vector<1x16xf32> to vector<16xf32>
        %parallel_loop3A_776 = vector.shape_cast %parallel_loop3A_771 : vector<16xf32> to vector<1x16xf32>
        tpu.vector_store %arg11[%parallel_loop3A_772, %parallel_loop3A_773], %parallel_loop3A_776 {add = true, strides = array<i32>} : memref<16x1024xf32, #tpu.memory_space<vmem>>, vector<1x16xf32>,
        %parallel_loop3A_777 = arith.index_cast %parallel_loop3A_524 : i32 to index
        %parallel_loop3A_778 = arith.constant 336 : index
        %parallel_loop3A_779 = tpu.vector_load %arg9[%parallel_loop3A_777, %parallel_loop3A_778] {strides = array<i32>} : memref<16x1024xf32, #tpu.memory_space<vmem>>, vector<1x16xf32>,
        %parallel_loop3A_780 = vector.shape_cast %parallel_loop3A_779 : vector<1x16xf32> to vector<16xf32>
        %parallel_loop3A_781 = arith.constant 22.6274166 : f32
        %parallel_loop3A_782 = vector.broadcast %parallel_loop3A_781 : f32 to vector<16xf32>
        %parallel_loop3A_783 = arith.mulf %parallel_loop3A_780, %parallel_loop3A_782 : vector<16xf32>
        %parallel_loop3A_784 = arith.index_cast %parallel_loop3A_524 : i32 to index
        %parallel_loop3A_785 = arith.constant 336 : index
        %parallel_loop3A_786 = tpu.vector_load %arg11[%parallel_loop3A_784, %parallel_loop3A_785] {strides = array<i32>} : memref<16x1024xf32, #tpu.memory_space<vmem>>, vector<1x16xf32>,
        %parallel_loop3A_787 = vector.shape_cast %parallel_loop3A_786 : vector<1x16xf32> to vector<16xf32>
        %parallel_loop3A_788 = vector.shape_cast %parallel_loop3A_783 : vector<16xf32> to vector<1x16xf32>
        tpu.vector_store %arg11[%parallel_loop3A_784, %parallel_loop3A_785], %parallel_loop3A_788 {add = true, strides = array<i32>} : memref<16x1024xf32, #tpu.memory_space<vmem>>, vector<1x16xf32>,
        %parallel_loop3A_789 = arith.index_cast %parallel_loop3A_524 : i32 to index
        %parallel_loop3A_790 = arith.constant 352 : index
        %parallel_loop3A_791 = tpu.vector_load %arg9[%parallel_loop3A_789, %parallel_loop3A_790] {strides = array<i32>} : memref<16x1024xf32, #tpu.memory_space<vmem>>, vector<1x16xf32>,
        %parallel_loop3A_792 = vector.shape_cast %parallel_loop3A_791 : vector<1x16xf32> to vector<16xf32>
        %parallel_loop3A_793 = arith.constant 22.6274166 : f32
        %parallel_loop3A_794 = vector.broadcast %parallel_loop3A_793 : f32 to vector<16xf32>
        %parallel_loop3A_795 = arith.mulf %parallel_loop3A_792, %parallel_loop3A_794 : vector<16xf32>
        %parallel_loop3A_796 = arith.index_cast %parallel_loop3A_524 : i32 to index
        %parallel_loop3A_797 = arith.constant 352 : index
        %parallel_loop3A_798 = tpu.vector_load %arg11[%parallel_loop3A_796, %parallel_loop3A_797] {strides = array<i32>} : memref<16x1024xf32, #tpu.memory_space<vmem>>, vector<1x16xf32>,
        %parallel_loop3A_799 = vector.shape_cast %parallel_loop3A_798 : vector<1x16xf32> to vector<16xf32>
        %parallel_loop3A_800 = vector.shape_cast %parallel_loop3A_795 : vector<16xf32> to vector<1x16xf32>
        tpu.vector_store %arg11[%parallel_loop3A_796, %parallel_loop3A_797], %parallel_loop3A_800 {add = true, strides = array<i32>} : memref<16x1024xf32, #tpu.memory_space<vmem>>, vector<1x16xf32>,
        %parallel_loop3A_801 = arith.index_cast %parallel_loop3A_524 : i32 to index
        %parallel_loop3A_802 = arith.constant 368 : index
        %parallel_loop3A_803 = tpu.vector_load %arg9[%parallel_loop3A_801, %parallel_loop3A_802] {strides = array<i32>} : memref<16x1024xf32, #tpu.memory_space<vmem>>, vector<1x16xf32>,
        %parallel_loop3A_804 = vector.shape_cast %parallel_loop3A_803 : vector<1x16xf32> to vector<16xf32>
        %parallel_loop3A_805 = arith.constant 22.6274166 : f32
        %parallel_loop3A_806 = vector.broadcast %parallel_loop3A_805 : f32 to vector<16xf32>
        %parallel_loop3A_807 = arith.mulf %parallel_loop3A_804, %parallel_loop3A_806 : vector<16xf32>
        %parallel_loop3A_808 = arith.index_cast %parallel_loop3A_524 : i32 to index
        %parallel_loop3A_809 = arith.constant 368 : index
        %parallel_loop3A_810 = tpu.vector_load %arg11[%parallel_loop3A_808, %parallel_loop3A_809] {strides = array<i32>} : memref<16x1024xf32, #tpu.memory_space<vmem>>, vector<1x16xf32>,
        %parallel_loop3A_811 = vector.shape_cast %parallel_loop3A_810 : vector<1x16xf32> to vector<16xf32>
        %parallel_loop3A_812 = vector.shape_cast %parallel_loop3A_807 : vector<16xf32> to vector<1x16xf32>
        tpu.vector_store %arg11[%parallel_loop3A_808, %parallel_loop3A_809], %parallel_loop3A_812 {add = true, strides = array<i32>} : memref<16x1024xf32, #tpu.memory_space<vmem>>, vector<1x16xf32>,
        %parallel_loop3A_813 = arith.index_cast %parallel_loop3A_524 : i32 to index
        %parallel_loop3A_814 = arith.constant 384 : index
        %parallel_loop3A_815 = tpu.vector_load %arg9[%parallel_loop3A_813, %parallel_loop3A_814] {strides = array<i32>} : memref<16x1024xf32, #tpu.memory_space<vmem>>, vector<1x16xf32>,
        %parallel_loop3A_816 = vector.shape_cast %parallel_loop3A_815 : vector<1x16xf32> to vector<16xf32>
        %parallel_loop3A_817 = arith.constant 22.6274166 : f32
        %parallel_loop3A_818 = vector.broadcast %parallel_loop3A_817 : f32 to vector<16xf32>
        %parallel_loop3A_819 = arith.mulf %parallel_loop3A_816, %parallel_loop3A_818 : vector<16xf32>
        %parallel_loop3A_820 = arith.index_cast %parallel_loop3A_524 : i32 to index
        %parallel_loop3A_821 = arith.constant 384 : index
        %parallel_loop3A_822 = tpu.vector_load %arg11[%parallel_loop3A_820, %parallel_loop3A_821] {strides = array<i32>} : memref<16x1024xf32, #tpu.memory_space<vmem>>, vector<1x16xf32>,
        %parallel_loop3A_823 = vector.shape_cast %parallel_loop3A_822 : vector<1x16xf32> to vector<16xf32>
        %parallel_loop3A_824 = vector.shape_cast %parallel_loop3A_819 : vector<16xf32> to vector<1x16xf32>
        tpu.vector_store %arg11[%parallel_loop3A_820, %parallel_loop3A_821], %parallel_loop3A_824 {add = true, strides = array<i32>} : memref<16x1024xf32, #tpu.memory_space<vmem>>, vector<1x16xf32>,
        %parallel_loop3A_825 = arith.index_cast %parallel_loop3A_524 : i32 to index
        %parallel_loop3A_826 = arith.constant 400 : index
        %parallel_loop3A_827 = tpu.vector_load %arg9[%parallel_loop3A_825, %parallel_loop3A_826] {strides = array<i32>} : memref<16x1024xf32, #tpu.memory_space<vmem>>, vector<1x16xf32>,
        %parallel_loop3A_828 = vector.shape_cast %parallel_loop3A_827 : vector<1x16xf32> to vector<16xf32>
        %parallel_loop3A_829 = arith.constant 22.6274166 : f32
        %parallel_loop3A_830 = vector.broadcast %parallel_loop3A_829 : f32 to vector<16xf32>
        %parallel_loop3A_831 = arith.mulf %parallel_loop3A_828, %parallel_loop3A_830 : vector<16xf32>
        %parallel_loop3A_832 = arith.index_cast %parallel_loop3A_524 : i32 to index
        %parallel_loop3A_833 = arith.constant 400 : index
        %parallel_loop3A_834 = tpu.vector_load %arg11[%parallel_loop3A_832, %parallel_loop3A_833] {strides = array<i32>} : memref<16x1024xf32, #tpu.memory_space<vmem>>, vector<1x16xf32>,
        %parallel_loop3A_835 = vector.shape_cast %parallel_loop3A_834 : vector<1x16xf32> to vector<16xf32>
        %parallel_loop3A_836 = vector.shape_cast %parallel_loop3A_831 : vector<16xf32> to vector<1x16xf32>
        tpu.vector_store %arg11[%parallel_loop3A_832, %parallel_loop3A_833], %parallel_loop3A_836 {add = true, strides = array<i32>} : memref<16x1024xf32, #tpu.memory_space<vmem>>, vector<1x16xf32>,
        %parallel_loop3A_837 = arith.index_cast %parallel_loop3A_524 : i32 to index
        %parallel_loop3A_838 = arith.constant 416 : index
        %parallel_loop3A_839 = tpu.vector_load %arg9[%parallel_loop3A_837, %parallel_loop3A_838] {strides = array<i32>} : memref<16x1024xf32, #tpu.memory_space<vmem>>, vector<1x16xf32>,
        %parallel_loop3A_840 = vector.shape_cast %parallel_loop3A_839 : vector<1x16xf32> to vector<16xf32>
        %parallel_loop3A_841 = arith.constant 22.6274166 : f32
        %parallel_loop3A_842 = vector.broadcast %parallel_loop3A_841 : f32 to vector<16xf32>
        %parallel_loop3A_843 = arith.mulf %parallel_loop3A_840, %parallel_loop3A_842 : vector<16xf32>
        %parallel_loop3A_844 = arith.index_cast %parallel_loop3A_524 : i32 to index
        %parallel_loop3A_845 = arith.constant 416 : index
        %parallel_loop3A_846 = tpu.vector_load %arg11[%parallel_loop3A_844, %parallel_loop3A_845] {strides = array<i32>} : memref<16x1024xf32, #tpu.memory_space<vmem>>, vector<1x16xf32>,
        %parallel_loop3A_847 = vector.shape_cast %parallel_loop3A_846 : vector<1x16xf32> to vector<16xf32>
        %parallel_loop3A_848 = vector.shape_cast %parallel_loop3A_843 : vector<16xf32> to vector<1x16xf32>
        tpu.vector_store %arg11[%parallel_loop3A_844, %parallel_loop3A_845], %parallel_loop3A_848 {add = true, strides = array<i32>} : memref<16x1024xf32, #tpu.memory_space<vmem>>, vector<1x16xf32>,
        %parallel_loop3A_849 = arith.index_cast %parallel_loop3A_524 : i32 to index
        %parallel_loop3A_850 = arith.constant 432 : index
        %parallel_loop3A_851 = tpu.vector_load %arg9[%parallel_loop3A_849, %parallel_loop3A_850] {strides = array<i32>} : memref<16x1024xf32, #tpu.memory_space<vmem>>, vector<1x16xf32>,
        %parallel_loop3A_852 = vector.shape_cast %parallel_loop3A_851 : vector<1x16xf32> to vector<16xf32>
        %parallel_loop3A_853 = arith.constant 22.6274166 : f32
        %parallel_loop3A_854 = vector.broadcast %parallel_loop3A_853 : f32 to vector<16xf32>
        %parallel_loop3A_855 = arith.mulf %parallel_loop3A_852, %parallel_loop3A_854 : vector<16xf32>
        %parallel_loop3A_856 = arith.index_cast %parallel_loop3A_524 : i32 to index
        %parallel_loop3A_857 = arith.constant 432 : index
        %parallel_loop3A_858 = tpu.vector_load %arg11[%parallel_loop3A_856, %parallel_loop3A_857] {strides = array<i32>} : memref<16x1024xf32, #tpu.memory_space<vmem>>, vector<1x16xf32>,
        %parallel_loop3A_859 = vector.shape_cast %parallel_loop3A_858 : vector<1x16xf32> to vector<16xf32>
        %parallel_loop3A_860 = vector.shape_cast %parallel_loop3A_855 : vector<16xf32> to vector<1x16xf32>
        tpu.vector_store %arg11[%parallel_loop3A_856, %parallel_loop3A_857], %parallel_loop3A_860 {add = true, strides = array<i32>} : memref<16x1024xf32, #tpu.memory_space<vmem>>, vector<1x16xf32>,
        %parallel_loop3A_861 = arith.index_cast %parallel_loop3A_524 : i32 to index
        %parallel_loop3A_862 = arith.constant 448 : index
        %parallel_loop3A_863 = tpu.vector_load %arg9[%parallel_loop3A_861, %parallel_loop3A_862] {strides = array<i32>} : memref<16x1024xf32, #tpu.memory_space<vmem>>, vector<1x16xf32>,
        %parallel_loop3A_864 = vector.shape_cast %parallel_loop3A_863 : vector<1x16xf32> to vector<16xf32>
        %parallel_loop3A_865 = arith.constant 22.6274166 : f32
        %parallel_loop3A_866 = vector.broadcast %parallel_loop3A_865 : f32 to vector<16xf32>
        %parallel_loop3A_867 = arith.mulf %parallel_loop3A_864, %parallel_loop3A_866 : vector<16xf32>
        %parallel_loop3A_868 = arith.index_cast %parallel_loop3A_524 : i32 to index
        %parallel_loop3A_869 = arith.constant 448 : index
        %parallel_loop3A_870 = tpu.vector_load %arg11[%parallel_loop3A_868, %parallel_loop3A_869] {strides = array<i32>} : memref<16x1024xf32, #tpu.memory_space<vmem>>, vector<1x16xf32>,
        %parallel_loop3A_871 = vector.shape_cast %parallel_loop3A_870 : vector<1x16xf32> to vector<16xf32>
        %parallel_loop3A_872 = vector.shape_cast %parallel_loop3A_867 : vector<16xf32> to vector<1x16xf32>
        tpu.vector_store %arg11[%parallel_loop3A_868, %parallel_loop3A_869], %parallel_loop3A_872 {add = true, strides = array<i32>} : memref<16x1024xf32, #tpu.memory_space<vmem>>, vector<1x16xf32>,
        %parallel_loop3A_873 = arith.index_cast %parallel_loop3A_524 : i32 to index
        %parallel_loop3A_874 = arith.constant 464 : index
        %parallel_loop3A_875 = tpu.vector_load %arg9[%parallel_loop3A_873, %parallel_loop3A_874] {strides = array<i32>} : memref<16x1024xf32, #tpu.memory_space<vmem>>, vector<1x16xf32>,
        %parallel_loop3A_876 = vector.shape_cast %parallel_loop3A_875 : vector<1x16xf32> to vector<16xf32>
        %parallel_loop3A_877 = arith.constant 22.6274166 : f32
        %parallel_loop3A_878 = vector.broadcast %parallel_loop3A_877 : f32 to vector<16xf32>
        %parallel_loop3A_879 = arith.mulf %parallel_loop3A_876, %parallel_loop3A_878 : vector<16xf32>
        %parallel_loop3A_880 = arith.index_cast %parallel_loop3A_524 : i32 to index
        %parallel_loop3A_881 = arith.constant 464 : index
        %parallel_loop3A_882 = tpu.vector_load %arg11[%parallel_loop3A_880, %parallel_loop3A_881] {strides = array<i32>} : memref<16x1024xf32, #tpu.memory_space<vmem>>, vector<1x16xf32>,
        %parallel_loop3A_883 = vector.shape_cast %parallel_loop3A_882 : vector<1x16xf32> to vector<16xf32>
        %parallel_loop3A_884 = vector.shape_cast %parallel_loop3A_879 : vector<16xf32> to vector<1x16xf32>
        tpu.vector_store %arg11[%parallel_loop3A_880, %parallel_loop3A_881], %parallel_loop3A_884 {add = true, strides = array<i32>} : memref<16x1024xf32, #tpu.memory_space<vmem>>, vector<1x16xf32>,
        %parallel_loop3A_885 = arith.index_cast %parallel_loop3A_524 : i32 to index
        %parallel_loop3A_886 = arith.constant 480 : index
        %parallel_loop3A_887 = tpu.vector_load %arg9[%parallel_loop3A_885, %parallel_loop3A_886] {strides = array<i32>} : memref<16x1024xf32, #tpu.memory_space<vmem>>, vector<1x16xf32>,
        %parallel_loop3A_888 = vector.shape_cast %parallel_loop3A_887 : vector<1x16xf32> to vector<16xf32>
        %parallel_loop3A_889 = arith.constant 22.6274166 : f32
        %parallel_loop3A_890 = vector.broadcast %parallel_loop3A_889 : f32 to vector<16xf32>
        %parallel_loop3A_891 = arith.mulf %parallel_loop3A_888, %parallel_loop3A_890 : vector<16xf32>
        %parallel_loop3A_892 = arith.index_cast %parallel_loop3A_524 : i32 to index
        %parallel_loop3A_893 = arith.constant 480 : index
        %parallel_loop3A_894 = tpu.vector_load %arg11[%parallel_loop3A_892, %parallel_loop3A_893] {strides = array<i32>} : memref<16x1024xf32, #tpu.memory_space<vmem>>, vector<1x16xf32>,
        %parallel_loop3A_895 = vector.shape_cast %parallel_loop3A_894 : vector<1x16xf32> to vector<16xf32>
        %parallel_loop3A_896 = vector.shape_cast %parallel_loop3A_891 : vector<16xf32> to vector<1x16xf32>
        tpu.vector_store %arg11[%parallel_loop3A_892, %parallel_loop3A_893], %parallel_loop3A_896 {add = true, strides = array<i32>} : memref<16x1024xf32, #tpu.memory_space<vmem>>, vector<1x16xf32>,
        %parallel_loop3A_897 = arith.index_cast %parallel_loop3A_524 : i32 to index
        %parallel_loop3A_898 = arith.constant 496 : index
        %parallel_loop3A_899 = tpu.vector_load %arg9[%parallel_loop3A_897, %parallel_loop3A_898] {strides = array<i32>} : memref<16x1024xf32, #tpu.memory_space<vmem>>, vector<1x16xf32>,
        %parallel_loop3A_900 = vector.shape_cast %parallel_loop3A_899 : vector<1x16xf32> to vector<16xf32>
        %parallel_loop3A_901 = arith.constant 22.6274166 : f32
        %parallel_loop3A_902 = vector.broadcast %parallel_loop3A_901 : f32 to vector<16xf32>
        %parallel_loop3A_903 = arith.mulf %parallel_loop3A_900, %parallel_loop3A_902 : vector<16xf32>
        %parallel_loop3A_904 = arith.index_cast %parallel_loop3A_524 : i32 to index
        %parallel_loop3A_905 = arith.constant 496 : index
        %parallel_loop3A_906 = tpu.vector_load %arg11[%parallel_loop3A_904, %parallel_loop3A_905] {strides = array<i32>} : memref<16x1024xf32, #tpu.memory_space<vmem>>, vector<1x16xf32>,
        %parallel_loop3A_907 = vector.shape_cast %parallel_loop3A_906 : vector<1x16xf32> to vector<16xf32>
        %parallel_loop3A_908 = vector.shape_cast %parallel_loop3A_903 : vector<16xf32> to vector<1x16xf32>
        tpu.vector_store %arg11[%parallel_loop3A_904, %parallel_loop3A_905], %parallel_loop3A_908 {add = true, strides = array<i32>} : memref<16x1024xf32, #tpu.memory_space<vmem>>, vector<1x16xf32>,
        %parallel_loop3A_909 = arith.index_cast %parallel_loop3A_524 : i32 to index
        %parallel_loop3A_910 = arith.constant 512 : index
        %parallel_loop3A_911 = tpu.vector_load %arg9[%parallel_loop3A_909, %parallel_loop3A_910] {strides = array<i32>} : memref<16x1024xf32, #tpu.memory_space<vmem>>, vector<1x16xf32>,
        %parallel_loop3A_912 = vector.shape_cast %parallel_loop3A_911 : vector<1x16xf32> to vector<16xf32>
        %parallel_loop3A_913 = arith.constant 22.6274166 : f32
        %parallel_loop3A_914 = vector.broadcast %parallel_loop3A_913 : f32 to vector<16xf32>
        %parallel_loop3A_915 = arith.mulf %parallel_loop3A_912, %parallel_loop3A_914 : vector<16xf32>
        %parallel_loop3A_916 = arith.index_cast %parallel_loop3A_524 : i32 to index
        %parallel_loop3A_917 = arith.constant 512 : index
        %parallel_loop3A_918 = tpu.vector_load %arg11[%parallel_loop3A_916, %parallel_loop3A_917] {strides = array<i32>} : memref<16x1024xf32, #tpu.memory_space<vmem>>, vector<1x16xf32>,
        %parallel_loop3A_919 = vector.shape_cast %parallel_loop3A_918 : vector<1x16xf32> to vector<16xf32>
        %parallel_loop3A_920 = vector.shape_cast %parallel_loop3A_915 : vector<16xf32> to vector<1x16xf32>
        tpu.vector_store %arg11[%parallel_loop3A_916, %parallel_loop3A_917], %parallel_loop3A_920 {add = true, strides = array<i32>} : memref<16x1024xf32, #tpu.memory_space<vmem>>, vector<1x16xf32>,
        %parallel_loop3A_921 = arith.index_cast %parallel_loop3A_524 : i32 to index
        %parallel_loop3A_922 = arith.constant 528 : index
        %parallel_loop3A_923 = tpu.vector_load %arg9[%parallel_loop3A_921, %parallel_loop3A_922] {strides = array<i32>} : memref<16x1024xf32, #tpu.memory_space<vmem>>, vector<1x16xf32>,
        %parallel_loop3A_924 = vector.shape_cast %parallel_loop3A_923 : vector<1x16xf32> to vector<16xf32>
        %parallel_loop3A_925 = arith.constant 22.6274166 : f32
        %parallel_loop3A_926 = vector.broadcast %parallel_loop3A_925 : f32 to vector<16xf32>
        %parallel_loop3A_927 = arith.mulf %parallel_loop3A_924, %parallel_loop3A_926 : vector<16xf32>
        %parallel_loop3A_928 = arith.index_cast %parallel_loop3A_524 : i32 to index
        %parallel_loop3A_929 = arith.constant 528 : index
        %parallel_loop3A_930 = tpu.vector_load %arg11[%parallel_loop3A_928, %parallel_loop3A_929] {strides = array<i32>} : memref<16x1024xf32, #tpu.memory_space<vmem>>, vector<1x16xf32>,
        %parallel_loop3A_931 = vector.shape_cast %parallel_loop3A_930 : vector<1x16xf32> to vector<16xf32>
        %parallel_loop3A_932 = vector.shape_cast %parallel_loop3A_927 : vector<16xf32> to vector<1x16xf32>
        tpu.vector_store %arg11[%parallel_loop3A_928, %parallel_loop3A_929], %parallel_loop3A_932 {add = true, strides = array<i32>} : memref<16x1024xf32, #tpu.memory_space<vmem>>, vector<1x16xf32>,
        %parallel_loop3A_933 = arith.index_cast %parallel_loop3A_524 : i32 to index
        %parallel_loop3A_934 = arith.constant 544 : index
        %parallel_loop3A_935 = tpu.vector_load %arg9[%parallel_loop3A_933, %parallel_loop3A_934] {strides = array<i32>} : memref<16x1024xf32, #tpu.memory_space<vmem>>, vector<1x16xf32>,
        %parallel_loop3A_936 = vector.shape_cast %parallel_loop3A_935 : vector<1x16xf32> to vector<16xf32>
        %parallel_loop3A_937 = arith.constant 22.6274166 : f32
        %parallel_loop3A_938 = vector.broadcast %parallel_loop3A_937 : f32 to vector<16xf32>
        %parallel_loop3A_939 = arith.mulf %parallel_loop3A_936, %parallel_loop3A_938 : vector<16xf32>
        %parallel_loop3A_940 = arith.index_cast %parallel_loop3A_524 : i32 to index
        %parallel_loop3A_941 = arith.constant 544 : index
        %parallel_loop3A_942 = tpu.vector_load %arg11[%parallel_loop3A_940, %parallel_loop3A_941] {strides = array<i32>} : memref<16x1024xf32, #tpu.memory_space<vmem>>, vector<1x16xf32>,
        %parallel_loop3A_943 = vector.shape_cast %parallel_loop3A_942 : vector<1x16xf32> to vector<16xf32>
        %parallel_loop3A_944 = vector.shape_cast %parallel_loop3A_939 : vector<16xf32> to vector<1x16xf32>
        tpu.vector_store %arg11[%parallel_loop3A_940, %parallel_loop3A_941], %parallel_loop3A_944 {add = true, strides = array<i32>} : memref<16x1024xf32, #tpu.memory_space<vmem>>, vector<1x16xf32>,
        %parallel_loop3A_945 = arith.index_cast %parallel_loop3A_524 : i32 to index
        %parallel_loop3A_946 = arith.constant 560 : index
        %parallel_loop3A_947 = tpu.vector_load %arg9[%parallel_loop3A_945, %parallel_loop3A_946] {strides = array<i32>} : memref<16x1024xf32, #tpu.memory_space<vmem>>, vector<1x16xf32>,
        %parallel_loop3A_948 = vector.shape_cast %parallel_loop3A_947 : vector<1x16xf32> to vector<16xf32>
        %parallel_loop3A_949 = arith.constant 22.6274166 : f32
        %parallel_loop3A_950 = vector.broadcast %parallel_loop3A_949 : f32 to vector<16xf32>
        %parallel_loop3A_951 = arith.mulf %parallel_loop3A_948, %parallel_loop3A_950 : vector<16xf32>
        %parallel_loop3A_952 = arith.index_cast %parallel_loop3A_524 : i32 to index
        %parallel_loop3A_953 = arith.constant 560 : index
        %parallel_loop3A_954 = tpu.vector_load %arg11[%parallel_loop3A_952, %parallel_loop3A_953] {strides = array<i32>} : memref<16x1024xf32, #tpu.memory_space<vmem>>, vector<1x16xf32>,
        %parallel_loop3A_955 = vector.shape_cast %parallel_loop3A_954 : vector<1x16xf32> to vector<16xf32>
        %parallel_loop3A_956 = vector.shape_cast %parallel_loop3A_951 : vector<16xf32> to vector<1x16xf32>
        tpu.vector_store %arg11[%parallel_loop3A_952, %parallel_loop3A_953], %parallel_loop3A_956 {add = true, strides = array<i32>} : memref<16x1024xf32, #tpu.memory_space<vmem>>, vector<1x16xf32>,
        %parallel_loop3A_957 = arith.index_cast %parallel_loop3A_524 : i32 to index
        %parallel_loop3A_958 = arith.constant 576 : index
        %parallel_loop3A_959 = tpu.vector_load %arg9[%parallel_loop3A_957, %parallel_loop3A_958] {strides = array<i32>} : memref<16x1024xf32, #tpu.memory_space<vmem>>, vector<1x16xf32>,
        %parallel_loop3A_960 = vector.shape_cast %parallel_loop3A_959 : vector<1x16xf32> to vector<16xf32>
        %parallel_loop3A_961 = arith.constant 22.6274166 : f32
        %parallel_loop3A_962 = vector.broadcast %parallel_loop3A_961 : f32 to vector<16xf32>
        %parallel_loop3A_963 = arith.mulf %parallel_loop3A_960, %parallel_loop3A_962 : vector<16xf32>
        %parallel_loop3A_964 = arith.index_cast %parallel_loop3A_524 : i32 to index
        %parallel_loop3A_965 = arith.constant 576 : index
        %parallel_loop3A_966 = tpu.vector_load %arg11[%parallel_loop3A_964, %parallel_loop3A_965] {strides = array<i32>} : memref<16x1024xf32, #tpu.memory_space<vmem>>, vector<1x16xf32>,
        %parallel_loop3A_967 = vector.shape_cast %parallel_loop3A_966 : vector<1x16xf32> to vector<16xf32>
        %parallel_loop3A_968 = vector.shape_cast %parallel_loop3A_963 : vector<16xf32> to vector<1x16xf32>
        tpu.vector_store %arg11[%parallel_loop3A_964, %parallel_loop3A_965], %parallel_loop3A_968 {add = true, strides = array<i32>} : memref<16x1024xf32, #tpu.memory_space<vmem>>, vector<1x16xf32>,
        %parallel_loop3A_969 = arith.index_cast %parallel_loop3A_524 : i32 to index
        %parallel_loop3A_970 = arith.constant 592 : index
        %parallel_loop3A_971 = tpu.vector_load %arg9[%parallel_loop3A_969, %parallel_loop3A_970] {strides = array<i32>} : memref<16x1024xf32, #tpu.memory_space<vmem>>, vector<1x16xf32>,
        %parallel_loop3A_972 = vector.shape_cast %parallel_loop3A_971 : vector<1x16xf32> to vector<16xf32>
        %parallel_loop3A_973 = arith.constant 22.6274166 : f32
        %parallel_loop3A_974 = vector.broadcast %parallel_loop3A_973 : f32 to vector<16xf32>
        %parallel_loop3A_975 = arith.mulf %parallel_loop3A_972, %parallel_loop3A_974 : vector<16xf32>
        %parallel_loop3A_976 = arith.index_cast %parallel_loop3A_524 : i32 to index
        %parallel_loop3A_977 = arith.constant 592 : index
        %parallel_loop3A_978 = tpu.vector_load %arg11[%parallel_loop3A_976, %parallel_loop3A_977] {strides = array<i32>} : memref<16x1024xf32, #tpu.memory_space<vmem>>, vector<1x16xf32>,
        %parallel_loop3A_979 = vector.shape_cast %parallel_loop3A_978 : vector<1x16xf32> to vector<16xf32>
        %parallel_loop3A_980 = vector.shape_cast %parallel_loop3A_975 : vector<16xf32> to vector<1x16xf32>
        tpu.vector_store %arg11[%parallel_loop3A_976, %parallel_loop3A_977], %parallel_loop3A_980 {add = true, strides = array<i32>} : memref<16x1024xf32, #tpu.memory_space<vmem>>, vector<1x16xf32>,
        %parallel_loop3A_981 = arith.index_cast %parallel_loop3A_524 : i32 to index
        %parallel_loop3A_982 = arith.constant 608 : index
        %parallel_loop3A_983 = tpu.vector_load %arg9[%parallel_loop3A_981, %parallel_loop3A_982] {strides = array<i32>} : memref<16x1024xf32, #tpu.memory_space<vmem>>, vector<1x16xf32>,
        %parallel_loop3A_984 = vector.shape_cast %parallel_loop3A_983 : vector<1x16xf32> to vector<16xf32>
        %parallel_loop3A_985 = arith.constant 22.6274166 : f32
        %parallel_loop3A_986 = vector.broadcast %parallel_loop3A_985 : f32 to vector<16xf32>
        %parallel_loop3A_987 = arith.mulf %parallel_loop3A_984, %parallel_loop3A_986 : vector<16xf32>
        %parallel_loop3A_988 = arith.index_cast %parallel_loop3A_524 : i32 to index
        %parallel_loop3A_989 = arith.constant 608 : index
        %parallel_loop3A_990 = tpu.vector_load %arg11[%parallel_loop3A_988, %parallel_loop3A_989] {strides = array<i32>} : memref<16x1024xf32, #tpu.memory_space<vmem>>, vector<1x16xf32>,
        %parallel_loop3A_991 = vector.shape_cast %parallel_loop3A_990 : vector<1x16xf32> to vector<16xf32>
        %parallel_loop3A_992 = vector.shape_cast %parallel_loop3A_987 : vector<16xf32> to vector<1x16xf32>
        tpu.vector_store %arg11[%parallel_loop3A_988, %parallel_loop3A_989], %parallel_loop3A_992 {add = true, strides = array<i32>} : memref<16x1024xf32, #tpu.memory_space<vmem>>, vector<1x16xf32>,
        %parallel_loop3A_993 = arith.index_cast %parallel_loop3A_524 : i32 to index
        %parallel_loop3A_994 = arith.constant 624 : index
        %parallel_loop3A_995 = tpu.vector_load %arg9[%parallel_loop3A_993, %parallel_loop3A_994] {strides = array<i32>} : memref<16x1024xf32, #tpu.memory_space<vmem>>, vector<1x16xf32>,
        %parallel_loop3A_996 = vector.shape_cast %parallel_loop3A_995 : vector<1x16xf32> to vector<16xf32>
        %parallel_loop3A_997 = arith.constant 22.6274166 : f32
        %parallel_loop3A_998 = vector.broadcast %parallel_loop3A_997 : f32 to vector<16xf32>
        %parallel_loop3A_999 = arith.mulf %parallel_loop3A_996, %parallel_loop3A_998 : vector<16xf32>
        %parallel_loop3A_1000 = arith.index_cast %parallel_loop3A_524 : i32 to index
        %parallel_loop3A_1001 = arith.constant 624 : index
        %parallel_loop3A_1002 = tpu.vector_load %arg11[%parallel_loop3A_1000, %parallel_loop3A_1001] {strides = array<i32>} : memref<16x1024xf32, #tpu.memory_space<vmem>>, vector<1x16xf32>,
        %parallel_loop3A_1003 = vector.shape_cast %parallel_loop3A_1002 : vector<1x16xf32> to vector<16xf32>
        %parallel_loop3A_1004 = vector.shape_cast %parallel_loop3A_999 : vector<16xf32> to vector<1x16xf32>
        tpu.vector_store %arg11[%parallel_loop3A_1000, %parallel_loop3A_1001], %parallel_loop3A_1004 {add = true, strides = array<i32>} : memref<16x1024xf32, #tpu.memory_space<vmem>>, vector<1x16xf32>,
        %parallel_loop3A_1005 = arith.index_cast %parallel_loop3A_524 : i32 to index
        %parallel_loop3A_1006 = arith.constant 640 : index
        %parallel_loop3A_1007 = tpu.vector_load %arg9[%parallel_loop3A_1005, %parallel_loop3A_1006] {strides = array<i32>} : memref<16x1024xf32, #tpu.memory_space<vmem>>, vector<1x16xf32>,
        %parallel_loop3A_1008 = vector.shape_cast %parallel_loop3A_1007 : vector<1x16xf32> to vector<16xf32>
        %parallel_loop3A_1009 = arith.constant 22.6274166 : f32
        %parallel_loop3A_1010 = vector.broadcast %parallel_loop3A_1009 : f32 to vector<16xf32>
        %parallel_loop3A_1011 = arith.mulf %parallel_loop3A_1008, %parallel_loop3A_1010 : vector<16xf32>
        %parallel_loop3A_1012 = arith.index_cast %parallel_loop3A_524 : i32 to index
        %parallel_loop3A_1013 = arith.constant 640 : index
        %parallel_loop3A_1014 = tpu.vector_load %arg11[%parallel_loop3A_1012, %parallel_loop3A_1013] {strides = array<i32>} : memref<16x1024xf32, #tpu.memory_space<vmem>>, vector<1x16xf32>,
        %parallel_loop3A_1015 = vector.shape_cast %parallel_loop3A_1014 : vector<1x16xf32> to vector<16xf32>
        %parallel_loop3A_1016 = vector.shape_cast %parallel_loop3A_1011 : vector<16xf32> to vector<1x16xf32>
        tpu.vector_store %arg11[%parallel_loop3A_1012, %parallel_loop3A_1013], %parallel_loop3A_1016 {add = true, strides = array<i32>} : memref<16x1024xf32, #tpu.memory_space<vmem>>, vector<1x16xf32>,
        %parallel_loop3A_1017 = arith.index_cast %parallel_loop3A_524 : i32 to index
        %parallel_loop3A_1018 = arith.constant 656 : index
        %parallel_loop3A_1019 = tpu.vector_load %arg9[%parallel_loop3A_1017, %parallel_loop3A_1018] {strides = array<i32>} : memref<16x1024xf32, #tpu.memory_space<vmem>>, vector<1x16xf32>,
        %parallel_loop3A_1020 = vector.shape_cast %parallel_loop3A_1019 : vector<1x16xf32> to vector<16xf32>
        %parallel_loop3A_1021 = arith.constant 22.6274166 : f32
        %parallel_loop3A_1022 = vector.broadcast %parallel_loop3A_1021 : f32 to vector<16xf32>
        %parallel_loop3A_1023 = arith.mulf %parallel_loop3A_1020, %parallel_loop3A_1022 : vector<16xf32>
        %parallel_loop3A_1024 = arith.index_cast %parallel_loop3A_524 : i32 to index
        %parallel_loop3A_1025 = arith.constant 656 : index
        %parallel_loop3A_1026 = tpu.vector_load %arg11[%parallel_loop3A_1024, %parallel_loop3A_1025] {strides = array<i32>} : memref<16x1024xf32, #tpu.memory_space<vmem>>, vector<1x16xf32>,
        %parallel_loop3A_1027 = vector.shape_cast %parallel_loop3A_1026 : vector<1x16xf32> to vector<16xf32>
        %parallel_loop3A_1028 = vector.shape_cast %parallel_loop3A_1023 : vector<16xf32> to vector<1x16xf32>
        tpu.vector_store %arg11[%parallel_loop3A_1024, %parallel_loop3A_1025], %parallel_loop3A_1028 {add = true, strides = array<i32>} : memref<16x1024xf32, #tpu.memory_space<vmem>>, vector<1x16xf32>,
        %parallel_loop3A_1029 = arith.index_cast %parallel_loop3A_524 : i32 to index
        %parallel_loop3A_1030 = arith.constant 672 : index
        %parallel_loop3A_1031 = tpu.vector_load %arg9[%parallel_loop3A_1029, %parallel_loop3A_1030] {strides = array<i32>} : memref<16x1024xf32, #tpu.memory_space<vmem>>, vector<1x16xf32>,
        %parallel_loop3A_1032 = vector.shape_cast %parallel_loop3A_1031 : vector<1x16xf32> to vector<16xf32>
        %parallel_loop3A_1033 = arith.constant 22.6274166 : f32
        %parallel_loop3A_1034 = vector.broadcast %parallel_loop3A_1033 : f32 to vector<16xf32>
        %parallel_loop3A_1035 = arith.mulf %parallel_loop3A_1032, %parallel_loop3A_1034 : vector<16xf32>
        %parallel_loop3A_1036 = arith.index_cast %parallel_loop3A_524 : i32 to index
        %parallel_loop3A_1037 = arith.constant 672 : index
        %parallel_loop3A_1038 = tpu.vector_load %arg11[%parallel_loop3A_1036, %parallel_loop3A_1037] {strides = array<i32>} : memref<16x1024xf32, #tpu.memory_space<vmem>>, vector<1x16xf32>,
        %parallel_loop3A_1039 = vector.shape_cast %parallel_loop3A_1038 : vector<1x16xf32> to vector<16xf32>
        %parallel_loop3A_1040 = vector.shape_cast %parallel_loop3A_1035 : vector<16xf32> to vector<1x16xf32>
        tpu.vector_store %arg11[%parallel_loop3A_1036, %parallel_loop3A_1037], %parallel_loop3A_1040 {add = true, strides = array<i32>} : memref<16x1024xf32, #tpu.memory_space<vmem>>, vector<1x16xf32>,
        %parallel_loop3A_1041 = arith.index_cast %parallel_loop3A_524 : i32 to index
        %parallel_loop3A_1042 = arith.constant 688 : index
        %parallel_loop3A_1043 = tpu.vector_load %arg9[%parallel_loop3A_1041, %parallel_loop3A_1042] {strides = array<i32>} : memref<16x1024xf32, #tpu.memory_space<vmem>>, vector<1x16xf32>,
        %parallel_loop3A_1044 = vector.shape_cast %parallel_loop3A_1043 : vector<1x16xf32> to vector<16xf32>
        %parallel_loop3A_1045 = arith.constant 22.6274166 : f32
        %parallel_loop3A_1046 = vector.broadcast %parallel_loop3A_1045 : f32 to vector<16xf32>
        %parallel_loop3A_1047 = arith.mulf %parallel_loop3A_1044, %parallel_loop3A_1046 : vector<16xf32>
        %parallel_loop3A_1048 = arith.index_cast %parallel_loop3A_524 : i32 to index
        %parallel_loop3A_1049 = arith.constant 688 : index
        %parallel_loop3A_1050 = tpu.vector_load %arg11[%parallel_loop3A_1048, %parallel_loop3A_1049] {strides = array<i32>} : memref<16x1024xf32, #tpu.memory_space<vmem>>, vector<1x16xf32>,
        %parallel_loop3A_1051 = vector.shape_cast %parallel_loop3A_1050 : vector<1x16xf32> to vector<16xf32>
        %parallel_loop3A_1052 = vector.shape_cast %parallel_loop3A_1047 : vector<16xf32> to vector<1x16xf32>
        tpu.vector_store %arg11[%parallel_loop3A_1048, %parallel_loop3A_1049], %parallel_loop3A_1052 {add = true, strides = array<i32>} : memref<16x1024xf32, #tpu.memory_space<vmem>>, vector<1x16xf32>,
        %parallel_loop3A_1053 = arith.index_cast %parallel_loop3A_524 : i32 to index
        %parallel_loop3A_1054 = arith.constant 704 : index
        %parallel_loop3A_1055 = tpu.vector_load %arg9[%parallel_loop3A_1053, %parallel_loop3A_1054] {strides = array<i32>} : memref<16x1024xf32, #tpu.memory_space<vmem>>, vector<1x16xf32>,
        %parallel_loop3A_1056 = vector.shape_cast %parallel_loop3A_1055 : vector<1x16xf32> to vector<16xf32>
        %parallel_loop3A_1057 = arith.constant 22.6274166 : f32
        %parallel_loop3A_1058 = vector.broadcast %parallel_loop3A_1057 : f32 to vector<16xf32>
        %parallel_loop3A_1059 = arith.mulf %parallel_loop3A_1056, %parallel_loop3A_1058 : vector<16xf32>
        %parallel_loop3A_1060 = arith.index_cast %parallel_loop3A_524 : i32 to index
        %parallel_loop3A_1061 = arith.constant 704 : index
        %parallel_loop3A_1062 = tpu.vector_load %arg11[%parallel_loop3A_1060, %parallel_loop3A_1061] {strides = array<i32>} : memref<16x1024xf32, #tpu.memory_space<vmem>>, vector<1x16xf32>,
        %parallel_loop3A_1063 = vector.shape_cast %parallel_loop3A_1062 : vector<1x16xf32> to vector<16xf32>
        %parallel_loop3A_1064 = vector.shape_cast %parallel_loop3A_1059 : vector<16xf32> to vector<1x16xf32>
        tpu.vector_store %arg11[%parallel_loop3A_1060, %parallel_loop3A_1061], %parallel_loop3A_1064 {add = true, strides = array<i32>} : memref<16x1024xf32, #tpu.memory_space<vmem>>, vector<1x16xf32>,
        %parallel_loop3A_1065 = arith.index_cast %parallel_loop3A_524 : i32 to index
        %parallel_loop3A_1066 = arith.constant 720 : index
        %parallel_loop3A_1067 = tpu.vector_load %arg9[%parallel_loop3A_1065, %parallel_loop3A_1066] {strides = array<i32>} : memref<16x1024xf32, #tpu.memory_space<vmem>>, vector<1x16xf32>,
        %parallel_loop3A_1068 = vector.shape_cast %parallel_loop3A_1067 : vector<1x16xf32> to vector<16xf32>
        %parallel_loop3A_1069 = arith.constant 22.6274166 : f32
        %parallel_loop3A_1070 = vector.broadcast %parallel_loop3A_1069 : f32 to vector<16xf32>
        %parallel_loop3A_1071 = arith.mulf %parallel_loop3A_1068, %parallel_loop3A_1070 : vector<16xf32>
        %parallel_loop3A_1072 = arith.index_cast %parallel_loop3A_524 : i32 to index
        %parallel_loop3A_1073 = arith.constant 720 : index
        %parallel_loop3A_1074 = tpu.vector_load %arg11[%parallel_loop3A_1072, %parallel_loop3A_1073] {strides = array<i32>} : memref<16x1024xf32, #tpu.memory_space<vmem>>, vector<1x16xf32>,
        %parallel_loop3A_1075 = vector.shape_cast %parallel_loop3A_1074 : vector<1x16xf32> to vector<16xf32>
        %parallel_loop3A_1076 = vector.shape_cast %parallel_loop3A_1071 : vector<16xf32> to vector<1x16xf32>
        tpu.vector_store %arg11[%parallel_loop3A_1072, %parallel_loop3A_1073], %parallel_loop3A_1076 {add = true, strides = array<i32>} : memref<16x1024xf32, #tpu.memory_space<vmem>>, vector<1x16xf32>,
        %parallel_loop3A_1077 = arith.index_cast %parallel_loop3A_524 : i32 to index
        %parallel_loop3A_1078 = arith.constant 736 : index
        %parallel_loop3A_1079 = tpu.vector_load %arg9[%parallel_loop3A_1077, %parallel_loop3A_1078] {strides = array<i32>} : memref<16x1024xf32, #tpu.memory_space<vmem>>, vector<1x16xf32>,
        %parallel_loop3A_1080 = vector.shape_cast %parallel_loop3A_1079 : vector<1x16xf32> to vector<16xf32>
        %parallel_loop3A_1081 = arith.constant 22.6274166 : f32
        %parallel_loop3A_1082 = vector.broadcast %parallel_loop3A_1081 : f32 to vector<16xf32>
        %parallel_loop3A_1083 = arith.mulf %parallel_loop3A_1080, %parallel_loop3A_1082 : vector<16xf32>
        %parallel_loop3A_1084 = arith.index_cast %parallel_loop3A_524 : i32 to index
        %parallel_loop3A_1085 = arith.constant 736 : index
        %parallel_loop3A_1086 = tpu.vector_load %arg11[%parallel_loop3A_1084, %parallel_loop3A_1085] {strides = array<i32>} : memref<16x1024xf32, #tpu.memory_space<vmem>>, vector<1x16xf32>,
        %parallel_loop3A_1087 = vector.shape_cast %parallel_loop3A_1086 : vector<1x16xf32> to vector<16xf32>
        %parallel_loop3A_1088 = vector.shape_cast %parallel_loop3A_1083 : vector<16xf32> to vector<1x16xf32>
        tpu.vector_store %arg11[%parallel_loop3A_1084, %parallel_loop3A_1085], %parallel_loop3A_1088 {add = true, strides = array<i32>} : memref<16x1024xf32, #tpu.memory_space<vmem>>, vector<1x16xf32>,
        %parallel_loop3A_1089 = arith.index_cast %parallel_loop3A_524 : i32 to index
        %parallel_loop3A_1090 = arith.constant 752 : index
        %parallel_loop3A_1091 = tpu.vector_load %arg9[%parallel_loop3A_1089, %parallel_loop3A_1090] {strides = array<i32>} : memref<16x1024xf32, #tpu.memory_space<vmem>>, vector<1x16xf32>,
        %parallel_loop3A_1092 = vector.shape_cast %parallel_loop3A_1091 : vector<1x16xf32> to vector<16xf32>
        %parallel_loop3A_1093 = arith.constant 22.6274166 : f32
        %parallel_loop3A_1094 = vector.broadcast %parallel_loop3A_1093 : f32 to vector<16xf32>
        %parallel_loop3A_1095 = arith.mulf %parallel_loop3A_1092, %parallel_loop3A_1094 : vector<16xf32>
        %parallel_loop3A_1096 = arith.index_cast %parallel_loop3A_524 : i32 to index
        %parallel_loop3A_1097 = arith.constant 752 : index
        %parallel_loop3A_1098 = tpu.vector_load %arg11[%parallel_loop3A_1096, %parallel_loop3A_1097] {strides = array<i32>} : memref<16x1024xf32, #tpu.memory_space<vmem>>, vector<1x16xf32>,
        %parallel_loop3A_1099 = vector.shape_cast %parallel_loop3A_1098 : vector<1x16xf32> to vector<16xf32>
        %parallel_loop3A_1100 = vector.shape_cast %parallel_loop3A_1095 : vector<16xf32> to vector<1x16xf32>
        tpu.vector_store %arg11[%parallel_loop3A_1096, %parallel_loop3A_1097], %parallel_loop3A_1100 {add = true, strides = array<i32>} : memref<16x1024xf32, #tpu.memory_space<vmem>>, vector<1x16xf32>,
        %parallel_loop3A_1101 = arith.index_cast %parallel_loop3A_524 : i32 to index
        %parallel_loop3A_1102 = arith.constant 768 : index
        %parallel_loop3A_1103 = tpu.vector_load %arg9[%parallel_loop3A_1101, %parallel_loop3A_1102] {strides = array<i32>} : memref<16x1024xf32, #tpu.memory_space<vmem>>, vector<1x16xf32>,
        %parallel_loop3A_1104 = vector.shape_cast %parallel_loop3A_1103 : vector<1x16xf32> to vector<16xf32>
        %parallel_loop3A_1105 = arith.constant 22.6274166 : f32
        %parallel_loop3A_1106 = vector.broadcast %parallel_loop3A_1105 : f32 to vector<16xf32>
        %parallel_loop3A_1107 = arith.mulf %parallel_loop3A_1104, %parallel_loop3A_1106 : vector<16xf32>
        %parallel_loop3A_1108 = arith.index_cast %parallel_loop3A_524 : i32 to index
        %parallel_loop3A_1109 = arith.constant 768 : index
        %parallel_loop3A_1110 = tpu.vector_load %arg11[%parallel_loop3A_1108, %parallel_loop3A_1109] {strides = array<i32>} : memref<16x1024xf32, #tpu.memory_space<vmem>>, vector<1x16xf32>,
        %parallel_loop3A_1111 = vector.shape_cast %parallel_loop3A_1110 : vector<1x16xf32> to vector<16xf32>
        %parallel_loop3A_1112 = vector.shape_cast %parallel_loop3A_1107 : vector<16xf32> to vector<1x16xf32>
        tpu.vector_store %arg11[%parallel_loop3A_1108, %parallel_loop3A_1109], %parallel_loop3A_1112 {add = true, strides = array<i32>} : memref<16x1024xf32, #tpu.memory_space<vmem>>, vector<1x16xf32>,
        %parallel_loop3A_1113 = arith.index_cast %parallel_loop3A_524 : i32 to index
        %parallel_loop3A_1114 = arith.constant 784 : index
        %parallel_loop3A_1115 = tpu.vector_load %arg9[%parallel_loop3A_1113, %parallel_loop3A_1114] {strides = array<i32>} : memref<16x1024xf32, #tpu.memory_space<vmem>>, vector<1x16xf32>,
        %parallel_loop3A_1116 = vector.shape_cast %parallel_loop3A_1115 : vector<1x16xf32> to vector<16xf32>
        %parallel_loop3A_1117 = arith.constant 22.6274166 : f32
        %parallel_loop3A_1118 = vector.broadcast %parallel_loop3A_1117 : f32 to vector<16xf32>
        %parallel_loop3A_1119 = arith.mulf %parallel_loop3A_1116, %parallel_loop3A_1118 : vector<16xf32>
        %parallel_loop3A_1120 = arith.index_cast %parallel_loop3A_524 : i32 to index
        %parallel_loop3A_1121 = arith.constant 784 : index
        %parallel_loop3A_1122 = tpu.vector_load %arg11[%parallel_loop3A_1120, %parallel_loop3A_1121] {strides = array<i32>} : memref<16x1024xf32, #tpu.memory_space<vmem>>, vector<1x16xf32>,
        %parallel_loop3A_1123 = vector.shape_cast %parallel_loop3A_1122 : vector<1x16xf32> to vector<16xf32>
        %parallel_loop3A_1124 = vector.shape_cast %parallel_loop3A_1119 : vector<16xf32> to vector<1x16xf32>
        tpu.vector_store %arg11[%parallel_loop3A_1120, %parallel_loop3A_1121], %parallel_loop3A_1124 {add = true, strides = array<i32>} : memref<16x1024xf32, #tpu.memory_space<vmem>>, vector<1x16xf32>,
        %parallel_loop3A_1125 = arith.index_cast %parallel_loop3A_524 : i32 to index
        %parallel_loop3A_1126 = arith.constant 800 : index
        %parallel_loop3A_1127 = tpu.vector_load %arg9[%parallel_loop3A_1125, %parallel_loop3A_1126] {strides = array<i32>} : memref<16x1024xf32, #tpu.memory_space<vmem>>, vector<1x16xf32>,
        %parallel_loop3A_1128 = vector.shape_cast %parallel_loop3A_1127 : vector<1x16xf32> to vector<16xf32>
        %parallel_loop3A_1129 = arith.constant 22.6274166 : f32
        %parallel_loop3A_1130 = vector.broadcast %parallel_loop3A_1129 : f32 to vector<16xf32>
        %parallel_loop3A_1131 = arith.mulf %parallel_loop3A_1128, %parallel_loop3A_1130 : vector<16xf32>
        %parallel_loop3A_1132 = arith.index_cast %parallel_loop3A_524 : i32 to index
        %parallel_loop3A_1133 = arith.constant 800 : index
        %parallel_loop3A_1134 = tpu.vector_load %arg11[%parallel_loop3A_1132, %parallel_loop3A_1133] {strides = array<i32>} : memref<16x1024xf32, #tpu.memory_space<vmem>>, vector<1x16xf32>,
        %parallel_loop3A_1135 = vector.shape_cast %parallel_loop3A_1134 : vector<1x16xf32> to vector<16xf32>
        %parallel_loop3A_1136 = vector.shape_cast %parallel_loop3A_1131 : vector<16xf32> to vector<1x16xf32>
        tpu.vector_store %arg11[%parallel_loop3A_1132, %parallel_loop3A_1133], %parallel_loop3A_1136 {add = true, strides = array<i32>} : memref<16x1024xf32, #tpu.memory_space<vmem>>, vector<1x16xf32>,
        %parallel_loop3A_1137 = arith.index_cast %parallel_loop3A_524 : i32 to index
        %parallel_loop3A_1138 = arith.constant 816 : index
        %parallel_loop3A_1139 = tpu.vector_load %arg9[%parallel_loop3A_1137, %parallel_loop3A_1138] {strides = array<i32>} : memref<16x1024xf32, #tpu.memory_space<vmem>>, vector<1x16xf32>,
        %parallel_loop3A_1140 = vector.shape_cast %parallel_loop3A_1139 : vector<1x16xf32> to vector<16xf32>
        %parallel_loop3A_1141 = arith.constant 22.6274166 : f32
        %parallel_loop3A_1142 = vector.broadcast %parallel_loop3A_1141 : f32 to vector<16xf32>
        %parallel_loop3A_1143 = arith.mulf %parallel_loop3A_1140, %parallel_loop3A_1142 : vector<16xf32>
        %parallel_loop3A_1144 = arith.index_cast %parallel_loop3A_524 : i32 to index
        %parallel_loop3A_1145 = arith.constant 816 : index
        %parallel_loop3A_1146 = tpu.vector_load %arg11[%parallel_loop3A_1144, %parallel_loop3A_1145] {strides = array<i32>} : memref<16x1024xf32, #tpu.memory_space<vmem>>, vector<1x16xf32>,
        %parallel_loop3A_1147 = vector.shape_cast %parallel_loop3A_1146 : vector<1x16xf32> to vector<16xf32>
        %parallel_loop3A_1148 = vector.shape_cast %parallel_loop3A_1143 : vector<16xf32> to vector<1x16xf32>
        tpu.vector_store %arg11[%parallel_loop3A_1144, %parallel_loop3A_1145], %parallel_loop3A_1148 {add = true, strides = array<i32>} : memref<16x1024xf32, #tpu.memory_space<vmem>>, vector<1x16xf32>,
        %parallel_loop3A_1149 = arith.index_cast %parallel_loop3A_524 : i32 to index
        %parallel_loop3A_1150 = arith.constant 832 : index
        %parallel_loop3A_1151 = tpu.vector_load %arg9[%parallel_loop3A_1149, %parallel_loop3A_1150] {strides = array<i32>} : memref<16x1024xf32, #tpu.memory_space<vmem>>, vector<1x16xf32>,
        %parallel_loop3A_1152 = vector.shape_cast %parallel_loop3A_1151 : vector<1x16xf32> to vector<16xf32>
        %parallel_loop3A_1153 = arith.constant 22.6274166 : f32
        %parallel_loop3A_1154 = vector.broadcast %parallel_loop3A_1153 : f32 to vector<16xf32>
        %parallel_loop3A_1155 = arith.mulf %parallel_loop3A_1152, %parallel_loop3A_1154 : vector<16xf32>
        %parallel_loop3A_1156 = arith.index_cast %parallel_loop3A_524 : i32 to index
        %parallel_loop3A_1157 = arith.constant 832 : index
        %parallel_loop3A_1158 = tpu.vector_load %arg11[%parallel_loop3A_1156, %parallel_loop3A_1157] {strides = array<i32>} : memref<16x1024xf32, #tpu.memory_space<vmem>>, vector<1x16xf32>,
        %parallel_loop3A_1159 = vector.shape_cast %parallel_loop3A_1158 : vector<1x16xf32> to vector<16xf32>
        %parallel_loop3A_1160 = vector.shape_cast %parallel_loop3A_1155 : vector<16xf32> to vector<1x16xf32>
        tpu.vector_store %arg11[%parallel_loop3A_1156, %parallel_loop3A_1157], %parallel_loop3A_1160 {add = true, strides = array<i32>} : memref<16x1024xf32, #tpu.memory_space<vmem>>, vector<1x16xf32>,
        %parallel_loop3A_1161 = arith.index_cast %parallel_loop3A_524 : i32 to index
        %parallel_loop3A_1162 = arith.constant 848 : index
        %parallel_loop3A_1163 = tpu.vector_load %arg9[%parallel_loop3A_1161, %parallel_loop3A_1162] {strides = array<i32>} : memref<16x1024xf32, #tpu.memory_space<vmem>>, vector<1x16xf32>,
        %parallel_loop3A_1164 = vector.shape_cast %parallel_loop3A_1163 : vector<1x16xf32> to vector<16xf32>
        %parallel_loop3A_1165 = arith.constant 22.6274166 : f32
        %parallel_loop3A_1166 = vector.broadcast %parallel_loop3A_1165 : f32 to vector<16xf32>
        %parallel_loop3A_1167 = arith.mulf %parallel_loop3A_1164, %parallel_loop3A_1166 : vector<16xf32>
        %parallel_loop3A_1168 = arith.index_cast %parallel_loop3A_524 : i32 to index
        %parallel_loop3A_1169 = arith.constant 848 : index
        %parallel_loop3A_1170 = tpu.vector_load %arg11[%parallel_loop3A_1168, %parallel_loop3A_1169] {strides = array<i32>} : memref<16x1024xf32, #tpu.memory_space<vmem>>, vector<1x16xf32>,
        %parallel_loop3A_1171 = vector.shape_cast %parallel_loop3A_1170 : vector<1x16xf32> to vector<16xf32>
        %parallel_loop3A_1172 = vector.shape_cast %parallel_loop3A_1167 : vector<16xf32> to vector<1x16xf32>
        tpu.vector_store %arg11[%parallel_loop3A_1168, %parallel_loop3A_1169], %parallel_loop3A_1172 {add = true, strides = array<i32>} : memref<16x1024xf32, #tpu.memory_space<vmem>>, vector<1x16xf32>,
        %parallel_loop3A_1173 = arith.index_cast %parallel_loop3A_524 : i32 to index
        %parallel_loop3A_1174 = arith.constant 864 : index
        %parallel_loop3A_1175 = tpu.vector_load %arg9[%parallel_loop3A_1173, %parallel_loop3A_1174] {strides = array<i32>} : memref<16x1024xf32, #tpu.memory_space<vmem>>, vector<1x16xf32>,
        %parallel_loop3A_1176 = vector.shape_cast %parallel_loop3A_1175 : vector<1x16xf32> to vector<16xf32>
        %parallel_loop3A_1177 = arith.constant 22.6274166 : f32
        %parallel_loop3A_1178 = vector.broadcast %parallel_loop3A_1177 : f32 to vector<16xf32>
        %parallel_loop3A_1179 = arith.mulf %parallel_loop3A_1176, %parallel_loop3A_1178 : vector<16xf32>
        %parallel_loop3A_1180 = arith.index_cast %parallel_loop3A_524 : i32 to index
        %parallel_loop3A_1181 = arith.constant 864 : index
        %parallel_loop3A_1182 = tpu.vector_load %arg11[%parallel_loop3A_1180, %parallel_loop3A_1181] {strides = array<i32>} : memref<16x1024xf32, #tpu.memory_space<vmem>>, vector<1x16xf32>,
        %parallel_loop3A_1183 = vector.shape_cast %parallel_loop3A_1182 : vector<1x16xf32> to vector<16xf32>
        %parallel_loop3A_1184 = vector.shape_cast %parallel_loop3A_1179 : vector<16xf32> to vector<1x16xf32>
        tpu.vector_store %arg11[%parallel_loop3A_1180, %parallel_loop3A_1181], %parallel_loop3A_1184 {add = true, strides = array<i32>} : memref<16x1024xf32, #tpu.memory_space<vmem>>, vector<1x16xf32>,
        %parallel_loop3A_1185 = arith.index_cast %parallel_loop3A_524 : i32 to index
        %parallel_loop3A_1186 = arith.constant 880 : index
        %parallel_loop3A_1187 = tpu.vector_load %arg9[%parallel_loop3A_1185, %parallel_loop3A_1186] {strides = array<i32>} : memref<16x1024xf32, #tpu.memory_space<vmem>>, vector<1x16xf32>,
        %parallel_loop3A_1188 = vector.shape_cast %parallel_loop3A_1187 : vector<1x16xf32> to vector<16xf32>
        %parallel_loop3A_1189 = arith.constant 22.6274166 : f32
        %parallel_loop3A_1190 = vector.broadcast %parallel_loop3A_1189 : f32 to vector<16xf32>
        %parallel_loop3A_1191 = arith.mulf %parallel_loop3A_1188, %parallel_loop3A_1190 : vector<16xf32>
        %parallel_loop3A_1192 = arith.index_cast %parallel_loop3A_524 : i32 to index
        %parallel_loop3A_1193 = arith.constant 880 : index
        %parallel_loop3A_1194 = tpu.vector_load %arg11[%parallel_loop3A_1192, %parallel_loop3A_1193] {strides = array<i32>} : memref<16x1024xf32, #tpu.memory_space<vmem>>, vector<1x16xf32>,
        %parallel_loop3A_1195 = vector.shape_cast %parallel_loop3A_1194 : vector<1x16xf32> to vector<16xf32>
        %parallel_loop3A_1196 = vector.shape_cast %parallel_loop3A_1191 : vector<16xf32> to vector<1x16xf32>
        tpu.vector_store %arg11[%parallel_loop3A_1192, %parallel_loop3A_1193], %parallel_loop3A_1196 {add = true, strides = array<i32>} : memref<16x1024xf32, #tpu.memory_space<vmem>>, vector<1x16xf32>,
        %parallel_loop3A_1197 = arith.index_cast %parallel_loop3A_524 : i32 to index
        %parallel_loop3A_1198 = arith.constant 896 : index
        %parallel_loop3A_1199 = tpu.vector_load %arg9[%parallel_loop3A_1197, %parallel_loop3A_1198] {strides = array<i32>} : memref<16x1024xf32, #tpu.memory_space<vmem>>, vector<1x16xf32>,
        %parallel_loop3A_1200 = vector.shape_cast %parallel_loop3A_1199 : vector<1x16xf32> to vector<16xf32>
        %parallel_loop3A_1201 = arith.constant 22.6274166 : f32
        %parallel_loop3A_1202 = vector.broadcast %parallel_loop3A_1201 : f32 to vector<16xf32>
        %parallel_loop3A_1203 = arith.mulf %parallel_loop3A_1200, %parallel_loop3A_1202 : vector<16xf32>
        %parallel_loop3A_1204 = arith.index_cast %parallel_loop3A_524 : i32 to index
        %parallel_loop3A_1205 = arith.constant 896 : index
        %parallel_loop3A_1206 = tpu.vector_load %arg11[%parallel_loop3A_1204, %parallel_loop3A_1205] {strides = array<i32>} : memref<16x1024xf32, #tpu.memory_space<vmem>>, vector<1x16xf32>,
        %parallel_loop3A_1207 = vector.shape_cast %parallel_loop3A_1206 : vector<1x16xf32> to vector<16xf32>
        %parallel_loop3A_1208 = vector.shape_cast %parallel_loop3A_1203 : vector<16xf32> to vector<1x16xf32>
        tpu.vector_store %arg11[%parallel_loop3A_1204, %parallel_loop3A_1205], %parallel_loop3A_1208 {add = true, strides = array<i32>} : memref<16x1024xf32, #tpu.memory_space<vmem>>, vector<1x16xf32>,
        %parallel_loop3A_1209 = arith.index_cast %parallel_loop3A_524 : i32 to index
        %parallel_loop3A_1210 = arith.constant 912 : index
        %parallel_loop3A_1211 = tpu.vector_load %arg9[%parallel_loop3A_1209, %parallel_loop3A_1210] {strides = array<i32>} : memref<16x1024xf32, #tpu.memory_space<vmem>>, vector<1x16xf32>,
        %parallel_loop3A_1212 = vector.shape_cast %parallel_loop3A_1211 : vector<1x16xf32> to vector<16xf32>
        %parallel_loop3A_1213 = arith.constant 22.6274166 : f32
        %parallel_loop3A_1214 = vector.broadcast %parallel_loop3A_1213 : f32 to vector<16xf32>
        %parallel_loop3A_1215 = arith.mulf %parallel_loop3A_1212, %parallel_loop3A_1214 : vector<16xf32>
        %parallel_loop3A_1216 = arith.index_cast %parallel_loop3A_524 : i32 to index
        %parallel_loop3A_1217 = arith.constant 912 : index
        %parallel_loop3A_1218 = tpu.vector_load %arg11[%parallel_loop3A_1216, %parallel_loop3A_1217] {strides = array<i32>} : memref<16x1024xf32, #tpu.memory_space<vmem>>, vector<1x16xf32>,
        %parallel_loop3A_1219 = vector.shape_cast %parallel_loop3A_1218 : vector<1x16xf32> to vector<16xf32>
        %parallel_loop3A_1220 = vector.shape_cast %parallel_loop3A_1215 : vector<16xf32> to vector<1x16xf32>
        tpu.vector_store %arg11[%parallel_loop3A_1216, %parallel_loop3A_1217], %parallel_loop3A_1220 {add = true, strides = array<i32>} : memref<16x1024xf32, #tpu.memory_space<vmem>>, vector<1x16xf32>,
        %parallel_loop3A_1221 = arith.index_cast %parallel_loop3A_524 : i32 to index
        %parallel_loop3A_1222 = arith.constant 928 : index
        %parallel_loop3A_1223 = tpu.vector_load %arg9[%parallel_loop3A_1221, %parallel_loop3A_1222] {strides = array<i32>} : memref<16x1024xf32, #tpu.memory_space<vmem>>, vector<1x16xf32>,
        %parallel_loop3A_1224 = vector.shape_cast %parallel_loop3A_1223 : vector<1x16xf32> to vector<16xf32>
        %parallel_loop3A_1225 = arith.constant 22.6274166 : f32
        %parallel_loop3A_1226 = vector.broadcast %parallel_loop3A_1225 : f32 to vector<16xf32>
        %parallel_loop3A_1227 = arith.mulf %parallel_loop3A_1224, %parallel_loop3A_1226 : vector<16xf32>
        %parallel_loop3A_1228 = arith.index_cast %parallel_loop3A_524 : i32 to index
        %parallel_loop3A_1229 = arith.constant 928 : index
        %parallel_loop3A_1230 = tpu.vector_load %arg11[%parallel_loop3A_1228, %parallel_loop3A_1229] {strides = array<i32>} : memref<16x1024xf32, #tpu.memory_space<vmem>>, vector<1x16xf32>,
        %parallel_loop3A_1231 = vector.shape_cast %parallel_loop3A_1230 : vector<1x16xf32> to vector<16xf32>
        %parallel_loop3A_1232 = vector.shape_cast %parallel_loop3A_1227 : vector<16xf32> to vector<1x16xf32>
        tpu.vector_store %arg11[%parallel_loop3A_1228, %parallel_loop3A_1229], %parallel_loop3A_1232 {add = true, strides = array<i32>} : memref<16x1024xf32, #tpu.memory_space<vmem>>, vector<1x16xf32>,
        %parallel_loop3A_1233 = arith.index_cast %parallel_loop3A_524 : i32 to index
        %parallel_loop3A_1234 = arith.constant 944 : index
        %parallel_loop3A_1235 = tpu.vector_load %arg9[%parallel_loop3A_1233, %parallel_loop3A_1234] {strides = array<i32>} : memref<16x1024xf32, #tpu.memory_space<vmem>>, vector<1x16xf32>,
        %parallel_loop3A_1236 = vector.shape_cast %parallel_loop3A_1235 : vector<1x16xf32> to vector<16xf32>
        %parallel_loop3A_1237 = arith.constant 22.6274166 : f32
        %parallel_loop3A_1238 = vector.broadcast %parallel_loop3A_1237 : f32 to vector<16xf32>
        %parallel_loop3A_1239 = arith.mulf %parallel_loop3A_1236, %parallel_loop3A_1238 : vector<16xf32>
        %parallel_loop3A_1240 = arith.index_cast %parallel_loop3A_524 : i32 to index
        %parallel_loop3A_1241 = arith.constant 944 : index
        %parallel_loop3A_1242 = tpu.vector_load %arg11[%parallel_loop3A_1240, %parallel_loop3A_1241] {strides = array<i32>} : memref<16x1024xf32, #tpu.memory_space<vmem>>, vector<1x16xf32>,
        %parallel_loop3A_1243 = vector.shape_cast %parallel_loop3A_1242 : vector<1x16xf32> to vector<16xf32>
        %parallel_loop3A_1244 = vector.shape_cast %parallel_loop3A_1239 : vector<16xf32> to vector<1x16xf32>
        tpu.vector_store %arg11[%parallel_loop3A_1240, %parallel_loop3A_1241], %parallel_loop3A_1244 {add = true, strides = array<i32>} : memref<16x1024xf32, #tpu.memory_space<vmem>>, vector<1x16xf32>,
        %parallel_loop3A_1245 = arith.index_cast %parallel_loop3A_524 : i32 to index
        %parallel_loop3A_1246 = arith.constant 960 : index
        %parallel_loop3A_1247 = tpu.vector_load %arg9[%parallel_loop3A_1245, %parallel_loop3A_1246] {strides = array<i32>} : memref<16x1024xf32, #tpu.memory_space<vmem>>, vector<1x16xf32>,
        %parallel_loop3A_1248 = vector.shape_cast %parallel_loop3A_1247 : vector<1x16xf32> to vector<16xf32>
        %parallel_loop3A_1249 = arith.constant 22.6274166 : f32
        %parallel_loop3A_1250 = vector.broadcast %parallel_loop3A_1249 : f32 to vector<16xf32>
        %parallel_loop3A_1251 = arith.mulf %parallel_loop3A_1248, %parallel_loop3A_1250 : vector<16xf32>
        %parallel_loop3A_1252 = arith.index_cast %parallel_loop3A_524 : i32 to index
        %parallel_loop3A_1253 = arith.constant 960 : index
        %parallel_loop3A_1254 = tpu.vector_load %arg11[%parallel_loop3A_1252, %parallel_loop3A_1253] {strides = array<i32>} : memref<16x1024xf32, #tpu.memory_space<vmem>>, vector<1x16xf32>,
        %parallel_loop3A_1255 = vector.shape_cast %parallel_loop3A_1254 : vector<1x16xf32> to vector<16xf32>
        %parallel_loop3A_1256 = vector.shape_cast %parallel_loop3A_1251 : vector<16xf32> to vector<1x16xf32>
        tpu.vector_store %arg11[%parallel_loop3A_1252, %parallel_loop3A_1253], %parallel_loop3A_1256 {add = true, strides = array<i32>} : memref<16x1024xf32, #tpu.memory_space<vmem>>, vector<1x16xf32>,
        %parallel_loop3A_1257 = arith.index_cast %parallel_loop3A_524 : i32 to index
        %parallel_loop3A_1258 = arith.constant 976 : index
        %parallel_loop3A_1259 = tpu.vector_load %arg9[%parallel_loop3A_1257, %parallel_loop3A_1258] {strides = array<i32>} : memref<16x1024xf32, #tpu.memory_space<vmem>>, vector<1x16xf32>,
        %parallel_loop3A_1260 = vector.shape_cast %parallel_loop3A_1259 : vector<1x16xf32> to vector<16xf32>
        %parallel_loop3A_1261 = arith.constant 22.6274166 : f32
        %parallel_loop3A_1262 = vector.broadcast %parallel_loop3A_1261 : f32 to vector<16xf32>
        %parallel_loop3A_1263 = arith.mulf %parallel_loop3A_1260, %parallel_loop3A_1262 : vector<16xf32>
        %parallel_loop3A_1264 = arith.index_cast %parallel_loop3A_524 : i32 to index
        %parallel_loop3A_1265 = arith.constant 976 : index
        %parallel_loop3A_1266 = tpu.vector_load %arg11[%parallel_loop3A_1264, %parallel_loop3A_1265] {strides = array<i32>} : memref<16x1024xf32, #tpu.memory_space<vmem>>, vector<1x16xf32>,
        %parallel_loop3A_1267 = vector.shape_cast %parallel_loop3A_1266 : vector<1x16xf32> to vector<16xf32>
        %parallel_loop3A_1268 = vector.shape_cast %parallel_loop3A_1263 : vector<16xf32> to vector<1x16xf32>
        tpu.vector_store %arg11[%parallel_loop3A_1264, %parallel_loop3A_1265], %parallel_loop3A_1268 {add = true, strides = array<i32>} : memref<16x1024xf32, #tpu.memory_space<vmem>>, vector<1x16xf32>,
        %parallel_loop3A_1269 = arith.index_cast %parallel_loop3A_524 : i32 to index
        %parallel_loop3A_1270 = arith.constant 992 : index
        %parallel_loop3A_1271 = tpu.vector_load %arg9[%parallel_loop3A_1269, %parallel_loop3A_1270] {strides = array<i32>} : memref<16x1024xf32, #tpu.memory_space<vmem>>, vector<1x16xf32>,
        %parallel_loop3A_1272 = vector.shape_cast %parallel_loop3A_1271 : vector<1x16xf32> to vector<16xf32>
        %parallel_loop3A_1273 = arith.constant 22.6274166 : f32
        %parallel_loop3A_1274 = vector.broadcast %parallel_loop3A_1273 : f32 to vector<16xf32>
        %parallel_loop3A_1275 = arith.mulf %parallel_loop3A_1272, %parallel_loop3A_1274 : vector<16xf32>
        %parallel_loop3A_1276 = arith.index_cast %parallel_loop3A_524 : i32 to index
        %parallel_loop3A_1277 = arith.constant 992 : index
        %parallel_loop3A_1278 = tpu.vector_load %arg11[%parallel_loop3A_1276, %parallel_loop3A_1277] {strides = array<i32>} : memref<16x1024xf32, #tpu.memory_space<vmem>>, vector<1x16xf32>,
        %parallel_loop3A_1279 = vector.shape_cast %parallel_loop3A_1278 : vector<1x16xf32> to vector<16xf32>
        %parallel_loop3A_1280 = vector.shape_cast %parallel_loop3A_1275 : vector<16xf32> to vector<1x16xf32>
        tpu.vector_store %arg11[%parallel_loop3A_1276, %parallel_loop3A_1277], %parallel_loop3A_1280 {add = true, strides = array<i32>} : memref<16x1024xf32, #tpu.memory_space<vmem>>, vector<1x16xf32>,
        %parallel_loop3A_1281 = arith.index_cast %parallel_loop3A_524 : i32 to index
        %parallel_loop3A_1282 = arith.constant 1008 : index
        %parallel_loop3A_1283 = tpu.vector_load %arg9[%parallel_loop3A_1281, %parallel_loop3A_1282] {strides = array<i32>} : memref<16x1024xf32, #tpu.memory_space<vmem>>, vector<1x16xf32>,
        %parallel_loop3A_1284 = vector.shape_cast %parallel_loop3A_1283 : vector<1x16xf32> to vector<16xf32>
        %parallel_loop3A_1285 = arith.constant 22.6274166 : f32
        %parallel_loop3A_1286 = vector.broadcast %parallel_loop3A_1285 : f32 to vector<16xf32>
        %parallel_loop3A_1287 = arith.mulf %parallel_loop3A_1284, %parallel_loop3A_1286 : vector<16xf32>
        %parallel_loop3A_1288 = arith.index_cast %parallel_loop3A_524 : i32 to index
        %parallel_loop3A_1289 = arith.constant 1008 : index
        %parallel_loop3A_1290 = tpu.vector_load %arg11[%parallel_loop3A_1288, %parallel_loop3A_1289] {strides = array<i32>} : memref<16x1024xf32, #tpu.memory_space<vmem>>, vector<1x16xf32>,
        %parallel_loop3A_1291 = vector.shape_cast %parallel_loop3A_1290 : vector<1x16xf32> to vector<16xf32>
        %parallel_loop3A_1292 = vector.shape_cast %parallel_loop3A_1287 : vector<16xf32> to vector<1x16xf32>
        tpu.vector_store %arg11[%parallel_loop3A_1288, %parallel_loop3A_1289], %parallel_loop3A_1292 {add = true, strides = array<i32>} : memref<16x1024xf32, #tpu.memory_space<vmem>>, vector<1x16xf32>,
      } {sc.loop_unroll_factor = 1 : i64, sc.parallel_access}
      %jit3A_436 = arith.constant 4 : i32
      %eq3A_437 = arith.constant 0 : i32
      %eq3A_438 = arith.cmpi eq, %jit3A_436, %eq3A_437 : i32
      %jit3A_439 = arith.constant 1 : i32
      %select_n3A_440 = arith.select %eq3A_438, %jit3A_439, %jit3A_436 : i32
      %rem3A_441 = arith.remsi %add3A_335, %select_n3A_440 : i32
      %ne3A_442 = arith.constant 0 : i32
      %ne3A_443 = arith.cmpi ne, %rem3A_441, %ne3A_442 : i32
      %lt3A_444 = arith.constant 0 : i32
      %lt3A_445 = arith.cmpi slt, %rem3A_441, %lt3A_444 : i32
      %lt3A_446 = arith.constant 0 : i32
      %lt3A_447 = arith.cmpi slt, %select_n3A_440, %lt3A_446 : i32
      %ne3A_448 = arith.xori %lt3A_445, %lt3A_447 : i1
      %and3A_449 = arith.andi %ne3A_448, %ne3A_443 : i1
      %add3A_450 = arith.addi %rem3A_441, %select_n3A_440 : i32
      %select_n3A_451 = arith.select %and3A_449, %add3A_450, %rem3A_441 : i32
      %jit3A_452 = arith.constant 4 : i32
      %div3A_453 = arith.divsi %add3A_335, %jit3A_452 : i32
      %sign3A_454 = arith.constant 0 : i32
      %sign3A_455 = arith.cmpi sgt, %add3A_335, %sign3A_454 : i32
      %sign3A_456 = arith.extui %sign3A_455 : i1 to i32
      %sign3A_457 = arith.constant 0 : i32
      %sign3A_458 = arith.cmpi slt, %add3A_335, %sign3A_457 : i32
      %sign3A_459 = arith.extui %sign3A_458 : i1 to i32
      %sign3A_460 = arith.subi %sign3A_456, %sign3A_459 : i32
      %sign3A_461 = arith.constant 0 : i32
      %sign3A_462 = arith.cmpi sgt, %jit3A_452, %sign3A_461 : i32
      %sign3A_463 = arith.extui %sign3A_462 : i1 to i32
      %sign3A_464 = arith.constant 0 : i32
      %sign3A_465 = arith.cmpi slt, %jit3A_452, %sign3A_464 : i32
      %sign3A_466 = arith.extui %sign3A_465 : i1 to i32
      %sign3A_467 = arith.subi %sign3A_463, %sign3A_466 : i32
      %ne3A_468 = arith.cmpi ne, %sign3A_460, %sign3A_467 : i32
      %rem3A_469 = arith.remsi %add3A_335, %jit3A_452 : i32
      %ne3A_470 = arith.constant 0 : i32
      %ne3A_471 = arith.cmpi ne, %rem3A_469, %ne3A_470 : i32
      %and3A_472 = arith.andi %ne3A_468, %ne3A_471 : i1
      %sub3A_473 = arith.constant 1 : i32
      %sub3A_474 = arith.subi %div3A_453, %sub3A_473 : i32
      %select_n3A_475 = arith.select %and3A_472, %sub3A_474, %div3A_453 : i32
      %mul3A_476 = arith.constant 16 : i32
      %mul3A_477 = arith.muli %select_n3A_475, %mul3A_476 : i32
      %add3A_478 = arith.addi %mul3A_2, %mul3A_477 : i32
      %dma_start3A_479 = arith.constant 0 : i32
      %dma_start3A_480 = tpu.memref_slice %arg5[%select_n3A_451, %add3A_478, %dma_start3A_479] : memref<4x2048x1024xf32, #tpu.memory_space<hbm>> -> memref<1x16x1024xf32, #tpu.memory_space<hbm>>
      %dma_start3A_481 = tpu.memref_squeeze %dma_start3A_480 : memref<1x16x1024xf32, #tpu.memory_space<hbm>> -> memref<16x1024xf32, #tpu.memory_space<hbm>>
      %dma_start3A_482 = arith.constant 0 : i32
      %dma_start3A_483 = tpu.memref_slice %arg5[%select_n3A_451, %add3A_478, %dma_start3A_482] : memref<4x2048x1024xf32, #tpu.memory_space<hbm>> -> memref<1x16x1024xf32, #tpu.memory_space<hbm>>
      %dma_start3A_484 = tpu.memref_squeeze %dma_start3A_483 : memref<1x16x1024xf32, #tpu.memory_space<hbm>> -> memref<16x1024xf32, #tpu.memory_space<hbm>>
      tpu.enqueue_dma source(%arg11 : memref<16x1024xf32, #tpu.memory_space<vmem>>) target(%dma_start3A_484 : memref<16x1024xf32, #tpu.memory_space<hbm>>) target_semaphore(%arg15 : memref<!tpu.dma_semaphore, #tpu.memory_space<semaphore_mem>>)
      %lt3A_485 = arith.constant 14 : i32
      %lt3A_486 = arith.cmpi slt, %add3A_335, %lt3A_485 : i32
      %convert_element_type3A_487 = arith.extui %lt3A_486 : i1 to i32
      %cond3A_488 = arith.constant 0 : i32
      %cond3A_489 = arith.cmpi ne, %convert_element_type3A_487, %cond3A_488 : i32
      scf.if %cond3A_489 {
        %add3A_524 = arith.constant 2 : i32
        %add3A_525 = arith.addi %add3A_335, %add3A_524 : i32
        %jit3A_526 = arith.constant 4 : i32
        %eq3A_527 = arith.constant 0 : i32
        %eq3A_528 = arith.cmpi eq, %jit3A_526, %eq3A_527 : i32
        %jit3A_529 = arith.constant 1 : i32
        %select_n3A_530 = arith.select %eq3A_528, %jit3A_529, %jit3A_526 : i32
        %rem3A_531 = arith.remsi %add3A_525, %select_n3A_530 : i32
        %ne3A_532 = arith.constant 0 : i32
        %ne3A_533 = arith.cmpi ne, %rem3A_531, %ne3A_532 : i32
        %lt3A_534 = arith.constant 0 : i32
        %lt3A_535 = arith.cmpi slt, %rem3A_531, %lt3A_534 : i32
        %lt3A_536 = arith.constant 0 : i32
        %lt3A_537 = arith.cmpi slt, %select_n3A_530, %lt3A_536 : i32
        %ne3A_538 = arith.xori %lt3A_535, %lt3A_537 : i1
        %and3A_539 = arith.andi %ne3A_538, %ne3A_533 : i1
        %add3A_540 = arith.addi %rem3A_531, %select_n3A_530 : i32
        %select_n3A_541 = arith.select %and3A_539, %add3A_540, %rem3A_531 : i32
        %jit3A_542 = arith.constant 4 : i32
        %div3A_543 = arith.divsi %add3A_525, %jit3A_542 : i32
        %sign3A_544 = arith.constant 0 : i32
        %sign3A_545 = arith.cmpi sgt, %add3A_525, %sign3A_544 : i32
        %sign3A_546 = arith.extui %sign3A_545 : i1 to i32
        %sign3A_547 = arith.constant 0 : i32
        %sign3A_548 = arith.cmpi slt, %add3A_525, %sign3A_547 : i32
        %sign3A_549 = arith.extui %sign3A_548 : i1 to i32
        %sign3A_550 = arith.subi %sign3A_546, %sign3A_549 : i32
        %sign3A_551 = arith.constant 0 : i32
        %sign3A_552 = arith.cmpi sgt, %jit3A_542, %sign3A_551 : i32
        %sign3A_553 = arith.extui %sign3A_552 : i1 to i32
        %sign3A_554 = arith.constant 0 : i32
        %sign3A_555 = arith.cmpi slt, %jit3A_542, %sign3A_554 : i32
        %sign3A_556 = arith.extui %sign3A_555 : i1 to i32
        %sign3A_557 = arith.subi %sign3A_553, %sign3A_556 : i32
        %ne3A_558 = arith.cmpi ne, %sign3A_550, %sign3A_557 : i32
        %rem3A_559 = arith.remsi %add3A_525, %jit3A_542 : i32
        %ne3A_560 = arith.constant 0 : i32
        %ne3A_561 = arith.cmpi ne, %rem3A_559, %ne3A_560 : i32
        %and3A_562 = arith.andi %ne3A_558, %ne3A_561 : i1
        %sub3A_563 = arith.constant 1 : i32
        %sub3A_564 = arith.subi %div3A_543, %sub3A_563 : i32
        %select_n3A_565 = arith.select %and3A_562, %sub3A_564, %div3A_543 : i32
        %mul3A_566 = arith.constant 64 : i32
        %mul3A_567 = arith.muli %select_n3A_541, %mul3A_566 : i32
        %mul3A_568 = arith.constant 16 : i32
        %mul3A_569 = arith.muli %select_n3A_565, %mul3A_568 : i32
        %add3A_570 = arith.addi %mul3A_567, %mul3A_569 : i32
        %dma_start3A_571 = tpu.memref_slice %arg6[%add3A_570] : memref<256xi32, #tpu.memory_space<vmem>> -> memref<16xi32, #tpu.memory_space<vmem>>
        %dma_start3A_572 = arith.constant 0 : i32
        %dma_start3A_573 = arith.constant 0 : i32
        %dma_start3A_574 = tpu.memref_slice %arg3[%dma_start3A_572, %dma_start3A_573] : memref<100000x1024xf32, #tpu.memory_space<hbm>> -> memref<100000x1024xf32, #tpu.memory_space<hbm>>
        tpu.enqueue_indirect_dma source(%dma_start3A_574 : memref<100000x1024xf32, #tpu.memory_space<hbm>>) target(%arg9 : memref<16x1024xf32, #tpu.memory_space<vmem>>) offsets(%dma_start3A_571 : memref<16xi32, #tpu.memory_space<vmem>>) semaphore(%arg13 : memref<!tpu.dma_semaphore, #tpu.memory_space<semaphore_mem>>)
      } else {
      }
      %eq3A_490 = arith.constant 3 : i32
      %eq3A_491 = arith.cmpi eq, %add3A_335, %eq3A_490 : i32
      %convert_element_type3A_492 = arith.extui %eq3A_491 : i1 to i32
      %cond3A_493 = arith.constant 0 : i32
      %cond3A_494 = arith.cmpi ne, %convert_element_type3A_492, %cond3A_493 : i32
      scf.if %cond3A_494 {
        %add3A_524 = arith.constant 48 : i32
        %add3A_525 = arith.addi %mul3A_2, %add3A_524 : i32
        %dma_start3A_526 = arith.constant 0 : i32
        %dma_start3A_527 = arith.constant 0 : i32
        %dma_start3A_528 = tpu.memref_slice %arg7[%arg1, %dma_start3A_526, %dma_start3A_527] : memref<16x48x1024xf32, #tpu.memory_space<vmem_shared>> -> memref<1x16x1024xf32, #tpu.memory_space<vmem_shared>>
        %dma_start3A_529 = tpu.memref_squeeze %dma_start3A_528 : memref<1x16x1024xf32, #tpu.memory_space<vmem_shared>> -> memref<16x1024xf32, #tpu.memory_space<vmem_shared>>
        %dma_start3A_530 = arith.constant 0 : i32
        %dma_start3A_531 = tpu.memref_slice %arg4[%add3A_525, %dma_start3A_530] : memref<2048x1024xf32, #tpu.memory_space<hbm>> -> memref<16x1024xf32, #tpu.memory_space<hbm>>
        tpu.enqueue_dma source(%dma_start3A_531 : memref<16x1024xf32, #tpu.memory_space<hbm>>) target(%dma_start3A_529 : memref<16x1024xf32, #tpu.memory_space<vmem_shared>>) target_semaphore(%arg22 : memref<!tpu.dma_semaphore, #tpu.memory_space<semaphore_mem>>)
      } else {
      }
      %add3A_495 = arith.constant 1 : i32
      %add3A_496 = arith.addi %add3A_335, %add3A_495 : i32
      %eq3A_497 = arith.constant 4 : i32
      %eq3A_498 = arith.cmpi eq, %add3A_496, %eq3A_497 : i32
      %convert_element_type3A_499 = arith.extui %eq3A_498 : i1 to i32
      %cond3A_500 = arith.constant 0 : i32
      %cond3A_501 = arith.cmpi ne, %convert_element_type3A_499, %cond3A_500 : i32
      scf.if %cond3A_501 {
        %add3A_524 = arith.constant 16 : i32
        %add3A_525 = arith.addi %mul3A_2, %add3A_524 : i32
        %dma_wait3A_526 = arith.constant 16 : i32
        %dma_wait3A_527 = arith.constant 0 : i32
        %dma_wait3A_528 = tpu.memref_slice %arg7[%arg1, %dma_wait3A_526, %dma_wait3A_527] : memref<16x48x1024xf32, #tpu.memory_space<vmem_shared>> -> memref<1x16x1024xf32, #tpu.memory_space<vmem_shared>>
        %dma_wait3A_529 = tpu.memref_squeeze %dma_wait3A_528 : memref<1x16x1024xf32, #tpu.memory_space<vmem_shared>> -> memref<16x1024xf32, #tpu.memory_space<vmem_shared>>
        %dma_wait3A_530 = arith.constant 0 : i32
        %dma_wait3A_531 = tpu.memref_slice %arg4[%add3A_525, %dma_wait3A_530] : memref<2048x1024xf32, #tpu.memory_space<hbm>> -> memref<16x1024xf32, #tpu.memory_space<hbm>>
        tpu.wait_dma2 semaphore(%arg20 : memref<!tpu.dma_semaphore, #tpu.memory_space<semaphore_mem>>) src(%dma_wait3A_531 : memref<16x1024xf32, #tpu.memory_space<hbm>>) dst(%dma_wait3A_529 : memref<16x1024xf32, #tpu.memory_space<vmem_shared>>)
      } else {
      }
      %add3A_502 = arith.constant 1 : i32
      %add3A_503 = arith.addi %add3A_335, %add3A_502 : i32
      %eq3A_504 = arith.constant 8 : i32
      %eq3A_505 = arith.cmpi eq, %add3A_503, %eq3A_504 : i32
      %convert_element_type3A_506 = arith.extui %eq3A_505 : i1 to i32
      %cond3A_507 = arith.constant 0 : i32
      %cond3A_508 = arith.cmpi ne, %convert_element_type3A_506, %cond3A_507 : i32
      scf.if %cond3A_508 {
        %add3A_524 = arith.constant 32 : i32
        %add3A_525 = arith.addi %mul3A_2, %add3A_524 : i32
        %dma_wait3A_526 = arith.constant 32 : i32
        %dma_wait3A_527 = arith.constant 0 : i32
        %dma_wait3A_528 = tpu.memref_slice %arg7[%arg1, %dma_wait3A_526, %dma_wait3A_527] : memref<16x48x1024xf32, #tpu.memory_space<vmem_shared>> -> memref<1x16x1024xf32, #tpu.memory_space<vmem_shared>>
        %dma_wait3A_529 = tpu.memref_squeeze %dma_wait3A_528 : memref<1x16x1024xf32, #tpu.memory_space<vmem_shared>> -> memref<16x1024xf32, #tpu.memory_space<vmem_shared>>
        %dma_wait3A_530 = arith.constant 0 : i32
        %dma_wait3A_531 = tpu.memref_slice %arg4[%add3A_525, %dma_wait3A_530] : memref<2048x1024xf32, #tpu.memory_space<hbm>> -> memref<16x1024xf32, #tpu.memory_space<hbm>>
        tpu.wait_dma2 semaphore(%arg21 : memref<!tpu.dma_semaphore, #tpu.memory_space<semaphore_mem>>) src(%dma_wait3A_531 : memref<16x1024xf32, #tpu.memory_space<hbm>>) dst(%dma_wait3A_529 : memref<16x1024xf32, #tpu.memory_space<vmem_shared>>)
      } else {
      }
      %add3A_509 = arith.constant 1 : i32
      %add3A_510 = arith.addi %add3A_335, %add3A_509 : i32
      %eq3A_511 = arith.constant 12 : i32
      %eq3A_512 = arith.cmpi eq, %add3A_510, %eq3A_511 : i32
      %convert_element_type3A_513 = arith.extui %eq3A_512 : i1 to i32
      %cond3A_514 = arith.constant 0 : i32
      %cond3A_515 = arith.cmpi ne, %convert_element_type3A_513, %cond3A_514 : i32
      scf.if %cond3A_515 {
        %add3A_524 = arith.constant 48 : i32
        %add3A_525 = arith.addi %mul3A_2, %add3A_524 : i32
        %dma_wait3A_526 = arith.constant 0 : i32
        %dma_wait3A_527 = arith.constant 0 : i32
        %dma_wait3A_528 = tpu.memref_slice %arg7[%arg1, %dma_wait3A_526, %dma_wait3A_527] : memref<16x48x1024xf32, #tpu.memory_space<vmem_shared>> -> memref<1x16x1024xf32, #tpu.memory_space<vmem_shared>>
        %dma_wait3A_529 = tpu.memref_squeeze %dma_wait3A_528 : memref<1x16x1024xf32, #tpu.memory_space<vmem_shared>> -> memref<16x1024xf32, #tpu.memory_space<vmem_shared>>
        %dma_wait3A_530 = arith.constant 0 : i32
        %dma_wait3A_531 = tpu.memref_slice %arg4[%add3A_525, %dma_wait3A_530] : memref<2048x1024xf32, #tpu.memory_space<hbm>> -> memref<16x1024xf32, #tpu.memory_space<hbm>>
        tpu.wait_dma2 semaphore(%arg22 : memref<!tpu.dma_semaphore, #tpu.memory_space<semaphore_mem>>) src(%dma_wait3A_531 : memref<16x1024xf32, #tpu.memory_space<hbm>>) dst(%dma_wait3A_529 : memref<16x1024xf32, #tpu.memory_space<vmem_shared>>)
      } else {
      }
      %ge3A_516 = arith.constant 1 : i32
      %ge3A_517 = arith.cmpi sge, %add3A_335, %ge3A_516 : i32
      %lt3A_518 = arith.constant 15 : i32
      %lt3A_519 = arith.cmpi slt, %add3A_335, %lt3A_518 : i32
      %and3A_520 = arith.andi %ge3A_517, %lt3A_519 : i1
      %convert_element_type3A_521 = arith.extui %and3A_520 : i1 to i32
      %cond3A_522 = arith.constant 0 : i32
      %cond3A_523 = arith.cmpi ne, %convert_element_type3A_521, %cond3A_522 : i32
      scf.if %cond3A_523 {
        %sub3A_524 = arith.constant 1 : i32
        %sub3A_525 = arith.subi %add3A_335, %sub3A_524 : i32
        %jit3A_526 = arith.constant 4 : i32
        %eq3A_527 = arith.constant 0 : i32
        %eq3A_528 = arith.cmpi eq, %jit3A_526, %eq3A_527 : i32
        %jit3A_529 = arith.constant 1 : i32
        %select_n3A_530 = arith.select %eq3A_528, %jit3A_529, %jit3A_526 : i32
        %rem3A_531 = arith.remsi %sub3A_525, %select_n3A_530 : i32
        %ne3A_532 = arith.constant 0 : i32
        %ne3A_533 = arith.cmpi ne, %rem3A_531, %ne3A_532 : i32
        %lt3A_534 = arith.constant 0 : i32
        %lt3A_535 = arith.cmpi slt, %rem3A_531, %lt3A_534 : i32
        %lt3A_536 = arith.constant 0 : i32
        %lt3A_537 = arith.cmpi slt, %select_n3A_530, %lt3A_536 : i32
        %ne3A_538 = arith.xori %lt3A_535, %lt3A_537 : i1
        %and3A_539 = arith.andi %ne3A_538, %ne3A_533 : i1
        %add3A_540 = arith.addi %rem3A_531, %select_n3A_530 : i32
        %select_n3A_541 = arith.select %and3A_539, %add3A_540, %rem3A_531 : i32
        %jit3A_542 = arith.constant 4 : i32
        %div3A_543 = arith.divsi %sub3A_525, %jit3A_542 : i32
        %sign3A_544 = arith.constant 0 : i32
        %sign3A_545 = arith.cmpi sgt, %sub3A_525, %sign3A_544 : i32
        %sign3A_546 = arith.extui %sign3A_545 : i1 to i32
        %sign3A_547 = arith.constant 0 : i32
        %sign3A_548 = arith.cmpi slt, %sub3A_525, %sign3A_547 : i32
        %sign3A_549 = arith.extui %sign3A_548 : i1 to i32
        %sign3A_550 = arith.subi %sign3A_546, %sign3A_549 : i32
        %sign3A_551 = arith.constant 0 : i32
        %sign3A_552 = arith.cmpi sgt, %jit3A_542, %sign3A_551 : i32
        %sign3A_553 = arith.extui %sign3A_552 : i1 to i32
        %sign3A_554 = arith.constant 0 : i32
        %sign3A_555 = arith.cmpi slt, %jit3A_542, %sign3A_554 : i32
        %sign3A_556 = arith.extui %sign3A_555 : i1 to i32
        %sign3A_557 = arith.subi %sign3A_553, %sign3A_556 : i32
        %ne3A_558 = arith.cmpi ne, %sign3A_550, %sign3A_557 : i32
        %rem3A_559 = arith.remsi %sub3A_525, %jit3A_542 : i32
        %ne3A_560 = arith.constant 0 : i32
        %ne3A_561 = arith.cmpi ne, %rem3A_559, %ne3A_560 : i32
        %and3A_562 = arith.andi %ne3A_558, %ne3A_561 : i1
        %sub3A_563 = arith.constant 1 : i32
        %sub3A_564 = arith.subi %div3A_543, %sub3A_563 : i32
        %select_n3A_565 = arith.select %and3A_562, %sub3A_564, %div3A_543 : i32
        %mul3A_566 = arith.constant 16 : i32
        %mul3A_567 = arith.muli %select_n3A_565, %mul3A_566 : i32
        %add3A_568 = arith.addi %mul3A_2, %mul3A_567 : i32
        %dma_wait3A_569 = arith.constant 0 : i32
        %dma_wait3A_570 = tpu.memref_slice %arg5[%select_n3A_541, %add3A_568, %dma_wait3A_569] : memref<4x2048x1024xf32, #tpu.memory_space<hbm>> -> memref<1x16x1024xf32, #tpu.memory_space<hbm>>
        %dma_wait3A_571 = tpu.memref_squeeze %dma_wait3A_570 : memref<1x16x1024xf32, #tpu.memory_space<hbm>> -> memref<16x1024xf32, #tpu.memory_space<hbm>>
        %dma_wait3A_572 = arith.constant 0 : i32
        %dma_wait3A_573 = tpu.memref_slice %arg5[%select_n3A_541, %add3A_568, %dma_wait3A_572] : memref<4x2048x1024xf32, #tpu.memory_space<hbm>> -> memref<1x16x1024xf32, #tpu.memory_space<hbm>>
        %dma_wait3A_574 = tpu.memref_squeeze %dma_wait3A_573 : memref<1x16x1024xf32, #tpu.memory_space<hbm>> -> memref<16x1024xf32, #tpu.memory_space<hbm>>
        tpu.wait_dma2 semaphore(%arg14 : memref<!tpu.dma_semaphore, #tpu.memory_space<semaphore_mem>>) src(%arg10 : memref<16x1024xf32, #tpu.memory_space<vmem>>) dst(%dma_wait3A_574 : memref<16x1024xf32, #tpu.memory_space<hbm>>)
        %add3A_575 = arith.constant 1 : i32
        %add3A_576 = arith.addi %add3A_335, %add3A_575 : i32
        %jit3A_577 = arith.constant 4 : i32
        %div3A_578 = arith.divsi %add3A_576, %jit3A_577 : i32
        %sign3A_579 = arith.constant 0 : i32
        %sign3A_580 = arith.cmpi sgt, %add3A_576, %sign3A_579 : i32
        %sign3A_581 = arith.extui %sign3A_580 : i1 to i32
        %sign3A_582 = arith.constant 0 : i32
        %sign3A_583 = arith.cmpi slt, %add3A_576, %sign3A_582 : i32
        %sign3A_584 = arith.extui %sign3A_583 : i1 to i32
        %sign3A_585 = arith.subi %sign3A_581, %sign3A_584 : i32
        %sign3A_586 = arith.constant 0 : i32
        %sign3A_587 = arith.cmpi sgt, %jit3A_577, %sign3A_586 : i32
        %sign3A_588 = arith.extui %sign3A_587 : i1 to i32
        %sign3A_589 = arith.constant 0 : i32
        %sign3A_590 = arith.cmpi slt, %jit3A_577, %sign3A_589 : i32
        %sign3A_591 = arith.extui %sign3A_590 : i1 to i32
        %sign3A_592 = arith.subi %sign3A_588, %sign3A_591 : i32
        %ne3A_593 = arith.cmpi ne, %sign3A_585, %sign3A_592 : i32
        %rem3A_594 = arith.remsi %add3A_576, %jit3A_577 : i32
        %ne3A_595 = arith.constant 0 : i32
        %ne3A_596 = arith.cmpi ne, %rem3A_594, %ne3A_595 : i32
        %and3A_597 = arith.andi %ne3A_593, %ne3A_596 : i1
        %sub3A_598 = arith.constant 1 : i32
        %sub3A_599 = arith.subi %div3A_578, %sub3A_598 : i32
        %select_n3A_600 = arith.select %and3A_597, %sub3A_599, %div3A_578 : i32
        %jit3A_601 = arith.constant 3 : i32
        %eq3A_602 = arith.constant 0 : i32
        %eq3A_603 = arith.cmpi eq, %jit3A_601, %eq3A_602 : i32
        %jit3A_604 = arith.constant 1 : i32
        %select_n3A_605 = arith.select %eq3A_603, %jit3A_604, %jit3A_601 : i32
        %rem3A_606 = arith.remsi %select_n3A_600, %select_n3A_605 : i32
        %ne3A_607 = arith.constant 0 : i32
        %ne3A_608 = arith.cmpi ne, %rem3A_606, %ne3A_607 : i32
        %lt3A_609 = arith.constant 0 : i32
        %lt3A_610 = arith.cmpi slt, %rem3A_606, %lt3A_609 : i32
        %lt3A_611 = arith.constant 0 : i32
        %lt3A_612 = arith.cmpi slt, %select_n3A_605, %lt3A_611 : i32
        %ne3A_613 = arith.xori %lt3A_610, %lt3A_612 : i1
        %and3A_614 = arith.andi %ne3A_613, %ne3A_608 : i1
        %add3A_615 = arith.addi %rem3A_606, %select_n3A_605 : i32
        %select_n3A_616 = arith.select %and3A_614, %add3A_615, %rem3A_606 : i32
        %mul3A_617 = arith.constant 16 : i32
        %mul3A_618 = arith.muli %select_n3A_616, %mul3A_617 : i32
        %dma_start3A_619 = arith.constant 0 : i32
        %dma_start3A_620 = tpu.memref_slice %arg7[%arg1, %mul3A_618, %dma_start3A_619] : memref<16x48x1024xf32, #tpu.memory_space<vmem_shared>> -> memref<1x16x1024xf32, #tpu.memory_space<vmem_shared>>
        %dma_start3A_621 = tpu.memref_squeeze %dma_start3A_620 : memref<1x16x1024xf32, #tpu.memory_space<vmem_shared>> -> memref<16x1024xf32, #tpu.memory_space<vmem_shared>>
        %dma_start3A_622 = arith.constant 0 : i32
        %dma_start3A_623 = tpu.memref_slice %arg7[%arg1, %mul3A_618, %dma_start3A_622] : memref<16x48x1024xf32, #tpu.memory_space<vmem_shared>> -> memref<1x16x1024xf32, #tpu.memory_space<vmem_shared>>
        %dma_start3A_624 = tpu.memref_squeeze %dma_start3A_623 : memref<1x16x1024xf32, #tpu.memory_space<vmem_shared>> -> memref<16x1024xf32, #tpu.memory_space<vmem_shared>>
        tpu.enqueue_dma source(%dma_start3A_624 : memref<16x1024xf32, #tpu.memory_space<vmem_shared>>) target(%arg10 : memref<16x1024xf32, #tpu.memory_space<vmem>>) target_semaphore(%arg16 : memref<!tpu.dma_semaphore, #tpu.memory_space<semaphore_mem>>)
      } else {
      }
    }
    %scan3A_134 = arith.constant 8 : i32
    %add3A_135 = arith.constant 48 : i32
    %add3A_136 = arith.addi %mul3A_2, %add3A_135 : i32
    %dma_wait3A_137 = arith.constant 2 : i32
    %dma_wait3A_138 = arith.constant 0 : i32
    %dma_wait3A_139 = tpu.memref_slice %arg5[%dma_wait3A_137, %add3A_136, %dma_wait3A_138] : memref<4x2048x1024xf32, #tpu.memory_space<hbm>> -> memref<1x16x1024xf32, #tpu.memory_space<hbm>>
    %dma_wait3A_140 = tpu.memref_squeeze %dma_wait3A_139 : memref<1x16x1024xf32, #tpu.memory_space<hbm>> -> memref<16x1024xf32, #tpu.memory_space<hbm>>
    %dma_wait3A_141 = arith.constant 0 : i32
    %dma_wait3A_142 = tpu.memref_slice %arg5[%dma_wait3A_137, %add3A_136, %dma_wait3A_141] : memref<4x2048x1024xf32, #tpu.memory_space<hbm>> -> memref<1x16x1024xf32, #tpu.memory_space<hbm>>
    %dma_wait3A_143 = tpu.memref_squeeze %dma_wait3A_142 : memref<1x16x1024xf32, #tpu.memory_space<hbm>> -> memref<16x1024xf32, #tpu.memory_space<hbm>>
    tpu.wait_dma2 semaphore(%arg14 : memref<!tpu.dma_semaphore, #tpu.memory_space<semaphore_mem>>) src(%arg10 : memref<16x1024xf32, #tpu.memory_space<vmem>>) dst(%dma_wait3A_143 : memref<16x1024xf32, #tpu.memory_space<hbm>>)
    %add3A_144 = arith.constant 48 : i32
    %add3A_145 = arith.addi %mul3A_2, %add3A_144 : i32
    %dma_wait3A_146 = arith.constant 3 : i32
    %dma_wait3A_147 = arith.constant 0 : i32
    %dma_wait3A_148 = tpu.memref_slice %arg5[%dma_wait3A_146, %add3A_145, %dma_wait3A_147] : memref<4x2048x1024xf32, #tpu.memory_space<hbm>> -> memref<1x16x1024xf32, #tpu.memory_space<hbm>>
    %dma_wait3A_149 = tpu.memref_squeeze %dma_wait3A_148 : memref<1x16x1024xf32, #tpu.memory_space<hbm>> -> memref<16x1024xf32, #tpu.memory_space<hbm>>
    %dma_wait3A_150 = arith.constant 0 : i32
    %dma_wait3A_151 = tpu.memref_slice %arg5[%dma_wait3A_146, %add3A_145, %dma_wait3A_150] : memref<4x2048x1024xf32, #tpu.memory_space<hbm>> -> memref<1x16x1024xf32, #tpu.memory_space<hbm>>
    %dma_wait3A_152 = tpu.memref_squeeze %dma_wait3A_151 : memref<1x16x1024xf32, #tpu.memory_space<hbm>> -> memref<16x1024xf32, #tpu.memory_space<hbm>>
    tpu.wait_dma2 semaphore(%arg15 : memref<!tpu.dma_semaphore, #tpu.memory_space<semaphore_mem>>) src(%arg11 : memref<16x1024xf32, #tpu.memory_space<vmem>>) dst(%dma_wait3A_152 : memref<16x1024xf32, #tpu.memory_space<hbm>>)
    return
  }
}

</mosaic_0001>

<sc_bundles>
// kernel: kernel.3.cloned.1.call-start
scs
__scs_entry_jumppad:
0x0: {  	(pc) =	sbr.rel $0x88, $3  }
0x1: {  	(tag) =	ssettag $0x0;
	lr =	simm.s32 $0x1  }
0x2: {  	[smem:$0x3F9F] =	sst lr;
	_ =	strace $0xD0000000  }
0x3: {  	_ = 	snop  }
0x4: {  	_ = 	snop  }
0x5: {  	_ = 	snop  }
0x6: {  	_ = 	snop  }
0x7: {  	_ = 	snop  }
__scs_overlays_trampoline_lowered:
0x8: {  	[smem:$0x3FAE] =	sst s0  }
0x9: {  	[smem:$0x3FAF] =	sst s1  }
0xa: {  	[smem:$0x3FB0] =	sst s2  }
0xb: {  	[smem:$0x3FB1] =	sst s3  }
0xc: {  	[smem:$0x3FB2] =	sst s4  }
0xd: {  	[smem:$0x3FB3] =	sst s5  }
0xe: {  	[smem:$0x3FB4] =	sst s6  }
0xf: {  	[smem:$0x3FB5] =	sst s7  }
0x10: {  	[smem:$0x3FB6] =	sst s8  }
0x11: {  	[smem:$0x3FB7] =	sst s9;
	s0 =	simm.s32 @!p0 $0x0  }
0x12: {  	s1 =	sld [smem:$0x3F9D];
	s0 =	simm.s32 @p0 $0x1  }
0x13: {  	[smem:$0x3FB8] =	sst s0;
	s0 =	simm.s32 @!p1 $0x0  }
0x14: {  	s2 =	sld [smem:$0x3F9C];
	s0 =	simm.s32 @p1 $0x1  }
0x15: {  	[smem:$0x3FB9] =	sst s0;
	s0 =	simm.s32 @!p2 $0x0  }
0x16: {  	s3 =	sld [smem:$0x3FDB];
	s0 =	simm.s32 @p2 $0x1  }
0x17: {  	s4 =	simm.s32 $0x1BF5;
	[smem:$0x3FBB] =	sst s0  }
0x18: {  	s0 =	sld [smem:$0x3F9E];
	_ =	swait.ge [sflag:s4], $0x0  }
0x19: {  	s7 =	sld [smem:$0x3F9F]  }
0x1a: {  	s8 =	sadd.s32 $0xFFFFE003, lr  }
0x1b: {  	s9 =	sadd.s32 $0xFFFFFEF7, lr;
	s5 =	simm.s32 $0xFFFFFFFF;
	p2 =	slt.u32 s8, $0xFFFFF086  }
0x1c: {  	p1 =	slt.u32 s9, $0xF7A;
	s5 =	simm.s32 @!p2 $0x0  }
0x1d: {  	s5 =	simm.s32 @p1 $0x1;
	p0 =	seq.s32 s7, s2  }
0x1e: {  	s7 =	smul.u32 @!p0 $0xF7A, s2;
	p2 =	seq.s32 @!p0 s5, $0x0  }
0x1f: {  	s9 =	smul.u32 $0xF7A, s1;
	s8 =	simm.s32 @!p0 $0x1BF5;
	p2 =	por !p2, p0  }
0x20: {  	[sflag:s8] =	ssyncset.s32 @!p0 $0xFFFFF086;
	s6 =	sadd.s32 @!p0 s3, s7;
	s7 =	simm.s32 @!p0 $0x108  }
0x21: {  	s3 =	sadd.s32 s3, s9;
	s6 =	sadd.s32 @!p0 $0x88, s6;
	s7 =	simm.s32 @p2 $0x1082  }
0x22: {  	[simem:s7], [sflag:s8] =	dma.local @!p0 [hbm:s6], $0xF7A  }
0x23: {  	s9 =	sor.u32 $0xD0000000, s2;
	s6 =	simm.s32 $0x108;
	_ =	swait.ge @!p0 [sflag:s8], $0x0  }
0x24: {  	s3 =	sadd.s32 $0x88, s3;
	s6 =	simm.s32 @!p1 $0x1082;
	[sflag:s4] =	ssyncset.s32 $0xFFFFF086  }
0x25: {  	[simem:s6], [sflag:s4] =	dma.local [hbm:s3], $0xF7A  }
0x26: {  	[smem:$0x3F9F] =	sst s1;
	(tag) =	ssettag s2;
	_ =	strace s9  }
0x27: {  	s1 =	sld [smem:$0x3FAF]  }
0x28: {  	s2 =	sld [smem:$0x3FB0]  }
0x29: {  	s4 =	sld [smem:$0x3FB2]  }
0x2a: {  	p0 =	seq.s32 s5, $0x0;
	s5 =	sld [smem:$0x3FB3]  }
0x2b: {  	s6 =	sld [smem:$0x3FB4]  }
0x2c: {  	s7 =	sld [smem:$0x3FB5]  }
0x2d: {  	s3 =	simm.s32 $0x108;
	s8 =	sld [smem:$0x3FB6]  }
0x2e: {  	s3 =	simm.s32 @!p0 $0x1082;
	s9 =	sld [smem:$0x3FB7]  }
0x2f: {  	lr =	sadd.s32 s0, s3;
	s0 =	sld [smem:$0x3FAE]  }
0x30: {  	s3 =	sld [smem:$0x3FB1]  }
0x31: {  	[smem:$0x3FBA] =	sst s10  }
0x32: {  	s10 =	sld [smem:$0x3FB8];
	_ =	sdelay $0x3  }
0x33: {  	p0 =	seq.s32 s10, $0x1;
	s10 =	sld [smem:$0x3FBA];
	_ =	sdelay $0x3  }
0x34: {  	[smem:$0x3FBA] =	sst s10  }
0x35: {  	s10 =	sld [smem:$0x3FB9];
	_ =	sdelay $0x3  }
0x36: {  	p1 =	seq.s32 s10, $0x1;
	s10 =	sld [smem:$0x3FBA];
	_ =	sdelay $0x3  }
0x37: {  	[smem:$0x3FBA] =	sst s10  }
0x38: {  	s10 =	sld [smem:$0x3FBB]  }
0x39: {  	_ = 	snop;
	(pc) =	sbr.ind lr, $3  }
0x3a: {  	_ = 	snop  }
0x3b: {  	_ = 	snop  }
0x3c: {  	p2 =	seq.s32 s10, $0x1;
	s10 =	sld [smem:$0x3FBA]  }
0x3d: {  	_ =	shalt  }
0x3e: {  	_ =	shalt  }
0x3f: {  	_ =	shalt  }
0x40: {  	_ =	shalt  }
0x41: {  	_ =	shalt  }
0x42: {  	_ =	shalt  }
0x43: {  	_ =	shalt  }
0x44: {  	_ =	shalt  }
0x45: {  	_ =	shalt  }
0x46: {  	_ =	shalt  }
0x47: {  	_ =	shalt  }
0x48: {  	_ =	shalt  }
0x49: {  	_ =	shalt  }
0x4a: {  	_ =	shalt  }
0x4b: {  	_ =	shalt  }
0x4c: {  	_ =	shalt  }
0x4d: {  	_ =	shalt  }
0x4e: {  	_ =	shalt  }
0x4f: {  	_ =	shalt  }
0x50: {  	_ =	shalt  }
0x51: {  	_ =	shalt  }
0x52: {  	_ =	shalt  }
0x53: {  	_ =	shalt  }
0x54: {  	_ =	shalt  }
0x55: {  	_ =	shalt  }
0x56: {  	_ =	shalt  }
0x57: {  	_ =	shalt  }
0x58: {  	_ =	shalt  }
0x59: {  	_ =	shalt  }
0x5a: {  	_ =	shalt  }
0x5b: {  	_ =	shalt  }
0x5c: {  	_ =	shalt  }
0x5d: {  	_ =	shalt  }
0x5e: {  	_ =	shalt  }
0x5f: {  	_ =	shalt  }
0x60: {  	_ =	shalt  }
0x61: {  	_ =	shalt  }
0x62: {  	_ =	shalt  }
0x63: {  	_ =	shalt  }
0x64: {  	_ =	shalt  }
0x65: {  	_ =	shalt  }
0x66: {  	_ =	shalt  }
0x67: {  	_ =	shalt  }
0x68: {  	_ =	shalt  }
0x69: {  	_ =	shalt  }
0x6a: {  	_ =	shalt  }
0x6b: {  	_ =	shalt  }
0x6c: {  	_ =	shalt  }
0x6d: {  	_ =	shalt  }
0x6e: {  	_ =	shalt  }
0x6f: {  	_ =	shalt  }
0x70: {  	_ =	shalt  }
0x71: {  	_ =	shalt  }
0x72: {  	_ =	shalt  }
0x73: {  	_ =	shalt  }
0x74: {  	_ =	shalt  }
0x75: {  	_ =	shalt  }
0x76: {  	_ =	shalt  }
0x77: {  	_ =	shalt  }
0x78: {  	_ =	shalt  }
0x79: {  	_ =	shalt  }
0x7a: {  	_ =	shalt  }
0x7b: {  	_ =	shalt  }
0x7c: {  	_ =	shalt  }
0x7d: {  	_ =	shalt  }
0x7e: {  	_ =	shalt  }
0x7f: {  	_ =	shalt  }
0x80: {  	_ =	shalt  }
0x81: {  	_ =	shalt  }
0x82: {  	_ =	shalt  }
0x83: {  	_ =	shalt  }
0x84: {  	_ =	shalt  }
0x85: {  	_ =	shalt  }
0x86: {  	_ =	shalt  }
0x87: {  	_ =	shalt  }
.Lfunc_end0:
.L_simem_size_0:
called_computation_lowered:
.L_overlay_start_0:
0x88: {  	s2 =	sld [smem:$0x3FD9]  }
0x89: {  	s3 =	sld [smem:$0x3FFE];
	_ =	sdelay $0x1  }
0x8a: {  	s1 =	srdreg.scid  }
0x8b: {  	s0 =	sand.u32 $0x1, s1  }
0x8c: {  	s17 =	sshll.u32 s0, $0xA;
	s2 =	sadd.s32 s3, s2  }
0x8d: {  	s2 =	sadd.s32 s2, s17  }
0x8e: {  	[smem:$0x3FC6] =	sst s2  }
0x8f: {  	_ = 	snop  }
0x90: {  	s2 =	sld [smem:$0x3FC9]  }
0x91: {  	s18 =	sld [smem:$0x3FC8]  }
0x92: {  	s4 =	sld [smem:$0x3FD0];
	(tm) =	ssettm $0x1  }
0x93: {  	s5 =	sld [smem:$0x3FFB];
	_ =	sdelay $0x3  }
0x94: {  	_ =	strace s5  }
0x95: {  	s5 =	sld [smem:$0x3FFC];
	_ =	sdelay $0x3  }
0x96: {  	_ =	strace s5  }
0x97: {  	s5 =	sld [smem:$0x3FFD];
	_ =	sdelay $0x3  }
0x98: {  	_ =	strace s5  }
0x99: {  	_ =	strace $0x8FFFFFFF  }
0x9a: {  	s19 =	sld [smem:$0x3FDB];
	_ =	sdelay $0x1  }
0x9b: {  	s6 =	simm.s32 $_scs_section_size  }
0x9c: {  	s7 =	simm.s32 $_size__tile_overlayer_lowered;
	s8 =	simm.s32 $_tile_overlayer_lowered  }
0x9d: {  	s22 =	simm.s32 $0x1BFF;
	s21 =	sshll.u32 s8, $0x1;
	s5 =	sadd.s32 s6, s19  }
0x9e: {  	s9 =	simm.s32 $0x0;
	s20 =	sshll.u32 s7, $0x1;
	s7 =	sadd.s32 s21, s5  }
0x9f: {  	[timem:s9], [sflag:s22] =	dma.local [hbm:s7], s20  }
0xa0: {  	_ =	swait.ge [sflag:s22], s20  }
0xa1: {  	s6 =	ssub.s32 $0x0, s20;
	[sflag:s22] =	ssyncset.done $0x0  }
0xa2: {  	[sflag:s22] =	ssyncadd.s32 s6;
	_ =	sdelay $0x1  }
0xa3: {  	s23 =	simm.s32 $0x1B8B  }
0xa4: {  	_ =	swait.ge [sflag:s23], $0x1  }
0xa5: {  	[sflag:s23] =	ssyncset.done $0x0  }
0xa6: {  	s25 =	simm.s32 $0x1B8E;
	s24 =	sld [smem:$0x3FFE];
	[sflag:s23] =	ssyncadd.s32 $0xFFFFFFFF  }
0xa7: {  	s26 =	simm.s32 $execute0_lowered;
	[smem:$0x3FD2] =	sst s25  }
0xa8: {  	s7 =	sshll.u32 s26, $0x1;
	_ =	strace $0x80000046;
	[dreg:$0x1] =	wrdreg $0xFFFFFFFF  }
0xa9: {  	s28 =	simm.s32 $_size_execute0_lowered;
	s5 =	sadd.s32 s5, s7;
	[dreg:$0x0] =	wrdreg $0x0  }
0xaa: {  	s7 =	sshll.u32 s28, $0x1;
	[dreg:$0x2] =	wrdreg s5  }
0xab: {  	[dreg:$0x3] =	wrdreg s7  }
0xac: {  	[dreg:$0x4] =	wrdreg $0xC0  }
0xad: {  	_ =	task [dreg:s9], $0x5FFFF  }
0xae: {  	[dreg:$0x1] =	wrdreg $0xFFFFFFFF  }
0xaf: {  	[dreg:$0x0] =	wrdreg $0x60  }
0xb0: {  	[dreg:$0x2] =	wrdreg s2  }
0xb1: {  	[dreg:$0x3] =	wrdreg s18  }
0xb2: {  	[dreg:$0x4] =	wrdreg s24  }
0xb3: {  	[dreg:$0x5] =	wrdreg s4  }
0xb4: {  	[dreg:$0x6] =	wrdreg $0x1000  }
0xb5: {  	[dreg:$0x7] =	wrdreg $0x9  }
0xb6: {  	_ =	task.clear_ibuf [dreg:s9], $0x8FFFF;
	_ =	strace $0x90000046  }
0xb7: {  	s29 =	simm.s32 $0x9;
	_ =	strace $0x80000048  }
0xb8: {  	_ =	swait.ge [sflag:s29], $0x1  }
0xb9: {  	[sflag:s29] =	ssyncadd.s32 $0xFFFFFFFF  }
0xba: {  	_ =	strace $0x90000048  }
0xbb: {  	_ =	sfence  }
0xbc: {  	s30 =	sld [smem:$0x0];
	_ =	sdelay $0x2  }
0xbd: {  	s31 =	sshll.u32 s1, $0xD;
	s1 =	sshrl.u32 s1, $0x2  }
0xbe: {  	s3 =	sand.u32 $0x4000, s31;
	s1 =	sadd.s32 s1, s30  }
0xbf: {  	s0 =	sor.u32 s3, s0;
	s1 =	sshll.u32 s1, $0x11  }
0xc0: {  	s0 =	sor.u32 s1, s0  }
0xc1: {  	s0 =	sadd.s32 $0x8F2B, s0  }
0xc2: {  	[sflag:s0] =	ssyncadd.remote.s32 $0x1  }
0xc3: {  	_ =	sfence.sel $0xFFFF  }
0xc4: {  	[dreg:$0x0] =	wrdreg $0xFFFFFFFF;
	(pc) =	sbr.abs _section_cstart, $3  }
0xc5: {  	[dreg:$0x1] =	wrdreg $0xFFFFFFFF  }
0xc6: {  	_ =	task.clear_ibuf [dreg:s9], $0x2FFFF;
	_ =	strace $0x9FFFFFFF  }
0xc7: {  	(tm) =	ssettm $0x7FFFFFFF  }
tec
execute0_lowered:
.L_overlay_start_1:
0x0: {  	(tag) =	ssettag $0x1  }
0x1: {  	s0 =	rddreg [dreg:$0x0]  }
0x2: {  	s1 =	rddreg [dreg:$0x1]  }
0x3: {  	s2 =	rddreg [dreg:$0x2]  }
0x4: {  	s3 =	rddreg [dreg:$0x3]  }
0x5: {  	s6 =	rddreg [dreg:$0x4]  }
0x6: {  	s4 =	srdreg.scid;
	s12 =	stileid.u32  }
0x7: {  	s13 =	simm.s32 $0x4;
	s14 =	simm.s32 $0x2;
	s15 =	simm.s32 $0x6  }
0x8: {  	s7 =	sand.u32 $0x1, s4;
	s4 =	simm.s32 $0x0;
	s5 =	sshll.u32 s12, $0x7  }
0x9: {  	s20 =	smul.u32 $0x30000, s12;
	s12 =	sshll.u32 s12, $0x6;
	s16 =	sadd.s32 $0x100, s1  }
0xa: {  	s17 =	sadd.s32 $0x200, s1;
	s18 =	sadd.s32 $0x300, s1;
	s8 =	sshll.u32 s7, $0x6  }
0xb: {  	[smem:$0x7FF] =	sst s4;
	s7 =	ssub.s32 $0x2, s7;
	s24 =	sor.u32 $0x1C08, s12  }
0xc: {  	s5 =	sor.u32 s8, s5;
	_ =	strace $0x80000047;
	s11 =	sshrl.u32 s7, $0x1  }
0xd: {  	s22 =	sshrl.u32 s20, $0x2;
	[dreg:$0xb] =	wrdreg s24;
	s9 =	sshll.u32 s5, $0x2  }
0xe: {  	s5 =	sshll.u32 s5, $0x7;
	s7 =	ssub.s32 s7, s11;
	s11 =	simm.s32 $0x5  }
0xf: {  	s10 =	sand.u32 $0x1E00, s9;
	s2 =	sadd.s32 s5, s2;
	s30 =	smax.u32 s7, $0x1  }
0x10: {  	s7 =	simm.s32 $0x14100;
	s10 =	sor.u32 s8, s10;
	s8 =	sor.u32 s8, s9  }
0x11: {  	s23 =	sadd.s32 $0x400, s2;
	s26 =	sadd.s32 $0xC00, s2;
	[dreg:$0xf] =	wrdreg s30  }
0x12: {  	s29 =	sadd.s32 $0x1400, s2;
	s2 =	sadd.s32 $0x1C00, s2;
	[dreg:$0xa] =	wrdreg s23  }
0x13: {  	s9 =	simm.s32 $0x1;
	s10 =	sshrl.u32 s10, $0x3;
	[dreg:$0xc] =	wrdreg s26  }
0x14: {  	s8 =	sshrl.u32 s8, $0x3;
	[dreg:$0xd] =	wrdreg s29;
	s10 =	sadd.s32 s0, s10  }
0x15: {  	s21 =	sor.u32 $0x20, s8;
	[dreg:$0x6] =	wrdreg s10;
	s10 =	sadd.s32 $0x10, s10  }
0x16: {  	s8 =	sor.u32 $0x30, s8;
	[dreg:$0x7] =	wrdreg s10;
	s10 =	sadd.s32 s0, s21  }
.Ltmp0:
0x17: {  	[dreg:$0x8] =	wrdreg s10;
	s10 =	sadd.s32 s22, s6;
	(pc) =	sbr.rel .LBB2_1-.Ltmp0, $4  }
0x18: {  	[dreg:$0xe] =	wrdreg s2;
	s0 =	sadd.s32 s0, s8;
	s25 =	sadd.s32 $0x4000, s10  }
0x19: {  	v2 =	vlaneseq.u32;
	[dreg:$0x9] =	wrdreg s0;
	s28 =	sadd.s32 $0x8000, s10;
	s0 =	sshrl.u32 s25, $0x3  }
0x1a: {  	vm0 =	vmmov $0xffff;
	v1 =	vshrl.u32 v2, $0x3;
	s2 =	simm.s32 $0x0;
	s31 =	sshrl.u32 s28, $0x3;
	[dreg:$0x10] =	wrdreg s0  }
0x1b: {  	v0 =	vand.u32 $0x7, v2;
	v2 =	vor.u32 $0x8, v2;
	v1 =	vmul.u32 $0x8, v1;
	s21 =	simm.s32 $0x13900;
	s8 =	simm.s32 $0x18100;
	[dreg:$0x11] =	wrdreg s31  }
.LBB2_19:
0x1c: {  	s0 =	simm.s32 $0x3  }
0x1d: {  	_ =	swait.ge [sflag:s0], $0x4000  }
0x1e: {  	[sflag:s0] =	ssyncset.done $0x0  }
0x1f: {  	[sflag:s0] =	ssyncadd.s32 $0xFFFFC000  }
0x20: {  	_ =	swait.ge [sflag:s13], $0x4000  }
0x21: {  	s2 =	rddreg [dreg:$0x12]  }
0x22: {  	s31 =	rddreg [dreg:$0xf];
	s2 =	sadd.s32 $0x1, s2  }
0x23: {  	p0 =	sne.s32 s2, s31  }
.Ltmp1:
0x24: {  	_ = 	snop;
	(pc) =	sbr.rel @!p0 .LBB2_20-.Ltmp1, $3  }
0x25: {  	_ =	sdelay $0x1  }
0x26: {  	[sflag:s13] =	ssyncset.done $0x0  }
0x27: {  	[sflag:s13] =	ssyncadd.s32 $0xFFFFC000  }
.LBB2_1:
0x28: {  	[dreg:$0x12] =	wrdreg s2  }
0x29: {  	s0 =	rddreg [dreg:$0x6]  }
0x2a: {  	s30 =	rddreg [dreg:$0x7]  }
0x2b: {  	s2 =	rddreg [dreg:$0x8]  }
0x2c: {  	[tilespmem:s4], [sflag:$0x7] =	stream.linear.gather [hbm4b:s0+s4], $0x40, $0x38;
	[tilespmem:$0x1C100] =	vst v63  }
0x2d: {  	s31 =	simm.s32 $0x40;
	s19 =	rddreg [dreg:$0x9]  }
0x2e: {  	[tilespmem:s31], [sflag:$0x7] =	stream.linear.gather [hbm4b:s30+s4], $0x40, $0x38;
	[tilespmem:$0x1C100] =	vst v63  }
0x2f: {  	s6 =	simm.s32 $0x80;
	s22 =	rddreg [dreg:$0xa]  }
0x30: {  	[tilespmem:s6], [sflag:$0x7] =	stream.linear.gather [hbm4b:s2+s4], $0x40, $0x38;
	[tilespmem:$0x1C100] =	vst v63  }
0x31: {  	s20 =	simm.s32 $0xC0;
	s25 =	sshrl.u32 s10, $0x3;
	s23 =	rddreg [dreg:$0xb]  }
0x32: {  	[tilespmem:s20], [sflag:$0x7] =	stream.linear.gather [hbm4b:s19+s4], $0x40, $0x38;
	[tilespmem:$0x1C100] =	vst v63  }
0x33: {  	[spmem:s25], [sflag:s23] =	dma.local [hbm:s22], $0x800  }
0x34: {  	s0 =	rddreg [dreg:$0xc]  }
0x35: {  	s6 =	sor.u32 $0x1C09, s12;
	s2 =	rddreg [dreg:$0x10]  }
0x36: {  	[spmem:s2], [sflag:s6] =	dma.local [hbm:s0], $0x800  }
0x37: {  	s0 =	rddreg [dreg:$0xd]  }
0x38: {  	s24 =	sor.u32 $0x1C0A, s12;
	s26 =	simm.s32 $0x7;
	s2 =	rddreg [dreg:$0x11]  }
0x39: {  	[spmem:s2], [sflag:s24] =	dma.local [hbm:s0], $0x800  }
0x3a: {  	_ =	swait.ge [sflag:s26], $0x40  }
0x3b: {  	[sflag:s26] =	ssyncset.done $0x0  }
0x3c: {  	[sflag:s26] =	ssyncadd.s32 $0xFFFFFFC0  }
0x3d: {  	_ =	swait.ge [sflag:s26], $0x40  }
0x3e: {  	[sflag:s26] =	ssyncset.done $0x0  }
0x3f: {  	[sflag:s26] =	ssyncadd.s32 $0xFFFFFFC0  }
0x40: {  	_ =	swait.ge [sflag:s26], $0x40  }
0x41: {  	[sflag:s26] =	ssyncset.done $0x0  }
0x42: {  	[sflag:s26] =	ssyncadd.s32 $0xFFFFFFC0  }
0x43: {  	_ =	swait.ge [sflag:s26], $0x40  }
0x44: {  	[sflag:s26] =	ssyncset.done $0x0  }
0x45: {  	[sflag:s26] =	ssyncadd.s32 $0xFFFFFFC0  }
0x46: {  	v3 =	vld [tilespmem:$0x0];
	_ =	sdelay $0x4  }
0x47: {  	v4 =	vshll.u32 v3, $0x3  }
0x48: {  	v3 =	vand.u32 $0x7, v3;
	v4 =	vand.u32 $0xFFFFFFC0, v4  }
0x49: {  	v3 =	vor.u32 v3, v4  }
0x4a: {  	v4 =	vperm.xlane v3, v0;
	_ =	sdelay $0x1  }
0x4b: {  	v4 =	vadd.s32 v1, v4;
	_ =	sdelay $0x3  }
0x4c: {  	s28 =	simm.s32 $0xC100  }
0x4d: {  	[tilespmem:s28], [sflag:$0x1] =	stream.indirect_vreg.gather [hbm4b:s1+s4], $0x80, v4, vm0, $0xb8;
	[tilespmem:$0x1C100] =	vst v63  }
0x4e: {  	s29 =	simm.s32 $0xC900;
	v3 =	vperm.xlane v3, v2  }
0x4f: {  	[tilespmem:s29], [sflag:$0x1] =	stream.indirect_vreg.gather [hbm4b:s16+s4], $0x80, v4, vm0, $0xb8;
	[tilespmem:$0x1C100] =	vst v63  }
0x50: {  	s30 =	simm.s32 $0xD100;
	v3 =	vadd.s32 v1, v3  }
0x51: {  	[tilespmem:s30], [sflag:$0x1] =	stream.indirect_vreg.gather [hbm4b:s17+s4], $0x80, v4, vm0, $0xb8;
	[tilespmem:$0x1C100] =	vst v63  }
0x52: {  	s31 =	simm.s32 $0xD900  }
0x53: {  	[tilespmem:s31], [sflag:$0x1] =	stream.indirect_vreg.gather [hbm4b:s18+s4], $0x80, v4, vm0, $0xb8;
	[tilespmem:$0x1C100] =	vst v63  }
0x54: {  	s2 =	simm.s32 $0xE100  }
0x55: {  	[tilespmem:s2], [sflag:$0x1] =	stream.indirect_vreg.gather [hbm4b:s1+s4], $0x80, v3, vm0, $0xb8;
	[tilespmem:$0x1C100] =	vst v63  }
0x56: {  	s6 =	simm.s32 $0xE900  }
0x57: {  	[tilespmem:s6], [sflag:$0x1] =	stream.indirect_vreg.gather [hbm4b:s16+s4], $0x80, v3, vm0, $0xb8;
	[tilespmem:$0x1C100] =	vst v63  }
0x58: {  	s19 =	simm.s32 $0xF100  }
0x59: {  	[tilespmem:s19], [sflag:$0x1] =	stream.indirect_vreg.gather [hbm4b:s17+s4], $0x80, v3, vm0, $0xb8;
	[tilespmem:$0x1C100] =	vst v63  }
0x5a: {  	s20 =	simm.s32 $0xF900  }
0x5b: {  	[tilespmem:s20], [sflag:$0x1] =	stream.indirect_vreg.gather [hbm4b:s18+s4], $0x80, v3, vm0, $0xb8;
	[tilespmem:$0x1C100] =	vst v63  }
0x5c: {  	v3 =	vld [tilespmem:$0x40];
	_ =	sdelay $0x4  }
0x5d: {  	v63 =	vshll.u32 v3, $0x3  }
0x5e: {  	v3 =	vand.u32 $0x7, v3;
	v4 =	vand.u32 $0xFFFFFFC0, v63  }
0x5f: {  	v3 =	vor.u32 v3, v4  }
0x60: {  	v4 =	vperm.xlane v3, v0;
	_ =	sdelay $0x1  }
0x61: {  	v4 =	vadd.s32 v1, v4;
	_ =	sdelay $0x3  }
0x62: {  	s22 =	simm.s32 $0x10100  }
0x63: {  	[tilespmem:s22], [sflag:$0x2] =	stream.indirect_vreg.gather [hbm4b:s1+s4], $0x80, v4, vm0, $0xb8;
	[tilespmem:$0x1C100] =	vst v63  }
0x64: {  	s23 =	simm.s32 $0x10900;
	v3 =	vperm.xlane v3, v2  }
0x65: {  	[tilespmem:s23], [sflag:$0x2] =	stream.indirect_vreg.gather [hbm4b:s16+s4], $0x80, v4, vm0, $0xb8;
	[tilespmem:$0x1C100] =	vst v63  }
0x66: {  	s24 =	simm.s32 $0x11100;
	v3 =	vadd.s32 v1, v3  }
0x67: {  	[tilespmem:s24], [sflag:$0x2] =	stream.indirect_vreg.gather [hbm4b:s17+s4], $0x80, v4, vm0, $0xb8;
	[tilespmem:$0x1C100] =	vst v63  }
0x68: {  	s26 =	simm.s32 $0x11900  }
0x69: {  	[tilespmem:s26], [sflag:$0x2] =	stream.indirect_vreg.gather [hbm4b:s18+s4], $0x80, v4, vm0, $0xb8;
	[tilespmem:$0x1C100] =	vst v63  }
0x6a: {  	s28 =	simm.s32 $0x12100  }
0x6b: {  	[tilespmem:s28], [sflag:$0x2] =	stream.indirect_vreg.gather [hbm4b:s1+s4], $0x80, v3, vm0, $0xb8;
	[tilespmem:$0x1C100] =	vst v63  }
0x6c: {  	s29 =	simm.s32 $0x12900  }
0x6d: {  	[tilespmem:s29], [sflag:$0x2] =	stream.indirect_vreg.gather [hbm4b:s16+s4], $0x80, v3, vm0, $0xb8;
	[tilespmem:$0x1C100] =	vst v63  }
0x6e: {  	s30 =	simm.s32 $0x13100  }
0x6f: {  	[tilespmem:s30], [sflag:$0x2] =	stream.indirect_vreg.gather [hbm4b:s17+s4], $0x80, v3, vm0, $0xb8;
	[tilespmem:$0x1C100] =	vst v63  }
0x70: {  	s31 =	simm.s32 $0x8  }
0x71: {  	[tilespmem:s21], [sflag:$0x2] =	stream.indirect_vreg.gather [hbm4b:s18+s4], $0x80, v3, vm0, $0xb8;
	[tilespmem:$0x1C100] =	vst v63  }
0x72: {  	_ =	swait.ge [sflag:s31], $0x800  }
.Ltmp2:
0x73: {  	[sflag:s31] =	ssyncset.done $0x0;
	(pc) =	sbr.rel .LBB2_2-.Ltmp2, $4  }
0x74: {  	[sflag:s31] =	ssyncadd.s32 $0xFFFFF800  }
0x75: {  	[tilespmem:s7], [sflag:$0x5] =	stream.linear.gather [spmem:s10], $0x4000, $0x38;
	[tilespmem:$0x1C100] =	vst v63  }
0x76: {  	s6 =	simm.s32 $0x0  }
0x77: {  	[tilespmem:s8], [sflag:$0x6] =	stream.linear.gather [spmem:s10], $0x4000, $0x38;
	[tilespmem:$0x1C100] =	vst v63  }
.LBB2_10:
0x78: {  	s0 =	sor.u32 $0x1C0B, s12  }
0x79: {  	s2 =	rddreg [dreg:$0xe];
	s19 =	simm.s32 $0x4;
	s22 =	simm.s32 $0x9  }
0x7a: {  	[spmem:s25], [sflag:s0] =	dma.local [hbm:s2], $0x800  }
.LBB2_17:
0x7b: {  	_ =	swait.ge [sflag:s22], $0x800  }
0x7c: {  	[sflag:s22] =	ssyncset.done $0x0  }
0x7d: {  	[sflag:s22] =	ssyncadd.s32 $0xFFFFF800  }
.LBB2_18:
0x7e: {  	p0 =	sgt.u32 s20, $0xE  }
0x7f: {  	s0 =	sshrl.u32 @!p0 s19, $0x2  }
0x80: {  	s2 =	smulhi.u32 @!p0 $0x55555556, s0;
	_ =	sdelay $0x1  }
0x81: {  	s2 =	smul.u32 @!p0 $0x3, s2  }
0x82: {  	s19 =	simm.s32 @!p0 $0x3  }
0x83: {  	_ =	swait.ge @!p0 [sflag:s19], $0x4000;
	s0 =	ssub.s32 @!p0 s0, s2  }
0x84: {  	s6 =	sadd.s32 $0x1, s6;
	[sflag:s19] =	ssyncset.done @!p0 $0x0;
	s0 =	sshll.u32 @!p0 s0, $0xE  }
0x85: {  	[sflag:s19] =	ssyncadd.s32 @!p0 $0xFFFFC000;
	s2 =	simm.s32 @!p0 $0x14100;
	s0 =	sadd.s32 @!p0 s0, s10  }
0x86: {  	[tilespmem:s2], [sflag:$0x5] =	stream.linear.gather @!p0 [spmem:s0], $0x4000, $0x38;
	[tilespmem:$0x1C100] =	vst v63  }
0x87: {  	p0 =	sne.s32 s6, $0x8  }
.Ltmp3:
0x88: {  	_ = 	snop;
	(pc) =	sbr.rel @!p0 .LBB2_19-.Ltmp3, $1  }
0x89: {  	_ =	sdelay $0x3  }
.LBB2_2:
0x8a: {  	_ =	swait.ge [sflag:s9], $0x4000  }
0x8b: {  	[sflag:s9] =	ssyncset.done $0x0  }
0x8c: {  	[sflag:s9] =	ssyncadd.s32 $0xFFFFC000  }
0x8d: {  	s20 =	simm.s32 $0x0;
	s19 =	simm.s32 $0x0;
	_ =	swait.ge [sflag:s11], $0x4000  }
0x8e: {  	s19 =	sand.u32 $0x2000, s19;
	s22 =	sand.u32 $0x380, s20;
	[sflag:s11] =	ssyncset.done $0x0  }
0x8f: {  	s19 =	sor.u32 s22, s19;
	[sflag:s11] =	ssyncadd.s32 $0xFFFFC000  }
0x90: {  	v3 =	vld [tilespmem:s19+$0xC100]  }
0x91: {  	v4 =	vld [tilespmem:s19+$0xC110]  }
0x92: {  	v5 =	vld [tilespmem:s19+$0xC120]  }
0x93: {  	v6 =	vld [tilespmem:s19+$0xC130]  }
0x94: {  	v7 =	vld [tilespmem:s19+$0xC140]  }
0x95: {  	v8 =	vld [tilespmem:s19+$0xC150]  }
0x96: {  	v9 =	vld [tilespmem:s19+$0xC160]  }
0x97: {  	v10 =	vld [tilespmem:s19+$0xC170]  }
0x98: {  	v11 =	vld [tilespmem:s19+$0xC500]  }
0x99: {  	v12 =	vld [tilespmem:s19+$0xC510]  }
0x9a: {  	v13 =	vld [tilespmem:s19+$0xC520]  }
0x9b: {  	v14 =	vld [tilespmem:s19+$0xC530]  }
0x9c: {  	v15 =	vld [tilespmem:s19+$0xC540]  }
0x9d: {  	v16 =	vld [tilespmem:s19+$0xC550]  }
0x9e: {  	v17 =	vld [tilespmem:s19+$0xC560]  }
0x9f: {  	v18 =	vld [tilespmem:s19+$0xC570]  }
0xa0: {  	v19 =	vld [tilespmem:s19+$0xC900]  }
0xa1: {  	v20 =	vld [tilespmem:s19+$0xC910]  }
0xa2: {  	v21 =	vld [tilespmem:s19+$0xC920]  }
0xa3: {  	v22 =	vld [tilespmem:s19+$0xC930]  }
0xa4: {  	v23 =	vld [tilespmem:s19+$0xC940]  }
0xa5: {  	v24 =	vld [tilespmem:s19+$0xC950]  }
0xa6: {  	v25 =	vld [tilespmem:s19+$0xC960]  }
0xa7: {  	v26 =	vld [tilespmem:s19+$0xC970]  }
0xa8: {  	v27 =	vld [tilespmem:s19+$0xCD00]  }
0xa9: {  	v28 =	vld [tilespmem:s19+$0xCD10]  }
0xaa: {  	v29 =	vld [tilespmem:s19+$0xCD20]  }
0xab: {  	v30 =	vld [tilespmem:s19+$0xCD30]  }
0xac: {  	v31 =	vld [tilespmem:s19+$0xCD40]  }
0xad: {  	v32 =	vld [tilespmem:s19+$0xCD50]  }
0xae: {  	v33 =	vld [tilespmem:s19+$0xCD60]  }
0xaf: {  	v34 =	vld [tilespmem:s19+$0xCD70]  }
0xb0: {  	v35 =	vld [tilespmem:s19+$0xD100]  }
0xb1: {  	v36 =	vld [tilespmem:s19+$0xD110]  }
0xb2: {  	v37 =	vld [tilespmem:s19+$0xD120]  }
0xb3: {  	v38 =	vld [tilespmem:s19+$0xD130]  }
0xb4: {  	v39 =	vld [tilespmem:s19+$0xD140]  }
0xb5: {  	v40 =	vld [tilespmem:s19+$0xD150]  }
0xb6: {  	v41 =	vld [tilespmem:s19+$0xD160]  }
0xb7: {  	v42 =	vld [tilespmem:s19+$0xD170]  }
0xb8: {  	v43 =	vld [tilespmem:s19+$0xD500]  }
0xb9: {  	v44 =	vld [tilespmem:s19+$0xD510]  }
0xba: {  	v45 =	vld [tilespmem:s19+$0xD520]  }
0xbb: {  	v46 =	vld [tilespmem:s19+$0xD530]  }
0xbc: {  	v47 =	vld [tilespmem:s19+$0xD540]  }
0xbd: {  	v48 =	vld [tilespmem:s19+$0xD550]  }
0xbe: {  	v49 =	vld [tilespmem:s19+$0xD560]  }
0xbf: {  	v50 =	vld [tilespmem:s19+$0xD570]  }
0xc0: {  	v51 =	vld [tilespmem:s19+$0xD900]  }
0xc1: {  	v52 =	vld [tilespmem:s19+$0xD910]  }
0xc2: {  	v53 =	vld [tilespmem:s19+$0xD920]  }
0xc3: {  	v54 =	vld [tilespmem:s19+$0xD930]  }
0xc4: {  	v55 =	vld [tilespmem:s19+$0xD940]  }
0xc5: {  	s24 =	simm.s32 $0x80;
	s26 =	simm.s32 $0x400;
	s30 =	sand.u32 $0x7, s20;
	v56 =	vld [tilespmem:s19+$0xD950]  }
0xc6: {  	s31 =	sand.u32 $0x2000, s26;
	s24 =	sand.u32 $0x380, s24;
	s22 =	sshll.u32 s30, $0x7;
	v57 =	vld [tilespmem:s19+$0xD960]  }
0xc7: {  	s23 =	sadd.s32 $0x0, s22;
	s22 =	sor.u32 s24, s31;
	v58 =	vld [tilespmem:s19+$0xD970]  }
0xc8: {  	v60 =	vld [tilespmem:s22+$0xD550]  }
0xc9: {  	v61 =	vld [tilespmem:s22+$0xD560];
	v3 =	vmul.f32 $2.262741660e+01, v3  }
0xca: {  	v62 =	vld [tilespmem:s22+$0xD570];
	v4 =	vmul.f32 $2.262741660e+01, v4  }
0xcb: {  	[tilespmem:s19+$0x14100] =	vst.add.f32.msk $0xffff, v3  }
0xcc: {  	[tilespmem:s19+$0x14110] =	vst.add.f32.msk $0xffff, v4  }
0xcd: {  	v3 =	vmul.f32 $2.262741660e+01, v5;
	v4 =	vmul.f32 $2.262741660e+01, v6;
	v6 =	vld [tilespmem:s22+$0xD940]  }
0xce: {  	v5 =	vld [tilespmem:s22+$0xD950]  }
0xcf: {  	[tilespmem:s19+$0x14120] =	vst.add.f32.msk $0xffff, v3  }
0xd0: {  	[tilespmem:s19+$0x14130] =	vst.add.f32.msk $0xffff, v4  }
0xd1: {  	v3 =	vmul.f32 $2.262741660e+01, v7;
	v4 =	vmul.f32 $2.262741660e+01, v8;
	v8 =	vld [tilespmem:s22+$0xD920]  }
0xd2: {  	v7 =	vld [tilespmem:s22+$0xD930]  }
0xd3: {  	[tilespmem:s19+$0x14140] =	vst.add.f32.msk $0xffff, v3  }
0xd4: {  	[tilespmem:s19+$0x14150] =	vst.add.f32.msk $0xffff, v4  }
0xd5: {  	v3 =	vmul.f32 $2.262741660e+01, v9;
	v4 =	vmul.f32 $2.262741660e+01, v10;
	v10 =	vld [tilespmem:s22+$0xD900]  }
0xd6: {  	v9 =	vld [tilespmem:s22+$0xD910]  }
0xd7: {  	[tilespmem:s19+$0x14160] =	vst.add.f32.msk $0xffff, v3  }
0xd8: {  	[tilespmem:s19+$0x14170] =	vst.add.f32.msk $0xffff, v4  }
0xd9: {  	v3 =	vmul.f32 $2.262741660e+01, v11;
	v11 =	vld [tilespmem:s22+$0xC110]  }
0xda: {  	v4 =	vmul.f32 $2.262741660e+01, v12;
	v12 =	vld [tilespmem:s22+$0xC120]  }
0xdb: {  	[tilespmem:s19+$0x14500] =	vst.add.f32.msk $0xffff, v3  }
0xdc: {  	[tilespmem:s19+$0x14510] =	vst.add.f32.msk $0xffff, v4  }
0xdd: {  	v3 =	vmul.f32 $2.262741660e+01, v13;
	v13 =	vld [tilespmem:s22+$0xC130]  }
0xde: {  	v4 =	vmul.f32 $2.262741660e+01, v14;
	v14 =	vld [tilespmem:s22+$0xC140]  }
0xdf: {  	[tilespmem:s19+$0x14520] =	vst.add.f32.msk $0xffff, v3  }
0xe0: {  	[tilespmem:s19+$0x14530] =	vst.add.f32.msk $0xffff, v4  }
0xe1: {  	v3 =	vmul.f32 $2.262741660e+01, v15;
	v15 =	vld [tilespmem:s22+$0xC150]  }
0xe2: {  	v4 =	vmul.f32 $2.262741660e+01, v16;
	v16 =	vld [tilespmem:s22+$0xC160]  }
0xe3: {  	[tilespmem:s19+$0x14540] =	vst.add.f32.msk $0xffff, v3  }
0xe4: {  	[tilespmem:s19+$0x14550] =	vst.add.f32.msk $0xffff, v4  }
0xe5: {  	v11 =	vmul.f32 $2.262741660e+01, v11;
	v3 =	vmul.f32 $2.262741660e+01, v17;
	v17 =	vld [tilespmem:s22+$0xC170]  }
0xe6: {  	v12 =	vmul.f32 $2.262741660e+01, v12;
	v4 =	vmul.f32 $2.262741660e+01, v18;
	v18 =	vld [tilespmem:s22+$0xC500]  }
0xe7: {  	[tilespmem:s22+$0x14110] =	vst.add.f32.msk $0xffff, v11  }
0xe8: {  	[tilespmem:s22+$0x14120] =	vst.add.f32.msk $0xffff, v12  }
0xe9: {  	[tilespmem:s19+$0x14560] =	vst.add.f32.msk $0xffff, v3  }
0xea: {  	[tilespmem:s19+$0x14570] =	vst.add.f32.msk $0xffff, v4  }
0xeb: {  	v11 =	vmul.f32 $2.262741660e+01, v13;
	v3 =	vmul.f32 $2.262741660e+01, v19;
	v19 =	vld [tilespmem:s22+$0xC510]  }
0xec: {  	v12 =	vmul.f32 $2.262741660e+01, v14;
	v4 =	vmul.f32 $2.262741660e+01, v20;
	v20 =	vld [tilespmem:s22+$0xC520]  }
0xed: {  	v13 =	vmul.f32 $2.262741660e+01, v60;
	[tilespmem:s22+$0x14130] =	vst.add.f32.msk $0xffff, v11  }
0xee: {  	[tilespmem:s22+$0x14140] =	vst.add.f32.msk $0xffff, v12  }
0xef: {  	[tilespmem:s22+$0x15550] =	vst.add.f32.msk $0xffff, v13  }
0xf0: {  	[tilespmem:s19+$0x14900] =	vst.add.f32.msk $0xffff, v3  }
0xf1: {  	[tilespmem:s19+$0x14910] =	vst.add.f32.msk $0xffff, v4  }
0xf2: {  	v11 =	vmul.f32 $2.262741660e+01, v15;
	v3 =	vmul.f32 $2.262741660e+01, v21;
	v21 =	vld [tilespmem:s22+$0xC530]  }
0xf3: {  	v12 =	vmul.f32 $2.262741660e+01, v16;
	v4 =	vmul.f32 $2.262741660e+01, v22;
	v22 =	vld [tilespmem:s22+$0xC540]  }
0xf4: {  	[tilespmem:s22+$0x14150] =	vst.add.f32.msk $0xffff, v11  }
0xf5: {  	[tilespmem:s22+$0x14160] =	vst.add.f32.msk $0xffff, v12  }
0xf6: {  	[tilespmem:s19+$0x14920] =	vst.add.f32.msk $0xffff, v3  }
0xf7: {  	[tilespmem:s19+$0x14930] =	vst.add.f32.msk $0xffff, v4  }
0xf8: {  	v11 =	vmul.f32 $2.262741660e+01, v17;
	v3 =	vmul.f32 $2.262741660e+01, v23;
	v23 =	vld [tilespmem:s22+$0xC550]  }
0xf9: {  	v12 =	vmul.f32 $2.262741660e+01, v18;
	v4 =	vmul.f32 $2.262741660e+01, v24;
	v24 =	vld [tilespmem:s22+$0xC560]  }
0xfa: {  	[tilespmem:s22+$0x14170] =	vst.add.f32.msk $0xffff, v11  }
0xfb: {  	[tilespmem:s22+$0x14500] =	vst.add.f32.msk $0xffff, v12  }
0xfc: {  	[tilespmem:s19+$0x14940] =	vst.add.f32.msk $0xffff, v3  }
0xfd: {  	[tilespmem:s19+$0x14950] =	vst.add.f32.msk $0xffff, v4  }
0xfe: {  	v11 =	vmul.f32 $2.262741660e+01, v19;
	v3 =	vmul.f32 $2.262741660e+01, v25;
	v25 =	vld [tilespmem:s22+$0xC570]  }
0xff: {  	v12 =	vmul.f32 $2.262741660e+01, v20;
	v4 =	vmul.f32 $2.262741660e+01, v26;
	v26 =	vld [tilespmem:s22+$0xC900]  }
0x100: {  	[tilespmem:s22+$0x14510] =	vst.add.f32.msk $0xffff, v11  }
0x101: {  	[tilespmem:s22+$0x14520] =	vst.add.f32.msk $0xffff, v12  }
0x102: {  	[tilespmem:s19+$0x14960] =	vst.add.f32.msk $0xffff, v3  }
0x103: {  	[tilespmem:s19+$0x14970] =	vst.add.f32.msk $0xffff, v4  }
0x104: {  	v11 =	vmul.f32 $2.262741660e+01, v21;
	v3 =	vmul.f32 $2.262741660e+01, v27;
	v27 =	vld [tilespmem:s22+$0xC910]  }
0x105: {  	v12 =	vmul.f32 $2.262741660e+01, v22;
	v4 =	vmul.f32 $2.262741660e+01, v28;
	v28 =	vld [tilespmem:s22+$0xC920]  }
0x106: {  	[tilespmem:s22+$0x14530] =	vst.add.f32.msk $0xffff, v11  }
0x107: {  	[tilespmem:s22+$0x14540] =	vst.add.f32.msk $0xffff, v12  }
0x108: {  	[tilespmem:s19+$0x14D00] =	vst.add.f32.msk $0xffff, v3  }
0x109: {  	[tilespmem:s19+$0x14D10] =	vst.add.f32.msk $0xffff, v4  }
0x10a: {  	v11 =	vmul.f32 $2.262741660e+01, v23;
	v3 =	vmul.f32 $2.262741660e+01, v29;
	v29 =	vld [tilespmem:s22+$0xC930]  }
0x10b: {  	v12 =	vmul.f32 $2.262741660e+01, v24;
	v4 =	vmul.f32 $2.262741660e+01, v30;
	v30 =	vld [tilespmem:s22+$0xC940]  }
0x10c: {  	[tilespmem:s22+$0x14550] =	vst.add.f32.msk $0xffff, v11  }
0x10d: {  	[tilespmem:s22+$0x14560] =	vst.add.f32.msk $0xffff, v12  }
0x10e: {  	[tilespmem:s19+$0x14D20] =	vst.add.f32.msk $0xffff, v3  }
0x10f: {  	[tilespmem:s19+$0x14D30] =	vst.add.f32.msk $0xffff, v4  }
0x110: {  	v11 =	vmul.f32 $2.262741660e+01, v25;
	v3 =	vmul.f32 $2.262741660e+01, v31;
	v31 =	vld [tilespmem:s22+$0xC950]  }
0x111: {  	v12 =	vmul.f32 $2.262741660e+01, v26;
	v4 =	vmul.f32 $2.262741660e+01, v32;
	v32 =	vld [tilespmem:s22+$0xC960]  }
0x112: {  	[tilespmem:s22+$0x14570] =	vst.add.f32.msk $0xffff, v11  }
0x113: {  	[tilespmem:s22+$0x14900] =	vst.add.f32.msk $0xffff, v12  }
0x114: {  	[tilespmem:s19+$0x14D40] =	vst.add.f32.msk $0xffff, v3  }
0x115: {  	[tilespmem:s19+$0x14D50] =	vst.add.f32.msk $0xffff, v4  }
0x116: {  	v11 =	vmul.f32 $2.262741660e+01, v27;
	v3 =	vmul.f32 $2.262741660e+01, v33;
	v33 =	vld [tilespmem:s22+$0xC970]  }
0x117: {  	v12 =	vmul.f32 $2.262741660e+01, v28;
	v4 =	vmul.f32 $2.262741660e+01, v34;
	v34 =	vld [tilespmem:s22+$0xCD00]  }
0x118: {  	[tilespmem:s22+$0x14910] =	vst.add.f32.msk $0xffff, v11  }
0x119: {  	[tilespmem:s22+$0x14920] =	vst.add.f32.msk $0xffff, v12  }
0x11a: {  	[tilespmem:s19+$0x14D60] =	vst.add.f32.msk $0xffff, v3  }
0x11b: {  	v3 =	vmul.f32 $2.262741660e+01, v35;
	[tilespmem:s19+$0x14D70] =	vst.add.f32.msk $0xffff, v4  }
0x11c: {  	v4 =	vmul.f32 $2.262741660e+01, v36;
	v35 =	vld [tilespmem:s22+$0xCD10]  }
0x11d: {  	[tilespmem:s19+$0x15100] =	vst.add.f32.msk $0xffff, v3;
	v3 =	vmul.f32 $2.262741660e+01, v37  }
0x11e: {  	[tilespmem:s19+$0x15110] =	vst.add.f32.msk $0xffff, v4;
	v4 =	vmul.f32 $2.262741660e+01, v38  }
0x11f: {  	[tilespmem:s19+$0x15120] =	vst.add.f32.msk $0xffff, v3;
	v3 =	vmul.f32 $2.262741660e+01, v39  }
0x120: {  	[tilespmem:s19+$0x15130] =	vst.add.f32.msk $0xffff, v4;
	v4 =	vmul.f32 $2.262741660e+01, v40  }
0x121: {  	[tilespmem:s19+$0x15140] =	vst.add.f32.msk $0xffff, v3;
	v3 =	vmul.f32 $2.262741660e+01, v41  }
0x122: {  	[tilespmem:s19+$0x15150] =	vst.add.f32.msk $0xffff, v4;
	v4 =	vmul.f32 $2.262741660e+01, v42  }
0x123: {  	[tilespmem:s19+$0x15160] =	vst.add.f32.msk $0xffff, v3;
	v3 =	vmul.f32 $2.262741660e+01, v43  }
0x124: {  	[tilespmem:s19+$0x15170] =	vst.add.f32.msk $0xffff, v4;
	v4 =	vmul.f32 $2.262741660e+01, v44  }
0x125: {  	[tilespmem:s19+$0x15500] =	vst.add.f32.msk $0xffff, v3;
	v3 =	vmul.f32 $2.262741660e+01, v45  }
0x126: {  	[tilespmem:s19+$0x15510] =	vst.add.f32.msk $0xffff, v4;
	v4 =	vmul.f32 $2.262741660e+01, v46  }
0x127: {  	[tilespmem:s19+$0x15520] =	vst.add.f32.msk $0xffff, v3;
	v3 =	vmul.f32 $2.262741660e+01, v47  }
0x128: {  	[tilespmem:s19+$0x15530] =	vst.add.f32.msk $0xffff, v4;
	v4 =	vmul.f32 $2.262741660e+01, v48  }
0x129: {  	[tilespmem:s19+$0x15540] =	vst.add.f32.msk $0xffff, v3;
	v3 =	vmul.f32 $2.262741660e+01, v49  }
0x12a: {  	[tilespmem:s19+$0x15550] =	vst.add.f32.msk $0xffff, v4;
	v4 =	vmul.f32 $2.262741660e+01, v50  }
0x12b: {  	[tilespmem:s19+$0x15560] =	vst.add.f32.msk $0xffff, v3;
	v3 =	vmul.f32 $2.262741660e+01, v51  }
0x12c: {  	[tilespmem:s19+$0x15570] =	vst.add.f32.msk $0xffff, v4;
	v4 =	vmul.f32 $2.262741660e+01, v52  }
0x12d: {  	[tilespmem:s19+$0x15900] =	vst.add.f32.msk $0xffff, v3;
	v3 =	vmul.f32 $2.262741660e+01, v53  }
0x12e: {  	[tilespmem:s19+$0x15910] =	vst.add.f32.msk $0xffff, v4;
	v4 =	vmul.f32 $2.262741660e+01, v54  }
0x12f: {  	[tilespmem:s19+$0x15920] =	vst.add.f32.msk $0xffff, v3;
	v3 =	vmul.f32 $2.262741660e+01, v55  }
0x130: {  	[tilespmem:s19+$0x15930] =	vst.add.f32.msk $0xffff, v4;
	v4 =	vmul.f32 $2.262741660e+01, v56  }
0x131: {  	[tilespmem:s19+$0x15940] =	vst.add.f32.msk $0xffff, v3;
	v3 =	vmul.f32 $2.262741660e+01, v57  }
0x132: {  	[tilespmem:s19+$0x15950] =	vst.add.f32.msk $0xffff, v4;
	v4 =	vmul.f32 $2.262741660e+01, v58  }
0x133: {  	[tilespmem:s19+$0x15960] =	vst.add.f32.msk $0xffff, v3  }
0x134: {  	s0 =	sor.u32 $0x1C00, s23;
	[tilespmem:s19+$0x15970] =	vst.add.f32.msk $0xffff, v4  }
0x135: {  	v11 =	vmul.f32 $2.262741660e+01, v29;
	v3 =	vld [tilespmem:s0+$0xC100]  }
0x136: {  	v12 =	vmul.f32 $2.262741660e+01, v30;
	v36 =	vld [tilespmem:s22+$0xCD20]  }
0x137: {  	[tilespmem:s22+$0x14930] =	vst.add.f32.msk $0xffff, v11  }
0x138: {  	[tilespmem:s22+$0x14940] =	vst.add.f32.msk $0xffff, v12  }
0x139: {  	v11 =	vmul.f32 $2.262741660e+01, v31;
	v37 =	vld [tilespmem:s22+$0xCD30]  }
0x13a: {  	v38 =	vld [tilespmem:s22+$0xCD40];
	v3 =	vmul.f32 $2.262741660e+01, v3  }
0x13b: {  	[tilespmem:s22+$0x14950] =	vst.add.f32.msk $0xffff, v11  }
0x13c: {  	s2 =	sor.u32 $0x1C10, s23;
	v12 =	vmul.f32 $2.262741660e+01, v32;
	[tilespmem:s0+$0x14100] =	vst.add.f32.msk $0xffff, v3  }
0x13d: {  	v3 =	vld [tilespmem:s2+$0xC100]  }
0x13e: {  	[tilespmem:s22+$0x14960] =	vst.add.f32.msk $0xffff, v12  }
0x13f: {  	v11 =	vmul.f32 $2.262741660e+01, v33;
	v39 =	vld [tilespmem:s22+$0xCD50]  }
0x140: {  	v12 =	vmul.f32 $2.262741660e+01, v34;
	v40 =	vld [tilespmem:s22+$0xCD60]  }
0x141: {  	[tilespmem:s22+$0x14970] =	vst.add.f32.msk $0xffff, v11  }
0x142: {  	[tilespmem:s22+$0x14D00] =	vst.add.f32.msk $0xffff, v12;
	v3 =	vmul.f32 $2.262741660e+01, v3  }
0x143: {  	v41 =	vld [tilespmem:s22+$0xCD70]  }
0x144: {  	s24 =	sor.u32 $0x1C20, s23;
	[tilespmem:s2+$0x14100] =	vst.add.f32.msk $0xffff, v3  }
0x145: {  	v11 =	vmul.f32 $2.262741660e+01, v35;
	v3 =	vld [tilespmem:s24+$0xC100]  }
0x146: {  	v12 =	vmul.f32 $2.262741660e+01, v36;
	v42 =	vld [tilespmem:s22+$0xD100]  }
0x147: {  	[tilespmem:s22+$0x14D10] =	vst.add.f32.msk $0xffff, v11  }
0x148: {  	[tilespmem:s22+$0x14D20] =	vst.add.f32.msk $0xffff, v12  }
0x149: {  	v11 =	vmul.f32 $2.262741660e+01, v37;
	v43 =	vld [tilespmem:s22+$0xD110]  }
0x14a: {  	v44 =	vld [tilespmem:s22+$0xD120];
	v3 =	vmul.f32 $2.262741660e+01, v3  }
0x14b: {  	[tilespmem:s22+$0x14D30] =	vst.add.f32.msk $0xffff, v11  }
0x14c: {  	s26 =	sor.u32 $0x1C30, s23;
	v12 =	vmul.f32 $2.262741660e+01, v38;
	[tilespmem:s24+$0x14100] =	vst.add.f32.msk $0xffff, v3  }
0x14d: {  	v3 =	vld [tilespmem:s26+$0xC100]  }
0x14e: {  	[tilespmem:s22+$0x14D40] =	vst.add.f32.msk $0xffff, v12  }
0x14f: {  	v11 =	vmul.f32 $2.262741660e+01, v39;
	v45 =	vld [tilespmem:s22+$0xD130]  }
0x150: {  	v12 =	vmul.f32 $2.262741660e+01, v40;
	v46 =	vld [tilespmem:s22+$0xD140]  }
0x151: {  	[tilespmem:s22+$0x14D50] =	vst.add.f32.msk $0xffff, v11  }
0x152: {  	[tilespmem:s22+$0x14D60] =	vst.add.f32.msk $0xffff, v12;
	v3 =	vmul.f32 $2.262741660e+01, v3  }
0x153: {  	v47 =	vld [tilespmem:s22+$0xD150]  }
0x154: {  	s28 =	sor.u32 $0x1C40, s23;
	[tilespmem:s26+$0x14100] =	vst.add.f32.msk $0xffff, v3  }
0x155: {  	v11 =	vmul.f32 $2.262741660e+01, v41;
	v3 =	vld [tilespmem:s28+$0xC100]  }
0x156: {  	v12 =	vmul.f32 $2.262741660e+01, v42;
	v48 =	vld [tilespmem:s22+$0xD160]  }
0x157: {  	[tilespmem:s22+$0x14D70] =	vst.add.f32.msk $0xffff, v11  }
0x158: {  	[tilespmem:s22+$0x15100] =	vst.add.f32.msk $0xffff, v12  }
0x159: {  	v11 =	vmul.f32 $2.262741660e+01, v43;
	v49 =	vld [tilespmem:s22+$0xD170]  }
0x15a: {  	v50 =	vld [tilespmem:s22+$0xD500];
	v3 =	vmul.f32 $2.262741660e+01, v3  }
0x15b: {  	[tilespmem:s22+$0x15110] =	vst.add.f32.msk $0xffff, v11  }
0x15c: {  	s29 =	sor.u32 $0x1C50, s23;
	v12 =	vmul.f32 $2.262741660e+01, v44;
	[tilespmem:s28+$0x14100] =	vst.add.f32.msk $0xffff, v3  }
0x15d: {  	v3 =	vld [tilespmem:s29+$0xC100]  }
0x15e: {  	[tilespmem:s22+$0x15120] =	vst.add.f32.msk $0xffff, v12  }
0x15f: {  	v11 =	vmul.f32 $2.262741660e+01, v45;
	v51 =	vld [tilespmem:s22+$0xD510]  }
0x160: {  	v12 =	vmul.f32 $2.262741660e+01, v46;
	v52 =	vld [tilespmem:s22+$0xD520]  }
0x161: {  	[tilespmem:s22+$0x15130] =	vst.add.f32.msk $0xffff, v11  }
0x162: {  	[tilespmem:s22+$0x15140] =	vst.add.f32.msk $0xffff, v12;
	v3 =	vmul.f32 $2.262741660e+01, v3  }
0x163: {  	v53 =	vld [tilespmem:s22+$0xD530]  }
0x164: {  	s30 =	sor.u32 $0x1C60, s23;
	[tilespmem:s29+$0x14100] =	vst.add.f32.msk $0xffff, v3  }
0x165: {  	v11 =	vmul.f32 $2.262741660e+01, v47;
	v3 =	vld [tilespmem:s30+$0xC100]  }
0x166: {  	v12 =	vmul.f32 $2.262741660e+01, v48;
	v54 =	vld [tilespmem:s22+$0xD540]  }
0x167: {  	[tilespmem:s22+$0x15150] =	vst.add.f32.msk $0xffff, v11;
	v11 =	vmul.f32 $2.262741660e+01, v49  }
0x168: {  	[tilespmem:s22+$0x15160] =	vst.add.f32.msk $0xffff, v12;
	v12 =	vmul.f32 $2.262741660e+01, v50  }
0x169: {  	[tilespmem:s22+$0x15170] =	vst.add.f32.msk $0xffff, v11  }
0x16a: {  	[tilespmem:s22+$0x15500] =	vst.add.f32.msk $0xffff, v12;
	v3 =	vmul.f32 $2.262741660e+01, v3  }
0x16b: {  	v4 =	vld [tilespmem:s22+$0xC100]  }
0x16c: {  	s31 =	sor.u32 $0x1C70, s23;
	v11 =	vmul.f32 $2.262741660e+01, v51;
	[tilespmem:s30+$0x14100] =	vst.add.f32.msk $0xffff, v3  }
0x16d: {  	v12 =	vmul.f32 $2.262741660e+01, v52;
	v3 =	vld [tilespmem:s31+$0xC100]  }
0x16e: {  	[tilespmem:s22+$0x15510] =	vst.add.f32.msk $0xffff, v11;
	v11 =	vmul.f32 $2.262741660e+01, v53  }
0x16f: {  	[tilespmem:s22+$0x15520] =	vst.add.f32.msk $0xffff, v12;
	v12 =	vmul.f32 $2.262741660e+01, v54  }
0x170: {  	[tilespmem:s22+$0x15530] =	vst.add.f32.msk $0xffff, v11  }
0x171: {  	[tilespmem:s22+$0x15540] =	vst.add.f32.msk $0xffff, v12;
	v63 =	vmul.f32 $2.262741660e+01, v4  }
0x172: {  	v4 =	vld [tilespmem:s22+$0xD960];
	v3 =	vmul.f32 $2.262741660e+01, v3  }
0x173: {  	[tilespmem:s22+$0x14100] =	vst.add.f32.msk $0xffff, v63  }
0x174: {  	v11 =	vmul.f32 $2.262741660e+01, v61;
	[tilespmem:s31+$0x14100] =	vst.add.f32.msk $0xffff, v3  }
0x175: {  	s23 =	simm.s32 $0xFFFFC400;
	s19 =	simm.s32 $0x0;
	v12 =	vmul.f32 $2.262741660e+01, v62;
	s24 =	simm.s32 $0x100;
	v3 =	vld [tilespmem:s22+$0xD970]  }
.LBB2_3:
0x176: {  	p0 =	sne.s32 s24, $0x780;
	[tilespmem:s22+$0x15560] =	vst.add.f32.msk $0xffff, v11;
	v10 =	vmul.f32 $2.262741660e+01, v10  }
0x177: {  	v9 =	vmul.f32 $2.262741660e+01, v9;
	[tilespmem:s22+$0x15570] =	vst.add.f32.msk $0xffff, v12  }
0x178: {  	v8 =	vmul.f32 $2.262741660e+01, v8;
	[tilespmem:s22+$0x15900] =	vst.add.f32.msk $0xffff, v10  }
0x179: {  	v7 =	vmul.f32 $2.262741660e+01, v7;
	[tilespmem:s22+$0x15910] =	vst.add.f32.msk $0xffff, v9  }
0x17a: {  	v6 =	vmul.f32 $2.262741660e+01, v6;
	[tilespmem:s22+$0x15920] =	vst.add.f32.msk $0xffff, v8  }
0x17b: {  	v5 =	vmul.f32 $2.262741660e+01, v5;
	s20 =	sadd.s32 $0x1, s20;
	[tilespmem:s22+$0x15930] =	vst.add.f32.msk $0xffff, v7  }
0x17c: {  	v4 =	vmul.f32 $2.262741660e+01, v4;
	s26 =	sand.u32 $0x7, s20;
	[tilespmem:s22+$0x15940] =	vst.add.f32.msk $0xffff, v6  }
0x17d: {  	v3 =	vmul.f32 $2.262741660e+01, v3;
	s23 =	sadd.s32 $0x400, s23;
	s19 =	sadd.s32 $0x400, s19;
	s26 =	sshll.u32 s26, $0x7;
	[tilespmem:s22+$0x15950] =	vst.add.f32.msk $0xffff, v5  }
0x17e: {  	s28 =	sadd.s32 $0x4000, s23;
	s26 =	sadd.s32 s26, s19;
	[tilespmem:s22+$0x15960] =	vst.add.f32.msk $0xffff, v4  }
0x17f: {  	s29 =	sand.u32 $0x380, s24;
	s28 =	sand.u32 $0x2000, s28;
	s30 =	sor.u32 $0x1C00, s26;
	[tilespmem:s22+$0x15970] =	vst.add.f32.msk $0xffff, v3  }
0x180: {  	s22 =	sor.u32 s29, s28;
	v5 =	vld [tilespmem:s30+$0xC100]  }
0x181: {  	v4 =	vld [tilespmem:s22+$0xC100]  }
0x182: {  	v3 =	vld [tilespmem:s22+$0xC110]  }
0x183: {  	v35 =	vld [tilespmem:s22+$0xC120]  }
0x184: {  	v27 =	vld [tilespmem:s22+$0xC130]  }
0x185: {  	v11 =	vld [tilespmem:s22+$0xC140];
	v5 =	vmul.f32 $2.262741660e+01, v5  }
0x186: {  	v12 =	vld [tilespmem:s22+$0xC150]  }
0x187: {  	s28 =	sor.u32 $0x1C10, s26;
	[tilespmem:s30+$0x14100] =	vst.add.f32.msk $0xffff, v5  }
0x188: {  	v5 =	vld [tilespmem:s28+$0xC100]  }
0x189: {  	v50 =	vld [tilespmem:s22+$0xC160]  }
0x18a: {  	v43 =	vld [tilespmem:s22+$0xC170]  }
0x18b: {  	v36 =	vld [tilespmem:s22+$0xC500]  }
0x18c: {  	v28 =	vld [tilespmem:s22+$0xC510]  }
0x18d: {  	v13 =	vld [tilespmem:s22+$0xC520];
	v5 =	vmul.f32 $2.262741660e+01, v5  }
0x18e: {  	v14 =	vld [tilespmem:s22+$0xC530]  }
0x18f: {  	[tilespmem:s28+$0x14100] =	vst.add.f32.msk $0xffff, v5;
	s28 =	sor.u32 $0x1C20, s26  }
0x190: {  	v5 =	vld [tilespmem:s28+$0xC100]  }
0x191: {  	v51 =	vld [tilespmem:s22+$0xC540]  }
0x192: {  	v44 =	vld [tilespmem:s22+$0xC550]  }
0x193: {  	v37 =	vld [tilespmem:s22+$0xC560]  }
0x194: {  	v29 =	vld [tilespmem:s22+$0xC570]  }
0x195: {  	v15 =	vld [tilespmem:s22+$0xC900];
	v5 =	vmul.f32 $2.262741660e+01, v5  }
0x196: {  	v16 =	vld [tilespmem:s22+$0xC910]  }
0x197: {  	[tilespmem:s28+$0x14100] =	vst.add.f32.msk $0xffff, v5;
	s28 =	sor.u32 $0x1C30, s26  }
0x198: {  	v5 =	vld [tilespmem:s28+$0xC100]  }
0x199: {  	v52 =	vld [tilespmem:s22+$0xC920]  }
0x19a: {  	v45 =	vld [tilespmem:s22+$0xC930]  }
0x19b: {  	v38 =	vld [tilespmem:s22+$0xC940]  }
0x19c: {  	v30 =	vld [tilespmem:s22+$0xC950]  }
0x19d: {  	v17 =	vld [tilespmem:s22+$0xC960];
	v5 =	vmul.f32 $2.262741660e+01, v5  }
0x19e: {  	v18 =	vld [tilespmem:s22+$0xC970]  }
0x19f: {  	[tilespmem:s28+$0x14100] =	vst.add.f32.msk $0xffff, v5;
	s28 =	sor.u32 $0x1C40, s26  }
0x1a0: {  	v5 =	vld [tilespmem:s28+$0xC100]  }
0x1a1: {  	v53 =	vld [tilespmem:s22+$0xCD00]  }
0x1a2: {  	v46 =	vld [tilespmem:s22+$0xCD10]  }
0x1a3: {  	v39 =	vld [tilespmem:s22+$0xCD20]  }
0x1a4: {  	v31 =	vld [tilespmem:s22+$0xCD30]  }
0x1a5: {  	v19 =	vld [tilespmem:s22+$0xCD40];
	v5 =	vmul.f32 $2.262741660e+01, v5  }
0x1a6: {  	v20 =	vld [tilespmem:s22+$0xCD50]  }
0x1a7: {  	[tilespmem:s28+$0x14100] =	vst.add.f32.msk $0xffff, v5;
	s28 =	sor.u32 $0x1C50, s26  }
0x1a8: {  	v5 =	vld [tilespmem:s28+$0xC100]  }
0x1a9: {  	v54 =	vld [tilespmem:s22+$0xCD60]  }
0x1aa: {  	v47 =	vld [tilespmem:s22+$0xCD70]  }
0x1ab: {  	v40 =	vld [tilespmem:s22+$0xD100]  }
0x1ac: {  	v32 =	vld [tilespmem:s22+$0xD110]  }
0x1ad: {  	v21 =	vld [tilespmem:s22+$0xD120];
	v5 =	vmul.f32 $2.262741660e+01, v5  }
0x1ae: {  	v22 =	vld [tilespmem:s22+$0xD130]  }
0x1af: {  	[tilespmem:s28+$0x14100] =	vst.add.f32.msk $0xffff, v5;
	s28 =	sor.u32 $0x1C60, s26  }
0x1b0: {  	v5 =	vld [tilespmem:s28+$0xC100]  }
0x1b1: {  	v55 =	vld [tilespmem:s22+$0xD140]  }
0x1b2: {  	v48 =	vld [tilespmem:s22+$0xD150]  }
0x1b3: {  	v41 =	vld [tilespmem:s22+$0xD160]  }
0x1b4: {  	v33 =	vld [tilespmem:s22+$0xD170]  }
0x1b5: {  	v23 =	vld [tilespmem:s22+$0xD500];
	v5 =	vmul.f32 $2.262741660e+01, v5  }
0x1b6: {  	v24 =	vld [tilespmem:s22+$0xD510]  }
0x1b7: {  	s26 =	sor.u32 $0x1C70, s26;
	[tilespmem:s28+$0x14100] =	vst.add.f32.msk $0xffff, v5  }
0x1b8: {  	v5 =	vld [tilespmem:s26+$0xC100]  }
0x1b9: {  	v56 =	vld [tilespmem:s22+$0xD520]  }
0x1ba: {  	v49 =	vld [tilespmem:s22+$0xD530]  }
0x1bb: {  	v42 =	vld [tilespmem:s22+$0xD540]  }
0x1bc: {  	v34 =	vld [tilespmem:s22+$0xD550]  }
0x1bd: {  	v25 =	vld [tilespmem:s22+$0xD560];
	v5 =	vmul.f32 $2.262741660e+01, v5  }
0x1be: {  	v26 =	vld [tilespmem:s22+$0xD570]  }
0x1bf: {  	[tilespmem:s26+$0x14100] =	vst.add.f32.msk $0xffff, v5  }
0x1c0: {  	v10 =	vld [tilespmem:s22+$0xD900]  }
0x1c1: {  	v9 =	vld [tilespmem:s22+$0xD910]  }
0x1c2: {  	v8 =	vld [tilespmem:s22+$0xD920]  }
0x1c3: {  	v7 =	vld [tilespmem:s22+$0xD930]  }
0x1c4: {  	v6 =	vld [tilespmem:s22+$0xD940]  }
0x1c5: {  	v5 =	vld [tilespmem:s22+$0xD950]  }
0x1c6: {  	v57 =	vmul.f32 $2.262741660e+01, v4;
	v4 =	vld [tilespmem:s22+$0xD960]  }
0x1c7: {  	v58 =	vmul.f32 $2.262741660e+01, v3;
	v3 =	vld [tilespmem:s22+$0xD970]  }
0x1c8: {  	v35 =	vmul.f32 $2.262741660e+01, v35;
	[tilespmem:s22+$0x14100] =	vst.add.f32.msk $0xffff, v57  }
0x1c9: {  	v27 =	vmul.f32 $2.262741660e+01, v27;
	[tilespmem:s22+$0x14110] =	vst.add.f32.msk $0xffff, v58  }
0x1ca: {  	v11 =	vmul.f32 $2.262741660e+01, v11;
	[tilespmem:s22+$0x14120] =	vst.add.f32.msk $0xffff, v35  }
0x1cb: {  	v12 =	vmul.f32 $2.262741660e+01, v12;
	[tilespmem:s22+$0x14130] =	vst.add.f32.msk $0xffff, v27  }
0x1cc: {  	[tilespmem:s22+$0x14140] =	vst.add.f32.msk $0xffff, v11;
	v11 =	vmul.f32 $2.262741660e+01, v50  }
0x1cd: {  	[tilespmem:s22+$0x14150] =	vst.add.f32.msk $0xffff, v12;
	v12 =	vmul.f32 $2.262741660e+01, v43  }
0x1ce: {  	[tilespmem:s22+$0x14160] =	vst.add.f32.msk $0xffff, v11;
	v11 =	vmul.f32 $2.262741660e+01, v36  }
0x1cf: {  	[tilespmem:s22+$0x14170] =	vst.add.f32.msk $0xffff, v12;
	v12 =	vmul.f32 $2.262741660e+01, v28  }
0x1d0: {  	[tilespmem:s22+$0x14500] =	vst.add.f32.msk $0xffff, v11;
	v11 =	vmul.f32 $2.262741660e+01, v13  }
0x1d1: {  	[tilespmem:s22+$0x14510] =	vst.add.f32.msk $0xffff, v12;
	v12 =	vmul.f32 $2.262741660e+01, v14  }
0x1d2: {  	[tilespmem:s22+$0x14520] =	vst.add.f32.msk $0xffff, v11;
	v11 =	vmul.f32 $2.262741660e+01, v51  }
0x1d3: {  	[tilespmem:s22+$0x14530] =	vst.add.f32.msk $0xffff, v12;
	v12 =	vmul.f32 $2.262741660e+01, v44  }
0x1d4: {  	[tilespmem:s22+$0x14540] =	vst.add.f32.msk $0xffff, v11;
	v11 =	vmul.f32 $2.262741660e+01, v37  }
0x1d5: {  	[tilespmem:s22+$0x14550] =	vst.add.f32.msk $0xffff, v12;
	v12 =	vmul.f32 $2.262741660e+01, v29  }
0x1d6: {  	[tilespmem:s22+$0x14560] =	vst.add.f32.msk $0xffff, v11;
	v11 =	vmul.f32 $2.262741660e+01, v15  }
0x1d7: {  	[tilespmem:s22+$0x14570] =	vst.add.f32.msk $0xffff, v12;
	v12 =	vmul.f32 $2.262741660e+01, v16  }
0x1d8: {  	[tilespmem:s22+$0x14900] =	vst.add.f32.msk $0xffff, v11;
	v11 =	vmul.f32 $2.262741660e+01, v52  }
0x1d9: {  	[tilespmem:s22+$0x14910] =	vst.add.f32.msk $0xffff, v12;
	v12 =	vmul.f32 $2.262741660e+01, v45  }
0x1da: {  	[tilespmem:s22+$0x14920] =	vst.add.f32.msk $0xffff, v11;
	v11 =	vmul.f32 $2.262741660e+01, v38  }
0x1db: {  	[tilespmem:s22+$0x14930] =	vst.add.f32.msk $0xffff, v12;
	v12 =	vmul.f32 $2.262741660e+01, v30  }
0x1dc: {  	[tilespmem:s22+$0x14940] =	vst.add.f32.msk $0xffff, v11;
	v11 =	vmul.f32 $2.262741660e+01, v17  }
0x1dd: {  	[tilespmem:s22+$0x14950] =	vst.add.f32.msk $0xffff, v12;
	v12 =	vmul.f32 $2.262741660e+01, v18  }
0x1de: {  	[tilespmem:s22+$0x14960] =	vst.add.f32.msk $0xffff, v11;
	v11 =	vmul.f32 $2.262741660e+01, v53  }
0x1df: {  	[tilespmem:s22+$0x14970] =	vst.add.f32.msk $0xffff, v12;
	v12 =	vmul.f32 $2.262741660e+01, v46  }
0x1e0: {  	[tilespmem:s22+$0x14D00] =	vst.add.f32.msk $0xffff, v11;
	v11 =	vmul.f32 $2.262741660e+01, v39  }
0x1e1: {  	[tilespmem:s22+$0x14D10] =	vst.add.f32.msk $0xffff, v12;
	v12 =	vmul.f32 $2.262741660e+01, v31  }
0x1e2: {  	[tilespmem:s22+$0x14D20] =	vst.add.f32.msk $0xffff, v11;
	v11 =	vmul.f32 $2.262741660e+01, v19  }
0x1e3: {  	[tilespmem:s22+$0x14D30] =	vst.add.f32.msk $0xffff, v12;
	v12 =	vmul.f32 $2.262741660e+01, v20  }
0x1e4: {  	[tilespmem:s22+$0x14D40] =	vst.add.f32.msk $0xffff, v11;
	v11 =	vmul.f32 $2.262741660e+01, v54  }
0x1e5: {  	[tilespmem:s22+$0x14D50] =	vst.add.f32.msk $0xffff, v12;
	v12 =	vmul.f32 $2.262741660e+01, v47  }
0x1e6: {  	[tilespmem:s22+$0x14D60] =	vst.add.f32.msk $0xffff, v11;
	v11 =	vmul.f32 $2.262741660e+01, v40  }
0x1e7: {  	[tilespmem:s22+$0x14D70] =	vst.add.f32.msk $0xffff, v12;
	v12 =	vmul.f32 $2.262741660e+01, v32  }
0x1e8: {  	[tilespmem:s22+$0x15100] =	vst.add.f32.msk $0xffff, v11;
	v11 =	vmul.f32 $2.262741660e+01, v21  }
0x1e9: {  	[tilespmem:s22+$0x15110] =	vst.add.f32.msk $0xffff, v12;
	v12 =	vmul.f32 $2.262741660e+01, v22  }
0x1ea: {  	[tilespmem:s22+$0x15120] =	vst.add.f32.msk $0xffff, v11;
	v11 =	vmul.f32 $2.262741660e+01, v55  }
0x1eb: {  	[tilespmem:s22+$0x15130] =	vst.add.f32.msk $0xffff, v12;
	v12 =	vmul.f32 $2.262741660e+01, v48  }
0x1ec: {  	[tilespmem:s22+$0x15140] =	vst.add.f32.msk $0xffff, v11;
	v11 =	vmul.f32 $2.262741660e+01, v41  }
0x1ed: {  	[tilespmem:s22+$0x15150] =	vst.add.f32.msk $0xffff, v12;
	v12 =	vmul.f32 $2.262741660e+01, v33  }
0x1ee: {  	[tilespmem:s22+$0x15160] =	vst.add.f32.msk $0xffff, v11;
	v11 =	vmul.f32 $2.262741660e+01, v23  }
0x1ef: {  	[tilespmem:s22+$0x15170] =	vst.add.f32.msk $0xffff, v12;
	v12 =	vmul.f32 $2.262741660e+01, v24  }
0x1f0: {  	[tilespmem:s22+$0x15500] =	vst.add.f32.msk $0xffff, v11;
	v11 =	vmul.f32 $2.262741660e+01, v56  }
.Ltmp4:
0x1f1: {  	[tilespmem:s22+$0x15510] =	vst.add.f32.msk $0xffff, v12;
	v12 =	vmul.f32 $2.262741660e+01, v49;
	(pc) =	sbr.rel @p0 .LBB2_3-.Ltmp4, $4  }
0x1f2: {  	[tilespmem:s22+$0x15520] =	vst.add.f32.msk $0xffff, v11;
	v11 =	vmul.f32 $2.262741660e+01, v42  }
0x1f3: {  	[tilespmem:s22+$0x15530] =	vst.add.f32.msk $0xffff, v12;
	v12 =	vmul.f32 $2.262741660e+01, v34  }
0x1f4: {  	[tilespmem:s22+$0x15540] =	vst.add.f32.msk $0xffff, v11;
	v11 =	vmul.f32 $2.262741660e+01, v25  }
0x1f5: {  	s24 =	sadd.s32 $0x80, s24;
	[tilespmem:s22+$0x15550] =	vst.add.f32.msk $0xffff, v12;
	v12 =	vmul.f32 $2.262741660e+01, v26  }
0x1f6: {  	[tilespmem:s22+$0x15560] =	vst.add.f32.msk $0xffff, v11;
	v10 =	vmul.f32 $2.262741660e+01, v10  }
0x1f7: {  	v9 =	vmul.f32 $2.262741660e+01, v9;
	[tilespmem:s22+$0x15570] =	vst.add.f32.msk $0xffff, v12  }
0x1f8: {  	v8 =	vmul.f32 $2.262741660e+01, v8;
	[tilespmem:s22+$0x15900] =	vst.add.f32.msk $0xffff, v10  }
0x1f9: {  	v7 =	vmul.f32 $2.262741660e+01, v7;
	[tilespmem:s22+$0x15910] =	vst.add.f32.msk $0xffff, v9  }
0x1fa: {  	v6 =	vmul.f32 $2.262741660e+01, v6;
	[tilespmem:s22+$0x15920] =	vst.add.f32.msk $0xffff, v8  }
0x1fb: {  	v5 =	vmul.f32 $2.262741660e+01, v5;
	s20 =	sadd.s32 $0x1, s20;
	[tilespmem:s22+$0x15930] =	vst.add.f32.msk $0xffff, v7  }
0x1fc: {  	v4 =	vmul.f32 $2.262741660e+01, v4;
	s20 =	sand.u32 $0x7, s20;
	[tilespmem:s22+$0x15940] =	vst.add.f32.msk $0xffff, v6  }
0x1fd: {  	v3 =	vmul.f32 $2.262741660e+01, v3;
	s19 =	sadd.s32 $0x400, s19;
	s20 =	sshll.u32 s20, $0x7;
	[tilespmem:s22+$0x15950] =	vst.add.f32.msk $0xffff, v5  }
0x1fe: {  	[tilespmem:s22+$0x15960] =	vst.add.f32.msk $0xffff, v4;
	s19 =	sadd.s32 s20, s19  }
0x1ff: {  	[tilespmem:s22+$0x15970] =	vst.add.f32.msk $0xffff, v3;
	s20 =	sor.u32 $0x1C00, s19  }
0x200: {  	v3 =	vld [tilespmem:s20+$0xC100];
	_ =	sdelay $0x4  }
0x201: {  	v3 =	vmul.f32 $2.262741660e+01, v3;
	_ =	sdelay $0x1  }
0x202: {  	s2 =	sor.u32 $0x1C10, s19;
	[tilespmem:s20+$0x14100] =	vst.add.f32.msk $0xffff, v3  }
0x203: {  	v3 =	vld [tilespmem:s2+$0xC100];
	_ =	sdelay $0x4  }
0x204: {  	v3 =	vmul.f32 $2.262741660e+01, v3;
	_ =	sdelay $0x1  }
0x205: {  	s22 =	sor.u32 $0x1C20, s19;
	[tilespmem:s2+$0x14100] =	vst.add.f32.msk $0xffff, v3  }
0x206: {  	v3 =	vld [tilespmem:s22+$0xC100];
	_ =	sdelay $0x4  }
0x207: {  	v3 =	vmul.f32 $2.262741660e+01, v3;
	_ =	sdelay $0x1  }
0x208: {  	s23 =	sor.u32 $0x1C30, s19;
	[tilespmem:s22+$0x14100] =	vst.add.f32.msk $0xffff, v3  }
0x209: {  	v3 =	vld [tilespmem:s23+$0xC100];
	_ =	sdelay $0x4  }
0x20a: {  	v3 =	vmul.f32 $2.262741660e+01, v3;
	_ =	sdelay $0x1  }
0x20b: {  	s24 =	sor.u32 $0x1C40, s19;
	[tilespmem:s23+$0x14100] =	vst.add.f32.msk $0xffff, v3  }
0x20c: {  	v3 =	vld [tilespmem:s24+$0xC100];
	_ =	sdelay $0x4  }
0x20d: {  	v3 =	vmul.f32 $2.262741660e+01, v3;
	_ =	sdelay $0x1  }
0x20e: {  	s26 =	sor.u32 $0x1C50, s19;
	[tilespmem:s24+$0x14100] =	vst.add.f32.msk $0xffff, v3  }
0x20f: {  	v3 =	vld [tilespmem:s26+$0xC100];
	_ =	sdelay $0x4  }
0x210: {  	v3 =	vmul.f32 $2.262741660e+01, v3;
	_ =	sdelay $0x1  }
0x211: {  	s28 =	sor.u32 $0x1C60, s19;
	[tilespmem:s26+$0x14100] =	vst.add.f32.msk $0xffff, v3  }
0x212: {  	v3 =	vld [tilespmem:s28+$0xC100];
	_ =	sdelay $0x4  }
0x213: {  	v3 =	vmul.f32 $2.262741660e+01, v3;
	_ =	sdelay $0x1  }
0x214: {  	s19 =	sor.u32 $0x1C70, s19;
	[tilespmem:s28+$0x14100] =	vst.add.f32.msk $0xffff, v3  }
0x215: {  	v3 =	vld [tilespmem:s19+$0xC100];
	_ =	sdelay $0x3  }
0x216: {  	s29 =	sshll.u32 s6, $0x13;
	s30 =	sshll.u32 s6, $0xA  }
0x217: {  	p0 =	seq.s32 s6, $0x7;
	s20 =	sand.u32 $0x80000, s29;
	s22 =	sand.u32 $0x1800, s30;
	v3 =	vmul.f32 $2.262741660e+01, v3  }
0x218: {  	s20 =	sadd.s32 s3, s20;
	s26 =	sor.u32 s5, s22;
	s22 =	sshll.u32 s6, $0x1  }
0x219: {  	s31 =	sadd.s32 s26, s20;
	[tilespmem:s19+$0x14100] =	vst.add.f32.msk $0xffff, v3;
	s19 =	sadd.s32 @!p0 $0x2, s22  }
0x21a: {  	[hbm4b:s31+s4] =	stream.linear.scatter [tilespmem:s7], [sflag:$0x3], $0x4000, $0x38;
	[tilespmem:$0x1C100] =	vst v63  }
0x21b: {  	s20 =	sshll.u32 @!p0 s19, $0x6;
	s19 =	sshll.u32 @!p0 s19, $0x2  }
0x21c: {  	s20 =	sand.u32 @!p0 $0x80, s20;
	s19 =	sand.u32 @!p0 $0x70, s19  }
0x21d: {  	s19 =	sor.u32 @!p0 s19, s20  }
0x21e: {  	v3 =	vld @!p0 [tilespmem:s19+$0x0];
	_ =	sdelay $0x4  }
0x21f: {  	v4 =	vshll.u32 @!p0 v3, $0x3  }
0x220: {  	v5 =	vlaneseq.u32 @!p0;
	v3 =	vand.u32 @!p0 $0x7, v3;
	v4 =	vand.u32 @!p0 $0xFFFFFFC0, v4  }
0x221: {  	v6 =	vshrl.u32 @!p0 v5, $0x3;
	v3 =	vor.u32 @!p0 v3, v4;
	v4 =	vand.u32 @!p0 $0x7, v5  }
0x222: {  	v6 =	vmul.u32 @!p0 $0x8, v6;
	v4 =	vperm.xlane @!p0 v3, v4;
	_ =	sdelay $0x1  }
0x223: {  	v4 =	vadd.s32 @!p0 v6, v4;
	_ =	sdelay $0x3  }
0x224: {  	vm1 =	vmmov @!p0 $0xffff;
	s20 =	simm.s32 @!p0 $0xC100;
	s19 =	simm.s32 @!p0 $0x0  }
0x225: {  	v5 =	vor.u32 @!p0 $0x8, v5;
	[tilespmem:s20], [sflag:$0x1] =	stream.indirect_vreg.gather @!p0 [hbm4b:s1+s19], $0x80, v4, vm1, $0xb8;
	[tilespmem:$0x1C100] =	vst v63  }
0x226: {  	v3 =	vperm.xlane @!p0 v3, v5;
	s20 =	simm.s32 @!p0 $0xC900  }
0x227: {  	[tilespmem:s20], [sflag:$0x1] =	stream.indirect_vreg.gather @!p0 [hbm4b:s16+s19], $0x80, v4, vm1, $0xb8;
	[tilespmem:$0x1C100] =	vst v63  }
0x228: {  	v3 =	vadd.s32 @!p0 v6, v3;
	s20 =	simm.s32 @!p0 $0xD100  }
0x229: {  	[tilespmem:s20], [sflag:$0x1] =	stream.indirect_vreg.gather @!p0 [hbm4b:s17+s19], $0x80, v4, vm1, $0xb8;
	[tilespmem:$0x1C100] =	vst v63  }
0x22a: {  	s20 =	simm.s32 @!p0 $0xD900  }
0x22b: {  	[tilespmem:s20], [sflag:$0x1] =	stream.indirect_vreg.gather @!p0 [hbm4b:s18+s19], $0x80, v4, vm1, $0xb8;
	[tilespmem:$0x1C100] =	vst v63  }
0x22c: {  	s20 =	simm.s32 @!p0 $0xE100  }
0x22d: {  	[tilespmem:s20], [sflag:$0x1] =	stream.indirect_vreg.gather @!p0 [hbm4b:s1+s19], $0x80, v3, vm1, $0xb8;
	[tilespmem:$0x1C100] =	vst v63  }
0x22e: {  	s20 =	simm.s32 @!p0 $0xE900  }
0x22f: {  	[tilespmem:s20], [sflag:$0x1] =	stream.indirect_vreg.gather @!p0 [hbm4b:s16+s19], $0x80, v3, vm1, $0xb8;
	[tilespmem:$0x1C100] =	vst v63  }
0x230: {  	s20 =	simm.s32 @!p0 $0xF100  }
0x231: {  	[tilespmem:s20], [sflag:$0x1] =	stream.indirect_vreg.gather @!p0 [hbm4b:s17+s19], $0x80, v3, vm1, $0xb8;
	[tilespmem:$0x1C100] =	vst v63  }
0x232: {  	s20 =	simm.s32 @!p0 $0xF900  }
0x233: {  	[tilespmem:s20], [sflag:$0x1] =	stream.indirect_vreg.gather @!p0 [hbm4b:s18+s19], $0x80, v3, vm1, $0xb8;
	[tilespmem:$0x1C100] =	vst v63  }
0x234: {  	s19 =	sadd.s32 @!p0 $0xFFFFFFFE, s22  }
0x235: {  	p1 =	sgt.u32 @!p0 s19, $0xD  }
0x236: {  	p1 =	por p0, !p1  }
.Ltmp5:
0x237: {  	_ = 	snop;
	(pc) =	sbr.rel @!p1 .LBB2_6-.Ltmp5, $2  }
0x238: {  	_ =	sdelay $0x2  }
0x239: {  	s20 =	sor.u32 @!p0 $0x1, s22  }
0x23a: {  	s19 =	sshrl.u32 s6, $0x1  }
0x23b: {  	s23 =	smulhi.u32 $0x55555556, s19;
	_ =	sdelay $0x1  }
0x23c: {  	s23 =	smul.u32 $0x3, s23;
	_ =	sdelay $0x1  }
0x23d: {  	_ =	swait.ge [sflag:s13], $0x4000;
	s19 =	ssub.s32 s19, s23  }
0x23e: {  	[sflag:s13] =	ssyncset.done $0x0;
	s19 =	sshll.u32 s19, $0xE  }
0x23f: {  	s20 =	simm.s32 @p0 $0xF;
	[sflag:s13] =	ssyncadd.s32 $0xFFFFC000;
	s19 =	sadd.s32 s19, s10  }
0x240: {  	[tilespmem:s8], [sflag:$0x6] =	stream.linear.gather [spmem:s19], $0x4000, $0x38;
	[tilespmem:$0x1C100] =	vst v63  }
.LBB2_6:
0x241: {  	_ =	swait.ge [sflag:s14], $0x4000  }
0x242: {  	[sflag:s14] =	ssyncset.done $0x0  }
0x243: {  	[sflag:s14] =	ssyncadd.s32 $0xFFFFC000  }
0x244: {  	s24 =	simm.s32 $0x0;
	s19 =	simm.s32 $0x0;
	_ =	swait.ge [sflag:s15], $0x4000  }
0x245: {  	s19 =	sand.u32 $0x2000, s19;
	s23 =	sand.u32 $0x380, s24;
	[sflag:s15] =	ssyncset.done $0x0  }
0x246: {  	s19 =	sor.u32 s23, s19;
	[sflag:s15] =	ssyncadd.s32 $0xFFFFC000  }
0x247: {  	v3 =	vld [tilespmem:s19+$0x10100]  }
0x248: {  	v4 =	vld [tilespmem:s19+$0x10110]  }
0x249: {  	v5 =	vld [tilespmem:s19+$0x10120]  }
0x24a: {  	v6 =	vld [tilespmem:s19+$0x10130]  }
0x24b: {  	v7 =	vld [tilespmem:s19+$0x10140]  }
0x24c: {  	v8 =	vld [tilespmem:s19+$0x10150]  }
0x24d: {  	v9 =	vld [tilespmem:s19+$0x10160]  }
0x24e: {  	v10 =	vld [tilespmem:s19+$0x10170]  }
0x24f: {  	v11 =	vld [tilespmem:s19+$0x10500]  }
0x250: {  	v12 =	vld [tilespmem:s19+$0x10510]  }
0x251: {  	v13 =	vld [tilespmem:s19+$0x10520]  }
0x252: {  	v14 =	vld [tilespmem:s19+$0x10530]  }
0x253: {  	v15 =	vld [tilespmem:s19+$0x10540]  }
0x254: {  	v16 =	vld [tilespmem:s19+$0x10550]  }
0x255: {  	v17 =	vld [tilespmem:s19+$0x10560]  }
0x256: {  	v18 =	vld [tilespmem:s19+$0x10570]  }
0x257: {  	v19 =	vld [tilespmem:s19+$0x10900]  }
0x258: {  	v20 =	vld [tilespmem:s19+$0x10910]  }
0x259: {  	v21 =	vld [tilespmem:s19+$0x10920]  }
0x25a: {  	v22 =	vld [tilespmem:s19+$0x10930]  }
0x25b: {  	v23 =	vld [tilespmem:s19+$0x10940]  }
0x25c: {  	v24 =	vld [tilespmem:s19+$0x10950]  }
0x25d: {  	v25 =	vld [tilespmem:s19+$0x10960]  }
0x25e: {  	v26 =	vld [tilespmem:s19+$0x10970]  }
0x25f: {  	v27 =	vld [tilespmem:s19+$0x10D00]  }
0x260: {  	v28 =	vld [tilespmem:s19+$0x10D10]  }
0x261: {  	v29 =	vld [tilespmem:s19+$0x10D20]  }
0x262: {  	v30 =	vld [tilespmem:s19+$0x10D30]  }
0x263: {  	v31 =	vld [tilespmem:s19+$0x10D40]  }
0x264: {  	v32 =	vld [tilespmem:s19+$0x10D50]  }
0x265: {  	v33 =	vld [tilespmem:s19+$0x10D60]  }
0x266: {  	v34 =	vld [tilespmem:s19+$0x10D70]  }
0x267: {  	v35 =	vld [tilespmem:s19+$0x11100]  }
0x268: {  	v36 =	vld [tilespmem:s19+$0x11110]  }
0x269: {  	v37 =	vld [tilespmem:s19+$0x11120]  }
0x26a: {  	v38 =	vld [tilespmem:s19+$0x11130]  }
0x26b: {  	v39 =	vld [tilespmem:s19+$0x11140]  }
0x26c: {  	v40 =	vld [tilespmem:s19+$0x11150]  }
0x26d: {  	v41 =	vld [tilespmem:s19+$0x11160]  }
0x26e: {  	v42 =	vld [tilespmem:s19+$0x11170]  }
0x26f: {  	v43 =	vld [tilespmem:s19+$0x11500]  }
0x270: {  	v44 =	vld [tilespmem:s19+$0x11510]  }
0x271: {  	v45 =	vld [tilespmem:s19+$0x11520]  }
0x272: {  	v46 =	vld [tilespmem:s19+$0x11530]  }
0x273: {  	v47 =	vld [tilespmem:s19+$0x11540]  }
0x274: {  	v48 =	vld [tilespmem:s19+$0x11550]  }
0x275: {  	v49 =	vld [tilespmem:s19+$0x11560]  }
0x276: {  	v50 =	vld [tilespmem:s19+$0x11570]  }
0x277: {  	v51 =	vld [tilespmem:s19+$0x11900]  }
0x278: {  	v52 =	vld [tilespmem:s19+$0x11910]  }
0x279: {  	v53 =	vld [tilespmem:s19+$0x11920]  }
0x27a: {  	v54 =	vld [tilespmem:s19+$0x11930]  }
0x27b: {  	v55 =	vld [tilespmem:s19+$0x11940]  }
0x27c: {  	v56 =	vld [tilespmem:s19+$0x11950]  }
0x27d: {  	v57 =	vld [tilespmem:s19+$0x11960];
	v3 =	vmul.f32 $2.262741660e+01, v3  }
0x27e: {  	v58 =	vld [tilespmem:s19+$0x11970];
	v4 =	vmul.f32 $2.262741660e+01, v4  }
0x27f: {  	[tilespmem:s19+$0x18100] =	vst.add.f32.msk $0xffff, v3;
	v3 =	vmul.f32 $2.262741660e+01, v5  }
0x280: {  	[tilespmem:s19+$0x18110] =	vst.add.f32.msk $0xffff, v4;
	v4 =	vmul.f32 $2.262741660e+01, v6  }
0x281: {  	[tilespmem:s19+$0x18120] =	vst.add.f32.msk $0xffff, v3;
	v3 =	vmul.f32 $2.262741660e+01, v7  }
0x282: {  	[tilespmem:s19+$0x18130] =	vst.add.f32.msk $0xffff, v4;
	v4 =	vmul.f32 $2.262741660e+01, v8  }
0x283: {  	[tilespmem:s19+$0x18140] =	vst.add.f32.msk $0xffff, v3;
	v3 =	vmul.f32 $2.262741660e+01, v9  }
0x284: {  	[tilespmem:s19+$0x18150] =	vst.add.f32.msk $0xffff, v4;
	v4 =	vmul.f32 $2.262741660e+01, v10  }
0x285: {  	[tilespmem:s19+$0x18160] =	vst.add.f32.msk $0xffff, v3;
	v3 =	vmul.f32 $2.262741660e+01, v11  }
0x286: {  	[tilespmem:s19+$0x18170] =	vst.add.f32.msk $0xffff, v4;
	v4 =	vmul.f32 $2.262741660e+01, v12  }
0x287: {  	[tilespmem:s19+$0x18500] =	vst.add.f32.msk $0xffff, v3;
	v3 =	vmul.f32 $2.262741660e+01, v13  }
0x288: {  	[tilespmem:s19+$0x18510] =	vst.add.f32.msk $0xffff, v4;
	v4 =	vmul.f32 $2.262741660e+01, v14  }
0x289: {  	[tilespmem:s19+$0x18520] =	vst.add.f32.msk $0xffff, v3;
	v3 =	vmul.f32 $2.262741660e+01, v15  }
0x28a: {  	[tilespmem:s19+$0x18530] =	vst.add.f32.msk $0xffff, v4;
	v4 =	vmul.f32 $2.262741660e+01, v16  }
0x28b: {  	[tilespmem:s19+$0x18540] =	vst.add.f32.msk $0xffff, v3;
	v3 =	vmul.f32 $2.262741660e+01, v17  }
0x28c: {  	[tilespmem:s19+$0x18550] =	vst.add.f32.msk $0xffff, v4;
	v4 =	vmul.f32 $2.262741660e+01, v18  }
0x28d: {  	[tilespmem:s19+$0x18560] =	vst.add.f32.msk $0xffff, v3;
	v3 =	vmul.f32 $2.262741660e+01, v19  }
0x28e: {  	[tilespmem:s19+$0x18570] =	vst.add.f32.msk $0xffff, v4;
	v4 =	vmul.f32 $2.262741660e+01, v20  }
0x28f: {  	[tilespmem:s19+$0x18900] =	vst.add.f32.msk $0xffff, v3;
	v3 =	vmul.f32 $2.262741660e+01, v21  }
0x290: {  	[tilespmem:s19+$0x18910] =	vst.add.f32.msk $0xffff, v4;
	v4 =	vmul.f32 $2.262741660e+01, v22  }
0x291: {  	[tilespmem:s19+$0x18920] =	vst.add.f32.msk $0xffff, v3;
	v3 =	vmul.f32 $2.262741660e+01, v23  }
0x292: {  	[tilespmem:s19+$0x18930] =	vst.add.f32.msk $0xffff, v4;
	v4 =	vmul.f32 $2.262741660e+01, v24  }
0x293: {  	[tilespmem:s19+$0x18940] =	vst.add.f32.msk $0xffff, v3;
	v3 =	vmul.f32 $2.262741660e+01, v25  }
0x294: {  	[tilespmem:s19+$0x18950] =	vst.add.f32.msk $0xffff, v4;
	v4 =	vmul.f32 $2.262741660e+01, v26  }
0x295: {  	[tilespmem:s19+$0x18960] =	vst.add.f32.msk $0xffff, v3;
	v3 =	vmul.f32 $2.262741660e+01, v27  }
0x296: {  	[tilespmem:s19+$0x18970] =	vst.add.f32.msk $0xffff, v4;
	v4 =	vmul.f32 $2.262741660e+01, v28  }
0x297: {  	[tilespmem:s19+$0x18D00] =	vst.add.f32.msk $0xffff, v3;
	v3 =	vmul.f32 $2.262741660e+01, v29  }
0x298: {  	[tilespmem:s19+$0x18D10] =	vst.add.f32.msk $0xffff, v4;
	v4 =	vmul.f32 $2.262741660e+01, v30  }
0x299: {  	[tilespmem:s19+$0x18D20] =	vst.add.f32.msk $0xffff, v3;
	v3 =	vmul.f32 $2.262741660e+01, v31  }
0x29a: {  	[tilespmem:s19+$0x18D30] =	vst.add.f32.msk $0xffff, v4;
	v4 =	vmul.f32 $2.262741660e+01, v32  }
0x29b: {  	[tilespmem:s19+$0x18D40] =	vst.add.f32.msk $0xffff, v3;
	v3 =	vmul.f32 $2.262741660e+01, v33  }
0x29c: {  	[tilespmem:s19+$0x18D50] =	vst.add.f32.msk $0xffff, v4;
	v4 =	vmul.f32 $2.262741660e+01, v34  }
0x29d: {  	[tilespmem:s19+$0x18D60] =	vst.add.f32.msk $0xffff, v3;
	v3 =	vmul.f32 $2.262741660e+01, v35  }
0x29e: {  	[tilespmem:s19+$0x18D70] =	vst.add.f32.msk $0xffff, v4;
	v4 =	vmul.f32 $2.262741660e+01, v36  }
0x29f: {  	[tilespmem:s19+$0x19100] =	vst.add.f32.msk $0xffff, v3;
	v3 =	vmul.f32 $2.262741660e+01, v37  }
0x2a0: {  	[tilespmem:s19+$0x19110] =	vst.add.f32.msk $0xffff, v4;
	v4 =	vmul.f32 $2.262741660e+01, v38  }
0x2a1: {  	[tilespmem:s19+$0x19120] =	vst.add.f32.msk $0xffff, v3;
	v3 =	vmul.f32 $2.262741660e+01, v39  }
0x2a2: {  	[tilespmem:s19+$0x19130] =	vst.add.f32.msk $0xffff, v4;
	v4 =	vmul.f32 $2.262741660e+01, v40  }
0x2a3: {  	[tilespmem:s19+$0x19140] =	vst.add.f32.msk $0xffff, v3;
	v3 =	vmul.f32 $2.262741660e+01, v41  }
0x2a4: {  	[tilespmem:s19+$0x19150] =	vst.add.f32.msk $0xffff, v4;
	v4 =	vmul.f32 $2.262741660e+01, v42  }
0x2a5: {  	[tilespmem:s19+$0x19160] =	vst.add.f32.msk $0xffff, v3;
	v3 =	vmul.f32 $2.262741660e+01, v43  }
0x2a6: {  	[tilespmem:s19+$0x19170] =	vst.add.f32.msk $0xffff, v4;
	v4 =	vmul.f32 $2.262741660e+01, v44  }
0x2a7: {  	[tilespmem:s19+$0x19500] =	vst.add.f32.msk $0xffff, v3;
	v3 =	vmul.f32 $2.262741660e+01, v45  }
0x2a8: {  	[tilespmem:s19+$0x19510] =	vst.add.f32.msk $0xffff, v4;
	v4 =	vmul.f32 $2.262741660e+01, v46  }
0x2a9: {  	[tilespmem:s19+$0x19520] =	vst.add.f32.msk $0xffff, v3;
	v3 =	vmul.f32 $2.262741660e+01, v47  }
0x2aa: {  	[tilespmem:s19+$0x19530] =	vst.add.f32.msk $0xffff, v4;
	v4 =	vmul.f32 $2.262741660e+01, v48  }
0x2ab: {  	[tilespmem:s19+$0x19540] =	vst.add.f32.msk $0xffff, v3;
	v3 =	vmul.f32 $2.262741660e+01, v49  }
0x2ac: {  	[tilespmem:s19+$0x19550] =	vst.add.f32.msk $0xffff, v4;
	v4 =	vmul.f32 $2.262741660e+01, v50  }
0x2ad: {  	[tilespmem:s19+$0x19560] =	vst.add.f32.msk $0xffff, v3;
	v3 =	vmul.f32 $2.262741660e+01, v51  }
0x2ae: {  	[tilespmem:s19+$0x19570] =	vst.add.f32.msk $0xffff, v4;
	v4 =	vmul.f32 $2.262741660e+01, v52  }
0x2af: {  	[tilespmem:s19+$0x19900] =	vst.add.f32.msk $0xffff, v3;
	v3 =	vmul.f32 $2.262741660e+01, v53  }
0x2b0: {  	[tilespmem:s19+$0x19910] =	vst.add.f32.msk $0xffff, v4;
	v4 =	vmul.f32 $2.262741660e+01, v54  }
0x2b1: {  	[tilespmem:s19+$0x19920] =	vst.add.f32.msk $0xffff, v3;
	v3 =	vmul.f32 $2.262741660e+01, v55  }
0x2b2: {  	[tilespmem:s19+$0x19930] =	vst.add.f32.msk $0xffff, v4;
	v4 =	vmul.f32 $2.262741660e+01, v56  }
0x2b3: {  	s31 =	sand.u32 $0x7, s24;
	[tilespmem:s19+$0x19940] =	vst.add.f32.msk $0xffff, v3;
	v3 =	vmul.f32 $2.262741660e+01, v57  }
0x2b4: {  	s23 =	sshll.u32 s31, $0x7;
	[tilespmem:s19+$0x19950] =	vst.add.f32.msk $0xffff, v4;
	v4 =	vmul.f32 $2.262741660e+01, v58  }
0x2b5: {  	s28 =	simm.s32 $0x80;
	s29 =	simm.s32 $0x400;
	s23 =	sadd.s32 $0x0, s23;
	[tilespmem:s19+$0x19960] =	vst.add.f32.msk $0xffff, v3  }
0x2b6: {  	s29 =	sand.u32 $0x2000, s29;
	s28 =	sand.u32 $0x380, s28;
	s30 =	sor.u32 $0x1C00, s23;
	[tilespmem:s19+$0x19970] =	vst.add.f32.msk $0xffff, v4  }
0x2b7: {  	s19 =	sor.u32 s28, s29;
	v3 =	vld [tilespmem:s30+$0x10100]  }
0x2b8: {  	v4 =	vld [tilespmem:s19+$0x10100]  }
0x2b9: {  	v11 =	vld [tilespmem:s19+$0x10110]  }
0x2ba: {  	v12 =	vld [tilespmem:s19+$0x10120]  }
0x2bb: {  	v13 =	vld [tilespmem:s19+$0x10130]  }
0x2bc: {  	v14 =	vld [tilespmem:s19+$0x10140]  }
0x2bd: {  	v15 =	vld [tilespmem:s19+$0x10150]  }
0x2be: {  	v16 =	vld [tilespmem:s19+$0x10160]  }
0x2bf: {  	v17 =	vld [tilespmem:s19+$0x10170]  }
0x2c0: {  	v18 =	vld [tilespmem:s19+$0x10500]  }
0x2c1: {  	v19 =	vld [tilespmem:s19+$0x10510]  }
0x2c2: {  	v20 =	vld [tilespmem:s19+$0x10520]  }
0x2c3: {  	v21 =	vld [tilespmem:s19+$0x10530]  }
0x2c4: {  	v22 =	vld [tilespmem:s19+$0x10540]  }
0x2c5: {  	v23 =	vld [tilespmem:s19+$0x10550]  }
0x2c6: {  	v24 =	vld [tilespmem:s19+$0x10560]  }
0x2c7: {  	v25 =	vld [tilespmem:s19+$0x10570]  }
0x2c8: {  	v26 =	vld [tilespmem:s19+$0x10900]  }
0x2c9: {  	v27 =	vld [tilespmem:s19+$0x10910]  }
0x2ca: {  	v28 =	vld [tilespmem:s19+$0x10920]  }
0x2cb: {  	v29 =	vld [tilespmem:s19+$0x10930]  }
0x2cc: {  	v30 =	vld [tilespmem:s19+$0x10940]  }
0x2cd: {  	v31 =	vld [tilespmem:s19+$0x10950]  }
0x2ce: {  	v32 =	vld [tilespmem:s19+$0x10960]  }
0x2cf: {  	v33 =	vld [tilespmem:s19+$0x10970]  }
0x2d0: {  	v34 =	vld [tilespmem:s19+$0x10D00]  }
0x2d1: {  	v35 =	vld [tilespmem:s19+$0x10D10]  }
0x2d2: {  	v36 =	vld [tilespmem:s19+$0x10D20]  }
0x2d3: {  	v37 =	vld [tilespmem:s19+$0x10D30]  }
0x2d4: {  	v38 =	vld [tilespmem:s19+$0x10D40]  }
0x2d5: {  	v39 =	vld [tilespmem:s19+$0x10D50]  }
0x2d6: {  	v40 =	vld [tilespmem:s19+$0x10D60]  }
0x2d7: {  	v41 =	vld [tilespmem:s19+$0x10D70]  }
0x2d8: {  	v42 =	vld [tilespmem:s19+$0x11100]  }
0x2d9: {  	v43 =	vld [tilespmem:s19+$0x11110]  }
0x2da: {  	v44 =	vld [tilespmem:s19+$0x11120]  }
0x2db: {  	v45 =	vld [tilespmem:s19+$0x11130]  }
0x2dc: {  	v46 =	vld [tilespmem:s19+$0x11140]  }
0x2dd: {  	v47 =	vld [tilespmem:s19+$0x11150]  }
0x2de: {  	v48 =	vld [tilespmem:s19+$0x11160]  }
0x2df: {  	v49 =	vld [tilespmem:s19+$0x11170]  }
0x2e0: {  	v50 =	vld [tilespmem:s19+$0x11500]  }
0x2e1: {  	v51 =	vld [tilespmem:s19+$0x11510]  }
0x2e2: {  	v52 =	vld [tilespmem:s19+$0x11520]  }
0x2e3: {  	v53 =	vld [tilespmem:s19+$0x11530]  }
0x2e4: {  	v54 =	vld [tilespmem:s19+$0x11540]  }
0x2e5: {  	v60 =	vld [tilespmem:s19+$0x11550]  }
0x2e6: {  	v61 =	vld [tilespmem:s19+$0x11560]  }
0x2e7: {  	v62 =	vld [tilespmem:s19+$0x11570]  }
0x2e8: {  	v10 =	vld [tilespmem:s19+$0x11900]  }
0x2e9: {  	v9 =	vld [tilespmem:s19+$0x11910]  }
0x2ea: {  	v8 =	vld [tilespmem:s19+$0x11920]  }
0x2eb: {  	v7 =	vld [tilespmem:s19+$0x11930]  }
0x2ec: {  	v6 =	vld [tilespmem:s19+$0x11940]  }
0x2ed: {  	v5 =	vld [tilespmem:s19+$0x11950];
	v3 =	vmul.f32 $2.262741660e+01, v3  }
0x2ee: {  	v63 =	vmul.f32 $2.262741660e+01, v4;
	v4 =	vld [tilespmem:s19+$0x11960]  }
0x2ef: {  	v11 =	vmul.f32 $2.262741660e+01, v11;
	[tilespmem:s30+$0x18100] =	vst.add.f32.msk $0xffff, v3  }
0x2f0: {  	v12 =	vmul.f32 $2.262741660e+01, v12;
	[tilespmem:s19+$0x18100] =	vst.add.f32.msk $0xffff, v63  }
0x2f1: {  	[tilespmem:s19+$0x18110] =	vst.add.f32.msk $0xffff, v11  }
0x2f2: {  	s28 =	sor.u32 $0x1C10, s23;
	v11 =	vmul.f32 $2.262741660e+01, v13;
	[tilespmem:s19+$0x18120] =	vst.add.f32.msk $0xffff, v12  }
0x2f3: {  	v12 =	vmul.f32 $2.262741660e+01, v14;
	v3 =	vld [tilespmem:s28+$0x10100]  }
0x2f4: {  	v13 =	vmul.f32 $2.262741660e+01, v60;
	[tilespmem:s19+$0x18130] =	vst.add.f32.msk $0xffff, v11  }
0x2f5: {  	v11 =	vmul.f32 $2.262741660e+01, v15;
	[tilespmem:s19+$0x18140] =	vst.add.f32.msk $0xffff, v12  }
0x2f6: {  	v12 =	vmul.f32 $2.262741660e+01, v16;
	[tilespmem:s19+$0x19550] =	vst.add.f32.msk $0xffff, v13  }
0x2f7: {  	[tilespmem:s19+$0x18150] =	vst.add.f32.msk $0xffff, v11;
	v11 =	vmul.f32 $2.262741660e+01, v17  }
0x2f8: {  	[tilespmem:s19+$0x18160] =	vst.add.f32.msk $0xffff, v12;
	v12 =	vmul.f32 $2.262741660e+01, v18  }
0x2f9: {  	v3 =	vmul.f32 $2.262741660e+01, v3;
	[tilespmem:s19+$0x18170] =	vst.add.f32.msk $0xffff, v11  }
0x2fa: {  	[tilespmem:s19+$0x18500] =	vst.add.f32.msk $0xffff, v12  }
0x2fb: {  	v11 =	vmul.f32 $2.262741660e+01, v19;
	[tilespmem:s28+$0x18100] =	vst.add.f32.msk $0xffff, v3;
	s28 =	sor.u32 $0x1C20, s23  }
0x2fc: {  	v12 =	vmul.f32 $2.262741660e+01, v20;
	v3 =	vld [tilespmem:s28+$0x10100]  }
0x2fd: {  	[tilespmem:s19+$0x18510] =	vst.add.f32.msk $0xffff, v11;
	v11 =	vmul.f32 $2.262741660e+01, v21  }
0x2fe: {  	[tilespmem:s19+$0x18520] =	vst.add.f32.msk $0xffff, v12;
	v12 =	vmul.f32 $2.262741660e+01, v22  }
0x2ff: {  	[tilespmem:s19+$0x18530] =	vst.add.f32.msk $0xffff, v11;
	v11 =	vmul.f32 $2.262741660e+01, v23  }
0x300: {  	[tilespmem:s19+$0x18540] =	vst.add.f32.msk $0xffff, v12;
	v12 =	vmul.f32 $2.262741660e+01, v24  }
0x301: {  	[tilespmem:s19+$0x18550] =	vst.add.f32.msk $0xffff, v11;
	v3 =	vmul.f32 $2.262741660e+01, v3  }
0x302: {  	[tilespmem:s19+$0x18560] =	vst.add.f32.msk $0xffff, v12  }
0x303: {  	v11 =	vmul.f32 $2.262741660e+01, v25;
	[tilespmem:s28+$0x18100] =	vst.add.f32.msk $0xffff, v3;
	s28 =	sor.u32 $0x1C30, s23  }
0x304: {  	v12 =	vmul.f32 $2.262741660e+01, v26;
	v3 =	vld [tilespmem:s28+$0x10100]  }
0x305: {  	[tilespmem:s19+$0x18570] =	vst.add.f32.msk $0xffff, v11;
	v11 =	vmul.f32 $2.262741660e+01, v27  }
0x306: {  	[tilespmem:s19+$0x18900] =	vst.add.f32.msk $0xffff, v12;
	v12 =	vmul.f32 $2.262741660e+01, v28  }
0x307: {  	[tilespmem:s19+$0x18910] =	vst.add.f32.msk $0xffff, v11;
	v11 =	vmul.f32 $2.262741660e+01, v29  }
0x308: {  	[tilespmem:s19+$0x18920] =	vst.add.f32.msk $0xffff, v12;
	v12 =	vmul.f32 $2.262741660e+01, v30  }
0x309: {  	[tilespmem:s19+$0x18930] =	vst.add.f32.msk $0xffff, v11;
	v3 =	vmul.f32 $2.262741660e+01, v3  }
0x30a: {  	[tilespmem:s19+$0x18940] =	vst.add.f32.msk $0xffff, v12  }
0x30b: {  	v11 =	vmul.f32 $2.262741660e+01, v31;
	[tilespmem:s28+$0x18100] =	vst.add.f32.msk $0xffff, v3;
	s28 =	sor.u32 $0x1C40, s23  }
0x30c: {  	v12 =	vmul.f32 $2.262741660e+01, v32;
	v3 =	vld [tilespmem:s28+$0x10100]  }
0x30d: {  	[tilespmem:s19+$0x18950] =	vst.add.f32.msk $0xffff, v11;
	v11 =	vmul.f32 $2.262741660e+01, v33  }
0x30e: {  	[tilespmem:s19+$0x18960] =	vst.add.f32.msk $0xffff, v12;
	v12 =	vmul.f32 $2.262741660e+01, v34  }
0x30f: {  	[tilespmem:s19+$0x18970] =	vst.add.f32.msk $0xffff, v11;
	v11 =	vmul.f32 $2.262741660e+01, v35  }
0x310: {  	[tilespmem:s19+$0x18D00] =	vst.add.f32.msk $0xffff, v12;
	v12 =	vmul.f32 $2.262741660e+01, v36  }
0x311: {  	[tilespmem:s19+$0x18D10] =	vst.add.f32.msk $0xffff, v11;
	v3 =	vmul.f32 $2.262741660e+01, v3  }
0x312: {  	[tilespmem:s19+$0x18D20] =	vst.add.f32.msk $0xffff, v12  }
0x313: {  	v11 =	vmul.f32 $2.262741660e+01, v37;
	[tilespmem:s28+$0x18100] =	vst.add.f32.msk $0xffff, v3;
	s28 =	sor.u32 $0x1C50, s23  }
0x314: {  	v12 =	vmul.f32 $2.262741660e+01, v38;
	v3 =	vld [tilespmem:s28+$0x10100]  }
0x315: {  	[tilespmem:s19+$0x18D30] =	vst.add.f32.msk $0xffff, v11;
	v11 =	vmul.f32 $2.262741660e+01, v39  }
0x316: {  	[tilespmem:s19+$0x18D40] =	vst.add.f32.msk $0xffff, v12;
	v12 =	vmul.f32 $2.262741660e+01, v40  }
0x317: {  	[tilespmem:s19+$0x18D50] =	vst.add.f32.msk $0xffff, v11;
	v11 =	vmul.f32 $2.262741660e+01, v41  }
0x318: {  	[tilespmem:s19+$0x18D60] =	vst.add.f32.msk $0xffff, v12;
	v12 =	vmul.f32 $2.262741660e+01, v42  }
0x319: {  	[tilespmem:s19+$0x18D70] =	vst.add.f32.msk $0xffff, v11;
	v3 =	vmul.f32 $2.262741660e+01, v3  }
0x31a: {  	[tilespmem:s19+$0x19100] =	vst.add.f32.msk $0xffff, v12  }
0x31b: {  	v11 =	vmul.f32 $2.262741660e+01, v43;
	[tilespmem:s28+$0x18100] =	vst.add.f32.msk $0xffff, v3;
	s28 =	sor.u32 $0x1C60, s23  }
0x31c: {  	v12 =	vmul.f32 $2.262741660e+01, v44;
	v3 =	vld [tilespmem:s28+$0x10100]  }
0x31d: {  	[tilespmem:s19+$0x19110] =	vst.add.f32.msk $0xffff, v11;
	v11 =	vmul.f32 $2.262741660e+01, v45  }
0x31e: {  	[tilespmem:s19+$0x19120] =	vst.add.f32.msk $0xffff, v12;
	v12 =	vmul.f32 $2.262741660e+01, v46  }
0x31f: {  	[tilespmem:s19+$0x19130] =	vst.add.f32.msk $0xffff, v11;
	v11 =	vmul.f32 $2.262741660e+01, v47  }
0x320: {  	[tilespmem:s19+$0x19140] =	vst.add.f32.msk $0xffff, v12;
	v12 =	vmul.f32 $2.262741660e+01, v48  }
0x321: {  	[tilespmem:s19+$0x19150] =	vst.add.f32.msk $0xffff, v11;
	v3 =	vmul.f32 $2.262741660e+01, v3  }
0x322: {  	[tilespmem:s19+$0x19160] =	vst.add.f32.msk $0xffff, v12  }
0x323: {  	v11 =	vmul.f32 $2.262741660e+01, v49;
	s23 =	sor.u32 $0x1C70, s23;
	[tilespmem:s28+$0x18100] =	vst.add.f32.msk $0xffff, v3  }
0x324: {  	v12 =	vmul.f32 $2.262741660e+01, v50;
	v3 =	vld [tilespmem:s23+$0x10100]  }
0x325: {  	[tilespmem:s19+$0x19170] =	vst.add.f32.msk $0xffff, v11;
	v11 =	vmul.f32 $2.262741660e+01, v51  }
0x326: {  	[tilespmem:s19+$0x19500] =	vst.add.f32.msk $0xffff, v12;
	v12 =	vmul.f32 $2.262741660e+01, v52  }
0x327: {  	[tilespmem:s19+$0x19510] =	vst.add.f32.msk $0xffff, v11;
	v11 =	vmul.f32 $2.262741660e+01, v53  }
0x328: {  	[tilespmem:s19+$0x19520] =	vst.add.f32.msk $0xffff, v12;
	v12 =	vmul.f32 $2.262741660e+01, v54  }
0x329: {  	[tilespmem:s19+$0x19530] =	vst.add.f32.msk $0xffff, v11;
	v3 =	vmul.f32 $2.262741660e+01, v3  }
0x32a: {  	[tilespmem:s19+$0x19540] =	vst.add.f32.msk $0xffff, v12  }
0x32b: {  	v11 =	vmul.f32 $2.262741660e+01, v61;
	[tilespmem:s23+$0x18100] =	vst.add.f32.msk $0xffff, v3  }
0x32c: {  	s29 =	simm.s32 $0x100;
	v12 =	vmul.f32 $2.262741660e+01, v62;
	s28 =	simm.s32 $0xFFFFC400;
	v3 =	vld [tilespmem:s19+$0x11970];
	s23 =	simm.s32 $0x0  }
.LBB2_7:
0x32d: {  	p1 =	sne.s32 s29, $0x780;
	[tilespmem:s19+$0x19560] =	vst.add.f32.msk $0xffff, v11;
	v10 =	vmul.f32 $2.262741660e+01, v10  }
0x32e: {  	v9 =	vmul.f32 $2.262741660e+01, v9;
	[tilespmem:s19+$0x19570] =	vst.add.f32.msk $0xffff, v12  }
0x32f: {  	v8 =	vmul.f32 $2.262741660e+01, v8;
	[tilespmem:s19+$0x19900] =	vst.add.f32.msk $0xffff, v10  }
0x330: {  	v7 =	vmul.f32 $2.262741660e+01, v7;
	[tilespmem:s19+$0x19910] =	vst.add.f32.msk $0xffff, v9  }
0x331: {  	v6 =	vmul.f32 $2.262741660e+01, v6;
	[tilespmem:s19+$0x19920] =	vst.add.f32.msk $0xffff, v8  }
0x332: {  	v5 =	vmul.f32 $2.262741660e+01, v5;
	s24 =	sadd.s32 $0x1, s24;
	[tilespmem:s19+$0x19930] =	vst.add.f32.msk $0xffff, v7  }
0x333: {  	v4 =	vmul.f32 $2.262741660e+01, v4;
	s30 =	sand.u32 $0x7, s24;
	[tilespmem:s19+$0x19940] =	vst.add.f32.msk $0xffff, v6  }
0x334: {  	v3 =	vmul.f32 $2.262741660e+01, v3;
	s28 =	sadd.s32 $0x400, s28;
	s23 =	sadd.s32 $0x400, s23;
	s30 =	sshll.u32 s30, $0x7;
	[tilespmem:s19+$0x19950] =	vst.add.f32.msk $0xffff, v5  }
0x335: {  	s31 =	sadd.s32 $0x4000, s28;
	s30 =	sadd.s32 s30, s23;
	[tilespmem:s19+$0x19960] =	vst.add.f32.msk $0xffff, v4  }
0x336: {  	s0 =	sand.u32 $0x380, s29;
	s31 =	sand.u32 $0x2000, s31;
	s2 =	sor.u32 $0x1C00, s30;
	[tilespmem:s19+$0x19970] =	vst.add.f32.msk $0xffff, v3  }
0x337: {  	s19 =	sor.u32 s0, s31;
	v5 =	vld [tilespmem:s2+$0x10100]  }
0x338: {  	v4 =	vld [tilespmem:s19+$0x10100]  }
0x339: {  	v3 =	vld [tilespmem:s19+$0x10110]  }
0x33a: {  	v35 =	vld [tilespmem:s19+$0x10120]  }
0x33b: {  	v27 =	vld [tilespmem:s19+$0x10130]  }
0x33c: {  	v11 =	vld [tilespmem:s19+$0x10140];
	v5 =	vmul.f32 $2.262741660e+01, v5  }
0x33d: {  	v12 =	vld [tilespmem:s19+$0x10150]  }
0x33e: {  	s0 =	sor.u32 $0x1C10, s30;
	[tilespmem:s2+$0x18100] =	vst.add.f32.msk $0xffff, v5  }
0x33f: {  	v5 =	vld [tilespmem:s0+$0x10100]  }
0x340: {  	v50 =	vld [tilespmem:s19+$0x10160]  }
0x341: {  	v43 =	vld [tilespmem:s19+$0x10170]  }
0x342: {  	v36 =	vld [tilespmem:s19+$0x10500]  }
0x343: {  	v28 =	vld [tilespmem:s19+$0x10510]  }
0x344: {  	v13 =	vld [tilespmem:s19+$0x10520];
	v5 =	vmul.f32 $2.262741660e+01, v5  }
0x345: {  	v14 =	vld [tilespmem:s19+$0x10530]  }
0x346: {  	[tilespmem:s0+$0x18100] =	vst.add.f32.msk $0xffff, v5;
	s0 =	sor.u32 $0x1C20, s30  }
0x347: {  	v5 =	vld [tilespmem:s0+$0x10100]  }
0x348: {  	v51 =	vld [tilespmem:s19+$0x10540]  }
0x349: {  	v44 =	vld [tilespmem:s19+$0x10550]  }
0x34a: {  	v37 =	vld [tilespmem:s19+$0x10560]  }
0x34b: {  	v29 =	vld [tilespmem:s19+$0x10570]  }
0x34c: {  	v15 =	vld [tilespmem:s19+$0x10900];
	v5 =	vmul.f32 $2.262741660e+01, v5  }
0x34d: {  	v16 =	vld [tilespmem:s19+$0x10910]  }
0x34e: {  	[tilespmem:s0+$0x18100] =	vst.add.f32.msk $0xffff, v5;
	s0 =	sor.u32 $0x1C30, s30  }
0x34f: {  	v5 =	vld [tilespmem:s0+$0x10100]  }
0x350: {  	v52 =	vld [tilespmem:s19+$0x10920]  }
0x351: {  	v45 =	vld [tilespmem:s19+$0x10930]  }
0x352: {  	v38 =	vld [tilespmem:s19+$0x10940]  }
0x353: {  	v30 =	vld [tilespmem:s19+$0x10950]  }
0x354: {  	v17 =	vld [tilespmem:s19+$0x10960];
	v5 =	vmul.f32 $2.262741660e+01, v5  }
0x355: {  	v18 =	vld [tilespmem:s19+$0x10970]  }
0x356: {  	[tilespmem:s0+$0x18100] =	vst.add.f32.msk $0xffff, v5;
	s0 =	sor.u32 $0x1C40, s30  }
0x357: {  	v5 =	vld [tilespmem:s0+$0x10100]  }
0x358: {  	v53 =	vld [tilespmem:s19+$0x10D00]  }
0x359: {  	v46 =	vld [tilespmem:s19+$0x10D10]  }
0x35a: {  	v39 =	vld [tilespmem:s19+$0x10D20]  }
0x35b: {  	v31 =	vld [tilespmem:s19+$0x10D30]  }
0x35c: {  	v19 =	vld [tilespmem:s19+$0x10D40];
	v5 =	vmul.f32 $2.262741660e+01, v5  }
0x35d: {  	v20 =	vld [tilespmem:s19+$0x10D50]  }
0x35e: {  	[tilespmem:s0+$0x18100] =	vst.add.f32.msk $0xffff, v5;
	s0 =	sor.u32 $0x1C50, s30  }
0x35f: {  	v5 =	vld [tilespmem:s0+$0x10100]  }
0x360: {  	v54 =	vld [tilespmem:s19+$0x10D60]  }
0x361: {  	v47 =	vld [tilespmem:s19+$0x10D70]  }
0x362: {  	v40 =	vld [tilespmem:s19+$0x11100]  }
0x363: {  	v32 =	vld [tilespmem:s19+$0x11110]  }
0x364: {  	v21 =	vld [tilespmem:s19+$0x11120];
	v5 =	vmul.f32 $2.262741660e+01, v5  }
0x365: {  	v22 =	vld [tilespmem:s19+$0x11130]  }
0x366: {  	[tilespmem:s0+$0x18100] =	vst.add.f32.msk $0xffff, v5;
	s0 =	sor.u32 $0x1C60, s30  }
0x367: {  	v5 =	vld [tilespmem:s0+$0x10100]  }
0x368: {  	v55 =	vld [tilespmem:s19+$0x11140]  }
0x369: {  	v48 =	vld [tilespmem:s19+$0x11150]  }
0x36a: {  	v41 =	vld [tilespmem:s19+$0x11160]  }
0x36b: {  	v33 =	vld [tilespmem:s19+$0x11170]  }
0x36c: {  	v23 =	vld [tilespmem:s19+$0x11500];
	v5 =	vmul.f32 $2.262741660e+01, v5  }
0x36d: {  	v24 =	vld [tilespmem:s19+$0x11510]  }
0x36e: {  	[tilespmem:s0+$0x18100] =	vst.add.f32.msk $0xffff, v5;
	s0 =	sor.u32 $0x1C70, s30  }
0x36f: {  	v5 =	vld [tilespmem:s0+$0x10100]  }
0x370: {  	v56 =	vld [tilespmem:s19+$0x11520]  }
0x371: {  	v49 =	vld [tilespmem:s19+$0x11530]  }
0x372: {  	v42 =	vld [tilespmem:s19+$0x11540]  }
0x373: {  	v34 =	vld [tilespmem:s19+$0x11550]  }
0x374: {  	v25 =	vld [tilespmem:s19+$0x11560];
	v5 =	vmul.f32 $2.262741660e+01, v5  }
0x375: {  	v26 =	vld [tilespmem:s19+$0x11570]  }
0x376: {  	[tilespmem:s0+$0x18100] =	vst.add.f32.msk $0xffff, v5  }
0x377: {  	v10 =	vld [tilespmem:s19+$0x11900]  }
0x378: {  	v9 =	vld [tilespmem:s19+$0x11910]  }
0x379: {  	v8 =	vld [tilespmem:s19+$0x11920]  }
0x37a: {  	v7 =	vld [tilespmem:s19+$0x11930]  }
0x37b: {  	v6 =	vld [tilespmem:s19+$0x11940]  }
0x37c: {  	v5 =	vld [tilespmem:s19+$0x11950]  }
0x37d: {  	v57 =	vmul.f32 $2.262741660e+01, v4;
	v4 =	vld [tilespmem:s19+$0x11960]  }
0x37e: {  	v58 =	vmul.f32 $2.262741660e+01, v3;
	v3 =	vld [tilespmem:s19+$0x11970]  }
0x37f: {  	v35 =	vmul.f32 $2.262741660e+01, v35;
	[tilespmem:s19+$0x18100] =	vst.add.f32.msk $0xffff, v57  }
0x380: {  	v27 =	vmul.f32 $2.262741660e+01, v27;
	[tilespmem:s19+$0x18110] =	vst.add.f32.msk $0xffff, v58  }
0x381: {  	v11 =	vmul.f32 $2.262741660e+01, v11;
	[tilespmem:s19+$0x18120] =	vst.add.f32.msk $0xffff, v35  }
0x382: {  	v12 =	vmul.f32 $2.262741660e+01, v12;
	[tilespmem:s19+$0x18130] =	vst.add.f32.msk $0xffff, v27  }
0x383: {  	[tilespmem:s19+$0x18140] =	vst.add.f32.msk $0xffff, v11;
	v11 =	vmul.f32 $2.262741660e+01, v50  }
0x384: {  	[tilespmem:s19+$0x18150] =	vst.add.f32.msk $0xffff, v12;
	v12 =	vmul.f32 $2.262741660e+01, v43  }
0x385: {  	[tilespmem:s19+$0x18160] =	vst.add.f32.msk $0xffff, v11;
	v11 =	vmul.f32 $2.262741660e+01, v36  }
0x386: {  	[tilespmem:s19+$0x18170] =	vst.add.f32.msk $0xffff, v12;
	v12 =	vmul.f32 $2.262741660e+01, v28  }
0x387: {  	[tilespmem:s19+$0x18500] =	vst.add.f32.msk $0xffff, v11;
	v11 =	vmul.f32 $2.262741660e+01, v13  }
0x388: {  	[tilespmem:s19+$0x18510] =	vst.add.f32.msk $0xffff, v12;
	v12 =	vmul.f32 $2.262741660e+01, v14  }
0x389: {  	[tilespmem:s19+$0x18520] =	vst.add.f32.msk $0xffff, v11;
	v11 =	vmul.f32 $2.262741660e+01, v51  }
0x38a: {  	[tilespmem:s19+$0x18530] =	vst.add.f32.msk $0xffff, v12;
	v12 =	vmul.f32 $2.262741660e+01, v44  }
0x38b: {  	[tilespmem:s19+$0x18540] =	vst.add.f32.msk $0xffff, v11;
	v11 =	vmul.f32 $2.262741660e+01, v37  }
0x38c: {  	[tilespmem:s19+$0x18550] =	vst.add.f32.msk $0xffff, v12;
	v12 =	vmul.f32 $2.262741660e+01, v29  }
0x38d: {  	[tilespmem:s19+$0x18560] =	vst.add.f32.msk $0xffff, v11;
	v11 =	vmul.f32 $2.262741660e+01, v15  }
0x38e: {  	[tilespmem:s19+$0x18570] =	vst.add.f32.msk $0xffff, v12;
	v12 =	vmul.f32 $2.262741660e+01, v16  }
0x38f: {  	[tilespmem:s19+$0x18900] =	vst.add.f32.msk $0xffff, v11;
	v11 =	vmul.f32 $2.262741660e+01, v52  }
0x390: {  	[tilespmem:s19+$0x18910] =	vst.add.f32.msk $0xffff, v12;
	v12 =	vmul.f32 $2.262741660e+01, v45  }
0x391: {  	[tilespmem:s19+$0x18920] =	vst.add.f32.msk $0xffff, v11;
	v11 =	vmul.f32 $2.262741660e+01, v38  }
0x392: {  	[tilespmem:s19+$0x18930] =	vst.add.f32.msk $0xffff, v12;
	v12 =	vmul.f32 $2.262741660e+01, v30  }
0x393: {  	[tilespmem:s19+$0x18940] =	vst.add.f32.msk $0xffff, v11;
	v11 =	vmul.f32 $2.262741660e+01, v17  }
0x394: {  	[tilespmem:s19+$0x18950] =	vst.add.f32.msk $0xffff, v12;
	v12 =	vmul.f32 $2.262741660e+01, v18  }
0x395: {  	[tilespmem:s19+$0x18960] =	vst.add.f32.msk $0xffff, v11;
	v11 =	vmul.f32 $2.262741660e+01, v53  }
0x396: {  	[tilespmem:s19+$0x18970] =	vst.add.f32.msk $0xffff, v12;
	v12 =	vmul.f32 $2.262741660e+01, v46  }
0x397: {  	[tilespmem:s19+$0x18D00] =	vst.add.f32.msk $0xffff, v11;
	v11 =	vmul.f32 $2.262741660e+01, v39  }
0x398: {  	[tilespmem:s19+$0x18D10] =	vst.add.f32.msk $0xffff, v12;
	v12 =	vmul.f32 $2.262741660e+01, v31  }
0x399: {  	[tilespmem:s19+$0x18D20] =	vst.add.f32.msk $0xffff, v11;
	v11 =	vmul.f32 $2.262741660e+01, v19  }
0x39a: {  	[tilespmem:s19+$0x18D30] =	vst.add.f32.msk $0xffff, v12;
	v12 =	vmul.f32 $2.262741660e+01, v20  }
0x39b: {  	[tilespmem:s19+$0x18D40] =	vst.add.f32.msk $0xffff, v11;
	v11 =	vmul.f32 $2.262741660e+01, v54  }
0x39c: {  	[tilespmem:s19+$0x18D50] =	vst.add.f32.msk $0xffff, v12;
	v12 =	vmul.f32 $2.262741660e+01, v47  }
0x39d: {  	[tilespmem:s19+$0x18D60] =	vst.add.f32.msk $0xffff, v11;
	v11 =	vmul.f32 $2.262741660e+01, v40  }
0x39e: {  	[tilespmem:s19+$0x18D70] =	vst.add.f32.msk $0xffff, v12;
	v12 =	vmul.f32 $2.262741660e+01, v32  }
0x39f: {  	[tilespmem:s19+$0x19100] =	vst.add.f32.msk $0xffff, v11;
	v11 =	vmul.f32 $2.262741660e+01, v21  }
0x3a0: {  	[tilespmem:s19+$0x19110] =	vst.add.f32.msk $0xffff, v12;
	v12 =	vmul.f32 $2.262741660e+01, v22  }
0x3a1: {  	[tilespmem:s19+$0x19120] =	vst.add.f32.msk $0xffff, v11;
	v11 =	vmul.f32 $2.262741660e+01, v55  }
0x3a2: {  	[tilespmem:s19+$0x19130] =	vst.add.f32.msk $0xffff, v12;
	v12 =	vmul.f32 $2.262741660e+01, v48  }
0x3a3: {  	[tilespmem:s19+$0x19140] =	vst.add.f32.msk $0xffff, v11;
	v11 =	vmul.f32 $2.262741660e+01, v41  }
0x3a4: {  	[tilespmem:s19+$0x19150] =	vst.add.f32.msk $0xffff, v12;
	v12 =	vmul.f32 $2.262741660e+01, v33  }
0x3a5: {  	[tilespmem:s19+$0x19160] =	vst.add.f32.msk $0xffff, v11;
	v11 =	vmul.f32 $2.262741660e+01, v23  }
0x3a6: {  	[tilespmem:s19+$0x19170] =	vst.add.f32.msk $0xffff, v12;
	v12 =	vmul.f32 $2.262741660e+01, v24  }
0x3a7: {  	[tilespmem:s19+$0x19500] =	vst.add.f32.msk $0xffff, v11;
	v11 =	vmul.f32 $2.262741660e+01, v56  }
.Ltmp6:
0x3a8: {  	[tilespmem:s19+$0x19510] =	vst.add.f32.msk $0xffff, v12;
	v12 =	vmul.f32 $2.262741660e+01, v49;
	(pc) =	sbr.rel @p1 .LBB2_7-.Ltmp6, $4  }
0x3a9: {  	[tilespmem:s19+$0x19520] =	vst.add.f32.msk $0xffff, v11;
	v11 =	vmul.f32 $2.262741660e+01, v42  }
0x3aa: {  	[tilespmem:s19+$0x19530] =	vst.add.f32.msk $0xffff, v12;
	v12 =	vmul.f32 $2.262741660e+01, v34  }
0x3ab: {  	[tilespmem:s19+$0x19540] =	vst.add.f32.msk $0xffff, v11;
	v11 =	vmul.f32 $2.262741660e+01, v25  }
0x3ac: {  	s29 =	sadd.s32 $0x80, s29;
	[tilespmem:s19+$0x19550] =	vst.add.f32.msk $0xffff, v12;
	v12 =	vmul.f32 $2.262741660e+01, v26  }
0x3ad: {  	[tilespmem:s19+$0x19560] =	vst.add.f32.msk $0xffff, v11;
	v10 =	vmul.f32 $2.262741660e+01, v10  }
0x3ae: {  	v9 =	vmul.f32 $2.262741660e+01, v9;
	[tilespmem:s19+$0x19570] =	vst.add.f32.msk $0xffff, v12  }
0x3af: {  	v8 =	vmul.f32 $2.262741660e+01, v8;
	[tilespmem:s19+$0x19900] =	vst.add.f32.msk $0xffff, v10  }
0x3b0: {  	v7 =	vmul.f32 $2.262741660e+01, v7;
	[tilespmem:s19+$0x19910] =	vst.add.f32.msk $0xffff, v9  }
0x3b1: {  	v6 =	vmul.f32 $2.262741660e+01, v6;
	[tilespmem:s19+$0x19920] =	vst.add.f32.msk $0xffff, v8  }
0x3b2: {  	v5 =	vmul.f32 $2.262741660e+01, v5;
	s0 =	sadd.s32 $0x1, s24;
	[tilespmem:s19+$0x19930] =	vst.add.f32.msk $0xffff, v7  }
0x3b3: {  	v4 =	vmul.f32 $2.262741660e+01, v4;
	s0 =	sand.u32 $0x7, s0;
	[tilespmem:s19+$0x19940] =	vst.add.f32.msk $0xffff, v6  }
0x3b4: {  	v3 =	vmul.f32 $2.262741660e+01, v3;
	s2 =	sadd.s32 $0x400, s23;
	s0 =	sshll.u32 s0, $0x7;
	[tilespmem:s19+$0x19950] =	vst.add.f32.msk $0xffff, v5  }
0x3b5: {  	[tilespmem:s19+$0x19960] =	vst.add.f32.msk $0xffff, v4;
	s0 =	sadd.s32 s0, s2  }
0x3b6: {  	[tilespmem:s19+$0x19970] =	vst.add.f32.msk $0xffff, v3;
	s2 =	sor.u32 $0x1C00, s0  }
0x3b7: {  	v3 =	vld [tilespmem:s2+$0x10100];
	_ =	sdelay $0x4  }
0x3b8: {  	v3 =	vmul.f32 $2.262741660e+01, v3;
	_ =	sdelay $0x1  }
0x3b9: {  	s30 =	sor.u32 $0x1C10, s0;
	[tilespmem:s2+$0x18100] =	vst.add.f32.msk $0xffff, v3  }
0x3ba: {  	v3 =	vld [tilespmem:s30+$0x10100];
	_ =	sdelay $0x4  }
0x3bb: {  	v3 =	vmul.f32 $2.262741660e+01, v3;
	_ =	sdelay $0x1  }
0x3bc: {  	s31 =	sor.u32 $0x1C20, s0;
	[tilespmem:s30+$0x18100] =	vst.add.f32.msk $0xffff, v3  }
0x3bd: {  	v3 =	vld [tilespmem:s31+$0x10100];
	_ =	sdelay $0x4  }
0x3be: {  	v3 =	vmul.f32 $2.262741660e+01, v3;
	_ =	sdelay $0x1  }
0x3bf: {  	s19 =	sor.u32 $0x1C30, s0;
	[tilespmem:s31+$0x18100] =	vst.add.f32.msk $0xffff, v3  }
0x3c0: {  	v3 =	vld [tilespmem:s19+$0x10100];
	_ =	sdelay $0x4  }
0x3c1: {  	v3 =	vmul.f32 $2.262741660e+01, v3;
	_ =	sdelay $0x1  }
0x3c2: {  	s23 =	sor.u32 $0x1C40, s0;
	[tilespmem:s19+$0x18100] =	vst.add.f32.msk $0xffff, v3  }
0x3c3: {  	v3 =	vld [tilespmem:s23+$0x10100];
	_ =	sdelay $0x4  }
0x3c4: {  	v3 =	vmul.f32 $2.262741660e+01, v3;
	_ =	sdelay $0x1  }
0x3c5: {  	s24 =	sor.u32 $0x1C50, s0;
	[tilespmem:s23+$0x18100] =	vst.add.f32.msk $0xffff, v3  }
0x3c6: {  	v3 =	vld [tilespmem:s24+$0x10100];
	_ =	sdelay $0x4  }
0x3c7: {  	v3 =	vmul.f32 $2.262741660e+01, v3;
	_ =	sdelay $0x1  }
0x3c8: {  	s28 =	sor.u32 $0x1C60, s0;
	[tilespmem:s24+$0x18100] =	vst.add.f32.msk $0xffff, v3  }
0x3c9: {  	v3 =	vld [tilespmem:s28+$0x10100];
	_ =	sdelay $0x4  }
0x3ca: {  	v3 =	vmul.f32 $2.262741660e+01, v3;
	_ =	sdelay $0x1  }
0x3cb: {  	s0 =	sor.u32 $0x1C70, s0;
	[tilespmem:s28+$0x18100] =	vst.add.f32.msk $0xffff, v3  }
0x3cc: {  	v3 =	vld [tilespmem:s0+$0x10100];
	_ =	sdelay $0x3  }
.Ltmp7:
0x3cd: {  	_ = 	snop;
	(pc) =	sbr.rel @p0 .LBB2_18-.Ltmp7, $4  }
0x3ce: {  	s29 =	sshll.u32 s20, $0x12;
	v3 =	vmul.f32 $2.262741660e+01, v3  }
0x3cf: {  	s2 =	sand.u32 $0xC0000, s29;
	s30 =	sadd.s32 s3, s26  }
0x3d0: {  	s31 =	sadd.s32 s2, s30;
	s19 =	simm.s32 $0x10;
	[tilespmem:s0+$0x18100] =	vst.add.f32.msk $0xffff, v3  }
0x3d1: {  	[hbm4b:s31+s4] =	stream.linear.scatter [tilespmem:s8], [sflag:$0x4], $0x4000, $0x38;
	[tilespmem:$0x1C100] =	vst v63  }
0x3d2: {  	s0 =	sadd.s32 $0x3, s22  }
0x3d3: {  	s2 =	sshll.u32 s0, $0x6;
	s0 =	sshll.u32 s0, $0x2  }
0x3d4: {  	s2 =	sand.u32 $0xC0, s2;
	s0 =	sand.u32 $0x70, s0  }
0x3d5: {  	s0 =	sadd.s32 s0, s2  }
0x3d6: {  	v3 =	vld [tilespmem:s0+$0x0];
	_ =	sdelay $0x4  }
0x3d7: {  	v4 =	vshll.u32 v3, $0x3  }
0x3d8: {  	v3 =	vand.u32 $0x7, v3;
	v4 =	vand.u32 $0xFFFFFFC0, v4  }
0x3d9: {  	v3 =	vor.u32 v3, v4  }
0x3da: {  	v4 =	vperm.xlane v3, v0;
	_ =	sdelay $0x1  }
0x3db: {  	v4 =	vadd.s32 v1, v4;
	_ =	sdelay $0x3  }
0x3dc: {  	s23 =	simm.s32 $0x10100  }
0x3dd: {  	[tilespmem:s23], [sflag:$0x2] =	stream.indirect_vreg.gather [hbm4b:s1+s4], $0x80, v4, vm0, $0xb8;
	[tilespmem:$0x1C100] =	vst v63  }
0x3de: {  	s24 =	simm.s32 $0x10900;
	v3 =	vperm.xlane v3, v2  }
0x3df: {  	[tilespmem:s24], [sflag:$0x2] =	stream.indirect_vreg.gather [hbm4b:s16+s4], $0x80, v4, vm0, $0xb8;
	[tilespmem:$0x1C100] =	vst v63  }
0x3e0: {  	s26 =	simm.s32 $0x11100;
	v3 =	vadd.s32 v1, v3  }
0x3e1: {  	[tilespmem:s26], [sflag:$0x2] =	stream.indirect_vreg.gather [hbm4b:s17+s4], $0x80, v4, vm0, $0xb8;
	[tilespmem:$0x1C100] =	vst v63  }
0x3e2: {  	s28 =	simm.s32 $0x11900  }
0x3e3: {  	[tilespmem:s28], [sflag:$0x2] =	stream.indirect_vreg.gather [hbm4b:s18+s4], $0x80, v4, vm0, $0xb8;
	[tilespmem:$0x1C100] =	vst v63  }
0x3e4: {  	s29 =	simm.s32 $0x12100  }
0x3e5: {  	[tilespmem:s29], [sflag:$0x2] =	stream.indirect_vreg.gather [hbm4b:s1+s4], $0x80, v3, vm0, $0xb8;
	[tilespmem:$0x1C100] =	vst v63  }
0x3e6: {  	s30 =	simm.s32 $0x12900;
	p0 =	sne.s32 s6, $0x1  }
0x3e7: {  	[tilespmem:s30], [sflag:$0x2] =	stream.indirect_vreg.gather [hbm4b:s16+s4], $0x80, v3, vm0, $0xb8;
	[tilespmem:$0x1C100] =	vst v63  }
.Ltmp8:
0x3e8: {  	_ = 	snop;
	(pc) =	sbr.rel @!p0 .LBB2_10-.Ltmp8, $4  }
0x3e9: {  	s31 =	simm.s32 $0x13100  }
0x3ea: {  	[tilespmem:s31], [sflag:$0x2] =	stream.indirect_vreg.gather [hbm4b:s17+s4], $0x80, v3, vm0, $0xb8;
	[tilespmem:$0x1C100] =	vst v63  }
0x3eb: {  	_ = 	snop  }
0x3ec: {  	[tilespmem:s21], [sflag:$0x2] =	stream.indirect_vreg.gather [hbm4b:s18+s4], $0x80, v3, vm0, $0xb8;
	[tilespmem:$0x1C100] =	vst v63  }
0x3ed: {  	s19 =	sadd.s32 $0x2, s22  }
0x3ee: {  	p0 =	seq.s32 s19, $0x4  }
.Ltmp9:
0x3ef: {  	_ = 	snop;
	(pc) =	sbr.rel @p0 .LBB2_12-.Ltmp9, $1  }
0x3f0: {  	_ =	sdelay $0x3  }
0x3f1: {  	p0 =	seq.s32 s19, $0xC  }
.Ltmp10:
0x3f2: {  	_ = 	snop;
	(pc) =	sbr.rel @p0 .LBB2_16-.Ltmp10, $1  }
0x3f3: {  	_ =	sdelay $0x3  }
0x3f4: {  	p0 =	sne.s32 s19, $0x8  }
.Ltmp11:
0x3f5: {  	_ = 	snop;
	(pc) =	sbr.rel @p0 .LBB2_18-.Ltmp11, $1  }
0x3f6: {  	_ =	sdelay $0x3  }
.Ltmp12:
0x3f7: {  	(pc) =	sbr.rel .LBB2_17-.Ltmp12, $2  }
0x3f8: {  	_ =	sdelay $0x2  }
0x3f9: {  	s22 =	simm.s32 $0xA  }
.LBB2_16:
.Ltmp13:
0x3fa: {  	(pc) =	sbr.rel .LBB2_17-.Ltmp13, $2  }
0x3fb: {  	_ =	sdelay $0x2  }
0x3fc: {  	s22 =	simm.s32 $0xB  }
.LBB2_12:
.Ltmp14:
0x3fd: {  	(pc) =	sbr.rel .LBB2_17-.Ltmp14, $2  }
0x3fe: {  	_ =	sdelay $0x2  }
0x3ff: {  	s22 =	simm.s32 $0x9  }
.LBB2_20:
0x400: {  	_ =	sfence.sel $0x180000  }
0x401: {  	[bflag:$0x0] =	sbarrier.arrive $0xFFFF  }
0x402: {  	_ =	strace $0x90000047  }
0x403: {  	s0 =	stileid.u32;
	[bflag:$0x2] =	sbarrier.arrive $0xFFFF  }
0x404: {  	p0 =	sne.s32 s0, $0x0;
	s0 =	rddreg [dreg:$0x5]  }
0x405: {  	s0 =	sadd.s32 @!p0 $0x100000, s0  }
0x406: {  	[sflag:s0] =	ssyncadd.tile.s32 @!p0 $0x1;
	_ =	shalt  }
.Lfunc_end2:
_tile_overlayer_lowered:
.L_overlay_start_2:
0x407: {  	(tag) =	ssettag $0x2  }
0x408: {  	s0 =	rddreg [dreg:$0x0];
	s2 =	stileid.u32  }
0x409: {  	s1 =	rddreg [dreg:$0x1];
	p0 =	sne.s32 s2, $0x0  }
0x40a: {  	s3 =	rddreg [dreg:$0x2];
	[bflag:$0x3] =	sbarrier.arrive $0xFFFF;
	s2 =	simm.s32 @!p0 $0x1C0C  }
0x40b: {  	[timem:s3], [sflag:s2] =	dma.local @!p0 [hbm:s0], s1  }
0x40c: {  	s0 =	simm.s32 @!p0 $0xC  }
0x40d: {  	_ =	swait.ge @!p0 [sflag:s0], s1  }
0x40e: {  	s1 =	ssub.s32 @!p0 $0x0, s1;
	[sflag:s0] =	ssyncset.done @!p0 $0x0  }
0x40f: {  	[sflag:s0] =	ssyncadd.s32 @!p0 s1  }
0x410: {  	[bflag:$0x3] =	sbarrier.arrive $0xFFFF  }
0x411: {  	_ =	shalt  }

</sc_bundles>
